<compile_context>
chip_gen: v7x
topology: tpu7x:2x2x1
jax: 0.10.2.dev20260603
libtpu: 0.0.44.dev20260713+nightly
codegen_flags: <defaults>
</compile_context>

<pallas_src>
import functools

import jax
import jax.numpy as jnp
from jax import lax
from jax.experimental import pallas as pl
from jax.experimental.pallas import tpu as pltpu
from jax.experimental.pallas import tpu_sc as plsc

N = 10000
E = 320000
D = 128
H1 = 16
H2 = 32

NC = 2
NS = 16
CH = 128
NCH = 80
EPT = CH * NCH
E_PAD = EPT * NC * NS
N_PAD = 10240
NP8 = N_PAD // 8
TPW = NP8 // NS
RPW = N_PAD // NS

_mesh = plsc.VectorSubcoreMesh(core_axis_name="c", subcore_axis_name="s")
_sc_params = pltpu.CompilerParams(use_tc_tiling_on_sc=False)


def _unpack_rows(v128, v16):
  @pl.loop(0, TPW)
  def _(g):
    for k in range(8):
      v16[g * 8 + k, :] = v128[g, pl.ds(k * 16, 16)]


def _pack_rows(v16, v128):
  @pl.loop(0, TPW)
  def _(g):
    for k in range(8):
      v128[g, pl.ds(k * 16, 16)] = v16[g * 8 + k, :]


def _zero_v16(v16):
  z = jnp.zeros((16,), jnp.float32)
  @pl.loop(0, RPW)
  def _(i):
    v16[i, :] = z


DEPTH = 4


def _seg_sum(tables, srcp, dstp, dummy):
  nt = len(tables)

  @functools.partial(
      pl.kernel,
      out_type=[jax.ShapeDtypeStruct((NC, NP8, 128), jnp.float32)] * nt,
      mesh=_mesh,
      compiler_params=_sc_params,
      scratch_types=(
          [pltpu.VMEM((NCH, CH), jnp.int32)] * 2
          + [pltpu.VMEM((TPW, 128), jnp.float32)]
          + [pltpu.VMEM((RPW, 16), jnp.float32)]
          + [pltpu.VMEM((CH, 16), jnp.float32)] * (DEPTH * nt)
          + [pltpu.VMEM_SHARED((N_PAD, 16), jnp.float32)] * (2 * nt)
          + [pltpu.SemaphoreType.DMA] * (2 * DEPTH * nt + 2)
      ),
  )
  def k(*refs):
    y_hbm = refs[:nt]
    src_hbm, dst_hbm, dummy_hbm = refs[nt], refs[nt + 1], refs[nt + 2]
    out_hbm = refs[nt + 3:2 * nt + 3]
    r = 2 * nt + 3
    src_v, dst_v = refs[r], refs[r + 1]
    v128, v16 = refs[r + 2], refs[r + 3]
    r += 4
    rows = [[refs[r + p * nt + t] for t in range(nt)] for p in range(DEPTH)]
    r += DEPTH * nt
    table_sh = refs[r:r + nt]
    acc_sh = refs[r + nt:r + 2 * nt]
    r += 2 * nt
    sem_g = [[refs[r + p * nt + t] for t in range(nt)] for p in range(DEPTH)]
    r += DEPTH * nt
    sem_s = [[refs[r + p * nt + t] for t in range(nt)] for p in range(DEPTH)]
    r += DEPTH * nt
    sem_i, sem_c = refs[r], refs[r + 1]

    c = lax.axis_index("c")
    s = lax.axis_index("s")
    prow0 = s * TPW
    nrow0 = s * RPW

    h1 = pltpu.async_copy(src_hbm.at[c, s], src_v, sem_i)
    h2 = pltpu.async_copy(dst_hbm.at[c, s], dst_v, sem_i)

    for t in range(nt):
      pltpu.async_copy(
          y_hbm[t].at[pl.ds(prow0, TPW)], v128, sem_c).wait()
      _unpack_rows(v128, v16)
      pltpu.async_copy(
          v16, table_sh[t].at[pl.ds(nrow0, RPW)], sem_c).wait()

    _zero_v16(v16)
    for t in range(nt):
      pltpu.async_copy(
          v16, acc_sh[t].at[pl.ds(nrow0, RPW)], sem_c).wait()

    h1.wait()
    h2.wait()
    plsc.subcore_barrier()

    @pl.loop(0, NCH, step=DEPTH)
    def _(j):
      hg = [[pltpu.async_copy(table_sh[t].at[src_v.at[j + p]], rows[p][t],
                              sem_g[p][t]) for t in range(nt)]
            for p in range(DEPTH)]
      hs = [[None] * nt for _ in range(DEPTH)]
      for p in range(DEPTH):
        for t in range(nt):
          hg[p][t].wait()
          hs[p][t] = pltpu.async_copy(
              rows[p][t], acc_sh[t].at[dst_v.at[j + p]], sem_s[p][t],
              add=True)
      for p in range(DEPTH):
        for t in range(nt):
          hs[p][t].wait()

    plsc.subcore_barrier()

    for t in range(nt):
      pltpu.async_copy(
          acc_sh[t].at[pl.ds(nrow0, RPW)], v16, sem_c).wait()
      _pack_rows(v16, v128)
      pltpu.async_copy(
          v128, out_hbm[t].at[c, pl.ds(prow0, TPW)], sem_c).wait()

  outs = k(*tables, srcp, dstp, dummy)
  return list(outs) if isinstance(outs, (list, tuple)) else [outs]


def _deg_count(dstp):

  @functools.partial(
      pl.kernel,
      out_type=jax.ShapeDtypeStruct((NC, NP8, 128), jnp.float32),
      mesh=_mesh,
      compiler_params=_sc_params,
      scratch_types=[
          pltpu.VMEM((NCH, CH), jnp.int32),
          pltpu.VMEM((TPW, 128), jnp.float32),
          pltpu.VMEM((RPW, 16), jnp.float32),
          pltpu.VMEM((CH, 16), jnp.float32),
          pltpu.VMEM_SHARED((N_PAD, 16), jnp.float32),
          pltpu.SemaphoreType.DMA,
      ],
  )
  def k(dst_hbm, out_hbm, dst_v, v128, v16, ones_v, acc_sh, sem):
    c = lax.axis_index("c")
    s = lax.axis_index("s")
    prow0 = s * TPW
    nrow0 = s * RPW

    h1 = pltpu.async_copy(dst_hbm.at[c, s], dst_v, sem)

    one = jnp.ones((16,), jnp.float32)
    @pl.loop(0, CH)
    def _(i):
      ones_v[i, :] = one

    _zero_v16(v16)
    pltpu.async_copy(v16, acc_sh.at[pl.ds(nrow0, RPW)], sem).wait()
    h1.wait()
    plsc.subcore_barrier()

    @pl.loop(0, NCH, step=16)
    def _(j):
      hs = [pltpu.async_copy(ones_v, acc_sh.at[dst_v.at[j + p]], sem,
                             add=True) for p in range(16)]
      for h in hs:
        h.wait()

    plsc.subcore_barrier()

    pltpu.async_copy(acc_sh.at[pl.ds(nrow0, RPW)], v16, sem).wait()
    _pack_rows(v16, v128)
    pltpu.async_copy(v128, out_hbm.at[c, pl.ds(prow0, TPW)], sem).wait()

  return k(dstp)


_HP = lax.Precision.HIGHEST
_BF = jnp.bfloat16


def _bdot(a, b):
  return jnp.dot(a.astype(_BF), b.astype(_BF),
                 preferred_element_type=jnp.float32)


def _tc_xw1(x_r, w1bd):
  def body(x_ref, w_ref, o_ref):
    o_ref[...] = _bdot(x_ref[...], w_ref[...])

  return pl.pallas_call(
      body,
      out_shape=jax.ShapeDtypeStruct((NP8, 128), jnp.float32),
  )(x_r, w1bd)


def _tc_y1(degp, xw1p):
  def body(d_ref, xw_ref, y_ref, dinv_ref):
    dinv = lax.rsqrt(d_ref[0] + d_ref[1] + 1.0)
    dinv_ref[...] = dinv
    y_ref[...] = dinv * xw_ref[...]

  return pl.pallas_call(
      body,
      out_shape=[jax.ShapeDtypeStruct((NP8, 128), jnp.float32)] * 2,
  )(degp, xw1p)


def _tc_layer2(acc1p, xw1p, dinv, b1t, w2lbd, w2rbd):
  def body(a_ref, xw_ref, d_ref, b1_ref, wl_ref, wr_ref,
           y2l_ref, y2r_ref, xw2l_ref, xw2r_ref):
    dv = d_ref[...]
    h1 = dv * (a_ref[0] + a_ref[1]) + dv * dv * xw_ref[...] + b1_ref[...]
    h1 = jnp.maximum(h1, 0.0)
    xw2l = _bdot(h1, wl_ref[...])
    xw2r = _bdot(h1, wr_ref[...])
    xw2l_ref[...] = xw2l
    xw2r_ref[...] = xw2r
    y2l_ref[...] = dv * xw2l
    y2r_ref[...] = dv * xw2r

  return pl.pallas_call(
      body,
      out_shape=[jax.ShapeDtypeStruct((NP8, 128), jnp.float32)] * 4,
  )(acc1p, xw1p, dinv, b1t, w2lbd, w2rbd)


def _tc_out(acc2lp, acc2rp, xw2l, xw2r, dinv, b2lt, b2rt, w3lt, w3rt, sel, b3):
  def body(al_ref, ar_ref, xl_ref, xr_ref, d_ref, b2l_ref, b2r_ref,
           w3l_ref, w3r_ref, s_ref, b3_ref, o_ref):
    dv = d_ref[...]
    dv2 = dv * dv
    h2l = dv * (al_ref[0] + al_ref[1]) + dv2 * xl_ref[...] + b2l_ref[...]
    h2r = dv * (ar_ref[0] + ar_ref[1]) + dv2 * xr_ref[...] + b2r_ref[...]
    w3l16 = w3l_ref[...].astype(_BF).astype(jnp.float32)
    w3r16 = w3r_ref[...].astype(_BF).astype(jnp.float32)
    t = (h2l.astype(_BF).astype(jnp.float32) * w3l16
         + h2r.astype(_BF).astype(jnp.float32) * w3r16)
    o_ref[...] = jnp.dot(t, s_ref[...], preferred_element_type=jnp.float32,
                         precision=_HP) + b3_ref[0, 0]

  return pl.pallas_call(
      body,
      out_shape=jax.ShapeDtypeStruct((NP8, 8), jnp.float32),
  )(acc2lp, acc2rp, xw2l, xw2r, dinv, b2lt, b2rt, w3lt, w3rt, sel, b3)


def _blockdiag8(W):
  din, dout = W.shape
  z = jnp.zeros((8 * din, 8 * dout), W.dtype)
  for k in range(8):
    z = lax.dynamic_update_slice(z, W, (din * k, dout * k))
  return z


@jax.jit
def _run(x, edge_index, W1, b1, W2, b2, W3, b3):
  src = edge_index[0]
  dst = edge_index[1]
  pad = E_PAD - E
  srcp = jnp.concatenate(
      [src, jnp.zeros((pad,), src.dtype)]).reshape(NC, NS, NCH, CH)
  dstp = jnp.concatenate(
      [dst, jnp.full((pad,), N, dst.dtype)]).reshape(NC, NS, NCH, CH)

  x_r = jnp.pad(x.reshape(N // 8, 8 * D), ((0, NP8 - N // 8), (0, 0)))
  w1bd = _blockdiag8(W1)
  w2lbd = _blockdiag8(W2[:, :16])
  w2rbd = _blockdiag8(W2[:, 16:])
  b1t = jnp.tile(b1, 8).reshape(1, 128)
  b2lt = jnp.tile(b2[:16], 8).reshape(1, 128)
  b2rt = jnp.tile(b2[16:], 8).reshape(1, 128)
  w3lt = jnp.tile(W3[:16, 0], 8).reshape(1, 128)
  w3rt = jnp.tile(W3[16:, 0], 8).reshape(1, 128)
  sel = jnp.repeat(jnp.eye(8, dtype=jnp.float32), 16, axis=0)
  b3r = b3.reshape(1, 1)

  dummy = jnp.zeros((CH, 16), jnp.float32)
  degp = _deg_count(dstp)
  xw1p = _tc_xw1(x_r, w1bd)
  y1p, dinv = _tc_y1(degp, xw1p)
  (acc1p,) = _seg_sum([y1p], srcp, dstp, dummy)
  y2l, y2r, xw2l, xw2r = _tc_layer2(acc1p, xw1p, dinv, b1t, w2lbd, w2rbd)
  acc2lp, acc2rp = _seg_sum([y2l, y2r], srcp, dstp, dummy)
  out8 = _tc_out(acc2lp, acc2rp, xw2l, xw2r, dinv,
                 b2lt, b2rt, w3lt, w3rt, sel, b3r)
  return out8.reshape(-1)[:N].reshape(N, 1)


def kernel(x, edge_index, W1, b1, W2, b2, W3, b3):
  return _run(x, edge_index, W1, b1, W2, b2, W3, b3)

# --- scband reference (transcript-rebuilt; emitter-appended) ---
"""Pipeline reference for scband-matching-gcn-61194694034253 (READ-ONLY COPY).

The authoritative reference and input builder live on the scoring server;
editing this copy changes nothing except your own understanding.
"""

import jax, jax.numpy as jnp
import numpy as np

N = 10000
E = 320000
D = 128
H1 = 16
H2 = 32


def setup_inputs(seed: int = 0) -> dict:
    key = jax.random.key(seed)
    ks = jax.random.split(key, 8)
    x = jax.random.normal(ks[0], (N, D), dtype=jnp.float32)
    edge_index = jax.random.randint(ks[1], (2, E), 0, N, dtype=jnp.int32)
    W1 = jax.random.normal(ks[2], (D, H1), dtype=jnp.float32) * (1.0 / np.sqrt(D))
    b1 = jnp.zeros((H1,), dtype=jnp.float32)
    W2 = jax.random.normal(ks[3], (H1, H2), dtype=jnp.float32) * (1.0 / np.sqrt(H1))
    b2 = jnp.zeros((H2,), dtype=jnp.float32)
    W3 = jax.random.normal(ks[4], (H2, 1), dtype=jnp.float32) * (1.0 / np.sqrt(H2))
    b3 = jnp.zeros((1,), dtype=jnp.float32)
    return {"x": x, "edge_index": edge_index, "W1": W1, "b1": b1, "W2": W2, "b2": b2, "W3": W3, "b3": b3}


def _gcn_conv(x, src, dst, W, b):
    # PyG GCNConv: x' = D^{-1/2} (A + I) D^{-1/2} X W + b  (self-loops added)
    n = x.shape[0]
    xw = x @ W
    loop = jnp.arange(n, dtype=src.dtype)
    s = jnp.concatenate([src, loop])
    d = jnp.concatenate([dst, loop])
    deg = jax.ops.segment_sum(jnp.ones(s.shape[0], dtype=xw.dtype), d, num_segments=n)
    dinv = jnp.where(deg > 0, jax.lax.rsqrt(jnp.maximum(deg, 1e-12)), 0.0)
    norm = dinv[s] * dinv[d]
    msg = xw[s] * norm[:, None]
    out = jax.ops.segment_sum(msg, d, num_segments=n)
    return out + b


def reference(x, edge_index, W1, b1, W2, b2, W3, b3):
    src = edge_index[0]
    dst = edge_index[1]
    h = _gcn_conv(x, src, dst, W1, b1)
    h = jax.nn.relu(h)
    # F.dropout(p=0.5, training=self.training) is identity at inference
    h = _gcn_conv(h, src, dst, W2, b2)
    out = h @ W3 + b3
    return out

if __name__ == "__main__":
    import jax
    _d = setup_inputs()
    print(jax.jit(kernel)(*tuple(_d.values())))

</pallas_src>

<mosaic_0001>
#map = affine_map<(d0, d1) -> (0, 0)>
#map1 = affine_map<(d0, d1) -> (0, 0, 0, 0)>
#map2 = affine_map<(d0, d1) -> (0, 0, 0)>
module attributes {stable_mosaic.version = 14 : i64} {
  func.func @k(%arg0: i32, %arg1: i32, %arg2: memref<1280x128xf32, #tpu.memory_space<hbm>>, %arg3: memref<1280x128xf32, #tpu.memory_space<hbm>>, %arg4: memref<2x16x80x128xi32, #tpu.memory_space<hbm>>, %arg5: memref<2x16x80x128xi32, #tpu.memory_space<hbm>>, %arg6: memref<128x16xf32, #tpu.memory_space<hbm>>, %arg7: memref<2x1280x128xf32, #tpu.memory_space<hbm>>, %arg8: memref<2x1280x128xf32, #tpu.memory_space<hbm>>, %arg9: memref<80x128xi32, #tpu.memory_space<vmem>>, %arg10: memref<80x128xi32, #tpu.memory_space<vmem>>, %arg11: memref<80x128xf32, #tpu.memory_space<vmem>>, %arg12: memref<640x16xf32, #tpu.memory_space<vmem>>, %arg13: memref<128x16xf32, #tpu.memory_space<vmem>>, %arg14: memref<128x16xf32, #tpu.memory_space<vmem>>, %arg15: memref<128x16xf32, #tpu.memory_space<vmem>>, %arg16: memref<128x16xf32, #tpu.memory_space<vmem>>, %arg17: memref<128x16xf32, #tpu.memory_space<vmem>>, %arg18: memref<128x16xf32, #tpu.memory_space<vmem>>, %arg19: memref<128x16xf32, #tpu.memory_space<vmem>>, %arg20: memref<128x16xf32, #tpu.memory_space<vmem>>, %arg21: memref<10240x16xf32, #tpu.memory_space<vmem_shared>>, %arg22: memref<10240x16xf32, #tpu.memory_space<vmem_shared>>, %arg23: memref<10240x16xf32, #tpu.memory_space<vmem_shared>>, %arg24: memref<10240x16xf32, #tpu.memory_space<vmem_shared>>, %arg25: memref<!tpu.dma_semaphore, #tpu.memory_space<semaphore_mem>>, %arg26: memref<!tpu.dma_semaphore, #tpu.memory_space<semaphore_mem>>, %arg27: memref<!tpu.dma_semaphore, #tpu.memory_space<semaphore_mem>>, %arg28: memref<!tpu.dma_semaphore, #tpu.memory_space<semaphore_mem>>, %arg29: memref<!tpu.dma_semaphore, #tpu.memory_space<semaphore_mem>>, %arg30: memref<!tpu.dma_semaphore, #tpu.memory_space<semaphore_mem>>, %arg31: memref<!tpu.dma_semaphore, #tpu.memory_space<semaphore_mem>>, %arg32: memref<!tpu.dma_semaphore, #tpu.memory_space<semaphore_mem>>, %arg33: memref<!tpu.dma_semaphore, #tpu.memory_space<semaphore_mem>>, %arg34: memref<!tpu.dma_semaphore, #tpu.memory_space<semaphore_mem>>, %arg35: memref<!tpu.dma_semaphore, #tpu.memory_space<semaphore_mem>>, %arg36: memref<!tpu.dma_semaphore, #tpu.memory_space<semaphore_mem>>, %arg37: memref<!tpu.dma_semaphore, #tpu.memory_space<semaphore_mem>>, %arg38: memref<!tpu.dma_semaphore, #tpu.memory_space<semaphore_mem>>, %arg39: memref<!tpu.dma_semaphore, #tpu.memory_space<semaphore_mem>>, %arg40: memref<!tpu.dma_semaphore, #tpu.memory_space<semaphore_mem>>, %arg41: memref<!tpu.dma_semaphore, #tpu.memory_space<semaphore_mem>>, %arg42: memref<!tpu.dma_semaphore, #tpu.memory_space<semaphore_mem>>) attributes {dimension_semantics = [#tpu.dimension_semantics<core_parallel>, #tpu.dimension_semantics<subcore_parallel>], iteration_bounds = array<i64: 2, 16>, scalar_prefetch = 0 : i64, scratch_operands = 34 : i64, tpu.core_type = #tpu.core_type<sc_vector_subcore>, window_params = [{transform_indices = #map}, {transform_indices = #map}, {transform_indices = #map1}, {transform_indices = #map1}, {transform_indices = #map}, {transform_indices = #map2}, {transform_indices = #map2}]} {
    %mul3A = arith.constant 80 : i32
    %mul3A_0 = arith.muli %arg1, %mul3A : i32
    %mul3A_1 = arith.constant 640 : i32
    %mul3A_2 = arith.muli %arg1, %mul3A_1 : i32
    %dma_start3A = arith.constant 0 : i32
    %dma_start3A_3 = arith.constant 0 : i32
    %dma_start3A_4 = tpu.memref_slice %arg4[%arg0, %arg1, %dma_start3A, %dma_start3A_3] : memref<2x16x80x128xi32, #tpu.memory_space<hbm>> -> memref<1x1x80x128xi32, #tpu.memory_space<hbm>>
    %dma_start3A_5 = tpu.memref_squeeze %dma_start3A_4 : memref<1x1x80x128xi32, #tpu.memory_space<hbm>> -> memref<80x128xi32, #tpu.memory_space<hbm>>
    %dma_start3A_6 = arith.constant 0 : i32
    %dma_start3A_7 = arith.constant 0 : i32
    %dma_start3A_8 = tpu.memref_slice %arg4[%arg0, %arg1, %dma_start3A_6, %dma_start3A_7] : memref<2x16x80x128xi32, #tpu.memory_space<hbm>> -> memref<1x1x80x128xi32, #tpu.memory_space<hbm>>
    %dma_start3A_9 = tpu.memref_squeeze %dma_start3A_8 : memref<1x1x80x128xi32, #tpu.memory_space<hbm>> -> memref<80x128xi32, #tpu.memory_space<hbm>>
    tpu.enqueue_dma source(%dma_start3A_9 : memref<80x128xi32, #tpu.memory_space<hbm>>) target(%arg9 : memref<80x128xi32, #tpu.memory_space<vmem>>) target_semaphore(%arg41 : memref<!tpu.dma_semaphore, #tpu.memory_space<semaphore_mem>>)
    %dma_start3A_10 = arith.constant 0 : i32
    %dma_start3A_11 = arith.constant 0 : i32
    %dma_start3A_12 = tpu.memref_slice %arg5[%arg0, %arg1, %dma_start3A_10, %dma_start3A_11] : memref<2x16x80x128xi32, #tpu.memory_space<hbm>> -> memref<1x1x80x128xi32, #tpu.memory_space<hbm>>
    %dma_start3A_13 = tpu.memref_squeeze %dma_start3A_12 : memref<1x1x80x128xi32, #tpu.memory_space<hbm>> -> memref<80x128xi32, #tpu.memory_space<hbm>>
    %dma_start3A_14 = arith.constant 0 : i32
    %dma_start3A_15 = arith.constant 0 : i32
    %dma_start3A_16 = tpu.memref_slice %arg5[%arg0, %arg1, %dma_start3A_14, %dma_start3A_15] : memref<2x16x80x128xi32, #tpu.memory_space<hbm>> -> memref<1x1x80x128xi32, #tpu.memory_space<hbm>>
    %dma_start3A_17 = tpu.memref_squeeze %dma_start3A_16 : memref<1x1x80x128xi32, #tpu.memory_space<hbm>> -> memref<80x128xi32, #tpu.memory_space<hbm>>
    tpu.enqueue_dma source(%dma_start3A_17 : memref<80x128xi32, #tpu.memory_space<hbm>>) target(%arg10 : memref<80x128xi32, #tpu.memory_space<vmem>>) target_semaphore(%arg41 : memref<!tpu.dma_semaphore, #tpu.memory_space<semaphore_mem>>)
    %dma_start3A_18 = arith.constant 0 : i32
    %dma_start3A_19 = tpu.memref_slice %arg2[%mul3A_0, %dma_start3A_18] : memref<1280x128xf32, #tpu.memory_space<hbm>> -> memref<80x128xf32, #tpu.memory_space<hbm>>
    %dma_start3A_20 = arith.constant 0 : i32
    %dma_start3A_21 = tpu.memref_slice %arg2[%mul3A_0, %dma_start3A_20] : memref<1280x128xf32, #tpu.memory_space<hbm>> -> memref<80x128xf32, #tpu.memory_space<hbm>>
    tpu.enqueue_dma source(%dma_start3A_21 : memref<80x128xf32, #tpu.memory_space<hbm>>) target(%arg11 : memref<80x128xf32, #tpu.memory_space<vmem>>) target_semaphore(%arg42 : memref<!tpu.dma_semaphore, #tpu.memory_space<semaphore_mem>>)
    %dma_wait3A = arith.constant 0 : i32
    %dma_wait3A_22 = tpu.memref_slice %arg2[%mul3A_0, %dma_wait3A] : memref<1280x128xf32, #tpu.memory_space<hbm>> -> memref<80x128xf32, #tpu.memory_space<hbm>>
    %dma_wait3A_23 = arith.constant 0 : i32
    %dma_wait3A_24 = tpu.memref_slice %arg2[%mul3A_0, %dma_wait3A_23] : memref<1280x128xf32, #tpu.memory_space<hbm>> -> memref<80x128xf32, #tpu.memory_space<hbm>>
    tpu.wait_dma2 semaphore(%arg42 : memref<!tpu.dma_semaphore, #tpu.memory_space<semaphore_mem>>) src(%dma_wait3A_24 : memref<80x128xf32, #tpu.memory_space<hbm>>) dst(%arg11 : memref<80x128xf32, #tpu.memory_space<vmem>>)
    %scan3A = arith.constant 0 : i32
    %scan3A_25 = arith.constant 80 : i32
    %scan3A_26 = arith.addi %scan3A, %scan3A_25 : i32
    %scan3A_27 = arith.constant 1 : i32
    scf.for %scan3A_152 = %scan3A to %scan3A_26 step %scan3A_27  : i32 {
      %mul3A_153 = arith.constant 1 : i32
      %mul3A_154 = arith.muli %scan3A_152, %mul3A_153 : i32
      %add3A = arith.constant 0 : i32
      %add3A_155 = arith.addi %add3A, %mul3A_154 : i32
      %get3A = arith.index_cast %add3A_155 : i32 to index
      %get3A_156 = arith.constant 0 : index
      %get3A_157 = tpu.vector_load %arg11[%get3A, %get3A_156] {strides = array<i32>} : memref<80x128xf32, #tpu.memory_space<vmem>>, vector<1x16xf32>,
      %get3A_158 = vector.shape_cast %get3A_157 : vector<1x16xf32> to vector<16xf32>
      %mul3A_159 = arith.constant 8 : i32
      %mul3A_160 = arith.muli %add3A_155, %mul3A_159 : i32
      %add3A_161 = arith.constant 0 : i32
      %add3A_162 = arith.addi %mul3A_160, %add3A_161 : i32
      %swap3A = arith.index_cast %add3A_162 : i32 to index
      %swap3A_163 = arith.constant 0 : index
      %swap3A_164 = tpu.vector_load %arg12[%swap3A, %swap3A_163] {strides = array<i32>} : memref<640x16xf32, #tpu.memory_space<vmem>>, vector<1x16xf32>,
      %swap3A_165 = vector.shape_cast %swap3A_164 : vector<1x16xf32> to vector<16xf32>
      %swap3A_166 = vector.shape_cast %get3A_158 : vector<16xf32> to vector<1x16xf32>
      tpu.vector_store %arg12[%swap3A, %swap3A_163], %swap3A_166 {strides = array<i32>} : memref<640x16xf32, #tpu.memory_space<vmem>>, vector<1x16xf32>,
      %get3A_167 = arith.index_cast %add3A_155 : i32 to index
      %get3A_168 = arith.constant 16 : index
      %get3A_169 = tpu.vector_load %arg11[%get3A_167, %get3A_168] {strides = array<i32>} : memref<80x128xf32, #tpu.memory_space<vmem>>, vector<1x16xf32>,
      %get3A_170 = vector.shape_cast %get3A_169 : vector<1x16xf32> to vector<16xf32>
      %mul3A_171 = arith.constant 8 : i32
      %mul3A_172 = arith.muli %add3A_155, %mul3A_171 : i32
      %add3A_173 = arith.constant 1 : i32
      %add3A_174 = arith.addi %mul3A_172, %add3A_173 : i32
      %swap3A_175 = arith.index_cast %add3A_174 : i32 to index
      %swap3A_176 = arith.constant 0 : index
      %swap3A_177 = tpu.vector_load %arg12[%swap3A_175, %swap3A_176] {strides = array<i32>} : memref<640x16xf32, #tpu.memory_space<vmem>>, vector<1x16xf32>,
      %swap3A_178 = vector.shape_cast %swap3A_177 : vector<1x16xf32> to vector<16xf32>
      %swap3A_179 = vector.shape_cast %get3A_170 : vector<16xf32> to vector<1x16xf32>
      tpu.vector_store %arg12[%swap3A_175, %swap3A_176], %swap3A_179 {strides = array<i32>} : memref<640x16xf32, #tpu.memory_space<vmem>>, vector<1x16xf32>,
      %get3A_180 = arith.index_cast %add3A_155 : i32 to index
      %get3A_181 = arith.constant 32 : index
      %get3A_182 = tpu.vector_load %arg11[%get3A_180, %get3A_181] {strides = array<i32>} : memref<80x128xf32, #tpu.memory_space<vmem>>, vector<1x16xf32>,
      %get3A_183 = vector.shape_cast %get3A_182 : vector<1x16xf32> to vector<16xf32>
      %mul3A_184 = arith.constant 8 : i32
      %mul3A_185 = arith.muli %add3A_155, %mul3A_184 : i32
      %add3A_186 = arith.constant 2 : i32
      %add3A_187 = arith.addi %mul3A_185, %add3A_186 : i32
      %swap3A_188 = arith.index_cast %add3A_187 : i32 to index
      %swap3A_189 = arith.constant 0 : index
      %swap3A_190 = tpu.vector_load %arg12[%swap3A_188, %swap3A_189] {strides = array<i32>} : memref<640x16xf32, #tpu.memory_space<vmem>>, vector<1x16xf32>,
      %swap3A_191 = vector.shape_cast %swap3A_190 : vector<1x16xf32> to vector<16xf32>
      %swap3A_192 = vector.shape_cast %get3A_183 : vector<16xf32> to vector<1x16xf32>
      tpu.vector_store %arg12[%swap3A_188, %swap3A_189], %swap3A_192 {strides = array<i32>} : memref<640x16xf32, #tpu.memory_space<vmem>>, vector<1x16xf32>,
      %get3A_193 = arith.index_cast %add3A_155 : i32 to index
      %get3A_194 = arith.constant 48 : index
      %get3A_195 = tpu.vector_load %arg11[%get3A_193, %get3A_194] {strides = array<i32>} : memref<80x128xf32, #tpu.memory_space<vmem>>, vector<1x16xf32>,
      %get3A_196 = vector.shape_cast %get3A_195 : vector<1x16xf32> to vector<16xf32>
      %mul3A_197 = arith.constant 8 : i32
      %mul3A_198 = arith.muli %add3A_155, %mul3A_197 : i32
      %add3A_199 = arith.constant 3 : i32
      %add3A_200 = arith.addi %mul3A_198, %add3A_199 : i32
      %swap3A_201 = arith.index_cast %add3A_200 : i32 to index
      %swap3A_202 = arith.constant 0 : index
      %swap3A_203 = tpu.vector_load %arg12[%swap3A_201, %swap3A_202] {strides = array<i32>} : memref<640x16xf32, #tpu.memory_space<vmem>>, vector<1x16xf32>,
      %swap3A_204 = vector.shape_cast %swap3A_203 : vector<1x16xf32> to vector<16xf32>
      %swap3A_205 = vector.shape_cast %get3A_196 : vector<16xf32> to vector<1x16xf32>
      tpu.vector_store %arg12[%swap3A_201, %swap3A_202], %swap3A_205 {strides = array<i32>} : memref<640x16xf32, #tpu.memory_space<vmem>>, vector<1x16xf32>,
      %get3A_206 = arith.index_cast %add3A_155 : i32 to index
      %get3A_207 = arith.constant 64 : index
      %get3A_208 = tpu.vector_load %arg11[%get3A_206, %get3A_207] {strides = array<i32>} : memref<80x128xf32, #tpu.memory_space<vmem>>, vector<1x16xf32>,
      %get3A_209 = vector.shape_cast %get3A_208 : vector<1x16xf32> to vector<16xf32>
      %mul3A_210 = arith.constant 8 : i32
      %mul3A_211 = arith.muli %add3A_155, %mul3A_210 : i32
      %add3A_212 = arith.constant 4 : i32
      %add3A_213 = arith.addi %mul3A_211, %add3A_212 : i32
      %swap3A_214 = arith.index_cast %add3A_213 : i32 to index
      %swap3A_215 = arith.constant 0 : index
      %swap3A_216 = tpu.vector_load %arg12[%swap3A_214, %swap3A_215] {strides = array<i32>} : memref<640x16xf32, #tpu.memory_space<vmem>>, vector<1x16xf32>,
      %swap3A_217 = vector.shape_cast %swap3A_216 : vector<1x16xf32> to vector<16xf32>
      %swap3A_218 = vector.shape_cast %get3A_209 : vector<16xf32> to vector<1x16xf32>
      tpu.vector_store %arg12[%swap3A_214, %swap3A_215], %swap3A_218 {strides = array<i32>} : memref<640x16xf32, #tpu.memory_space<vmem>>, vector<1x16xf32>,
      %get3A_219 = arith.index_cast %add3A_155 : i32 to index
      %get3A_220 = arith.constant 80 : index
      %get3A_221 = tpu.vector_load %arg11[%get3A_219, %get3A_220] {strides = array<i32>} : memref<80x128xf32, #tpu.memory_space<vmem>>, vector<1x16xf32>,
      %get3A_222 = vector.shape_cast %get3A_221 : vector<1x16xf32> to vector<16xf32>
      %mul3A_223 = arith.constant 8 : i32
      %mul3A_224 = arith.muli %add3A_155, %mul3A_223 : i32
      %add3A_225 = arith.constant 5 : i32
      %add3A_226 = arith.addi %mul3A_224, %add3A_225 : i32
      %swap3A_227 = arith.index_cast %add3A_226 : i32 to index
      %swap3A_228 = arith.constant 0 : index
      %swap3A_229 = tpu.vector_load %arg12[%swap3A_227, %swap3A_228] {strides = array<i32>} : memref<640x16xf32, #tpu.memory_space<vmem>>, vector<1x16xf32>,
      %swap3A_230 = vector.shape_cast %swap3A_229 : vector<1x16xf32> to vector<16xf32>
      %swap3A_231 = vector.shape_cast %get3A_222 : vector<16xf32> to vector<1x16xf32>
      tpu.vector_store %arg12[%swap3A_227, %swap3A_228], %swap3A_231 {strides = array<i32>} : memref<640x16xf32, #tpu.memory_space<vmem>>, vector<1x16xf32>,
      %get3A_232 = arith.index_cast %add3A_155 : i32 to index
      %get3A_233 = arith.constant 96 : index
      %get3A_234 = tpu.vector_load %arg11[%get3A_232, %get3A_233] {strides = array<i32>} : memref<80x128xf32, #tpu.memory_space<vmem>>, vector<1x16xf32>,
      %get3A_235 = vector.shape_cast %get3A_234 : vector<1x16xf32> to vector<16xf32>
      %mul3A_236 = arith.constant 8 : i32
      %mul3A_237 = arith.muli %add3A_155, %mul3A_236 : i32
      %add3A_238 = arith.constant 6 : i32
      %add3A_239 = arith.addi %mul3A_237, %add3A_238 : i32
      %swap3A_240 = arith.index_cast %add3A_239 : i32 to index
      %swap3A_241 = arith.constant 0 : index
      %swap3A_242 = tpu.vector_load %arg12[%swap3A_240, %swap3A_241] {strides = array<i32>} : memref<640x16xf32, #tpu.memory_space<vmem>>, vector<1x16xf32>,
      %swap3A_243 = vector.shape_cast %swap3A_242 : vector<1x16xf32> to vector<16xf32>
      %swap3A_244 = vector.shape_cast %get3A_235 : vector<16xf32> to vector<1x16xf32>
      tpu.vector_store %arg12[%swap3A_240, %swap3A_241], %swap3A_244 {strides = array<i32>} : memref<640x16xf32, #tpu.memory_space<vmem>>, vector<1x16xf32>,
      %get3A_245 = arith.index_cast %add3A_155 : i32 to index
      %get3A_246 = arith.constant 112 : index
      %get3A_247 = tpu.vector_load %arg11[%get3A_245, %get3A_246] {strides = array<i32>} : memref<80x128xf32, #tpu.memory_space<vmem>>, vector<1x16xf32>,
      %get3A_248 = vector.shape_cast %get3A_247 : vector<1x16xf32> to vector<16xf32>
      %mul3A_249 = arith.constant 8 : i32
      %mul3A_250 = arith.muli %add3A_155, %mul3A_249 : i32
      %add3A_251 = arith.constant 7 : i32
      %add3A_252 = arith.addi %mul3A_250, %add3A_251 : i32
      %swap3A_253 = arith.index_cast %add3A_252 : i32 to index
      %swap3A_254 = arith.constant 0 : index
      %swap3A_255 = tpu.vector_load %arg12[%swap3A_253, %swap3A_254] {strides = array<i32>} : memref<640x16xf32, #tpu.memory_space<vmem>>, vector<1x16xf32>,
      %swap3A_256 = vector.shape_cast %swap3A_255 : vector<1x16xf32> to vector<16xf32>
      %swap3A_257 = vector.shape_cast %get3A_248 : vector<16xf32> to vector<1x16xf32>
      tpu.vector_store %arg12[%swap3A_253, %swap3A_254], %swap3A_257 {strides = array<i32>} : memref<640x16xf32, #tpu.memory_space<vmem>>, vector<1x16xf32>,
    }
    %scan3A_28 = arith.constant 80 : i32
    %dma_start3A_29 = arith.constant 0 : i32
    %dma_start3A_30 = tpu.memref_slice %arg21[%mul3A_2, %dma_start3A_29] : memref<10240x16xf32, #tpu.memory_space<vmem_shared>> -> memref<640x16xf32, #tpu.memory_space<vmem_shared>>
    %dma_start3A_31 = arith.constant 0 : i32
    %dma_start3A_32 = tpu.memref_slice %arg21[%mul3A_2, %dma_start3A_31] : memref<10240x16xf32, #tpu.memory_space<vmem_shared>> -> memref<640x16xf32, #tpu.memory_space<vmem_shared>>
    tpu.enqueue_dma source(%arg12 : memref<640x16xf32, #tpu.memory_space<vmem>>) target(%dma_start3A_32 : memref<640x16xf32, #tpu.memory_space<vmem_shared>>) target_semaphore(%arg42 : memref<!tpu.dma_semaphore, #tpu.memory_space<semaphore_mem>>)
    %dma_wait3A_33 = arith.constant 0 : i32
    %dma_wait3A_34 = tpu.memref_slice %arg21[%mul3A_2, %dma_wait3A_33] : memref<10240x16xf32, #tpu.memory_space<vmem_shared>> -> memref<640x16xf32, #tpu.memory_space<vmem_shared>>
    %dma_wait3A_35 = arith.constant 0 : i32
    %dma_wait3A_36 = tpu.memref_slice %arg21[%mul3A_2, %dma_wait3A_35] : memref<10240x16xf32, #tpu.memory_space<vmem_shared>> -> memref<640x16xf32, #tpu.memory_space<vmem_shared>>
    tpu.wait_dma2 semaphore(%arg42 : memref<!tpu.dma_semaphore, #tpu.memory_space<semaphore_mem>>) src(%arg12 : memref<640x16xf32, #tpu.memory_space<vmem>>) dst(%dma_wait3A_36 : memref<640x16xf32, #tpu.memory_space<vmem_shared>>)
    %dma_start3A_37 = arith.constant 0 : i32
    %dma_start3A_38 = tpu.memref_slice %arg3[%mul3A_0, %dma_start3A_37] : memref<1280x128xf32, #tpu.memory_space<hbm>> -> memref<80x128xf32, #tpu.memory_space<hbm>>
    %dma_start3A_39 = arith.constant 0 : i32
    %dma_start3A_40 = tpu.memref_slice %arg3[%mul3A_0, %dma_start3A_39] : memref<1280x128xf32, #tpu.memory_space<hbm>> -> memref<80x128xf32, #tpu.memory_space<hbm>>
    tpu.enqueue_dma source(%dma_start3A_40 : memref<80x128xf32, #tpu.memory_space<hbm>>) target(%arg11 : memref<80x128xf32, #tpu.memory_space<vmem>>) target_semaphore(%arg42 : memref<!tpu.dma_semaphore, #tpu.memory_space<semaphore_mem>>)
    %dma_wait3A_41 = arith.constant 0 : i32
    %dma_wait3A_42 = tpu.memref_slice %arg3[%mul3A_0, %dma_wait3A_41] : memref<1280x128xf32, #tpu.memory_space<hbm>> -> memref<80x128xf32, #tpu.memory_space<hbm>>
    %dma_wait3A_43 = arith.constant 0 : i32
    %dma_wait3A_44 = tpu.memref_slice %arg3[%mul3A_0, %dma_wait3A_43] : memref<1280x128xf32, #tpu.memory_space<hbm>> -> memref<80x128xf32, #tpu.memory_space<hbm>>
    tpu.wait_dma2 semaphore(%arg42 : memref<!tpu.dma_semaphore, #tpu.memory_space<semaphore_mem>>) src(%dma_wait3A_44 : memref<80x128xf32, #tpu.memory_space<hbm>>) dst(%arg11 : memref<80x128xf32, #tpu.memory_space<vmem>>)
    %scan3A_45 = arith.constant 0 : i32
    %scan3A_46 = arith.constant 80 : i32
    %scan3A_47 = arith.addi %scan3A_45, %scan3A_46 : i32
    %scan3A_48 = arith.constant 1 : i32
    scf.for %scan3A_152 = %scan3A_45 to %scan3A_47 step %scan3A_48  : i32 {
      %mul3A_153 = arith.constant 1 : i32
      %mul3A_154 = arith.muli %scan3A_152, %mul3A_153 : i32
      %add3A = arith.constant 0 : i32
      %add3A_155 = arith.addi %add3A, %mul3A_154 : i32
      %get3A = arith.index_cast %add3A_155 : i32 to index
      %get3A_156 = arith.constant 0 : index
      %get3A_157 = tpu.vector_load %arg11[%get3A, %get3A_156] {strides = array<i32>} : memref<80x128xf32, #tpu.memory_space<vmem>>, vector<1x16xf32>,
      %get3A_158 = vector.shape_cast %get3A_157 : vector<1x16xf32> to vector<16xf32>
      %mul3A_159 = arith.constant 8 : i32
      %mul3A_160 = arith.muli %add3A_155, %mul3A_159 : i32
      %add3A_161 = arith.constant 0 : i32
      %add3A_162 = arith.addi %mul3A_160, %add3A_161 : i32
      %swap3A = arith.index_cast %add3A_162 : i32 to index
      %swap3A_163 = arith.constant 0 : index
      %swap3A_164 = tpu.vector_load %arg12[%swap3A, %swap3A_163] {strides = array<i32>} : memref<640x16xf32, #tpu.memory_space<vmem>>, vector<1x16xf32>,
      %swap3A_165 = vector.shape_cast %swap3A_164 : vector<1x16xf32> to vector<16xf32>
      %swap3A_166 = vector.shape_cast %get3A_158 : vector<16xf32> to vector<1x16xf32>
      tpu.vector_store %arg12[%swap3A, %swap3A_163], %swap3A_166 {strides = array<i32>} : memref<640x16xf32, #tpu.memory_space<vmem>>, vector<1x16xf32>,
      %get3A_167 = arith.index_cast %add3A_155 : i32 to index
      %get3A_168 = arith.constant 16 : index
      %get3A_169 = tpu.vector_load %arg11[%get3A_167, %get3A_168] {strides = array<i32>} : memref<80x128xf32, #tpu.memory_space<vmem>>, vector<1x16xf32>,
      %get3A_170 = vector.shape_cast %get3A_169 : vector<1x16xf32> to vector<16xf32>
      %mul3A_171 = arith.constant 8 : i32
      %mul3A_172 = arith.muli %add3A_155, %mul3A_171 : i32
      %add3A_173 = arith.constant 1 : i32
      %add3A_174 = arith.addi %mul3A_172, %add3A_173 : i32
      %swap3A_175 = arith.index_cast %add3A_174 : i32 to index
      %swap3A_176 = arith.constant 0 : index
      %swap3A_177 = tpu.vector_load %arg12[%swap3A_175, %swap3A_176] {strides = array<i32>} : memref<640x16xf32, #tpu.memory_space<vmem>>, vector<1x16xf32>,
      %swap3A_178 = vector.shape_cast %swap3A_177 : vector<1x16xf32> to vector<16xf32>
      %swap3A_179 = vector.shape_cast %get3A_170 : vector<16xf32> to vector<1x16xf32>
      tpu.vector_store %arg12[%swap3A_175, %swap3A_176], %swap3A_179 {strides = array<i32>} : memref<640x16xf32, #tpu.memory_space<vmem>>, vector<1x16xf32>,
      %get3A_180 = arith.index_cast %add3A_155 : i32 to index
      %get3A_181 = arith.constant 32 : index
      %get3A_182 = tpu.vector_load %arg11[%get3A_180, %get3A_181] {strides = array<i32>} : memref<80x128xf32, #tpu.memory_space<vmem>>, vector<1x16xf32>,
      %get3A_183 = vector.shape_cast %get3A_182 : vector<1x16xf32> to vector<16xf32>
      %mul3A_184 = arith.constant 8 : i32
      %mul3A_185 = arith.muli %add3A_155, %mul3A_184 : i32
      %add3A_186 = arith.constant 2 : i32
      %add3A_187 = arith.addi %mul3A_185, %add3A_186 : i32
      %swap3A_188 = arith.index_cast %add3A_187 : i32 to index
      %swap3A_189 = arith.constant 0 : index
      %swap3A_190 = tpu.vector_load %arg12[%swap3A_188, %swap3A_189] {strides = array<i32>} : memref<640x16xf32, #tpu.memory_space<vmem>>, vector<1x16xf32>,
      %swap3A_191 = vector.shape_cast %swap3A_190 : vector<1x16xf32> to vector<16xf32>
      %swap3A_192 = vector.shape_cast %get3A_183 : vector<16xf32> to vector<1x16xf32>
      tpu.vector_store %arg12[%swap3A_188, %swap3A_189], %swap3A_192 {strides = array<i32>} : memref<640x16xf32, #tpu.memory_space<vmem>>, vector<1x16xf32>,
      %get3A_193 = arith.index_cast %add3A_155 : i32 to index
      %get3A_194 = arith.constant 48 : index
      %get3A_195 = tpu.vector_load %arg11[%get3A_193, %get3A_194] {strides = array<i32>} : memref<80x128xf32, #tpu.memory_space<vmem>>, vector<1x16xf32>,
      %get3A_196 = vector.shape_cast %get3A_195 : vector<1x16xf32> to vector<16xf32>
      %mul3A_197 = arith.constant 8 : i32
      %mul3A_198 = arith.muli %add3A_155, %mul3A_197 : i32
      %add3A_199 = arith.constant 3 : i32
      %add3A_200 = arith.addi %mul3A_198, %add3A_199 : i32
      %swap3A_201 = arith.index_cast %add3A_200 : i32 to index
      %swap3A_202 = arith.constant 0 : index
      %swap3A_203 = tpu.vector_load %arg12[%swap3A_201, %swap3A_202] {strides = array<i32>} : memref<640x16xf32, #tpu.memory_space<vmem>>, vector<1x16xf32>,
      %swap3A_204 = vector.shape_cast %swap3A_203 : vector<1x16xf32> to vector<16xf32>
      %swap3A_205 = vector.shape_cast %get3A_196 : vector<16xf32> to vector<1x16xf32>
      tpu.vector_store %arg12[%swap3A_201, %swap3A_202], %swap3A_205 {strides = array<i32>} : memref<640x16xf32, #tpu.memory_space<vmem>>, vector<1x16xf32>,
      %get3A_206 = arith.index_cast %add3A_155 : i32 to index
      %get3A_207 = arith.constant 64 : index
      %get3A_208 = tpu.vector_load %arg11[%get3A_206, %get3A_207] {strides = array<i32>} : memref<80x128xf32, #tpu.memory_space<vmem>>, vector<1x16xf32>,
      %get3A_209 = vector.shape_cast %get3A_208 : vector<1x16xf32> to vector<16xf32>
      %mul3A_210 = arith.constant 8 : i32
      %mul3A_211 = arith.muli %add3A_155, %mul3A_210 : i32
      %add3A_212 = arith.constant 4 : i32
      %add3A_213 = arith.addi %mul3A_211, %add3A_212 : i32
      %swap3A_214 = arith.index_cast %add3A_213 : i32 to index
      %swap3A_215 = arith.constant 0 : index
      %swap3A_216 = tpu.vector_load %arg12[%swap3A_214, %swap3A_215] {strides = array<i32>} : memref<640x16xf32, #tpu.memory_space<vmem>>, vector<1x16xf32>,
      %swap3A_217 = vector.shape_cast %swap3A_216 : vector<1x16xf32> to vector<16xf32>
      %swap3A_218 = vector.shape_cast %get3A_209 : vector<16xf32> to vector<1x16xf32>
      tpu.vector_store %arg12[%swap3A_214, %swap3A_215], %swap3A_218 {strides = array<i32>} : memref<640x16xf32, #tpu.memory_space<vmem>>, vector<1x16xf32>,
      %get3A_219 = arith.index_cast %add3A_155 : i32 to index
      %get3A_220 = arith.constant 80 : index
      %get3A_221 = tpu.vector_load %arg11[%get3A_219, %get3A_220] {strides = array<i32>} : memref<80x128xf32, #tpu.memory_space<vmem>>, vector<1x16xf32>,
      %get3A_222 = vector.shape_cast %get3A_221 : vector<1x16xf32> to vector<16xf32>
      %mul3A_223 = arith.constant 8 : i32
      %mul3A_224 = arith.muli %add3A_155, %mul3A_223 : i32
      %add3A_225 = arith.constant 5 : i32
      %add3A_226 = arith.addi %mul3A_224, %add3A_225 : i32
      %swap3A_227 = arith.index_cast %add3A_226 : i32 to index
      %swap3A_228 = arith.constant 0 : index
      %swap3A_229 = tpu.vector_load %arg12[%swap3A_227, %swap3A_228] {strides = array<i32>} : memref<640x16xf32, #tpu.memory_space<vmem>>, vector<1x16xf32>,
      %swap3A_230 = vector.shape_cast %swap3A_229 : vector<1x16xf32> to vector<16xf32>
      %swap3A_231 = vector.shape_cast %get3A_222 : vector<16xf32> to vector<1x16xf32>
      tpu.vector_store %arg12[%swap3A_227, %swap3A_228], %swap3A_231 {strides = array<i32>} : memref<640x16xf32, #tpu.memory_space<vmem>>, vector<1x16xf32>,
      %get3A_232 = arith.index_cast %add3A_155 : i32 to index
      %get3A_233 = arith.constant 96 : index
      %get3A_234 = tpu.vector_load %arg11[%get3A_232, %get3A_233] {strides = array<i32>} : memref<80x128xf32, #tpu.memory_space<vmem>>, vector<1x16xf32>,
      %get3A_235 = vector.shape_cast %get3A_234 : vector<1x16xf32> to vector<16xf32>
      %mul3A_236 = arith.constant 8 : i32
      %mul3A_237 = arith.muli %add3A_155, %mul3A_236 : i32
      %add3A_238 = arith.constant 6 : i32
      %add3A_239 = arith.addi %mul3A_237, %add3A_238 : i32
      %swap3A_240 = arith.index_cast %add3A_239 : i32 to index
      %swap3A_241 = arith.constant 0 : index
      %swap3A_242 = tpu.vector_load %arg12[%swap3A_240, %swap3A_241] {strides = array<i32>} : memref<640x16xf32, #tpu.memory_space<vmem>>, vector<1x16xf32>,
      %swap3A_243 = vector.shape_cast %swap3A_242 : vector<1x16xf32> to vector<16xf32>
      %swap3A_244 = vector.shape_cast %get3A_235 : vector<16xf32> to vector<1x16xf32>
      tpu.vector_store %arg12[%swap3A_240, %swap3A_241], %swap3A_244 {strides = array<i32>} : memref<640x16xf32, #tpu.memory_space<vmem>>, vector<1x16xf32>,
      %get3A_245 = arith.index_cast %add3A_155 : i32 to index
      %get3A_246 = arith.constant 112 : index
      %get3A_247 = tpu.vector_load %arg11[%get3A_245, %get3A_246] {strides = array<i32>} : memref<80x128xf32, #tpu.memory_space<vmem>>, vector<1x16xf32>,
      %get3A_248 = vector.shape_cast %get3A_247 : vector<1x16xf32> to vector<16xf32>
      %mul3A_249 = arith.constant 8 : i32
      %mul3A_250 = arith.muli %add3A_155, %mul3A_249 : i32
      %add3A_251 = arith.constant 7 : i32
      %add3A_252 = arith.addi %mul3A_250, %add3A_251 : i32
      %swap3A_253 = arith.index_cast %add3A_252 : i32 to index
      %swap3A_254 = arith.constant 0 : index
      %swap3A_255 = tpu.vector_load %arg12[%swap3A_253, %swap3A_254] {strides = array<i32>} : memref<640x16xf32, #tpu.memory_space<vmem>>, vector<1x16xf32>,
      %swap3A_256 = vector.shape_cast %swap3A_255 : vector<1x16xf32> to vector<16xf32>
      %swap3A_257 = vector.shape_cast %get3A_248 : vector<16xf32> to vector<1x16xf32>
      tpu.vector_store %arg12[%swap3A_253, %swap3A_254], %swap3A_257 {strides = array<i32>} : memref<640x16xf32, #tpu.memory_space<vmem>>, vector<1x16xf32>,
    }
    %scan3A_49 = arith.constant 80 : i32
    %dma_start3A_50 = arith.constant 0 : i32
    %dma_start3A_51 = tpu.memref_slice %arg22[%mul3A_2, %dma_start3A_50] : memref<10240x16xf32, #tpu.memory_space<vmem_shared>> -> memref<640x16xf32, #tpu.memory_space<vmem_shared>>
    %dma_start3A_52 = arith.constant 0 : i32
    %dma_start3A_53 = tpu.memref_slice %arg22[%mul3A_2, %dma_start3A_52] : memref<10240x16xf32, #tpu.memory_space<vmem_shared>> -> memref<640x16xf32, #tpu.memory_space<vmem_shared>>
    tpu.enqueue_dma source(%arg12 : memref<640x16xf32, #tpu.memory_space<vmem>>) target(%dma_start3A_53 : memref<640x16xf32, #tpu.memory_space<vmem_shared>>) target_semaphore(%arg42 : memref<!tpu.dma_semaphore, #tpu.memory_space<semaphore_mem>>)
    %dma_wait3A_54 = arith.constant 0 : i32
    %dma_wait3A_55 = tpu.memref_slice %arg22[%mul3A_2, %dma_wait3A_54] : memref<10240x16xf32, #tpu.memory_space<vmem_shared>> -> memref<640x16xf32, #tpu.memory_space<vmem_shared>>
    %dma_wait3A_56 = arith.constant 0 : i32
    %dma_wait3A_57 = tpu.memref_slice %arg22[%mul3A_2, %dma_wait3A_56] : memref<10240x16xf32, #tpu.memory_space<vmem_shared>> -> memref<640x16xf32, #tpu.memory_space<vmem_shared>>
    tpu.wait_dma2 semaphore(%arg42 : memref<!tpu.dma_semaphore, #tpu.memory_space<semaphore_mem>>) src(%arg12 : memref<640x16xf32, #tpu.memory_space<vmem>>) dst(%dma_wait3A_57 : memref<640x16xf32, #tpu.memory_space<vmem_shared>>)
    %broadcast_in_dim3A = arith.constant 0.000000e+00 : f32
    %broadcast_in_dim3A_58 = vector.broadcast %broadcast_in_dim3A : f32 to vector<16xf32>
    %scan3A_59 = arith.constant 0 : i32
    %scan3A_60 = arith.constant 640 : i32
    %scan3A_61 = arith.addi %scan3A_59, %scan3A_60 : i32
    %scan3A_62 = arith.constant 1 : i32
    scf.for %scan3A_152 = %scan3A_59 to %scan3A_61 step %scan3A_62  : i32 {
      %mul3A_153 = arith.constant 1 : i32
      %mul3A_154 = arith.muli %scan3A_152, %mul3A_153 : i32
      %add3A = arith.constant 0 : i32
      %add3A_155 = arith.addi %add3A, %mul3A_154 : i32
      %swap3A = arith.index_cast %add3A_155 : i32 to index
      %swap3A_156 = arith.constant 0 : index
      %swap3A_157 = tpu.vector_load %arg12[%swap3A, %swap3A_156] {strides = array<i32>} : memref<640x16xf32, #tpu.memory_space<vmem>>, vector<1x16xf32>,
      %swap3A_158 = vector.shape_cast %swap3A_157 : vector<1x16xf32> to vector<16xf32>
      %swap3A_159 = vector.shape_cast %broadcast_in_dim3A_58 : vector<16xf32> to vector<1x16xf32>
      tpu.vector_store %arg12[%swap3A, %swap3A_156], %swap3A_159 {strides = array<i32>} : memref<640x16xf32, #tpu.memory_space<vmem>>, vector<1x16xf32>,
    }
    %scan3A_63 = arith.constant 640 : i32
    %dma_start3A_64 = arith.constant 0 : i32
    %dma_start3A_65 = tpu.memref_slice %arg23[%mul3A_2, %dma_start3A_64] : memref<10240x16xf32, #tpu.memory_space<vmem_shared>> -> memref<640x16xf32, #tpu.memory_space<vmem_shared>>
    %dma_start3A_66 = arith.constant 0 : i32
    %dma_start3A_67 = tpu.memref_slice %arg23[%mul3A_2, %dma_start3A_66] : memref<10240x16xf32, #tpu.memory_space<vmem_shared>> -> memref<640x16xf32, #tpu.memory_space<vmem_shared>>
    tpu.enqueue_dma source(%arg12 : memref<640x16xf32, #tpu.memory_space<vmem>>) target(%dma_start3A_67 : memref<640x16xf32, #tpu.memory_space<vmem_shared>>) target_semaphore(%arg42 : memref<!tpu.dma_semaphore, #tpu.memory_space<semaphore_mem>>)
    %dma_wait3A_68 = arith.constant 0 : i32
    %dma_wait3A_69 = tpu.memref_slice %arg23[%mul3A_2, %dma_wait3A_68] : memref<10240x16xf32, #tpu.memory_space<vmem_shared>> -> memref<640x16xf32, #tpu.memory_space<vmem_shared>>
    %dma_wait3A_70 = arith.constant 0 : i32
    %dma_wait3A_71 = tpu.memref_slice %arg23[%mul3A_2, %dma_wait3A_70] : memref<10240x16xf32, #tpu.memory_space<vmem_shared>> -> memref<640x16xf32, #tpu.memory_space<vmem_shared>>
    tpu.wait_dma2 semaphore(%arg42 : memref<!tpu.dma_semaphore, #tpu.memory_space<semaphore_mem>>) src(%arg12 : memref<640x16xf32, #tpu.memory_space<vmem>>) dst(%dma_wait3A_71 : memref<640x16xf32, #tpu.memory_space<vmem_shared>>)
    %dma_start3A_72 = arith.constant 0 : i32
    %dma_start3A_73 = tpu.memref_slice %arg24[%mul3A_2, %dma_start3A_72] : memref<10240x16xf32, #tpu.memory_space<vmem_shared>> -> memref<640x16xf32, #tpu.memory_space<vmem_shared>>
    %dma_start3A_74 = arith.constant 0 : i32
    %dma_start3A_75 = tpu.memref_slice %arg24[%mul3A_2, %dma_start3A_74] : memref<10240x16xf32, #tpu.memory_space<vmem_shared>> -> memref<640x16xf32, #tpu.memory_space<vmem_shared>>
    tpu.enqueue_dma source(%arg12 : memref<640x16xf32, #tpu.memory_space<vmem>>) target(%dma_start3A_75 : memref<640x16xf32, #tpu.memory_space<vmem_shared>>) target_semaphore(%arg42 : memref<!tpu.dma_semaphore, #tpu.memory_space<semaphore_mem>>)
    %dma_wait3A_76 = arith.constant 0 : i32
    %dma_wait3A_77 = tpu.memref_slice %arg24[%mul3A_2, %dma_wait3A_76] : memref<10240x16xf32, #tpu.memory_space<vmem_shared>> -> memref<640x16xf32, #tpu.memory_space<vmem_shared>>
    %dma_wait3A_78 = arith.constant 0 : i32
    %dma_wait3A_79 = tpu.memref_slice %arg24[%mul3A_2, %dma_wait3A_78] : memref<10240x16xf32, #tpu.memory_space<vmem_shared>> -> memref<640x16xf32, #tpu.memory_space<vmem_shared>>
    tpu.wait_dma2 semaphore(%arg42 : memref<!tpu.dma_semaphore, #tpu.memory_space<semaphore_mem>>) src(%arg12 : memref<640x16xf32, #tpu.memory_space<vmem>>) dst(%dma_wait3A_79 : memref<640x16xf32, #tpu.memory_space<vmem_shared>>)
    %dma_wait3A_80 = arith.constant 0 : i32
    %dma_wait3A_81 = arith.constant 0 : i32
    %dma_wait3A_82 = tpu.memref_slice %arg4[%arg0, %arg1, %dma_wait3A_80, %dma_wait3A_81] : memref<2x16x80x128xi32, #tpu.memory_space<hbm>> -> memref<1x1x80x128xi32, #tpu.memory_space<hbm>>
    %dma_wait3A_83 = tpu.memref_squeeze %dma_wait3A_82 : memref<1x1x80x128xi32, #tpu.memory_space<hbm>> -> memref<80x128xi32, #tpu.memory_space<hbm>>
    %dma_wait3A_84 = arith.constant 0 : i32
    %dma_wait3A_85 = arith.constant 0 : i32
    %dma_wait3A_86 = tpu.memref_slice %arg4[%arg0, %arg1, %dma_wait3A_84, %dma_wait3A_85] : memref<2x16x80x128xi32, #tpu.memory_space<hbm>> -> memref<1x1x80x128xi32, #tpu.memory_space<hbm>>
    %dma_wait3A_87 = tpu.memref_squeeze %dma_wait3A_86 : memref<1x1x80x128xi32, #tpu.memory_space<hbm>> -> memref<80x128xi32, #tpu.memory_space<hbm>>
    tpu.wait_dma2 semaphore(%arg41 : memref<!tpu.dma_semaphore, #tpu.memory_space<semaphore_mem>>) src(%dma_wait3A_87 : memref<80x128xi32, #tpu.memory_space<hbm>>) dst(%arg9 : memref<80x128xi32, #tpu.memory_space<vmem>>)
    %dma_wait3A_88 = arith.constant 0 : i32
    %dma_wait3A_89 = arith.constant 0 : i32
    %dma_wait3A_90 = tpu.memref_slice %arg5[%arg0, %arg1, %dma_wait3A_88, %dma_wait3A_89] : memref<2x16x80x128xi32, #tpu.memory_space<hbm>> -> memref<1x1x80x128xi32, #tpu.memory_space<hbm>>
    %dma_wait3A_91 = tpu.memref_squeeze %dma_wait3A_90 : memref<1x1x80x128xi32, #tpu.memory_space<hbm>> -> memref<80x128xi32, #tpu.memory_space<hbm>>
    %dma_wait3A_92 = arith.constant 0 : i32
    %dma_wait3A_93 = arith.constant 0 : i32
    %dma_wait3A_94 = tpu.memref_slice %arg5[%arg0, %arg1, %dma_wait3A_92, %dma_wait3A_93] : memref<2x16x80x128xi32, #tpu.memory_space<hbm>> -> memref<1x1x80x128xi32, #tpu.memory_space<hbm>>
    %dma_wait3A_95 = tpu.memref_squeeze %dma_wait3A_94 : memref<1x1x80x128xi32, #tpu.memory_space<hbm>> -> memref<80x128xi32, #tpu.memory_space<hbm>>
    tpu.wait_dma2 semaphore(%arg41 : memref<!tpu.dma_semaphore, #tpu.memory_space<semaphore_mem>>) src(%dma_wait3A_95 : memref<80x128xi32, #tpu.memory_space<hbm>>) dst(%arg10 : memref<80x128xi32, #tpu.memory_space<vmem>>)
    %barrier3A = arith.constant 0 : index
    tpu.barrier barrier_id(%barrier3A)
    %scan3A_96 = arith.constant 0 : i32
    %scan3A_97 = arith.constant 20 : i32
    %scan3A_98 = arith.addi %scan3A_96, %scan3A_97 : i32
    %scan3A_99 = arith.constant 1 : i32
    scf.for %scan3A_152 = %scan3A_96 to %scan3A_98 step %scan3A_99  : i32 {
      %mul3A_153 = arith.constant 4 : i32
      %mul3A_154 = arith.muli %scan3A_152, %mul3A_153 : i32
      %add3A = arith.constant 0 : i32
      %add3A_155 = arith.addi %add3A, %mul3A_154 : i32
      %add3A_156 = arith.constant 0 : i32
      %add3A_157 = arith.addi %add3A_155, %add3A_156 : i32
      %dma_start3A_158 = arith.constant 0 : i32
      %dma_start3A_159 = tpu.memref_slice %arg9[%add3A_157, %dma_start3A_158] : memref<80x128xi32, #tpu.memory_space<vmem>> -> memref<1x128xi32, #tpu.memory_space<vmem>>
      %dma_start3A_160 = tpu.memref_squeeze %dma_start3A_159 : memref<1x128xi32, #tpu.memory_space<vmem>> -> memref<128xi32, #tpu.memory_space<vmem>>
      %dma_start3A_161 = arith.constant 0 : i32
      %dma_start3A_162 = arith.constant 0 : i32
      %dma_start3A_163 = tpu.memref_slice %arg21[%dma_start3A_161, %dma_start3A_162] : memref<10240x16xf32, #tpu.memory_space<vmem_shared>> -> memref<10240x16xf32, #tpu.memory_space<vmem_shared>>
      tpu.enqueue_indirect_dma source(%dma_start3A_163 : memref<10240x16xf32, #tpu.memory_space<vmem_shared>>) target(%arg13 : memref<128x16xf32, #tpu.memory_space<vmem>>) offsets(%dma_start3A_160 : memref<128xi32, #tpu.memory_space<vmem>>) semaphore(%arg25 : memref<!tpu.dma_semaphore, #tpu.memory_space<semaphore_mem>>)
      %add3A_164 = arith.constant 0 : i32
      %add3A_165 = arith.addi %add3A_155, %add3A_164 : i32
      %dma_start3A_166 = arith.constant 0 : i32
      %dma_start3A_167 = tpu.memref_slice %arg9[%add3A_165, %dma_start3A_166] : memref<80x128xi32, #tpu.memory_space<vmem>> -> memref<1x128xi32, #tpu.memory_space<vmem>>
      %dma_start3A_168 = tpu.memref_squeeze %dma_start3A_167 : memref<1x128xi32, #tpu.memory_space<vmem>> -> memref<128xi32, #tpu.memory_space<vmem>>
      %dma_start3A_169 = arith.constant 0 : i32
      %dma_start3A_170 = arith.constant 0 : i32
      %dma_start3A_171 = tpu.memref_slice %arg22[%dma_start3A_169, %dma_start3A_170] : memref<10240x16xf32, #tpu.memory_space<vmem_shared>> -> memref<10240x16xf32, #tpu.memory_space<vmem_shared>>
      tpu.enqueue_indirect_dma source(%dma_start3A_171 : memref<10240x16xf32, #tpu.memory_space<vmem_shared>>) target(%arg14 : memref<128x16xf32, #tpu.memory_space<vmem>>) offsets(%dma_start3A_168 : memref<128xi32, #tpu.memory_space<vmem>>) semaphore(%arg26 : memref<!tpu.dma_semaphore, #tpu.memory_space<semaphore_mem>>)
      %add3A_172 = arith.constant 1 : i32
      %add3A_173 = arith.addi %add3A_155, %add3A_172 : i32
      %dma_start3A_174 = arith.constant 0 : i32
      %dma_start3A_175 = tpu.memref_slice %arg9[%add3A_173, %dma_start3A_174] : memref<80x128xi32, #tpu.memory_space<vmem>> -> memref<1x128xi32, #tpu.memory_space<vmem>>
      %dma_start3A_176 = tpu.memref_squeeze %dma_start3A_175 : memref<1x128xi32, #tpu.memory_space<vmem>> -> memref<128xi32, #tpu.memory_space<vmem>>
      %dma_start3A_177 = arith.constant 0 : i32
      %dma_start3A_178 = arith.constant 0 : i32
      %dma_start3A_179 = tpu.memref_slice %arg21[%dma_start3A_177, %dma_start3A_178] : memref<10240x16xf32, #tpu.memory_space<vmem_shared>> -> memref<10240x16xf32, #tpu.memory_space<vmem_shared>>
      tpu.enqueue_indirect_dma source(%dma_start3A_179 : memref<10240x16xf32, #tpu.memory_space<vmem_shared>>) target(%arg15 : memref<128x16xf32, #tpu.memory_space<vmem>>) offsets(%dma_start3A_176 : memref<128xi32, #tpu.memory_space<vmem>>) semaphore(%arg27 : memref<!tpu.dma_semaphore, #tpu.memory_space<semaphore_mem>>)
      %add3A_180 = arith.constant 1 : i32
      %add3A_181 = arith.addi %add3A_155, %add3A_180 : i32
      %dma_start3A_182 = arith.constant 0 : i32
      %dma_start3A_183 = tpu.memref_slice %arg9[%add3A_181, %dma_start3A_182] : memref<80x128xi32, #tpu.memory_space<vmem>> -> memref<1x128xi32, #tpu.memory_space<vmem>>
      %dma_start3A_184 = tpu.memref_squeeze %dma_start3A_183 : memref<1x128xi32, #tpu.memory_space<vmem>> -> memref<128xi32, #tpu.memory_space<vmem>>
      %dma_start3A_185 = arith.constant 0 : i32
      %dma_start3A_186 = arith.constant 0 : i32
      %dma_start3A_187 = tpu.memref_slice %arg22[%dma_start3A_185, %dma_start3A_186] : memref<10240x16xf32, #tpu.memory_space<vmem_shared>> -> memref<10240x16xf32, #tpu.memory_space<vmem_shared>>
      tpu.enqueue_indirect_dma source(%dma_start3A_187 : memref<10240x16xf32, #tpu.memory_space<vmem_shared>>) target(%arg16 : memref<128x16xf32, #tpu.memory_space<vmem>>) offsets(%dma_start3A_184 : memref<128xi32, #tpu.memory_space<vmem>>) semaphore(%arg28 : memref<!tpu.dma_semaphore, #tpu.memory_space<semaphore_mem>>)
      %add3A_188 = arith.constant 2 : i32
      %add3A_189 = arith.addi %add3A_155, %add3A_188 : i32
      %dma_start3A_190 = arith.constant 0 : i32
      %dma_start3A_191 = tpu.memref_slice %arg9[%add3A_189, %dma_start3A_190] : memref<80x128xi32, #tpu.memory_space<vmem>> -> memref<1x128xi32, #tpu.memory_space<vmem>>
      %dma_start3A_192 = tpu.memref_squeeze %dma_start3A_191 : memref<1x128xi32, #tpu.memory_space<vmem>> -> memref<128xi32, #tpu.memory_space<vmem>>
      %dma_start3A_193 = arith.constant 0 : i32
      %dma_start3A_194 = arith.constant 0 : i32
      %dma_start3A_195 = tpu.memref_slice %arg21[%dma_start3A_193, %dma_start3A_194] : memref<10240x16xf32, #tpu.memory_space<vmem_shared>> -> memref<10240x16xf32, #tpu.memory_space<vmem_shared>>
      tpu.enqueue_indirect_dma source(%dma_start3A_195 : memref<10240x16xf32, #tpu.memory_space<vmem_shared>>) target(%arg17 : memref<128x16xf32, #tpu.memory_space<vmem>>) offsets(%dma_start3A_192 : memref<128xi32, #tpu.memory_space<vmem>>) semaphore(%arg29 : memref<!tpu.dma_semaphore, #tpu.memory_space<semaphore_mem>>)
      %add3A_196 = arith.constant 2 : i32
      %add3A_197 = arith.addi %add3A_155, %add3A_196 : i32
      %dma_start3A_198 = arith.constant 0 : i32
      %dma_start3A_199 = tpu.memref_slice %arg9[%add3A_197, %dma_start3A_198] : memref<80x128xi32, #tpu.memory_space<vmem>> -> memref<1x128xi32, #tpu.memory_space<vmem>>
      %dma_start3A_200 = tpu.memref_squeeze %dma_start3A_199 : memref<1x128xi32, #tpu.memory_space<vmem>> -> memref<128xi32, #tpu.memory_space<vmem>>
      %dma_start3A_201 = arith.constant 0 : i32
      %dma_start3A_202 = arith.constant 0 : i32
      %dma_start3A_203 = tpu.memref_slice %arg22[%dma_start3A_201, %dma_start3A_202] : memref<10240x16xf32, #tpu.memory_space<vmem_shared>> -> memref<10240x16xf32, #tpu.memory_space<vmem_shared>>
      tpu.enqueue_indirect_dma source(%dma_start3A_203 : memref<10240x16xf32, #tpu.memory_space<vmem_shared>>) target(%arg18 : memref<128x16xf32, #tpu.memory_space<vmem>>) offsets(%dma_start3A_200 : memref<128xi32, #tpu.memory_space<vmem>>) semaphore(%arg30 : memref<!tpu.dma_semaphore, #tpu.memory_space<semaphore_mem>>)
      %add3A_204 = arith.constant 3 : i32
      %add3A_205 = arith.addi %add3A_155, %add3A_204 : i32
      %dma_start3A_206 = arith.constant 0 : i32
      %dma_start3A_207 = tpu.memref_slice %arg9[%add3A_205, %dma_start3A_206] : memref<80x128xi32, #tpu.memory_space<vmem>> -> memref<1x128xi32, #tpu.memory_space<vmem>>
      %dma_start3A_208 = tpu.memref_squeeze %dma_start3A_207 : memref<1x128xi32, #tpu.memory_space<vmem>> -> memref<128xi32, #tpu.memory_space<vmem>>
      %dma_start3A_209 = arith.constant 0 : i32
      %dma_start3A_210 = arith.constant 0 : i32
      %dma_start3A_211 = tpu.memref_slice %arg21[%dma_start3A_209, %dma_start3A_210] : memref<10240x16xf32, #tpu.memory_space<vmem_shared>> -> memref<10240x16xf32, #tpu.memory_space<vmem_shared>>
      tpu.enqueue_indirect_dma source(%dma_start3A_211 : memref<10240x16xf32, #tpu.memory_space<vmem_shared>>) target(%arg19 : memref<128x16xf32, #tpu.memory_space<vmem>>) offsets(%dma_start3A_208 : memref<128xi32, #tpu.memory_space<vmem>>) semaphore(%arg31 : memref<!tpu.dma_semaphore, #tpu.memory_space<semaphore_mem>>)
      %add3A_212 = arith.constant 3 : i32
      %add3A_213 = arith.addi %add3A_155, %add3A_212 : i32
      %dma_start3A_214 = arith.constant 0 : i32
      %dma_start3A_215 = tpu.memref_slice %arg9[%add3A_213, %dma_start3A_214] : memref<80x128xi32, #tpu.memory_space<vmem>> -> memref<1x128xi32, #tpu.memory_space<vmem>>
      %dma_start3A_216 = tpu.memref_squeeze %dma_start3A_215 : memref<1x128xi32, #tpu.memory_space<vmem>> -> memref<128xi32, #tpu.memory_space<vmem>>
      %dma_start3A_217 = arith.constant 0 : i32
      %dma_start3A_218 = arith.constant 0 : i32
      %dma_start3A_219 = tpu.memref_slice %arg22[%dma_start3A_217, %dma_start3A_218] : memref<10240x16xf32, #tpu.memory_space<vmem_shared>> -> memref<10240x16xf32, #tpu.memory_space<vmem_shared>>
      tpu.enqueue_indirect_dma source(%dma_start3A_219 : memref<10240x16xf32, #tpu.memory_space<vmem_shared>>) target(%arg20 : memref<128x16xf32, #tpu.memory_space<vmem>>) offsets(%dma_start3A_216 : memref<128xi32, #tpu.memory_space<vmem>>) semaphore(%arg32 : memref<!tpu.dma_semaphore, #tpu.memory_space<semaphore_mem>>)
      %dma_wait3A_220 = arith.constant 0 : i32
      %dma_wait3A_221 = tpu.memref_slice %arg9[%add3A_157, %dma_wait3A_220] : memref<80x128xi32, #tpu.memory_space<vmem>> -> memref<1x128xi32, #tpu.memory_space<vmem>>
      %dma_wait3A_222 = tpu.memref_squeeze %dma_wait3A_221 : memref<1x128xi32, #tpu.memory_space<vmem>> -> memref<128xi32, #tpu.memory_space<vmem>>
      %dma_wait3A_223 = arith.constant 0 : i32
      %dma_wait3A_224 = arith.constant 0 : i32
      %dma_wait3A_225 = tpu.memref_slice %arg21[%dma_wait3A_223, %dma_wait3A_224] : memref<10240x16xf32, #tpu.memory_space<vmem_shared>> -> memref<10240x16xf32, #tpu.memory_space<vmem_shared>>
      tpu.wait_indirect_dma semaphore(%arg25 : memref<!tpu.dma_semaphore, #tpu.memory_space<semaphore_mem>>) src(%dma_wait3A_225 : memref<10240x16xf32, #tpu.memory_space<vmem_shared>>) dst(%arg13 : memref<128x16xf32, #tpu.memory_space<vmem>>)
      %add3A_226 = arith.constant 0 : i32
      %add3A_227 = arith.addi %add3A_155, %add3A_226 : i32
      %dma_start3A_228 = arith.constant 0 : i32
      %dma_start3A_229 = tpu.memref_slice %arg10[%add3A_227, %dma_start3A_228] : memref<80x128xi32, #tpu.memory_space<vmem>> -> memref<1x128xi32, #tpu.memory_space<vmem>>
      %dma_start3A_230 = tpu.memref_squeeze %dma_start3A_229 : memref<1x128xi32, #tpu.memory_space<vmem>> -> memref<128xi32, #tpu.memory_space<vmem>>
      %dma_start3A_231 = arith.constant 0 : i32
      %dma_start3A_232 = arith.constant 0 : i32
      %dma_start3A_233 = tpu.memref_slice %arg23[%dma_start3A_231, %dma_start3A_232] : memref<10240x16xf32, #tpu.memory_space<vmem_shared>> -> memref<10240x16xf32, #tpu.memory_space<vmem_shared>>
      tpu.enqueue_indirect_dma source(%arg13 : memref<128x16xf32, #tpu.memory_space<vmem>>) target(%dma_start3A_233 : memref<10240x16xf32, #tpu.memory_space<vmem_shared>>) offsets(%dma_start3A_230 : memref<128xi32, #tpu.memory_space<vmem>>) semaphore(%arg33 : memref<!tpu.dma_semaphore, #tpu.memory_space<semaphore_mem>>) {add = true}
      %dma_wait3A_234 = arith.constant 0 : i32
      %dma_wait3A_235 = tpu.memref_slice %arg9[%add3A_165, %dma_wait3A_234] : memref<80x128xi32, #tpu.memory_space<vmem>> -> memref<1x128xi32, #tpu.memory_space<vmem>>
      %dma_wait3A_236 = tpu.memref_squeeze %dma_wait3A_235 : memref<1x128xi32, #tpu.memory_space<vmem>> -> memref<128xi32, #tpu.memory_space<vmem>>
      %dma_wait3A_237 = arith.constant 0 : i32
      %dma_wait3A_238 = arith.constant 0 : i32
      %dma_wait3A_239 = tpu.memref_slice %arg22[%dma_wait3A_237, %dma_wait3A_238] : memref<10240x16xf32, #tpu.memory_space<vmem_shared>> -> memref<10240x16xf32, #tpu.memory_space<vmem_shared>>
      tpu.wait_indirect_dma semaphore(%arg26 : memref<!tpu.dma_semaphore, #tpu.memory_space<semaphore_mem>>) src(%dma_wait3A_239 : memref<10240x16xf32, #tpu.memory_space<vmem_shared>>) dst(%arg14 : memref<128x16xf32, #tpu.memory_space<vmem>>)
      %add3A_240 = arith.constant 0 : i32
      %add3A_241 = arith.addi %add3A_155, %add3A_240 : i32
      %dma_start3A_242 = arith.constant 0 : i32
      %dma_start3A_243 = tpu.memref_slice %arg10[%add3A_241, %dma_start3A_242] : memref<80x128xi32, #tpu.memory_space<vmem>> -> memref<1x128xi32, #tpu.memory_space<vmem>>
      %dma_start3A_244 = tpu.memref_squeeze %dma_start3A_243 : memref<1x128xi32, #tpu.memory_space<vmem>> -> memref<128xi32, #tpu.memory_space<vmem>>
      %dma_start3A_245 = arith.constant 0 : i32
      %dma_start3A_246 = arith.constant 0 : i32
      %dma_start3A_247 = tpu.memref_slice %arg24[%dma_start3A_245, %dma_start3A_246] : memref<10240x16xf32, #tpu.memory_space<vmem_shared>> -> memref<10240x16xf32, #tpu.memory_space<vmem_shared>>
      tpu.enqueue_indirect_dma source(%arg14 : memref<128x16xf32, #tpu.memory_space<vmem>>) target(%dma_start3A_247 : memref<10240x16xf32, #tpu.memory_space<vmem_shared>>) offsets(%dma_start3A_244 : memref<128xi32, #tpu.memory_space<vmem>>) semaphore(%arg34 : memref<!tpu.dma_semaphore, #tpu.memory_space<semaphore_mem>>) {add = true}
      %dma_wait3A_248 = arith.constant 0 : i32
      %dma_wait3A_249 = tpu.memref_slice %arg9[%add3A_173, %dma_wait3A_248] : memref<80x128xi32, #tpu.memory_space<vmem>> -> memref<1x128xi32, #tpu.memory_space<vmem>>
      %dma_wait3A_250 = tpu.memref_squeeze %dma_wait3A_249 : memref<1x128xi32, #tpu.memory_space<vmem>> -> memref<128xi32, #tpu.memory_space<vmem>>
      %dma_wait3A_251 = arith.constant 0 : i32
      %dma_wait3A_252 = arith.constant 0 : i32
      %dma_wait3A_253 = tpu.memref_slice %arg21[%dma_wait3A_251, %dma_wait3A_252] : memref<10240x16xf32, #tpu.memory_space<vmem_shared>> -> memref<10240x16xf32, #tpu.memory_space<vmem_shared>>
      tpu.wait_indirect_dma semaphore(%arg27 : memref<!tpu.dma_semaphore, #tpu.memory_space<semaphore_mem>>) src(%dma_wait3A_253 : memref<10240x16xf32, #tpu.memory_space<vmem_shared>>) dst(%arg15 : memref<128x16xf32, #tpu.memory_space<vmem>>)
      %add3A_254 = arith.constant 1 : i32
      %add3A_255 = arith.addi %add3A_155, %add3A_254 : i32
      %dma_start3A_256 = arith.constant 0 : i32
      %dma_start3A_257 = tpu.memref_slice %arg10[%add3A_255, %dma_start3A_256] : memref<80x128xi32, #tpu.memory_space<vmem>> -> memref<1x128xi32, #tpu.memory_space<vmem>>
      %dma_start3A_258 = tpu.memref_squeeze %dma_start3A_257 : memref<1x128xi32, #tpu.memory_space<vmem>> -> memref<128xi32, #tpu.memory_space<vmem>>
      %dma_start3A_259 = arith.constant 0 : i32
      %dma_start3A_260 = arith.constant 0 : i32
      %dma_start3A_261 = tpu.memref_slice %arg23[%dma_start3A_259, %dma_start3A_260] : memref<10240x16xf32, #tpu.memory_space<vmem_shared>> -> memref<10240x16xf32, #tpu.memory_space<vmem_shared>>
      tpu.enqueue_indirect_dma source(%arg15 : memref<128x16xf32, #tpu.memory_space<vmem>>) target(%dma_start3A_261 : memref<10240x16xf32, #tpu.memory_space<vmem_shared>>) offsets(%dma_start3A_258 : memref<128xi32, #tpu.memory_space<vmem>>) semaphore(%arg35 : memref<!tpu.dma_semaphore, #tpu.memory_space<semaphore_mem>>) {add = true}
      %dma_wait3A_262 = arith.constant 0 : i32
      %dma_wait3A_263 = tpu.memref_slice %arg9[%add3A_181, %dma_wait3A_262] : memref<80x128xi32, #tpu.memory_space<vmem>> -> memref<1x128xi32, #tpu.memory_space<vmem>>
      %dma_wait3A_264 = tpu.memref_squeeze %dma_wait3A_263 : memref<1x128xi32, #tpu.memory_space<vmem>> -> memref<128xi32, #tpu.memory_space<vmem>>
      %dma_wait3A_265 = arith.constant 0 : i32
      %dma_wait3A_266 = arith.constant 0 : i32
      %dma_wait3A_267 = tpu.memref_slice %arg22[%dma_wait3A_265, %dma_wait3A_266] : memref<10240x16xf32, #tpu.memory_space<vmem_shared>> -> memref<10240x16xf32, #tpu.memory_space<vmem_shared>>
      tpu.wait_indirect_dma semaphore(%arg28 : memref<!tpu.dma_semaphore, #tpu.memory_space<semaphore_mem>>) src(%dma_wait3A_267 : memref<10240x16xf32, #tpu.memory_space<vmem_shared>>) dst(%arg16 : memref<128x16xf32, #tpu.memory_space<vmem>>)
      %add3A_268 = arith.constant 1 : i32
      %add3A_269 = arith.addi %add3A_155, %add3A_268 : i32
      %dma_start3A_270 = arith.constant 0 : i32
      %dma_start3A_271 = tpu.memref_slice %arg10[%add3A_269, %dma_start3A_270] : memref<80x128xi32, #tpu.memory_space<vmem>> -> memref<1x128xi32, #tpu.memory_space<vmem>>
      %dma_start3A_272 = tpu.memref_squeeze %dma_start3A_271 : memref<1x128xi32, #tpu.memory_space<vmem>> -> memref<128xi32, #tpu.memory_space<vmem>>
      %dma_start3A_273 = arith.constant 0 : i32
      %dma_start3A_274 = arith.constant 0 : i32
      %dma_start3A_275 = tpu.memref_slice %arg24[%dma_start3A_273, %dma_start3A_274] : memref<10240x16xf32, #tpu.memory_space<vmem_shared>> -> memref<10240x16xf32, #tpu.memory_space<vmem_shared>>
      tpu.enqueue_indirect_dma source(%arg16 : memref<128x16xf32, #tpu.memory_space<vmem>>) target(%dma_start3A_275 : memref<10240x16xf32, #tpu.memory_space<vmem_shared>>) offsets(%dma_start3A_272 : memref<128xi32, #tpu.memory_space<vmem>>) semaphore(%arg36 : memref<!tpu.dma_semaphore, #tpu.memory_space<semaphore_mem>>) {add = true}
      %dma_wait3A_276 = arith.constant 0 : i32
      %dma_wait3A_277 = tpu.memref_slice %arg9[%add3A_189, %dma_wait3A_276] : memref<80x128xi32, #tpu.memory_space<vmem>> -> memref<1x128xi32, #tpu.memory_space<vmem>>
      %dma_wait3A_278 = tpu.memref_squeeze %dma_wait3A_277 : memref<1x128xi32, #tpu.memory_space<vmem>> -> memref<128xi32, #tpu.memory_space<vmem>>
      %dma_wait3A_279 = arith.constant 0 : i32
      %dma_wait3A_280 = arith.constant 0 : i32
      %dma_wait3A_281 = tpu.memref_slice %arg21[%dma_wait3A_279, %dma_wait3A_280] : memref<10240x16xf32, #tpu.memory_space<vmem_shared>> -> memref<10240x16xf32, #tpu.memory_space<vmem_shared>>
      tpu.wait_indirect_dma semaphore(%arg29 : memref<!tpu.dma_semaphore, #tpu.memory_space<semaphore_mem>>) src(%dma_wait3A_281 : memref<10240x16xf32, #tpu.memory_space<vmem_shared>>) dst(%arg17 : memref<128x16xf32, #tpu.memory_space<vmem>>)
      %add3A_282 = arith.constant 2 : i32
      %add3A_283 = arith.addi %add3A_155, %add3A_282 : i32
      %dma_start3A_284 = arith.constant 0 : i32
      %dma_start3A_285 = tpu.memref_slice %arg10[%add3A_283, %dma_start3A_284] : memref<80x128xi32, #tpu.memory_space<vmem>> -> memref<1x128xi32, #tpu.memory_space<vmem>>
      %dma_start3A_286 = tpu.memref_squeeze %dma_start3A_285 : memref<1x128xi32, #tpu.memory_space<vmem>> -> memref<128xi32, #tpu.memory_space<vmem>>
      %dma_start3A_287 = arith.constant 0 : i32
      %dma_start3A_288 = arith.constant 0 : i32
      %dma_start3A_289 = tpu.memref_slice %arg23[%dma_start3A_287, %dma_start3A_288] : memref<10240x16xf32, #tpu.memory_space<vmem_shared>> -> memref<10240x16xf32, #tpu.memory_space<vmem_shared>>
      tpu.enqueue_indirect_dma source(%arg17 : memref<128x16xf32, #tpu.memory_space<vmem>>) target(%dma_start3A_289 : memref<10240x16xf32, #tpu.memory_space<vmem_shared>>) offsets(%dma_start3A_286 : memref<128xi32, #tpu.memory_space<vmem>>) semaphore(%arg37 : memref<!tpu.dma_semaphore, #tpu.memory_space<semaphore_mem>>) {add = true}
      %dma_wait3A_290 = arith.constant 0 : i32
      %dma_wait3A_291 = tpu.memref_slice %arg9[%add3A_197, %dma_wait3A_290] : memref<80x128xi32, #tpu.memory_space<vmem>> -> memref<1x128xi32, #tpu.memory_space<vmem>>
      %dma_wait3A_292 = tpu.memref_squeeze %dma_wait3A_291 : memref<1x128xi32, #tpu.memory_space<vmem>> -> memref<128xi32, #tpu.memory_space<vmem>>
      %dma_wait3A_293 = arith.constant 0 : i32
      %dma_wait3A_294 = arith.constant 0 : i32
      %dma_wait3A_295 = tpu.memref_slice %arg22[%dma_wait3A_293, %dma_wait3A_294] : memref<10240x16xf32, #tpu.memory_space<vmem_shared>> -> memref<10240x16xf32, #tpu.memory_space<vmem_shared>>
      tpu.wait_indirect_dma semaphore(%arg30 : memref<!tpu.dma_semaphore, #tpu.memory_space<semaphore_mem>>) src(%dma_wait3A_295 : memref<10240x16xf32, #tpu.memory_space<vmem_shared>>) dst(%arg18 : memref<128x16xf32, #tpu.memory_space<vmem>>)
      %add3A_296 = arith.constant 2 : i32
      %add3A_297 = arith.addi %add3A_155, %add3A_296 : i32
      %dma_start3A_298 = arith.constant 0 : i32
      %dma_start3A_299 = tpu.memref_slice %arg10[%add3A_297, %dma_start3A_298] : memref<80x128xi32, #tpu.memory_space<vmem>> -> memref<1x128xi32, #tpu.memory_space<vmem>>
      %dma_start3A_300 = tpu.memref_squeeze %dma_start3A_299 : memref<1x128xi32, #tpu.memory_space<vmem>> -> memref<128xi32, #tpu.memory_space<vmem>>
      %dma_start3A_301 = arith.constant 0 : i32
      %dma_start3A_302 = arith.constant 0 : i32
      %dma_start3A_303 = tpu.memref_slice %arg24[%dma_start3A_301, %dma_start3A_302] : memref<10240x16xf32, #tpu.memory_space<vmem_shared>> -> memref<10240x16xf32, #tpu.memory_space<vmem_shared>>
      tpu.enqueue_indirect_dma source(%arg18 : memref<128x16xf32, #tpu.memory_space<vmem>>) target(%dma_start3A_303 : memref<10240x16xf32, #tpu.memory_space<vmem_shared>>) offsets(%dma_start3A_300 : memref<128xi32, #tpu.memory_space<vmem>>) semaphore(%arg38 : memref<!tpu.dma_semaphore, #tpu.memory_space<semaphore_mem>>) {add = true}
      %dma_wait3A_304 = arith.constant 0 : i32
      %dma_wait3A_305 = tpu.memref_slice %arg9[%add3A_205, %dma_wait3A_304] : memref<80x128xi32, #tpu.memory_space<vmem>> -> memref<1x128xi32, #tpu.memory_space<vmem>>
      %dma_wait3A_306 = tpu.memref_squeeze %dma_wait3A_305 : memref<1x128xi32, #tpu.memory_space<vmem>> -> memref<128xi32, #tpu.memory_space<vmem>>
      %dma_wait3A_307 = arith.constant 0 : i32
      %dma_wait3A_308 = arith.constant 0 : i32
      %dma_wait3A_309 = tpu.memref_slice %arg21[%dma_wait3A_307, %dma_wait3A_308] : memref<10240x16xf32, #tpu.memory_space<vmem_shared>> -> memref<10240x16xf32, #tpu.memory_space<vmem_shared>>
      tpu.wait_indirect_dma semaphore(%arg31 : memref<!tpu.dma_semaphore, #tpu.memory_space<semaphore_mem>>) src(%dma_wait3A_309 : memref<10240x16xf32, #tpu.memory_space<vmem_shared>>) dst(%arg19 : memref<128x16xf32, #tpu.memory_space<vmem>>)
      %add3A_310 = arith.constant 3 : i32
      %add3A_311 = arith.addi %add3A_155, %add3A_310 : i32
      %dma_start3A_312 = arith.constant 0 : i32
      %dma_start3A_313 = tpu.memref_slice %arg10[%add3A_311, %dma_start3A_312] : memref<80x128xi32, #tpu.memory_space<vmem>> -> memref<1x128xi32, #tpu.memory_space<vmem>>
      %dma_start3A_314 = tpu.memref_squeeze %dma_start3A_313 : memref<1x128xi32, #tpu.memory_space<vmem>> -> memref<128xi32, #tpu.memory_space<vmem>>
      %dma_start3A_315 = arith.constant 0 : i32
      %dma_start3A_316 = arith.constant 0 : i32
      %dma_start3A_317 = tpu.memref_slice %arg23[%dma_start3A_315, %dma_start3A_316] : memref<10240x16xf32, #tpu.memory_space<vmem_shared>> -> memref<10240x16xf32, #tpu.memory_space<vmem_shared>>
      tpu.enqueue_indirect_dma source(%arg19 : memref<128x16xf32, #tpu.memory_space<vmem>>) target(%dma_start3A_317 : memref<10240x16xf32, #tpu.memory_space<vmem_shared>>) offsets(%dma_start3A_314 : memref<128xi32, #tpu.memory_space<vmem>>) semaphore(%arg39 : memref<!tpu.dma_semaphore, #tpu.memory_space<semaphore_mem>>) {add = true}
      %dma_wait3A_318 = arith.constant 0 : i32
      %dma_wait3A_319 = tpu.memref_slice %arg9[%add3A_213, %dma_wait3A_318] : memref<80x128xi32, #tpu.memory_space<vmem>> -> memref<1x128xi32, #tpu.memory_space<vmem>>
      %dma_wait3A_320 = tpu.memref_squeeze %dma_wait3A_319 : memref<1x128xi32, #tpu.memory_space<vmem>> -> memref<128xi32, #tpu.memory_space<vmem>>
      %dma_wait3A_321 = arith.constant 0 : i32
      %dma_wait3A_322 = arith.constant 0 : i32
      %dma_wait3A_323 = tpu.memref_slice %arg22[%dma_wait3A_321, %dma_wait3A_322] : memref<10240x16xf32, #tpu.memory_space<vmem_shared>> -> memref<10240x16xf32, #tpu.memory_space<vmem_shared>>
      tpu.wait_indirect_dma semaphore(%arg32 : memref<!tpu.dma_semaphore, #tpu.memory_space<semaphore_mem>>) src(%dma_wait3A_323 : memref<10240x16xf32, #tpu.memory_space<vmem_shared>>) dst(%arg20 : memref<128x16xf32, #tpu.memory_space<vmem>>)
      %add3A_324 = arith.constant 3 : i32
      %add3A_325 = arith.addi %add3A_155, %add3A_324 : i32
      %dma_start3A_326 = arith.constant 0 : i32
      %dma_start3A_327 = tpu.memref_slice %arg10[%add3A_325, %dma_start3A_326] : memref<80x128xi32, #tpu.memory_space<vmem>> -> memref<1x128xi32, #tpu.memory_space<vmem>>
      %dma_start3A_328 = tpu.memref_squeeze %dma_start3A_327 : memref<1x128xi32, #tpu.memory_space<vmem>> -> memref<128xi32, #tpu.memory_space<vmem>>
      %dma_start3A_329 = arith.constant 0 : i32
      %dma_start3A_330 = arith.constant 0 : i32
      %dma_start3A_331 = tpu.memref_slice %arg24[%dma_start3A_329, %dma_start3A_330] : memref<10240x16xf32, #tpu.memory_space<vmem_shared>> -> memref<10240x16xf32, #tpu.memory_space<vmem_shared>>
      tpu.enqueue_indirect_dma source(%arg20 : memref<128x16xf32, #tpu.memory_space<vmem>>) target(%dma_start3A_331 : memref<10240x16xf32, #tpu.memory_space<vmem_shared>>) offsets(%dma_start3A_328 : memref<128xi32, #tpu.memory_space<vmem>>) semaphore(%arg40 : memref<!tpu.dma_semaphore, #tpu.memory_space<semaphore_mem>>) {add = true}
      %dma_wait3A_332 = arith.constant 0 : i32
      %dma_wait3A_333 = tpu.memref_slice %arg10[%add3A_227, %dma_wait3A_332] : memref<80x128xi32, #tpu.memory_space<vmem>> -> memref<1x128xi32, #tpu.memory_space<vmem>>
      %dma_wait3A_334 = tpu.memref_squeeze %dma_wait3A_333 : memref<1x128xi32, #tpu.memory_space<vmem>> -> memref<128xi32, #tpu.memory_space<vmem>>
      %dma_wait3A_335 = arith.constant 0 : i32
      %dma_wait3A_336 = arith.constant 0 : i32
      %dma_wait3A_337 = tpu.memref_slice %arg23[%dma_wait3A_335, %dma_wait3A_336] : memref<10240x16xf32, #tpu.memory_space<vmem_shared>> -> memref<10240x16xf32, #tpu.memory_space<vmem_shared>>
      tpu.wait_indirect_dma semaphore(%arg33 : memref<!tpu.dma_semaphore, #tpu.memory_space<semaphore_mem>>) src(%arg13 : memref<128x16xf32, #tpu.memory_space<vmem>>) dst(%dma_wait3A_337 : memref<10240x16xf32, #tpu.memory_space<vmem_shared>>)
      %dma_wait3A_338 = arith.constant 0 : i32
      %dma_wait3A_339 = tpu.memref_slice %arg10[%add3A_241, %dma_wait3A_338] : memref<80x128xi32, #tpu.memory_space<vmem>> -> memref<1x128xi32, #tpu.memory_space<vmem>>
      %dma_wait3A_340 = tpu.memref_squeeze %dma_wait3A_339 : memref<1x128xi32, #tpu.memory_space<vmem>> -> memref<128xi32, #tpu.memory_space<vmem>>
      %dma_wait3A_341 = arith.constant 0 : i32
      %dma_wait3A_342 = arith.constant 0 : i32
      %dma_wait3A_343 = tpu.memref_slice %arg24[%dma_wait3A_341, %dma_wait3A_342] : memref<10240x16xf32, #tpu.memory_space<vmem_shared>> -> memref<10240x16xf32, #tpu.memory_space<vmem_shared>>
      tpu.wait_indirect_dma semaphore(%arg34 : memref<!tpu.dma_semaphore, #tpu.memory_space<semaphore_mem>>) src(%arg14 : memref<128x16xf32, #tpu.memory_space<vmem>>) dst(%dma_wait3A_343 : memref<10240x16xf32, #tpu.memory_space<vmem_shared>>)
      %dma_wait3A_344 = arith.constant 0 : i32
      %dma_wait3A_345 = tpu.memref_slice %arg10[%add3A_255, %dma_wait3A_344] : memref<80x128xi32, #tpu.memory_space<vmem>> -> memref<1x128xi32, #tpu.memory_space<vmem>>
      %dma_wait3A_346 = tpu.memref_squeeze %dma_wait3A_345 : memref<1x128xi32, #tpu.memory_space<vmem>> -> memref<128xi32, #tpu.memory_space<vmem>>
      %dma_wait3A_347 = arith.constant 0 : i32
      %dma_wait3A_348 = arith.constant 0 : i32
      %dma_wait3A_349 = tpu.memref_slice %arg23[%dma_wait3A_347, %dma_wait3A_348] : memref<10240x16xf32, #tpu.memory_space<vmem_shared>> -> memref<10240x16xf32, #tpu.memory_space<vmem_shared>>
      tpu.wait_indirect_dma semaphore(%arg35 : memref<!tpu.dma_semaphore, #tpu.memory_space<semaphore_mem>>) src(%arg15 : memref<128x16xf32, #tpu.memory_space<vmem>>) dst(%dma_wait3A_349 : memref<10240x16xf32, #tpu.memory_space<vmem_shared>>)
      %dma_wait3A_350 = arith.constant 0 : i32
      %dma_wait3A_351 = tpu.memref_slice %arg10[%add3A_269, %dma_wait3A_350] : memref<80x128xi32, #tpu.memory_space<vmem>> -> memref<1x128xi32, #tpu.memory_space<vmem>>
      %dma_wait3A_352 = tpu.memref_squeeze %dma_wait3A_351 : memref<1x128xi32, #tpu.memory_space<vmem>> -> memref<128xi32, #tpu.memory_space<vmem>>
      %dma_wait3A_353 = arith.constant 0 : i32
      %dma_wait3A_354 = arith.constant 0 : i32
      %dma_wait3A_355 = tpu.memref_slice %arg24[%dma_wait3A_353, %dma_wait3A_354] : memref<10240x16xf32, #tpu.memory_space<vmem_shared>> -> memref<10240x16xf32, #tpu.memory_space<vmem_shared>>
      tpu.wait_indirect_dma semaphore(%arg36 : memref<!tpu.dma_semaphore, #tpu.memory_space<semaphore_mem>>) src(%arg16 : memref<128x16xf32, #tpu.memory_space<vmem>>) dst(%dma_wait3A_355 : memref<10240x16xf32, #tpu.memory_space<vmem_shared>>)
      %dma_wait3A_356 = arith.constant 0 : i32
      %dma_wait3A_357 = tpu.memref_slice %arg10[%add3A_283, %dma_wait3A_356] : memref<80x128xi32, #tpu.memory_space<vmem>> -> memref<1x128xi32, #tpu.memory_space<vmem>>
      %dma_wait3A_358 = tpu.memref_squeeze %dma_wait3A_357 : memref<1x128xi32, #tpu.memory_space<vmem>> -> memref<128xi32, #tpu.memory_space<vmem>>
      %dma_wait3A_359 = arith.constant 0 : i32
      %dma_wait3A_360 = arith.constant 0 : i32
      %dma_wait3A_361 = tpu.memref_slice %arg23[%dma_wait3A_359, %dma_wait3A_360] : memref<10240x16xf32, #tpu.memory_space<vmem_shared>> -> memref<10240x16xf32, #tpu.memory_space<vmem_shared>>
      tpu.wait_indirect_dma semaphore(%arg37 : memref<!tpu.dma_semaphore, #tpu.memory_space<semaphore_mem>>) src(%arg17 : memref<128x16xf32, #tpu.memory_space<vmem>>) dst(%dma_wait3A_361 : memref<10240x16xf32, #tpu.memory_space<vmem_shared>>)
      %dma_wait3A_362 = arith.constant 0 : i32
      %dma_wait3A_363 = tpu.memref_slice %arg10[%add3A_297, %dma_wait3A_362] : memref<80x128xi32, #tpu.memory_space<vmem>> -> memref<1x128xi32, #tpu.memory_space<vmem>>
      %dma_wait3A_364 = tpu.memref_squeeze %dma_wait3A_363 : memref<1x128xi32, #tpu.memory_space<vmem>> -> memref<128xi32, #tpu.memory_space<vmem>>
      %dma_wait3A_365 = arith.constant 0 : i32
      %dma_wait3A_366 = arith.constant 0 : i32
      %dma_wait3A_367 = tpu.memref_slice %arg24[%dma_wait3A_365, %dma_wait3A_366] : memref<10240x16xf32, #tpu.memory_space<vmem_shared>> -> memref<10240x16xf32, #tpu.memory_space<vmem_shared>>
      tpu.wait_indirect_dma semaphore(%arg38 : memref<!tpu.dma_semaphore, #tpu.memory_space<semaphore_mem>>) src(%arg18 : memref<128x16xf32, #tpu.memory_space<vmem>>) dst(%dma_wait3A_367 : memref<10240x16xf32, #tpu.memory_space<vmem_shared>>)
      %dma_wait3A_368 = arith.constant 0 : i32
      %dma_wait3A_369 = tpu.memref_slice %arg10[%add3A_311, %dma_wait3A_368] : memref<80x128xi32, #tpu.memory_space<vmem>> -> memref<1x128xi32, #tpu.memory_space<vmem>>
      %dma_wait3A_370 = tpu.memref_squeeze %dma_wait3A_369 : memref<1x128xi32, #tpu.memory_space<vmem>> -> memref<128xi32, #tpu.memory_space<vmem>>
      %dma_wait3A_371 = arith.constant 0 : i32
      %dma_wait3A_372 = arith.constant 0 : i32
      %dma_wait3A_373 = tpu.memref_slice %arg23[%dma_wait3A_371, %dma_wait3A_372] : memref<10240x16xf32, #tpu.memory_space<vmem_shared>> -> memref<10240x16xf32, #tpu.memory_space<vmem_shared>>
      tpu.wait_indirect_dma semaphore(%arg39 : memref<!tpu.dma_semaphore, #tpu.memory_space<semaphore_mem>>) src(%arg19 : memref<128x16xf32, #tpu.memory_space<vmem>>) dst(%dma_wait3A_373 : memref<10240x16xf32, #tpu.memory_space<vmem_shared>>)
      %dma_wait3A_374 = arith.constant 0 : i32
      %dma_wait3A_375 = tpu.memref_slice %arg10[%add3A_325, %dma_wait3A_374] : memref<80x128xi32, #tpu.memory_space<vmem>> -> memref<1x128xi32, #tpu.memory_space<vmem>>
      %dma_wait3A_376 = tpu.memref_squeeze %dma_wait3A_375 : memref<1x128xi32, #tpu.memory_space<vmem>> -> memref<128xi32, #tpu.memory_space<vmem>>
      %dma_wait3A_377 = arith.constant 0 : i32
      %dma_wait3A_378 = arith.constant 0 : i32
      %dma_wait3A_379 = tpu.memref_slice %arg24[%dma_wait3A_377, %dma_wait3A_378] : memref<10240x16xf32, #tpu.memory_space<vmem_shared>> -> memref<10240x16xf32, #tpu.memory_space<vmem_shared>>
      tpu.wait_indirect_dma semaphore(%arg40 : memref<!tpu.dma_semaphore, #tpu.memory_space<semaphore_mem>>) src(%arg20 : memref<128x16xf32, #tpu.memory_space<vmem>>) dst(%dma_wait3A_379 : memref<10240x16xf32, #tpu.memory_space<vmem_shared>>)
    }
    %scan3A_100 = arith.constant 20 : i32
    %barrier3A_101 = arith.constant 0 : index
    tpu.barrier barrier_id(%barrier3A_101)
    %dma_start3A_102 = arith.constant 0 : i32
    %dma_start3A_103 = tpu.memref_slice %arg23[%mul3A_2, %dma_start3A_102] : memref<10240x16xf32, #tpu.memory_space<vmem_shared>> -> memref<640x16xf32, #tpu.memory_space<vmem_shared>>
    %dma_start3A_104 = arith.constant 0 : i32
    %dma_start3A_105 = tpu.memref_slice %arg23[%mul3A_2, %dma_start3A_104] : memref<10240x16xf32, #tpu.memory_space<vmem_shared>> -> memref<640x16xf32, #tpu.memory_space<vmem_shared>>
    tpu.enqueue_dma source(%dma_start3A_105 : memref<640x16xf32, #tpu.memory_space<vmem_shared>>) target(%arg12 : memref<640x16xf32, #tpu.memory_space<vmem>>) target_semaphore(%arg42 : memref<!tpu.dma_semaphore, #tpu.memory_space<semaphore_mem>>)
    %dma_wait3A_106 = arith.constant 0 : i32
    %dma_wait3A_107 = tpu.memref_slice %arg23[%mul3A_2, %dma_wait3A_106] : memref<10240x16xf32, #tpu.memory_space<vmem_shared>> -> memref<640x16xf32, #tpu.memory_space<vmem_shared>>
    %dma_wait3A_108 = arith.constant 0 : i32
    %dma_wait3A_109 = tpu.memref_slice %arg23[%mul3A_2, %dma_wait3A_108] : memref<10240x16xf32, #tpu.memory_space<vmem_shared>> -> memref<640x16xf32, #tpu.memory_space<vmem_shared>>
    tpu.wait_dma2 semaphore(%arg42 : memref<!tpu.dma_semaphore, #tpu.memory_space<semaphore_mem>>) src(%dma_wait3A_109 : memref<640x16xf32, #tpu.memory_space<vmem_shared>>) dst(%arg12 : memref<640x16xf32, #tpu.memory_space<vmem>>)
    %scan3A_110 = arith.constant 0 : i32
    %scan3A_111 = arith.constant 80 : i32
    %scan3A_112 = arith.addi %scan3A_110, %scan3A_111 : i32
    %scan3A_113 = arith.constant 1 : i32
    scf.for %scan3A_152 = %scan3A_110 to %scan3A_112 step %scan3A_113  : i32 {
      %mul3A_153 = arith.constant 1 : i32
      %mul3A_154 = arith.muli %scan3A_152, %mul3A_153 : i32
      %add3A = arith.constant 0 : i32
      %add3A_155 = arith.addi %add3A, %mul3A_154 : i32
      %mul3A_156 = arith.constant 8 : i32
      %mul3A_157 = arith.muli %add3A_155, %mul3A_156 : i32
      %add3A_158 = arith.constant 0 : i32
      %add3A_159 = arith.addi %mul3A_157, %add3A_158 : i32
      %get3A = arith.index_cast %add3A_159 : i32 to index
      %get3A_160 = arith.constant 0 : index
      %get3A_161 = tpu.vector_load %arg12[%get3A, %get3A_160] {strides = array<i32>} : memref<640x16xf32, #tpu.memory_space<vmem>>, vector<1x16xf32>,
      %get3A_162 = vector.shape_cast %get3A_161 : vector<1x16xf32> to vector<16xf32>
      %swap3A = arith.index_cast %add3A_155 : i32 to index
      %swap3A_163 = arith.constant 0 : index
      %swap3A_164 = tpu.vector_load %arg11[%swap3A, %swap3A_163] {strides = array<i32>} : memref<80x128xf32, #tpu.memory_space<vmem>>, vector<1x16xf32>,
      %swap3A_165 = vector.shape_cast %swap3A_164 : vector<1x16xf32> to vector<16xf32>
      %swap3A_166 = vector.shape_cast %get3A_162 : vector<16xf32> to vector<1x16xf32>
      tpu.vector_store %arg11[%swap3A, %swap3A_163], %swap3A_166 {strides = array<i32>} : memref<80x128xf32, #tpu.memory_space<vmem>>, vector<1x16xf32>,
      %mul3A_167 = arith.constant 8 : i32
      %mul3A_168 = arith.muli %add3A_155, %mul3A_167 : i32
      %add3A_169 = arith.constant 1 : i32
      %add3A_170 = arith.addi %mul3A_168, %add3A_169 : i32
      %get3A_171 = arith.index_cast %add3A_170 : i32 to index
      %get3A_172 = arith.constant 0 : index
      %get3A_173 = tpu.vector_load %arg12[%get3A_171, %get3A_172] {strides = array<i32>} : memref<640x16xf32, #tpu.memory_space<vmem>>, vector<1x16xf32>,
      %get3A_174 = vector.shape_cast %get3A_173 : vector<1x16xf32> to vector<16xf32>
      %swap3A_175 = arith.index_cast %add3A_155 : i32 to index
      %swap3A_176 = arith.constant 16 : index
      %swap3A_177 = tpu.vector_load %arg11[%swap3A_175, %swap3A_176] {strides = array<i32>} : memref<80x128xf32, #tpu.memory_space<vmem>>, vector<1x16xf32>,
      %swap3A_178 = vector.shape_cast %swap3A_177 : vector<1x16xf32> to vector<16xf32>
      %swap3A_179 = vector.shape_cast %get3A_174 : vector<16xf32> to vector<1x16xf32>
      tpu.vector_store %arg11[%swap3A_175, %swap3A_176], %swap3A_179 {strides = array<i32>} : memref<80x128xf32, #tpu.memory_space<vmem>>, vector<1x16xf32>,
      %mul3A_180 = arith.constant 8 : i32
      %mul3A_181 = arith.muli %add3A_155, %mul3A_180 : i32
      %add3A_182 = arith.constant 2 : i32
      %add3A_183 = arith.addi %mul3A_181, %add3A_182 : i32
      %get3A_184 = arith.index_cast %add3A_183 : i32 to index
      %get3A_185 = arith.constant 0 : index
      %get3A_186 = tpu.vector_load %arg12[%get3A_184, %get3A_185] {strides = array<i32>} : memref<640x16xf32, #tpu.memory_space<vmem>>, vector<1x16xf32>,
      %get3A_187 = vector.shape_cast %get3A_186 : vector<1x16xf32> to vector<16xf32>
      %swap3A_188 = arith.index_cast %add3A_155 : i32 to index
      %swap3A_189 = arith.constant 32 : index
      %swap3A_190 = tpu.vector_load %arg11[%swap3A_188, %swap3A_189] {strides = array<i32>} : memref<80x128xf32, #tpu.memory_space<vmem>>, vector<1x16xf32>,
      %swap3A_191 = vector.shape_cast %swap3A_190 : vector<1x16xf32> to vector<16xf32>
      %swap3A_192 = vector.shape_cast %get3A_187 : vector<16xf32> to vector<1x16xf32>
      tpu.vector_store %arg11[%swap3A_188, %swap3A_189], %swap3A_192 {strides = array<i32>} : memref<80x128xf32, #tpu.memory_space<vmem>>, vector<1x16xf32>,
      %mul3A_193 = arith.constant 8 : i32
      %mul3A_194 = arith.muli %add3A_155, %mul3A_193 : i32
      %add3A_195 = arith.constant 3 : i32
      %add3A_196 = arith.addi %mul3A_194, %add3A_195 : i32
      %get3A_197 = arith.index_cast %add3A_196 : i32 to index
      %get3A_198 = arith.constant 0 : index
      %get3A_199 = tpu.vector_load %arg12[%get3A_197, %get3A_198] {strides = array<i32>} : memref<640x16xf32, #tpu.memory_space<vmem>>, vector<1x16xf32>,
      %get3A_200 = vector.shape_cast %get3A_199 : vector<1x16xf32> to vector<16xf32>
      %swap3A_201 = arith.index_cast %add3A_155 : i32 to index
      %swap3A_202 = arith.constant 48 : index
      %swap3A_203 = tpu.vector_load %arg11[%swap3A_201, %swap3A_202] {strides = array<i32>} : memref<80x128xf32, #tpu.memory_space<vmem>>, vector<1x16xf32>,
      %swap3A_204 = vector.shape_cast %swap3A_203 : vector<1x16xf32> to vector<16xf32>
      %swap3A_205 = vector.shape_cast %get3A_200 : vector<16xf32> to vector<1x16xf32>
      tpu.vector_store %arg11[%swap3A_201, %swap3A_202], %swap3A_205 {strides = array<i32>} : memref<80x128xf32, #tpu.memory_space<vmem>>, vector<1x16xf32>,
      %mul3A_206 = arith.constant 8 : i32
      %mul3A_207 = arith.muli %add3A_155, %mul3A_206 : i32
      %add3A_208 = arith.constant 4 : i32
      %add3A_209 = arith.addi %mul3A_207, %add3A_208 : i32
      %get3A_210 = arith.index_cast %add3A_209 : i32 to index
      %get3A_211 = arith.constant 0 : index
      %get3A_212 = tpu.vector_load %arg12[%get3A_210, %get3A_211] {strides = array<i32>} : memref<640x16xf32, #tpu.memory_space<vmem>>, vector<1x16xf32>,
      %get3A_213 = vector.shape_cast %get3A_212 : vector<1x16xf32> to vector<16xf32>
      %swap3A_214 = arith.index_cast %add3A_155 : i32 to index
      %swap3A_215 = arith.constant 64 : index
      %swap3A_216 = tpu.vector_load %arg11[%swap3A_214, %swap3A_215] {strides = array<i32>} : memref<80x128xf32, #tpu.memory_space<vmem>>, vector<1x16xf32>,
      %swap3A_217 = vector.shape_cast %swap3A_216 : vector<1x16xf32> to vector<16xf32>
      %swap3A_218 = vector.shape_cast %get3A_213 : vector<16xf32> to vector<1x16xf32>
      tpu.vector_store %arg11[%swap3A_214, %swap3A_215], %swap3A_218 {strides = array<i32>} : memref<80x128xf32, #tpu.memory_space<vmem>>, vector<1x16xf32>,
      %mul3A_219 = arith.constant 8 : i32
      %mul3A_220 = arith.muli %add3A_155, %mul3A_219 : i32
      %add3A_221 = arith.constant 5 : i32
      %add3A_222 = arith.addi %mul3A_220, %add3A_221 : i32
      %get3A_223 = arith.index_cast %add3A_222 : i32 to index
      %get3A_224 = arith.constant 0 : index
      %get3A_225 = tpu.vector_load %arg12[%get3A_223, %get3A_224] {strides = array<i32>} : memref<640x16xf32, #tpu.memory_space<vmem>>, vector<1x16xf32>,
      %get3A_226 = vector.shape_cast %get3A_225 : vector<1x16xf32> to vector<16xf32>
      %swap3A_227 = arith.index_cast %add3A_155 : i32 to index
      %swap3A_228 = arith.constant 80 : index
      %swap3A_229 = tpu.vector_load %arg11[%swap3A_227, %swap3A_228] {strides = array<i32>} : memref<80x128xf32, #tpu.memory_space<vmem>>, vector<1x16xf32>,
      %swap3A_230 = vector.shape_cast %swap3A_229 : vector<1x16xf32> to vector<16xf32>
      %swap3A_231 = vector.shape_cast %get3A_226 : vector<16xf32> to vector<1x16xf32>
      tpu.vector_store %arg11[%swap3A_227, %swap3A_228], %swap3A_231 {strides = array<i32>} : memref<80x128xf32, #tpu.memory_space<vmem>>, vector<1x16xf32>,
      %mul3A_232 = arith.constant 8 : i32
      %mul3A_233 = arith.muli %add3A_155, %mul3A_232 : i32
      %add3A_234 = arith.constant 6 : i32
      %add3A_235 = arith.addi %mul3A_233, %add3A_234 : i32
      %get3A_236 = arith.index_cast %add3A_235 : i32 to index
      %get3A_237 = arith.constant 0 : index
      %get3A_238 = tpu.vector_load %arg12[%get3A_236, %get3A_237] {strides = array<i32>} : memref<640x16xf32, #tpu.memory_space<vmem>>, vector<1x16xf32>,
      %get3A_239 = vector.shape_cast %get3A_238 : vector<1x16xf32> to vector<16xf32>
      %swap3A_240 = arith.index_cast %add3A_155 : i32 to index
      %swap3A_241 = arith.constant 96 : index
      %swap3A_242 = tpu.vector_load %arg11[%swap3A_240, %swap3A_241] {strides = array<i32>} : memref<80x128xf32, #tpu.memory_space<vmem>>, vector<1x16xf32>,
      %swap3A_243 = vector.shape_cast %swap3A_242 : vector<1x16xf32> to vector<16xf32>
      %swap3A_244 = vector.shape_cast %get3A_239 : vector<16xf32> to vector<1x16xf32>
      tpu.vector_store %arg11[%swap3A_240, %swap3A_241], %swap3A_244 {strides = array<i32>} : memref<80x128xf32, #tpu.memory_space<vmem>>, vector<1x16xf32>,
      %mul3A_245 = arith.constant 8 : i32
      %mul3A_246 = arith.muli %add3A_155, %mul3A_245 : i32
      %add3A_247 = arith.constant 7 : i32
      %add3A_248 = arith.addi %mul3A_246, %add3A_247 : i32
      %get3A_249 = arith.index_cast %add3A_248 : i32 to index
      %get3A_250 = arith.constant 0 : index
      %get3A_251 = tpu.vector_load %arg12[%get3A_249, %get3A_250] {strides = array<i32>} : memref<640x16xf32, #tpu.memory_space<vmem>>, vector<1x16xf32>,
      %get3A_252 = vector.shape_cast %get3A_251 : vector<1x16xf32> to vector<16xf32>
      %swap3A_253 = arith.index_cast %add3A_155 : i32 to index
      %swap3A_254 = arith.constant 112 : index
      %swap3A_255 = tpu.vector_load %arg11[%swap3A_253, %swap3A_254] {strides = array<i32>} : memref<80x128xf32, #tpu.memory_space<vmem>>, vector<1x16xf32>,
      %swap3A_256 = vector.shape_cast %swap3A_255 : vector<1x16xf32> to vector<16xf32>
      %swap3A_257 = vector.shape_cast %get3A_252 : vector<16xf32> to vector<1x16xf32>
      tpu.vector_store %arg11[%swap3A_253, %swap3A_254], %swap3A_257 {strides = array<i32>} : memref<80x128xf32, #tpu.memory_space<vmem>>, vector<1x16xf32>,
    }
    %scan3A_114 = arith.constant 80 : i32
    %dma_start3A_115 = arith.constant 0 : i32
    %dma_start3A_116 = tpu.memref_slice %arg7[%arg0, %mul3A_0, %dma_start3A_115] : memref<2x1280x128xf32, #tpu.memory_space<hbm>> -> memref<1x80x128xf32, #tpu.memory_space<hbm>>
    %dma_start3A_117 = tpu.memref_squeeze %dma_start3A_116 : memref<1x80x128xf32, #tpu.memory_space<hbm>> -> memref<80x128xf32, #tpu.memory_space<hbm>>
    %dma_start3A_118 = arith.constant 0 : i32
    %dma_start3A_119 = tpu.memref_slice %arg7[%arg0, %mul3A_0, %dma_start3A_118] : memref<2x1280x128xf32, #tpu.memory_space<hbm>> -> memref<1x80x128xf32, #tpu.memory_space<hbm>>
    %dma_start3A_120 = tpu.memref_squeeze %dma_start3A_119 : memref<1x80x128xf32, #tpu.memory_space<hbm>> -> memref<80x128xf32, #tpu.memory_space<hbm>>
    tpu.enqueue_dma source(%arg11 : memref<80x128xf32, #tpu.memory_space<vmem>>) target(%dma_start3A_120 : memref<80x128xf32, #tpu.memory_space<hbm>>) target_semaphore(%arg42 : memref<!tpu.dma_semaphore, #tpu.memory_space<semaphore_mem>>)
    %dma_wait3A_121 = arith.constant 0 : i32
    %dma_wait3A_122 = tpu.memref_slice %arg7[%arg0, %mul3A_0, %dma_wait3A_121] : memref<2x1280x128xf32, #tpu.memory_space<hbm>> -> memref<1x80x128xf32, #tpu.memory_space<hbm>>
    %dma_wait3A_123 = tpu.memref_squeeze %dma_wait3A_122 : memref<1x80x128xf32, #tpu.memory_space<hbm>> -> memref<80x128xf32, #tpu.memory_space<hbm>>
    %dma_wait3A_124 = arith.constant 0 : i32
    %dma_wait3A_125 = tpu.memref_slice %arg7[%arg0, %mul3A_0, %dma_wait3A_124] : memref<2x1280x128xf32, #tpu.memory_space<hbm>> -> memref<1x80x128xf32, #tpu.memory_space<hbm>>
    %dma_wait3A_126 = tpu.memref_squeeze %dma_wait3A_125 : memref<1x80x128xf32, #tpu.memory_space<hbm>> -> memref<80x128xf32, #tpu.memory_space<hbm>>
    tpu.wait_dma2 semaphore(%arg42 : memref<!tpu.dma_semaphore, #tpu.memory_space<semaphore_mem>>) src(%arg11 : memref<80x128xf32, #tpu.memory_space<vmem>>) dst(%dma_wait3A_126 : memref<80x128xf32, #tpu.memory_space<hbm>>)
    %dma_start3A_127 = arith.constant 0 : i32
    %dma_start3A_128 = tpu.memref_slice %arg24[%mul3A_2, %dma_start3A_127] : memref<10240x16xf32, #tpu.memory_space<vmem_shared>> -> memref<640x16xf32, #tpu.memory_space<vmem_shared>>
    %dma_start3A_129 = arith.constant 0 : i32
    %dma_start3A_130 = tpu.memref_slice %arg24[%mul3A_2, %dma_start3A_129] : memref<10240x16xf32, #tpu.memory_space<vmem_shared>> -> memref<640x16xf32, #tpu.memory_space<vmem_shared>>
    tpu.enqueue_dma source(%dma_start3A_130 : memref<640x16xf32, #tpu.memory_space<vmem_shared>>) target(%arg12 : memref<640x16xf32, #tpu.memory_space<vmem>>) target_semaphore(%arg42 : memref<!tpu.dma_semaphore, #tpu.memory_space<semaphore_mem>>)
    %dma_wait3A_131 = arith.constant 0 : i32
    %dma_wait3A_132 = tpu.memref_slice %arg24[%mul3A_2, %dma_wait3A_131] : memref<10240x16xf32, #tpu.memory_space<vmem_shared>> -> memref<640x16xf32, #tpu.memory_space<vmem_shared>>
    %dma_wait3A_133 = arith.constant 0 : i32
    %dma_wait3A_134 = tpu.memref_slice %arg24[%mul3A_2, %dma_wait3A_133] : memref<10240x16xf32, #tpu.memory_space<vmem_shared>> -> memref<640x16xf32, #tpu.memory_space<vmem_shared>>
    tpu.wait_dma2 semaphore(%arg42 : memref<!tpu.dma_semaphore, #tpu.memory_space<semaphore_mem>>) src(%dma_wait3A_134 : memref<640x16xf32, #tpu.memory_space<vmem_shared>>) dst(%arg12 : memref<640x16xf32, #tpu.memory_space<vmem>>)
    %scan3A_135 = arith.constant 0 : i32
    %scan3A_136 = arith.constant 80 : i32
    %scan3A_137 = arith.addi %scan3A_135, %scan3A_136 : i32
    %scan3A_138 = arith.constant 1 : i32
    scf.for %scan3A_152 = %scan3A_135 to %scan3A_137 step %scan3A_138  : i32 {
      %mul3A_153 = arith.constant 1 : i32
      %mul3A_154 = arith.muli %scan3A_152, %mul3A_153 : i32
      %add3A = arith.constant 0 : i32
      %add3A_155 = arith.addi %add3A, %mul3A_154 : i32
      %mul3A_156 = arith.constant 8 : i32
      %mul3A_157 = arith.muli %add3A_155, %mul3A_156 : i32
      %add3A_158 = arith.constant 0 : i32
      %add3A_159 = arith.addi %mul3A_157, %add3A_158 : i32
      %get3A = arith.index_cast %add3A_159 : i32 to index
      %get3A_160 = arith.constant 0 : index
      %get3A_161 = tpu.vector_load %arg12[%get3A, %get3A_160] {strides = array<i32>} : memref<640x16xf32, #tpu.memory_space<vmem>>, vector<1x16xf32>,
      %get3A_162 = vector.shape_cast %get3A_161 : vector<1x16xf32> to vector<16xf32>
      %swap3A = arith.index_cast %add3A_155 : i32 to index
      %swap3A_163 = arith.constant 0 : index
      %swap3A_164 = tpu.vector_load %arg11[%swap3A, %swap3A_163] {strides = array<i32>} : memref<80x128xf32, #tpu.memory_space<vmem>>, vector<1x16xf32>,
      %swap3A_165 = vector.shape_cast %swap3A_164 : vector<1x16xf32> to vector<16xf32>
      %swap3A_166 = vector.shape_cast %get3A_162 : vector<16xf32> to vector<1x16xf32>
      tpu.vector_store %arg11[%swap3A, %swap3A_163], %swap3A_166 {strides = array<i32>} : memref<80x128xf32, #tpu.memory_space<vmem>>, vector<1x16xf32>,
      %mul3A_167 = arith.constant 8 : i32
      %mul3A_168 = arith.muli %add3A_155, %mul3A_167 : i32
      %add3A_169 = arith.constant 1 : i32
      %add3A_170 = arith.addi %mul3A_168, %add3A_169 : i32
      %get3A_171 = arith.index_cast %add3A_170 : i32 to index
      %get3A_172 = arith.constant 0 : index
      %get3A_173 = tpu.vector_load %arg12[%get3A_171, %get3A_172] {strides = array<i32>} : memref<640x16xf32, #tpu.memory_space<vmem>>, vector<1x16xf32>,
      %get3A_174 = vector.shape_cast %get3A_173 : vector<1x16xf32> to vector<16xf32>
      %swap3A_175 = arith.index_cast %add3A_155 : i32 to index
      %swap3A_176 = arith.constant 16 : index
      %swap3A_177 = tpu.vector_load %arg11[%swap3A_175, %swap3A_176] {strides = array<i32>} : memref<80x128xf32, #tpu.memory_space<vmem>>, vector<1x16xf32>,
      %swap3A_178 = vector.shape_cast %swap3A_177 : vector<1x16xf32> to vector<16xf32>
      %swap3A_179 = vector.shape_cast %get3A_174 : vector<16xf32> to vector<1x16xf32>
      tpu.vector_store %arg11[%swap3A_175, %swap3A_176], %swap3A_179 {strides = array<i32>} : memref<80x128xf32, #tpu.memory_space<vmem>>, vector<1x16xf32>,
      %mul3A_180 = arith.constant 8 : i32
      %mul3A_181 = arith.muli %add3A_155, %mul3A_180 : i32
      %add3A_182 = arith.constant 2 : i32
      %add3A_183 = arith.addi %mul3A_181, %add3A_182 : i32
      %get3A_184 = arith.index_cast %add3A_183 : i32 to index
      %get3A_185 = arith.constant 0 : index
      %get3A_186 = tpu.vector_load %arg12[%get3A_184, %get3A_185] {strides = array<i32>} : memref<640x16xf32, #tpu.memory_space<vmem>>, vector<1x16xf32>,
      %get3A_187 = vector.shape_cast %get3A_186 : vector<1x16xf32> to vector<16xf32>
      %swap3A_188 = arith.index_cast %add3A_155 : i32 to index
      %swap3A_189 = arith.constant 32 : index
      %swap3A_190 = tpu.vector_load %arg11[%swap3A_188, %swap3A_189] {strides = array<i32>} : memref<80x128xf32, #tpu.memory_space<vmem>>, vector<1x16xf32>,
      %swap3A_191 = vector.shape_cast %swap3A_190 : vector<1x16xf32> to vector<16xf32>
      %swap3A_192 = vector.shape_cast %get3A_187 : vector<16xf32> to vector<1x16xf32>
      tpu.vector_store %arg11[%swap3A_188, %swap3A_189], %swap3A_192 {strides = array<i32>} : memref<80x128xf32, #tpu.memory_space<vmem>>, vector<1x16xf32>,
      %mul3A_193 = arith.constant 8 : i32
      %mul3A_194 = arith.muli %add3A_155, %mul3A_193 : i32
      %add3A_195 = arith.constant 3 : i32
      %add3A_196 = arith.addi %mul3A_194, %add3A_195 : i32
      %get3A_197 = arith.index_cast %add3A_196 : i32 to index
      %get3A_198 = arith.constant 0 : index
      %get3A_199 = tpu.vector_load %arg12[%get3A_197, %get3A_198] {strides = array<i32>} : memref<640x16xf32, #tpu.memory_space<vmem>>, vector<1x16xf32>,
      %get3A_200 = vector.shape_cast %get3A_199 : vector<1x16xf32> to vector<16xf32>
      %swap3A_201 = arith.index_cast %add3A_155 : i32 to index
      %swap3A_202 = arith.constant 48 : index
      %swap3A_203 = tpu.vector_load %arg11[%swap3A_201, %swap3A_202] {strides = array<i32>} : memref<80x128xf32, #tpu.memory_space<vmem>>, vector<1x16xf32>,
      %swap3A_204 = vector.shape_cast %swap3A_203 : vector<1x16xf32> to vector<16xf32>
      %swap3A_205 = vector.shape_cast %get3A_200 : vector<16xf32> to vector<1x16xf32>
      tpu.vector_store %arg11[%swap3A_201, %swap3A_202], %swap3A_205 {strides = array<i32>} : memref<80x128xf32, #tpu.memory_space<vmem>>, vector<1x16xf32>,
      %mul3A_206 = arith.constant 8 : i32
      %mul3A_207 = arith.muli %add3A_155, %mul3A_206 : i32
      %add3A_208 = arith.constant 4 : i32
      %add3A_209 = arith.addi %mul3A_207, %add3A_208 : i32
      %get3A_210 = arith.index_cast %add3A_209 : i32 to index
      %get3A_211 = arith.constant 0 : index
      %get3A_212 = tpu.vector_load %arg12[%get3A_210, %get3A_211] {strides = array<i32>} : memref<640x16xf32, #tpu.memory_space<vmem>>, vector<1x16xf32>,
      %get3A_213 = vector.shape_cast %get3A_212 : vector<1x16xf32> to vector<16xf32>
      %swap3A_214 = arith.index_cast %add3A_155 : i32 to index
      %swap3A_215 = arith.constant 64 : index
      %swap3A_216 = tpu.vector_load %arg11[%swap3A_214, %swap3A_215] {strides = array<i32>} : memref<80x128xf32, #tpu.memory_space<vmem>>, vector<1x16xf32>,
      %swap3A_217 = vector.shape_cast %swap3A_216 : vector<1x16xf32> to vector<16xf32>
      %swap3A_218 = vector.shape_cast %get3A_213 : vector<16xf32> to vector<1x16xf32>
      tpu.vector_store %arg11[%swap3A_214, %swap3A_215], %swap3A_218 {strides = array<i32>} : memref<80x128xf32, #tpu.memory_space<vmem>>, vector<1x16xf32>,
      %mul3A_219 = arith.constant 8 : i32
      %mul3A_220 = arith.muli %add3A_155, %mul3A_219 : i32
      %add3A_221 = arith.constant 5 : i32
      %add3A_222 = arith.addi %mul3A_220, %add3A_221 : i32
      %get3A_223 = arith.index_cast %add3A_222 : i32 to index
      %get3A_224 = arith.constant 0 : index
      %get3A_225 = tpu.vector_load %arg12[%get3A_223, %get3A_224] {strides = array<i32>} : memref<640x16xf32, #tpu.memory_space<vmem>>, vector<1x16xf32>,
      %get3A_226 = vector.shape_cast %get3A_225 : vector<1x16xf32> to vector<16xf32>
      %swap3A_227 = arith.index_cast %add3A_155 : i32 to index
      %swap3A_228 = arith.constant 80 : index
      %swap3A_229 = tpu.vector_load %arg11[%swap3A_227, %swap3A_228] {strides = array<i32>} : memref<80x128xf32, #tpu.memory_space<vmem>>, vector<1x16xf32>,
      %swap3A_230 = vector.shape_cast %swap3A_229 : vector<1x16xf32> to vector<16xf32>
      %swap3A_231 = vector.shape_cast %get3A_226 : vector<16xf32> to vector<1x16xf32>
      tpu.vector_store %arg11[%swap3A_227, %swap3A_228], %swap3A_231 {strides = array<i32>} : memref<80x128xf32, #tpu.memory_space<vmem>>, vector<1x16xf32>,
      %mul3A_232 = arith.constant 8 : i32
      %mul3A_233 = arith.muli %add3A_155, %mul3A_232 : i32
      %add3A_234 = arith.constant 6 : i32
      %add3A_235 = arith.addi %mul3A_233, %add3A_234 : i32
      %get3A_236 = arith.index_cast %add3A_235 : i32 to index
      %get3A_237 = arith.constant 0 : index
      %get3A_238 = tpu.vector_load %arg12[%get3A_236, %get3A_237] {strides = array<i32>} : memref<640x16xf32, #tpu.memory_space<vmem>>, vector<1x16xf32>,
      %get3A_239 = vector.shape_cast %get3A_238 : vector<1x16xf32> to vector<16xf32>
      %swap3A_240 = arith.index_cast %add3A_155 : i32 to index
      %swap3A_241 = arith.constant 96 : index
      %swap3A_242 = tpu.vector_load %arg11[%swap3A_240, %swap3A_241] {strides = array<i32>} : memref<80x128xf32, #tpu.memory_space<vmem>>, vector<1x16xf32>,
      %swap3A_243 = vector.shape_cast %swap3A_242 : vector<1x16xf32> to vector<16xf32>
      %swap3A_244 = vector.shape_cast %get3A_239 : vector<16xf32> to vector<1x16xf32>
      tpu.vector_store %arg11[%swap3A_240, %swap3A_241], %swap3A_244 {strides = array<i32>} : memref<80x128xf32, #tpu.memory_space<vmem>>, vector<1x16xf32>,
      %mul3A_245 = arith.constant 8 : i32
      %mul3A_246 = arith.muli %add3A_155, %mul3A_245 : i32
      %add3A_247 = arith.constant 7 : i32
      %add3A_248 = arith.addi %mul3A_246, %add3A_247 : i32
      %get3A_249 = arith.index_cast %add3A_248 : i32 to index
      %get3A_250 = arith.constant 0 : index
      %get3A_251 = tpu.vector_load %arg12[%get3A_249, %get3A_250] {strides = array<i32>} : memref<640x16xf32, #tpu.memory_space<vmem>>, vector<1x16xf32>,
      %get3A_252 = vector.shape_cast %get3A_251 : vector<1x16xf32> to vector<16xf32>
      %swap3A_253 = arith.index_cast %add3A_155 : i32 to index
      %swap3A_254 = arith.constant 112 : index
      %swap3A_255 = tpu.vector_load %arg11[%swap3A_253, %swap3A_254] {strides = array<i32>} : memref<80x128xf32, #tpu.memory_space<vmem>>, vector<1x16xf32>,
      %swap3A_256 = vector.shape_cast %swap3A_255 : vector<1x16xf32> to vector<16xf32>
      %swap3A_257 = vector.shape_cast %get3A_252 : vector<16xf32> to vector<1x16xf32>
      tpu.vector_store %arg11[%swap3A_253, %swap3A_254], %swap3A_257 {strides = array<i32>} : memref<80x128xf32, #tpu.memory_space<vmem>>, vector<1x16xf32>,
    }
    %scan3A_139 = arith.constant 80 : i32
    %dma_start3A_140 = arith.constant 0 : i32
    %dma_start3A_141 = tpu.memref_slice %arg8[%arg0, %mul3A_0, %dma_start3A_140] : memref<2x1280x128xf32, #tpu.memory_space<hbm>> -> memref<1x80x128xf32, #tpu.memory_space<hbm>>
    %dma_start3A_142 = tpu.memref_squeeze %dma_start3A_141 : memref<1x80x128xf32, #tpu.memory_space<hbm>> -> memref<80x128xf32, #tpu.memory_space<hbm>>
    %dma_start3A_143 = arith.constant 0 : i32
    %dma_start3A_144 = tpu.memref_slice %arg8[%arg0, %mul3A_0, %dma_start3A_143] : memref<2x1280x128xf32, #tpu.memory_space<hbm>> -> memref<1x80x128xf32, #tpu.memory_space<hbm>>
    %dma_start3A_145 = tpu.memref_squeeze %dma_start3A_144 : memref<1x80x128xf32, #tpu.memory_space<hbm>> -> memref<80x128xf32, #tpu.memory_space<hbm>>
    tpu.enqueue_dma source(%arg11 : memref<80x128xf32, #tpu.memory_space<vmem>>) target(%dma_start3A_145 : memref<80x128xf32, #tpu.memory_space<hbm>>) target_semaphore(%arg42 : memref<!tpu.dma_semaphore, #tpu.memory_space<semaphore_mem>>)
    %dma_wait3A_146 = arith.constant 0 : i32
    %dma_wait3A_147 = tpu.memref_slice %arg8[%arg0, %mul3A_0, %dma_wait3A_146] : memref<2x1280x128xf32, #tpu.memory_space<hbm>> -> memref<1x80x128xf32, #tpu.memory_space<hbm>>
    %dma_wait3A_148 = tpu.memref_squeeze %dma_wait3A_147 : memref<1x80x128xf32, #tpu.memory_space<hbm>> -> memref<80x128xf32, #tpu.memory_space<hbm>>
    %dma_wait3A_149 = arith.constant 0 : i32
    %dma_wait3A_150 = tpu.memref_slice %arg8[%arg0, %mul3A_0, %dma_wait3A_149] : memref<2x1280x128xf32, #tpu.memory_space<hbm>> -> memref<1x80x128xf32, #tpu.memory_space<hbm>>
    %dma_wait3A_151 = tpu.memref_squeeze %dma_wait3A_150 : memref<1x80x128xf32, #tpu.memory_space<hbm>> -> memref<80x128xf32, #tpu.memory_space<hbm>>
    tpu.wait_dma2 semaphore(%arg42 : memref<!tpu.dma_semaphore, #tpu.memory_space<semaphore_mem>>) src(%arg11 : memref<80x128xf32, #tpu.memory_space<vmem>>) dst(%dma_wait3A_151 : memref<80x128xf32, #tpu.memory_space<hbm>>)
    return
  }
}

#map = affine_map<(d0, d1) -> (0, 0)>
#map1 = affine_map<(d0, d1) -> (0, 0, 0, 0)>
#map2 = affine_map<(d0, d1) -> (0, 0, 0)>
module attributes {stable_mosaic.version = 14 : i64} {
  func.func @k(%arg0: i32, %arg1: i32, %arg2: memref<1280x128xf32, #tpu.memory_space<hbm>>, %arg3: memref<2x16x80x128xi32, #tpu.memory_space<hbm>>, %arg4: memref<2x16x80x128xi32, #tpu.memory_space<hbm>>, %arg5: memref<128x16xf32, #tpu.memory_space<hbm>>, %arg6: memref<2x1280x128xf32, #tpu.memory_space<hbm>>, %arg7: memref<80x128xi32, #tpu.memory_space<vmem>>, %arg8: memref<80x128xi32, #tpu.memory_space<vmem>>, %arg9: memref<80x128xf32, #tpu.memory_space<vmem>>, %arg10: memref<640x16xf32, #tpu.memory_space<vmem>>, %arg11: memref<128x16xf32, #tpu.memory_space<vmem>>, %arg12: memref<128x16xf32, #tpu.memory_space<vmem>>, %arg13: memref<128x16xf32, #tpu.memory_space<vmem>>, %arg14: memref<128x16xf32, #tpu.memory_space<vmem>>, %arg15: memref<10240x16xf32, #tpu.memory_space<vmem_shared>>, %arg16: memref<10240x16xf32, #tpu.memory_space<vmem_shared>>, %arg17: memref<!tpu.dma_semaphore, #tpu.memory_space<semaphore_mem>>, %arg18: memref<!tpu.dma_semaphore, #tpu.memory_space<semaphore_mem>>, %arg19: memref<!tpu.dma_semaphore, #tpu.memory_space<semaphore_mem>>, %arg20: memref<!tpu.dma_semaphore, #tpu.memory_space<semaphore_mem>>, %arg21: memref<!tpu.dma_semaphore, #tpu.memory_space<semaphore_mem>>, %arg22: memref<!tpu.dma_semaphore, #tpu.memory_space<semaphore_mem>>, %arg23: memref<!tpu.dma_semaphore, #tpu.memory_space<semaphore_mem>>, %arg24: memref<!tpu.dma_semaphore, #tpu.memory_space<semaphore_mem>>, %arg25: memref<!tpu.dma_semaphore, #tpu.memory_space<semaphore_mem>>, %arg26: memref<!tpu.dma_semaphore, #tpu.memory_space<semaphore_mem>>) attributes {dimension_semantics = [#tpu.dimension_semantics<core_parallel>, #tpu.dimension_semantics<subcore_parallel>], iteration_bounds = array<i64: 2, 16>, scalar_prefetch = 0 : i64, scratch_operands = 20 : i64, tpu.core_type = #tpu.core_type<sc_vector_subcore>, window_params = [{transform_indices = #map}, {transform_indices = #map1}, {transform_indices = #map1}, {transform_indices = #map}, {transform_indices = #map2}]} {
    %mul3A = arith.constant 80 : i32
    %mul3A_0 = arith.muli %arg1, %mul3A : i32
    %mul3A_1 = arith.constant 640 : i32
    %mul3A_2 = arith.muli %arg1, %mul3A_1 : i32
    %dma_start3A = arith.constant 0 : i32
    %dma_start3A_3 = arith.constant 0 : i32
    %dma_start3A_4 = tpu.memref_slice %arg3[%arg0, %arg1, %dma_start3A, %dma_start3A_3] : memref<2x16x80x128xi32, #tpu.memory_space<hbm>> -> memref<1x1x80x128xi32, #tpu.memory_space<hbm>>
    %dma_start3A_5 = tpu.memref_squeeze %dma_start3A_4 : memref<1x1x80x128xi32, #tpu.memory_space<hbm>> -> memref<80x128xi32, #tpu.memory_space<hbm>>
    %dma_start3A_6 = arith.constant 0 : i32
    %dma_start3A_7 = arith.constant 0 : i32
    %dma_start3A_8 = tpu.memref_slice %arg3[%arg0, %arg1, %dma_start3A_6, %dma_start3A_7] : memref<2x16x80x128xi32, #tpu.memory_space<hbm>> -> memref<1x1x80x128xi32, #tpu.memory_space<hbm>>
    %dma_start3A_9 = tpu.memref_squeeze %dma_start3A_8 : memref<1x1x80x128xi32, #tpu.memory_space<hbm>> -> memref<80x128xi32, #tpu.memory_space<hbm>>
    tpu.enqueue_dma source(%dma_start3A_9 : memref<80x128xi32, #tpu.memory_space<hbm>>) target(%arg7 : memref<80x128xi32, #tpu.memory_space<vmem>>) target_semaphore(%arg25 : memref<!tpu.dma_semaphore, #tpu.memory_space<semaphore_mem>>)
    %dma_start3A_10 = arith.constant 0 : i32
    %dma_start3A_11 = arith.constant 0 : i32
    %dma_start3A_12 = tpu.memref_slice %arg4[%arg0, %arg1, %dma_start3A_10, %dma_start3A_11] : memref<2x16x80x128xi32, #tpu.memory_space<hbm>> -> memref<1x1x80x128xi32, #tpu.memory_space<hbm>>
    %dma_start3A_13 = tpu.memref_squeeze %dma_start3A_12 : memref<1x1x80x128xi32, #tpu.memory_space<hbm>> -> memref<80x128xi32, #tpu.memory_space<hbm>>
    %dma_start3A_14 = arith.constant 0 : i32
    %dma_start3A_15 = arith.constant 0 : i32
    %dma_start3A_16 = tpu.memref_slice %arg4[%arg0, %arg1, %dma_start3A_14, %dma_start3A_15] : memref<2x16x80x128xi32, #tpu.memory_space<hbm>> -> memref<1x1x80x128xi32, #tpu.memory_space<hbm>>
    %dma_start3A_17 = tpu.memref_squeeze %dma_start3A_16 : memref<1x1x80x128xi32, #tpu.memory_space<hbm>> -> memref<80x128xi32, #tpu.memory_space<hbm>>
    tpu.enqueue_dma source(%dma_start3A_17 : memref<80x128xi32, #tpu.memory_space<hbm>>) target(%arg8 : memref<80x128xi32, #tpu.memory_space<vmem>>) target_semaphore(%arg25 : memref<!tpu.dma_semaphore, #tpu.memory_space<semaphore_mem>>)
    %dma_start3A_18 = arith.constant 0 : i32
    %dma_start3A_19 = tpu.memref_slice %arg2[%mul3A_0, %dma_start3A_18] : memref<1280x128xf32, #tpu.memory_space<hbm>> -> memref<80x128xf32, #tpu.memory_space<hbm>>
    %dma_start3A_20 = arith.constant 0 : i32
    %dma_start3A_21 = tpu.memref_slice %arg2[%mul3A_0, %dma_start3A_20] : memref<1280x128xf32, #tpu.memory_space<hbm>> -> memref<80x128xf32, #tpu.memory_space<hbm>>
    tpu.enqueue_dma source(%dma_start3A_21 : memref<80x128xf32, #tpu.memory_space<hbm>>) target(%arg9 : memref<80x128xf32, #tpu.memory_space<vmem>>) target_semaphore(%arg26 : memref<!tpu.dma_semaphore, #tpu.memory_space<semaphore_mem>>)
    %dma_wait3A = arith.constant 0 : i32
    %dma_wait3A_22 = tpu.memref_slice %arg2[%mul3A_0, %dma_wait3A] : memref<1280x128xf32, #tpu.memory_space<hbm>> -> memref<80x128xf32, #tpu.memory_space<hbm>>
    %dma_wait3A_23 = arith.constant 0 : i32
    %dma_wait3A_24 = tpu.memref_slice %arg2[%mul3A_0, %dma_wait3A_23] : memref<1280x128xf32, #tpu.memory_space<hbm>> -> memref<80x128xf32, #tpu.memory_space<hbm>>
    tpu.wait_dma2 semaphore(%arg26 : memref<!tpu.dma_semaphore, #tpu.memory_space<semaphore_mem>>) src(%dma_wait3A_24 : memref<80x128xf32, #tpu.memory_space<hbm>>) dst(%arg9 : memref<80x128xf32, #tpu.memory_space<vmem>>)
    %scan3A = arith.constant 0 : i32
    %scan3A_25 = arith.constant 80 : i32
    %scan3A_26 = arith.addi %scan3A, %scan3A_25 : i32
    %scan3A_27 = arith.constant 1 : i32
    scf.for %scan3A_98 = %scan3A to %scan3A_26 step %scan3A_27  : i32 {
      %mul3A_99 = arith.constant 1 : i32
      %mul3A_100 = arith.muli %scan3A_98, %mul3A_99 : i32
      %add3A = arith.constant 0 : i32
      %add3A_101 = arith.addi %add3A, %mul3A_100 : i32
      %get3A = arith.index_cast %add3A_101 : i32 to index
      %get3A_102 = arith.constant 0 : index
      %get3A_103 = tpu.vector_load %arg9[%get3A, %get3A_102] {strides = array<i32>} : memref<80x128xf32, #tpu.memory_space<vmem>>, vector<1x16xf32>,
      %get3A_104 = vector.shape_cast %get3A_103 : vector<1x16xf32> to vector<16xf32>
      %mul3A_105 = arith.constant 8 : i32
      %mul3A_106 = arith.muli %add3A_101, %mul3A_105 : i32
      %add3A_107 = arith.constant 0 : i32
      %add3A_108 = arith.addi %mul3A_106, %add3A_107 : i32
      %swap3A = arith.index_cast %add3A_108 : i32 to index
      %swap3A_109 = arith.constant 0 : index
      %swap3A_110 = tpu.vector_load %arg10[%swap3A, %swap3A_109] {strides = array<i32>} : memref<640x16xf32, #tpu.memory_space<vmem>>, vector<1x16xf32>,
      %swap3A_111 = vector.shape_cast %swap3A_110 : vector<1x16xf32> to vector<16xf32>
      %swap3A_112 = vector.shape_cast %get3A_104 : vector<16xf32> to vector<1x16xf32>
      tpu.vector_store %arg10[%swap3A, %swap3A_109], %swap3A_112 {strides = array<i32>} : memref<640x16xf32, #tpu.memory_space<vmem>>, vector<1x16xf32>,
      %get3A_113 = arith.index_cast %add3A_101 : i32 to index
      %get3A_114 = arith.constant 16 : index
      %get3A_115 = tpu.vector_load %arg9[%get3A_113, %get3A_114] {strides = array<i32>} : memref<80x128xf32, #tpu.memory_space<vmem>>, vector<1x16xf32>,
      %get3A_116 = vector.shape_cast %get3A_115 : vector<1x16xf32> to vector<16xf32>
      %mul3A_117 = arith.constant 8 : i32
      %mul3A_118 = arith.muli %add3A_101, %mul3A_117 : i32
      %add3A_119 = arith.constant 1 : i32
      %add3A_120 = arith.addi %mul3A_118, %add3A_119 : i32
      %swap3A_121 = arith.index_cast %add3A_120 : i32 to index
      %swap3A_122 = arith.constant 0 : index
      %swap3A_123 = tpu.vector_load %arg10[%swap3A_121, %swap3A_122] {strides = array<i32>} : memref<640x16xf32, #tpu.memory_space<vmem>>, vector<1x16xf32>,
      %swap3A_124 = vector.shape_cast %swap3A_123 : vector<1x16xf32> to vector<16xf32>
      %swap3A_125 = vector.shape_cast %get3A_116 : vector<16xf32> to vector<1x16xf32>
      tpu.vector_store %arg10[%swap3A_121, %swap3A_122], %swap3A_125 {strides = array<i32>} : memref<640x16xf32, #tpu.memory_space<vmem>>, vector<1x16xf32>,
      %get3A_126 = arith.index_cast %add3A_101 : i32 to index
      %get3A_127 = arith.constant 32 : index
      %get3A_128 = tpu.vector_load %arg9[%get3A_126, %get3A_127] {strides = array<i32>} : memref<80x128xf32, #tpu.memory_space<vmem>>, vector<1x16xf32>,
      %get3A_129 = vector.shape_cast %get3A_128 : vector<1x16xf32> to vector<16xf32>
      %mul3A_130 = arith.constant 8 : i32
      %mul3A_131 = arith.muli %add3A_101, %mul3A_130 : i32
      %add3A_132 = arith.constant 2 : i32
      %add3A_133 = arith.addi %mul3A_131, %add3A_132 : i32
      %swap3A_134 = arith.index_cast %add3A_133 : i32 to index
      %swap3A_135 = arith.constant 0 : index
      %swap3A_136 = tpu.vector_load %arg10[%swap3A_134, %swap3A_135] {strides = array<i32>} : memref<640x16xf32, #tpu.memory_space<vmem>>, vector<1x16xf32>,
      %swap3A_137 = vector.shape_cast %swap3A_136 : vector<1x16xf32> to vector<16xf32>
      %swap3A_138 = vector.shape_cast %get3A_129 : vector<16xf32> to vector<1x16xf32>
      tpu.vector_store %arg10[%swap3A_134, %swap3A_135], %swap3A_138 {strides = array<i32>} : memref<640x16xf32, #tpu.memory_space<vmem>>, vector<1x16xf32>,
      %get3A_139 = arith.index_cast %add3A_101 : i32 to index
      %get3A_140 = arith.constant 48 : index
      %get3A_141 = tpu.vector_load %arg9[%get3A_139, %get3A_140] {strides = array<i32>} : memref<80x128xf32, #tpu.memory_space<vmem>>, vector<1x16xf32>,
      %get3A_142 = vector.shape_cast %get3A_141 : vector<1x16xf32> to vector<16xf32>
      %mul3A_143 = arith.constant 8 : i32
      %mul3A_144 = arith.muli %add3A_101, %mul3A_143 : i32
      %add3A_145 = arith.constant 3 : i32
      %add3A_146 = arith.addi %mul3A_144, %add3A_145 : i32
      %swap3A_147 = arith.index_cast %add3A_146 : i32 to index
      %swap3A_148 = arith.constant 0 : index
      %swap3A_149 = tpu.vector_load %arg10[%swap3A_147, %swap3A_148] {strides = array<i32>} : memref<640x16xf32, #tpu.memory_space<vmem>>, vector<1x16xf32>,
      %swap3A_150 = vector.shape_cast %swap3A_149 : vector<1x16xf32> to vector<16xf32>
      %swap3A_151 = vector.shape_cast %get3A_142 : vector<16xf32> to vector<1x16xf32>
      tpu.vector_store %arg10[%swap3A_147, %swap3A_148], %swap3A_151 {strides = array<i32>} : memref<640x16xf32, #tpu.memory_space<vmem>>, vector<1x16xf32>,
      %get3A_152 = arith.index_cast %add3A_101 : i32 to index
      %get3A_153 = arith.constant 64 : index
      %get3A_154 = tpu.vector_load %arg9[%get3A_152, %get3A_153] {strides = array<i32>} : memref<80x128xf32, #tpu.memory_space<vmem>>, vector<1x16xf32>,
      %get3A_155 = vector.shape_cast %get3A_154 : vector<1x16xf32> to vector<16xf32>
      %mul3A_156 = arith.constant 8 : i32
      %mul3A_157 = arith.muli %add3A_101, %mul3A_156 : i32
      %add3A_158 = arith.constant 4 : i32
      %add3A_159 = arith.addi %mul3A_157, %add3A_158 : i32
      %swap3A_160 = arith.index_cast %add3A_159 : i32 to index
      %swap3A_161 = arith.constant 0 : index
      %swap3A_162 = tpu.vector_load %arg10[%swap3A_160, %swap3A_161] {strides = array<i32>} : memref<640x16xf32, #tpu.memory_space<vmem>>, vector<1x16xf32>,
      %swap3A_163 = vector.shape_cast %swap3A_162 : vector<1x16xf32> to vector<16xf32>
      %swap3A_164 = vector.shape_cast %get3A_155 : vector<16xf32> to vector<1x16xf32>
      tpu.vector_store %arg10[%swap3A_160, %swap3A_161], %swap3A_164 {strides = array<i32>} : memref<640x16xf32, #tpu.memory_space<vmem>>, vector<1x16xf32>,
      %get3A_165 = arith.index_cast %add3A_101 : i32 to index
      %get3A_166 = arith.constant 80 : index
      %get3A_167 = tpu.vector_load %arg9[%get3A_165, %get3A_166] {strides = array<i32>} : memref<80x128xf32, #tpu.memory_space<vmem>>, vector<1x16xf32>,
      %get3A_168 = vector.shape_cast %get3A_167 : vector<1x16xf32> to vector<16xf32>
      %mul3A_169 = arith.constant 8 : i32
      %mul3A_170 = arith.muli %add3A_101, %mul3A_169 : i32
      %add3A_171 = arith.constant 5 : i32
      %add3A_172 = arith.addi %mul3A_170, %add3A_171 : i32
      %swap3A_173 = arith.index_cast %add3A_172 : i32 to index
      %swap3A_174 = arith.constant 0 : index
      %swap3A_175 = tpu.vector_load %arg10[%swap3A_173, %swap3A_174] {strides = array<i32>} : memref<640x16xf32, #tpu.memory_space<vmem>>, vector<1x16xf32>,
      %swap3A_176 = vector.shape_cast %swap3A_175 : vector<1x16xf32> to vector<16xf32>
      %swap3A_177 = vector.shape_cast %get3A_168 : vector<16xf32> to vector<1x16xf32>
      tpu.vector_store %arg10[%swap3A_173, %swap3A_174], %swap3A_177 {strides = array<i32>} : memref<640x16xf32, #tpu.memory_space<vmem>>, vector<1x16xf32>,
      %get3A_178 = arith.index_cast %add3A_101 : i32 to index
      %get3A_179 = arith.constant 96 : index
      %get3A_180 = tpu.vector_load %arg9[%get3A_178, %get3A_179] {strides = array<i32>} : memref<80x128xf32, #tpu.memory_space<vmem>>, vector<1x16xf32>,
      %get3A_181 = vector.shape_cast %get3A_180 : vector<1x16xf32> to vector<16xf32>
      %mul3A_182 = arith.constant 8 : i32
      %mul3A_183 = arith.muli %add3A_101, %mul3A_182 : i32
      %add3A_184 = arith.constant 6 : i32
      %add3A_185 = arith.addi %mul3A_183, %add3A_184 : i32
      %swap3A_186 = arith.index_cast %add3A_185 : i32 to index
      %swap3A_187 = arith.constant 0 : index
      %swap3A_188 = tpu.vector_load %arg10[%swap3A_186, %swap3A_187] {strides = array<i32>} : memref<640x16xf32, #tpu.memory_space<vmem>>, vector<1x16xf32>,
      %swap3A_189 = vector.shape_cast %swap3A_188 : vector<1x16xf32> to vector<16xf32>
      %swap3A_190 = vector.shape_cast %get3A_181 : vector<16xf32> to vector<1x16xf32>
      tpu.vector_store %arg10[%swap3A_186, %swap3A_187], %swap3A_190 {strides = array<i32>} : memref<640x16xf32, #tpu.memory_space<vmem>>, vector<1x16xf32>,
      %get3A_191 = arith.index_cast %add3A_101 : i32 to index
      %get3A_192 = arith.constant 112 : index
      %get3A_193 = tpu.vector_load %arg9[%get3A_191, %get3A_192] {strides = array<i32>} : memref<80x128xf32, #tpu.memory_space<vmem>>, vector<1x16xf32>,
      %get3A_194 = vector.shape_cast %get3A_193 : vector<1x16xf32> to vector<16xf32>
      %mul3A_195 = arith.constant 8 : i32
      %mul3A_196 = arith.muli %add3A_101, %mul3A_195 : i32
      %add3A_197 = arith.constant 7 : i32
      %add3A_198 = arith.addi %mul3A_196, %add3A_197 : i32
      %swap3A_199 = arith.index_cast %add3A_198 : i32 to index
      %swap3A_200 = arith.constant 0 : index
      %swap3A_201 = tpu.vector_load %arg10[%swap3A_199, %swap3A_200] {strides = array<i32>} : memref<640x16xf32, #tpu.memory_space<vmem>>, vector<1x16xf32>,
      %swap3A_202 = vector.shape_cast %swap3A_201 : vector<1x16xf32> to vector<16xf32>
      %swap3A_203 = vector.shape_cast %get3A_194 : vector<16xf32> to vector<1x16xf32>
      tpu.vector_store %arg10[%swap3A_199, %swap3A_200], %swap3A_203 {strides = array<i32>} : memref<640x16xf32, #tpu.memory_space<vmem>>, vector<1x16xf32>,
    }
    %scan3A_28 = arith.constant 80 : i32
    %dma_start3A_29 = arith.constant 0 : i32
    %dma_start3A_30 = tpu.memref_slice %arg15[%mul3A_2, %dma_start3A_29] : memref<10240x16xf32, #tpu.memory_space<vmem_shared>> -> memref<640x16xf32, #tpu.memory_space<vmem_shared>>
    %dma_start3A_31 = arith.constant 0 : i32
    %dma_start3A_32 = tpu.memref_slice %arg15[%mul3A_2, %dma_start3A_31] : memref<10240x16xf32, #tpu.memory_space<vmem_shared>> -> memref<640x16xf32, #tpu.memory_space<vmem_shared>>
    tpu.enqueue_dma source(%arg10 : memref<640x16xf32, #tpu.memory_space<vmem>>) target(%dma_start3A_32 : memref<640x16xf32, #tpu.memory_space<vmem_shared>>) target_semaphore(%arg26 : memref<!tpu.dma_semaphore, #tpu.memory_space<semaphore_mem>>)
    %dma_wait3A_33 = arith.constant 0 : i32
    %dma_wait3A_34 = tpu.memref_slice %arg15[%mul3A_2, %dma_wait3A_33] : memref<10240x16xf32, #tpu.memory_space<vmem_shared>> -> memref<640x16xf32, #tpu.memory_space<vmem_shared>>
    %dma_wait3A_35 = arith.constant 0 : i32
    %dma_wait3A_36 = tpu.memref_slice %arg15[%mul3A_2, %dma_wait3A_35] : memref<10240x16xf32, #tpu.memory_space<vmem_shared>> -> memref<640x16xf32, #tpu.memory_space<vmem_shared>>
    tpu.wait_dma2 semaphore(%arg26 : memref<!tpu.dma_semaphore, #tpu.memory_space<semaphore_mem>>) src(%arg10 : memref<640x16xf32, #tpu.memory_space<vmem>>) dst(%dma_wait3A_36 : memref<640x16xf32, #tpu.memory_space<vmem_shared>>)
    %broadcast_in_dim3A = arith.constant 0.000000e+00 : f32
    %broadcast_in_dim3A_37 = vector.broadcast %broadcast_in_dim3A : f32 to vector<16xf32>
    %scan3A_38 = arith.constant 0 : i32
    %scan3A_39 = arith.constant 640 : i32
    %scan3A_40 = arith.addi %scan3A_38, %scan3A_39 : i32
    %scan3A_41 = arith.constant 1 : i32
    scf.for %scan3A_98 = %scan3A_38 to %scan3A_40 step %scan3A_41  : i32 {
      %mul3A_99 = arith.constant 1 : i32
      %mul3A_100 = arith.muli %scan3A_98, %mul3A_99 : i32
      %add3A = arith.constant 0 : i32
      %add3A_101 = arith.addi %add3A, %mul3A_100 : i32
      %swap3A = arith.index_cast %add3A_101 : i32 to index
      %swap3A_102 = arith.constant 0 : index
      %swap3A_103 = tpu.vector_load %arg10[%swap3A, %swap3A_102] {strides = array<i32>} : memref<640x16xf32, #tpu.memory_space<vmem>>, vector<1x16xf32>,
      %swap3A_104 = vector.shape_cast %swap3A_103 : vector<1x16xf32> to vector<16xf32>
      %swap3A_105 = vector.shape_cast %broadcast_in_dim3A_37 : vector<16xf32> to vector<1x16xf32>
      tpu.vector_store %arg10[%swap3A, %swap3A_102], %swap3A_105 {strides = array<i32>} : memref<640x16xf32, #tpu.memory_space<vmem>>, vector<1x16xf32>,
    }
    %scan3A_42 = arith.constant 640 : i32
    %dma_start3A_43 = arith.constant 0 : i32
    %dma_start3A_44 = tpu.memref_slice %arg16[%mul3A_2, %dma_start3A_43] : memref<10240x16xf32, #tpu.memory_space<vmem_shared>> -> memref<640x16xf32, #tpu.memory_space<vmem_shared>>
    %dma_start3A_45 = arith.constant 0 : i32
    %dma_start3A_46 = tpu.memref_slice %arg16[%mul3A_2, %dma_start3A_45] : memref<10240x16xf32, #tpu.memory_space<vmem_shared>> -> memref<640x16xf32, #tpu.memory_space<vmem_shared>>
    tpu.enqueue_dma source(%arg10 : memref<640x16xf32, #tpu.memory_space<vmem>>) target(%dma_start3A_46 : memref<640x16xf32, #tpu.memory_space<vmem_shared>>) target_semaphore(%arg26 : memref<!tpu.dma_semaphore, #tpu.memory_space<semaphore_mem>>)
    %dma_wait3A_47 = arith.constant 0 : i32
    %dma_wait3A_48 = tpu.memref_slice %arg16[%mul3A_2, %dma_wait3A_47] : memref<10240x16xf32, #tpu.memory_space<vmem_shared>> -> memref<640x16xf32, #tpu.memory_space<vmem_shared>>
    %dma_wait3A_49 = arith.constant 0 : i32
    %dma_wait3A_50 = tpu.memref_slice %arg16[%mul3A_2, %dma_wait3A_49] : memref<10240x16xf32, #tpu.memory_space<vmem_shared>> -> memref<640x16xf32, #tpu.memory_space<vmem_shared>>
    tpu.wait_dma2 semaphore(%arg26 : memref<!tpu.dma_semaphore, #tpu.memory_space<semaphore_mem>>) src(%arg10 : memref<640x16xf32, #tpu.memory_space<vmem>>) dst(%dma_wait3A_50 : memref<640x16xf32, #tpu.memory_space<vmem_shared>>)
    %dma_wait3A_51 = arith.constant 0 : i32
    %dma_wait3A_52 = arith.constant 0 : i32
    %dma_wait3A_53 = tpu.memref_slice %arg3[%arg0, %arg1, %dma_wait3A_51, %dma_wait3A_52] : memref<2x16x80x128xi32, #tpu.memory_space<hbm>> -> memref<1x1x80x128xi32, #tpu.memory_space<hbm>>
    %dma_wait3A_54 = tpu.memref_squeeze %dma_wait3A_53 : memref<1x1x80x128xi32, #tpu.memory_space<hbm>> -> memref<80x128xi32, #tpu.memory_space<hbm>>
    %dma_wait3A_55 = arith.constant 0 : i32
    %dma_wait3A_56 = arith.constant 0 : i32
    %dma_wait3A_57 = tpu.memref_slice %arg3[%arg0, %arg1, %dma_wait3A_55, %dma_wait3A_56] : memref<2x16x80x128xi32, #tpu.memory_space<hbm>> -> memref<1x1x80x128xi32, #tpu.memory_space<hbm>>
    %dma_wait3A_58 = tpu.memref_squeeze %dma_wait3A_57 : memref<1x1x80x128xi32, #tpu.memory_space<hbm>> -> memref<80x128xi32, #tpu.memory_space<hbm>>
    tpu.wait_dma2 semaphore(%arg25 : memref<!tpu.dma_semaphore, #tpu.memory_space<semaphore_mem>>) src(%dma_wait3A_58 : memref<80x128xi32, #tpu.memory_space<hbm>>) dst(%arg7 : memref<80x128xi32, #tpu.memory_space<vmem>>)
    %dma_wait3A_59 = arith.constant 0 : i32
    %dma_wait3A_60 = arith.constant 0 : i32
    %dma_wait3A_61 = tpu.memref_slice %arg4[%arg0, %arg1, %dma_wait3A_59, %dma_wait3A_60] : memref<2x16x80x128xi32, #tpu.memory_space<hbm>> -> memref<1x1x80x128xi32, #tpu.memory_space<hbm>>
    %dma_wait3A_62 = tpu.memref_squeeze %dma_wait3A_61 : memref<1x1x80x128xi32, #tpu.memory_space<hbm>> -> memref<80x128xi32, #tpu.memory_space<hbm>>
    %dma_wait3A_63 = arith.constant 0 : i32
    %dma_wait3A_64 = arith.constant 0 : i32
    %dma_wait3A_65 = tpu.memref_slice %arg4[%arg0, %arg1, %dma_wait3A_63, %dma_wait3A_64] : memref<2x16x80x128xi32, #tpu.memory_space<hbm>> -> memref<1x1x80x128xi32, #tpu.memory_space<hbm>>
    %dma_wait3A_66 = tpu.memref_squeeze %dma_wait3A_65 : memref<1x1x80x128xi32, #tpu.memory_space<hbm>> -> memref<80x128xi32, #tpu.memory_space<hbm>>
    tpu.wait_dma2 semaphore(%arg25 : memref<!tpu.dma_semaphore, #tpu.memory_space<semaphore_mem>>) src(%dma_wait3A_66 : memref<80x128xi32, #tpu.memory_space<hbm>>) dst(%arg8 : memref<80x128xi32, #tpu.memory_space<vmem>>)
    %barrier3A = arith.constant 0 : index
    tpu.barrier barrier_id(%barrier3A)
    %scan3A_67 = arith.constant 0 : i32
    %scan3A_68 = arith.constant 20 : i32
    %scan3A_69 = arith.addi %scan3A_67, %scan3A_68 : i32
    %scan3A_70 = arith.constant 1 : i32
    scf.for %scan3A_98 = %scan3A_67 to %scan3A_69 step %scan3A_70  : i32 {
      %mul3A_99 = arith.constant 4 : i32
      %mul3A_100 = arith.muli %scan3A_98, %mul3A_99 : i32
      %add3A = arith.constant 0 : i32
      %add3A_101 = arith.addi %add3A, %mul3A_100 : i32
      %add3A_102 = arith.constant 0 : i32
      %add3A_103 = arith.addi %add3A_101, %add3A_102 : i32
      %dma_start3A_104 = arith.constant 0 : i32
      %dma_start3A_105 = tpu.memref_slice %arg7[%add3A_103, %dma_start3A_104] : memref<80x128xi32, #tpu.memory_space<vmem>> -> memref<1x128xi32, #tpu.memory_space<vmem>>
      %dma_start3A_106 = tpu.memref_squeeze %dma_start3A_105 : memref<1x128xi32, #tpu.memory_space<vmem>> -> memref<128xi32, #tpu.memory_space<vmem>>
      %dma_start3A_107 = arith.constant 0 : i32
      %dma_start3A_108 = arith.constant 0 : i32
      %dma_start3A_109 = tpu.memref_slice %arg15[%dma_start3A_107, %dma_start3A_108] : memref<10240x16xf32, #tpu.memory_space<vmem_shared>> -> memref<10240x16xf32, #tpu.memory_space<vmem_shared>>
      tpu.enqueue_indirect_dma source(%dma_start3A_109 : memref<10240x16xf32, #tpu.memory_space<vmem_shared>>) target(%arg11 : memref<128x16xf32, #tpu.memory_space<vmem>>) offsets(%dma_start3A_106 : memref<128xi32, #tpu.memory_space<vmem>>) semaphore(%arg17 : memref<!tpu.dma_semaphore, #tpu.memory_space<semaphore_mem>>)
      %add3A_110 = arith.constant 1 : i32
      %add3A_111 = arith.addi %add3A_101, %add3A_110 : i32
      %dma_start3A_112 = arith.constant 0 : i32
      %dma_start3A_113 = tpu.memref_slice %arg7[%add3A_111, %dma_start3A_112] : memref<80x128xi32, #tpu.memory_space<vmem>> -> memref<1x128xi32, #tpu.memory_space<vmem>>
      %dma_start3A_114 = tpu.memref_squeeze %dma_start3A_113 : memref<1x128xi32, #tpu.memory_space<vmem>> -> memref<128xi32, #tpu.memory_space<vmem>>
      %dma_start3A_115 = arith.constant 0 : i32
      %dma_start3A_116 = arith.constant 0 : i32
      %dma_start3A_117 = tpu.memref_slice %arg15[%dma_start3A_115, %dma_start3A_116] : memref<10240x16xf32, #tpu.memory_space<vmem_shared>> -> memref<10240x16xf32, #tpu.memory_space<vmem_shared>>
      tpu.enqueue_indirect_dma source(%dma_start3A_117 : memref<10240x16xf32, #tpu.memory_space<vmem_shared>>) target(%arg12 : memref<128x16xf32, #tpu.memory_space<vmem>>) offsets(%dma_start3A_114 : memref<128xi32, #tpu.memory_space<vmem>>) semaphore(%arg18 : memref<!tpu.dma_semaphore, #tpu.memory_space<semaphore_mem>>)
      %add3A_118 = arith.constant 2 : i32
      %add3A_119 = arith.addi %add3A_101, %add3A_118 : i32
      %dma_start3A_120 = arith.constant 0 : i32
      %dma_start3A_121 = tpu.memref_slice %arg7[%add3A_119, %dma_start3A_120] : memref<80x128xi32, #tpu.memory_space<vmem>> -> memref<1x128xi32, #tpu.memory_space<vmem>>
      %dma_start3A_122 = tpu.memref_squeeze %dma_start3A_121 : memref<1x128xi32, #tpu.memory_space<vmem>> -> memref<128xi32, #tpu.memory_space<vmem>>
      %dma_start3A_123 = arith.constant 0 : i32
      %dma_start3A_124 = arith.constant 0 : i32
      %dma_start3A_125 = tpu.memref_slice %arg15[%dma_start3A_123, %dma_start3A_124] : memref<10240x16xf32, #tpu.memory_space<vmem_shared>> -> memref<10240x16xf32, #tpu.memory_space<vmem_shared>>
      tpu.enqueue_indirect_dma source(%dma_start3A_125 : memref<10240x16xf32, #tpu.memory_space<vmem_shared>>) target(%arg13 : memref<128x16xf32, #tpu.memory_space<vmem>>) offsets(%dma_start3A_122 : memref<128xi32, #tpu.memory_space<vmem>>) semaphore(%arg19 : memref<!tpu.dma_semaphore, #tpu.memory_space<semaphore_mem>>)
      %add3A_126 = arith.constant 3 : i32
      %add3A_127 = arith.addi %add3A_101, %add3A_126 : i32
      %dma_start3A_128 = arith.constant 0 : i32
      %dma_start3A_129 = tpu.memref_slice %arg7[%add3A_127, %dma_start3A_128] : memref<80x128xi32, #tpu.memory_space<vmem>> -> memref<1x128xi32, #tpu.memory_space<vmem>>
      %dma_start3A_130 = tpu.memref_squeeze %dma_start3A_129 : memref<1x128xi32, #tpu.memory_space<vmem>> -> memref<128xi32, #tpu.memory_space<vmem>>
      %dma_start3A_131 = arith.constant 0 : i32
      %dma_start3A_132 = arith.constant 0 : i32
      %dma_start3A_133 = tpu.memref_slice %arg15[%dma_start3A_131, %dma_start3A_132] : memref<10240x16xf32, #tpu.memory_space<vmem_shared>> -> memref<10240x16xf32, #tpu.memory_space<vmem_shared>>
      tpu.enqueue_indirect_dma source(%dma_start3A_133 : memref<10240x16xf32, #tpu.memory_space<vmem_shared>>) target(%arg14 : memref<128x16xf32, #tpu.memory_space<vmem>>) offsets(%dma_start3A_130 : memref<128xi32, #tpu.memory_space<vmem>>) semaphore(%arg20 : memref<!tpu.dma_semaphore, #tpu.memory_space<semaphore_mem>>)
      %dma_wait3A_134 = arith.constant 0 : i32
      %dma_wait3A_135 = tpu.memref_slice %arg7[%add3A_103, %dma_wait3A_134] : memref<80x128xi32, #tpu.memory_space<vmem>> -> memref<1x128xi32, #tpu.memory_space<vmem>>
      %dma_wait3A_136 = tpu.memref_squeeze %dma_wait3A_135 : memref<1x128xi32, #tpu.memory_space<vmem>> -> memref<128xi32, #tpu.memory_space<vmem>>
      %dma_wait3A_137 = arith.constant 0 : i32
      %dma_wait3A_138 = arith.constant 0 : i32
      %dma_wait3A_139 = tpu.memref_slice %arg15[%dma_wait3A_137, %dma_wait3A_138] : memref<10240x16xf32, #tpu.memory_space<vmem_shared>> -> memref<10240x16xf32, #tpu.memory_space<vmem_shared>>
      tpu.wait_indirect_dma semaphore(%arg17 : memref<!tpu.dma_semaphore, #tpu.memory_space<semaphore_mem>>) src(%dma_wait3A_139 : memref<10240x16xf32, #tpu.memory_space<vmem_shared>>) dst(%arg11 : memref<128x16xf32, #tpu.memory_space<vmem>>)
      %add3A_140 = arith.constant 0 : i32
      %add3A_141 = arith.addi %add3A_101, %add3A_140 : i32
      %dma_start3A_142 = arith.constant 0 : i32
      %dma_start3A_143 = tpu.memref_slice %arg8[%add3A_141, %dma_start3A_142] : memref<80x128xi32, #tpu.memory_space<vmem>> -> memref<1x128xi32, #tpu.memory_space<vmem>>
      %dma_start3A_144 = tpu.memref_squeeze %dma_start3A_143 : memref<1x128xi32, #tpu.memory_space<vmem>> -> memref<128xi32, #tpu.memory_space<vmem>>
      %dma_start3A_145 = arith.constant 0 : i32
      %dma_start3A_146 = arith.constant 0 : i32
      %dma_start3A_147 = tpu.memref_slice %arg16[%dma_start3A_145, %dma_start3A_146] : memref<10240x16xf32, #tpu.memory_space<vmem_shared>> -> memref<10240x16xf32, #tpu.memory_space<vmem_shared>>
      tpu.enqueue_indirect_dma source(%arg11 : memref<128x16xf32, #tpu.memory_space<vmem>>) target(%dma_start3A_147 : memref<10240x16xf32, #tpu.memory_space<vmem_shared>>) offsets(%dma_start3A_144 : memref<128xi32, #tpu.memory_space<vmem>>) semaphore(%arg21 : memref<!tpu.dma_semaphore, #tpu.memory_space<semaphore_mem>>) {add = true}
      %dma_wait3A_148 = arith.constant 0 : i32
      %dma_wait3A_149 = tpu.memref_slice %arg7[%add3A_111, %dma_wait3A_148] : memref<80x128xi32, #tpu.memory_space<vmem>> -> memref<1x128xi32, #tpu.memory_space<vmem>>
      %dma_wait3A_150 = tpu.memref_squeeze %dma_wait3A_149 : memref<1x128xi32, #tpu.memory_space<vmem>> -> memref<128xi32, #tpu.memory_space<vmem>>
      %dma_wait3A_151 = arith.constant 0 : i32
      %dma_wait3A_152 = arith.constant 0 : i32
      %dma_wait3A_153 = tpu.memref_slice %arg15[%dma_wait3A_151, %dma_wait3A_152] : memref<10240x16xf32, #tpu.memory_space<vmem_shared>> -> memref<10240x16xf32, #tpu.memory_space<vmem_shared>>
      tpu.wait_indirect_dma semaphore(%arg18 : memref<!tpu.dma_semaphore, #tpu.memory_space<semaphore_mem>>) src(%dma_wait3A_153 : memref<10240x16xf32, #tpu.memory_space<vmem_shared>>) dst(%arg12 : memref<128x16xf32, #tpu.memory_space<vmem>>)
      %add3A_154 = arith.constant 1 : i32
      %add3A_155 = arith.addi %add3A_101, %add3A_154 : i32
      %dma_start3A_156 = arith.constant 0 : i32
      %dma_start3A_157 = tpu.memref_slice %arg8[%add3A_155, %dma_start3A_156] : memref<80x128xi32, #tpu.memory_space<vmem>> -> memref<1x128xi32, #tpu.memory_space<vmem>>
      %dma_start3A_158 = tpu.memref_squeeze %dma_start3A_157 : memref<1x128xi32, #tpu.memory_space<vmem>> -> memref<128xi32, #tpu.memory_space<vmem>>
      %dma_start3A_159 = arith.constant 0 : i32
      %dma_start3A_160 = arith.constant 0 : i32
      %dma_start3A_161 = tpu.memref_slice %arg16[%dma_start3A_159, %dma_start3A_160] : memref<10240x16xf32, #tpu.memory_space<vmem_shared>> -> memref<10240x16xf32, #tpu.memory_space<vmem_shared>>
      tpu.enqueue_indirect_dma source(%arg12 : memref<128x16xf32, #tpu.memory_space<vmem>>) target(%dma_start3A_161 : memref<10240x16xf32, #tpu.memory_space<vmem_shared>>) offsets(%dma_start3A_158 : memref<128xi32, #tpu.memory_space<vmem>>) semaphore(%arg22 : memref<!tpu.dma_semaphore, #tpu.memory_space<semaphore_mem>>) {add = true}
      %dma_wait3A_162 = arith.constant 0 : i32
      %dma_wait3A_163 = tpu.memref_slice %arg7[%add3A_119, %dma_wait3A_162] : memref<80x128xi32, #tpu.memory_space<vmem>> -> memref<1x128xi32, #tpu.memory_space<vmem>>
      %dma_wait3A_164 = tpu.memref_squeeze %dma_wait3A_163 : memref<1x128xi32, #tpu.memory_space<vmem>> -> memref<128xi32, #tpu.memory_space<vmem>>
      %dma_wait3A_165 = arith.constant 0 : i32
      %dma_wait3A_166 = arith.constant 0 : i32
      %dma_wait3A_167 = tpu.memref_slice %arg15[%dma_wait3A_165, %dma_wait3A_166] : memref<10240x16xf32, #tpu.memory_space<vmem_shared>> -> memref<10240x16xf32, #tpu.memory_space<vmem_shared>>
      tpu.wait_indirect_dma semaphore(%arg19 : memref<!tpu.dma_semaphore, #tpu.memory_space<semaphore_mem>>) src(%dma_wait3A_167 : memref<10240x16xf32, #tpu.memory_space<vmem_shared>>) dst(%arg13 : memref<128x16xf32, #tpu.memory_space<vmem>>)
      %add3A_168 = arith.constant 2 : i32
      %add3A_169 = arith.addi %add3A_101, %add3A_168 : i32
      %dma_start3A_170 = arith.constant 0 : i32
      %dma_start3A_171 = tpu.memref_slice %arg8[%add3A_169, %dma_start3A_170] : memref<80x128xi32, #tpu.memory_space<vmem>> -> memref<1x128xi32, #tpu.memory_space<vmem>>
      %dma_start3A_172 = tpu.memref_squeeze %dma_start3A_171 : memref<1x128xi32, #tpu.memory_space<vmem>> -> memref<128xi32, #tpu.memory_space<vmem>>
      %dma_start3A_173 = arith.constant 0 : i32
      %dma_start3A_174 = arith.constant 0 : i32
      %dma_start3A_175 = tpu.memref_slice %arg16[%dma_start3A_173, %dma_start3A_174] : memref<10240x16xf32, #tpu.memory_space<vmem_shared>> -> memref<10240x16xf32, #tpu.memory_space<vmem_shared>>
      tpu.enqueue_indirect_dma source(%arg13 : memref<128x16xf32, #tpu.memory_space<vmem>>) target(%dma_start3A_175 : memref<10240x16xf32, #tpu.memory_space<vmem_shared>>) offsets(%dma_start3A_172 : memref<128xi32, #tpu.memory_space<vmem>>) semaphore(%arg23 : memref<!tpu.dma_semaphore, #tpu.memory_space<semaphore_mem>>) {add = true}
      %dma_wait3A_176 = arith.constant 0 : i32
      %dma_wait3A_177 = tpu.memref_slice %arg7[%add3A_127, %dma_wait3A_176] : memref<80x128xi32, #tpu.memory_space<vmem>> -> memref<1x128xi32, #tpu.memory_space<vmem>>
      %dma_wait3A_178 = tpu.memref_squeeze %dma_wait3A_177 : memref<1x128xi32, #tpu.memory_space<vmem>> -> memref<128xi32, #tpu.memory_space<vmem>>
      %dma_wait3A_179 = arith.constant 0 : i32
      %dma_wait3A_180 = arith.constant 0 : i32
      %dma_wait3A_181 = tpu.memref_slice %arg15[%dma_wait3A_179, %dma_wait3A_180] : memref<10240x16xf32, #tpu.memory_space<vmem_shared>> -> memref<10240x16xf32, #tpu.memory_space<vmem_shared>>
      tpu.wait_indirect_dma semaphore(%arg20 : memref<!tpu.dma_semaphore, #tpu.memory_space<semaphore_mem>>) src(%dma_wait3A_181 : memref<10240x16xf32, #tpu.memory_space<vmem_shared>>) dst(%arg14 : memref<128x16xf32, #tpu.memory_space<vmem>>)
      %add3A_182 = arith.constant 3 : i32
      %add3A_183 = arith.addi %add3A_101, %add3A_182 : i32
      %dma_start3A_184 = arith.constant 0 : i32
      %dma_start3A_185 = tpu.memref_slice %arg8[%add3A_183, %dma_start3A_184] : memref<80x128xi32, #tpu.memory_space<vmem>> -> memref<1x128xi32, #tpu.memory_space<vmem>>
      %dma_start3A_186 = tpu.memref_squeeze %dma_start3A_185 : memref<1x128xi32, #tpu.memory_space<vmem>> -> memref<128xi32, #tpu.memory_space<vmem>>
      %dma_start3A_187 = arith.constant 0 : i32
      %dma_start3A_188 = arith.constant 0 : i32
      %dma_start3A_189 = tpu.memref_slice %arg16[%dma_start3A_187, %dma_start3A_188] : memref<10240x16xf32, #tpu.memory_space<vmem_shared>> -> memref<10240x16xf32, #tpu.memory_space<vmem_shared>>
      tpu.enqueue_indirect_dma source(%arg14 : memref<128x16xf32, #tpu.memory_space<vmem>>) target(%dma_start3A_189 : memref<10240x16xf32, #tpu.memory_space<vmem_shared>>) offsets(%dma_start3A_186 : memref<128xi32, #tpu.memory_space<vmem>>) semaphore(%arg24 : memref<!tpu.dma_semaphore, #tpu.memory_space<semaphore_mem>>) {add = true}
      %dma_wait3A_190 = arith.constant 0 : i32
      %dma_wait3A_191 = tpu.memref_slice %arg8[%add3A_141, %dma_wait3A_190] : memref<80x128xi32, #tpu.memory_space<vmem>> -> memref<1x128xi32, #tpu.memory_space<vmem>>
      %dma_wait3A_192 = tpu.memref_squeeze %dma_wait3A_191 : memref<1x128xi32, #tpu.memory_space<vmem>> -> memref<128xi32, #tpu.memory_space<vmem>>
      %dma_wait3A_193 = arith.constant 0 : i32
      %dma_wait3A_194 = arith.constant 0 : i32
      %dma_wait3A_195 = tpu.memref_slice %arg16[%dma_wait3A_193, %dma_wait3A_194] : memref<10240x16xf32, #tpu.memory_space<vmem_shared>> -> memref<10240x16xf32, #tpu.memory_space<vmem_shared>>
      tpu.wait_indirect_dma semaphore(%arg21 : memref<!tpu.dma_semaphore, #tpu.memory_space<semaphore_mem>>) src(%arg11 : memref<128x16xf32, #tpu.memory_space<vmem>>) dst(%dma_wait3A_195 : memref<10240x16xf32, #tpu.memory_space<vmem_shared>>)
      %dma_wait3A_196 = arith.constant 0 : i32
      %dma_wait3A_197 = tpu.memref_slice %arg8[%add3A_155, %dma_wait3A_196] : memref<80x128xi32, #tpu.memory_space<vmem>> -> memref<1x128xi32, #tpu.memory_space<vmem>>
      %dma_wait3A_198 = tpu.memref_squeeze %dma_wait3A_197 : memref<1x128xi32, #tpu.memory_space<vmem>> -> memref<128xi32, #tpu.memory_space<vmem>>
      %dma_wait3A_199 = arith.constant 0 : i32
      %dma_wait3A_200 = arith.constant 0 : i32
      %dma_wait3A_201 = tpu.memref_slice %arg16[%dma_wait3A_199, %dma_wait3A_200] : memref<10240x16xf32, #tpu.memory_space<vmem_shared>> -> memref<10240x16xf32, #tpu.memory_space<vmem_shared>>
      tpu.wait_indirect_dma semaphore(%arg22 : memref<!tpu.dma_semaphore, #tpu.memory_space<semaphore_mem>>) src(%arg12 : memref<128x16xf32, #tpu.memory_space<vmem>>) dst(%dma_wait3A_201 : memref<10240x16xf32, #tpu.memory_space<vmem_shared>>)
      %dma_wait3A_202 = arith.constant 0 : i32
      %dma_wait3A_203 = tpu.memref_slice %arg8[%add3A_169, %dma_wait3A_202] : memref<80x128xi32, #tpu.memory_space<vmem>> -> memref<1x128xi32, #tpu.memory_space<vmem>>
      %dma_wait3A_204 = tpu.memref_squeeze %dma_wait3A_203 : memref<1x128xi32, #tpu.memory_space<vmem>> -> memref<128xi32, #tpu.memory_space<vmem>>
      %dma_wait3A_205 = arith.constant 0 : i32
      %dma_wait3A_206 = arith.constant 0 : i32
      %dma_wait3A_207 = tpu.memref_slice %arg16[%dma_wait3A_205, %dma_wait3A_206] : memref<10240x16xf32, #tpu.memory_space<vmem_shared>> -> memref<10240x16xf32, #tpu.memory_space<vmem_shared>>
      tpu.wait_indirect_dma semaphore(%arg23 : memref<!tpu.dma_semaphore, #tpu.memory_space<semaphore_mem>>) src(%arg13 : memref<128x16xf32, #tpu.memory_space<vmem>>) dst(%dma_wait3A_207 : memref<10240x16xf32, #tpu.memory_space<vmem_shared>>)
      %dma_wait3A_208 = arith.constant 0 : i32
      %dma_wait3A_209 = tpu.memref_slice %arg8[%add3A_183, %dma_wait3A_208] : memref<80x128xi32, #tpu.memory_space<vmem>> -> memref<1x128xi32, #tpu.memory_space<vmem>>
      %dma_wait3A_210 = tpu.memref_squeeze %dma_wait3A_209 : memref<1x128xi32, #tpu.memory_space<vmem>> -> memref<128xi32, #tpu.memory_space<vmem>>
      %dma_wait3A_211 = arith.constant 0 : i32
      %dma_wait3A_212 = arith.constant 0 : i32
      %dma_wait3A_213 = tpu.memref_slice %arg16[%dma_wait3A_211, %dma_wait3A_212] : memref<10240x16xf32, #tpu.memory_space<vmem_shared>> -> memref<10240x16xf32, #tpu.memory_space<vmem_shared>>
      tpu.wait_indirect_dma semaphore(%arg24 : memref<!tpu.dma_semaphore, #tpu.memory_space<semaphore_mem>>) src(%arg14 : memref<128x16xf32, #tpu.memory_space<vmem>>) dst(%dma_wait3A_213 : memref<10240x16xf32, #tpu.memory_space<vmem_shared>>)
    }
    %scan3A_71 = arith.constant 20 : i32
    %barrier3A_72 = arith.constant 0 : index
    tpu.barrier barrier_id(%barrier3A_72)
    %dma_start3A_73 = arith.constant 0 : i32
    %dma_start3A_74 = tpu.memref_slice %arg16[%mul3A_2, %dma_start3A_73] : memref<10240x16xf32, #tpu.memory_space<vmem_shared>> -> memref<640x16xf32, #tpu.memory_space<vmem_shared>>
    %dma_start3A_75 = arith.constant 0 : i32
    %dma_start3A_76 = tpu.memref_slice %arg16[%mul3A_2, %dma_start3A_75] : memref<10240x16xf32, #tpu.memory_space<vmem_shared>> -> memref<640x16xf32, #tpu.memory_space<vmem_shared>>
    tpu.enqueue_dma source(%dma_start3A_76 : memref<640x16xf32, #tpu.memory_space<vmem_shared>>) target(%arg10 : memref<640x16xf32, #tpu.memory_space<vmem>>) target_semaphore(%arg26 : memref<!tpu.dma_semaphore, #tpu.memory_space<semaphore_mem>>)
    %dma_wait3A_77 = arith.constant 0 : i32
    %dma_wait3A_78 = tpu.memref_slice %arg16[%mul3A_2, %dma_wait3A_77] : memref<10240x16xf32, #tpu.memory_space<vmem_shared>> -> memref<640x16xf32, #tpu.memory_space<vmem_shared>>
    %dma_wait3A_79 = arith.constant 0 : i32
    %dma_wait3A_80 = tpu.memref_slice %arg16[%mul3A_2, %dma_wait3A_79] : memref<10240x16xf32, #tpu.memory_space<vmem_shared>> -> memref<640x16xf32, #tpu.memory_space<vmem_shared>>
    tpu.wait_dma2 semaphore(%arg26 : memref<!tpu.dma_semaphore, #tpu.memory_space<semaphore_mem>>) src(%dma_wait3A_80 : memref<640x16xf32, #tpu.memory_space<vmem_shared>>) dst(%arg10 : memref<640x16xf32, #tpu.memory_space<vmem>>)
    %scan3A_81 = arith.constant 0 : i32
    %scan3A_82 = arith.constant 80 : i32
    %scan3A_83 = arith.addi %scan3A_81, %scan3A_82 : i32
    %scan3A_84 = arith.constant 1 : i32
    scf.for %scan3A_98 = %scan3A_81 to %scan3A_83 step %scan3A_84  : i32 {
      %mul3A_99 = arith.constant 1 : i32
      %mul3A_100 = arith.muli %scan3A_98, %mul3A_99 : i32
      %add3A = arith.constant 0 : i32
      %add3A_101 = arith.addi %add3A, %mul3A_100 : i32
      %mul3A_102 = arith.constant 8 : i32
      %mul3A_103 = arith.muli %add3A_101, %mul3A_102 : i32
      %add3A_104 = arith.constant 0 : i32
      %add3A_105 = arith.addi %mul3A_103, %add3A_104 : i32
      %get3A = arith.index_cast %add3A_105 : i32 to index
      %get3A_106 = arith.constant 0 : index
      %get3A_107 = tpu.vector_load %arg10[%get3A, %get3A_106] {strides = array<i32>} : memref<640x16xf32, #tpu.memory_space<vmem>>, vector<1x16xf32>,
      %get3A_108 = vector.shape_cast %get3A_107 : vector<1x16xf32> to vector<16xf32>
      %swap3A = arith.index_cast %add3A_101 : i32 to index
      %swap3A_109 = arith.constant 0 : index
      %swap3A_110 = tpu.vector_load %arg9[%swap3A, %swap3A_109] {strides = array<i32>} : memref<80x128xf32, #tpu.memory_space<vmem>>, vector<1x16xf32>,
      %swap3A_111 = vector.shape_cast %swap3A_110 : vector<1x16xf32> to vector<16xf32>
      %swap3A_112 = vector.shape_cast %get3A_108 : vector<16xf32> to vector<1x16xf32>
      tpu.vector_store %arg9[%swap3A, %swap3A_109], %swap3A_112 {strides = array<i32>} : memref<80x128xf32, #tpu.memory_space<vmem>>, vector<1x16xf32>,
      %mul3A_113 = arith.constant 8 : i32
      %mul3A_114 = arith.muli %add3A_101, %mul3A_113 : i32
      %add3A_115 = arith.constant 1 : i32
      %add3A_116 = arith.addi %mul3A_114, %add3A_115 : i32
      %get3A_117 = arith.index_cast %add3A_116 : i32 to index
      %get3A_118 = arith.constant 0 : index
      %get3A_119 = tpu.vector_load %arg10[%get3A_117, %get3A_118] {strides = array<i32>} : memref<640x16xf32, #tpu.memory_space<vmem>>, vector<1x16xf32>,
      %get3A_120 = vector.shape_cast %get3A_119 : vector<1x16xf32> to vector<16xf32>
      %swap3A_121 = arith.index_cast %add3A_101 : i32 to index
      %swap3A_122 = arith.constant 16 : index
      %swap3A_123 = tpu.vector_load %arg9[%swap3A_121, %swap3A_122] {strides = array<i32>} : memref<80x128xf32, #tpu.memory_space<vmem>>, vector<1x16xf32>,
      %swap3A_124 = vector.shape_cast %swap3A_123 : vector<1x16xf32> to vector<16xf32>
      %swap3A_125 = vector.shape_cast %get3A_120 : vector<16xf32> to vector<1x16xf32>
      tpu.vector_store %arg9[%swap3A_121, %swap3A_122], %swap3A_125 {strides = array<i32>} : memref<80x128xf32, #tpu.memory_space<vmem>>, vector<1x16xf32>,
      %mul3A_126 = arith.constant 8 : i32
      %mul3A_127 = arith.muli %add3A_101, %mul3A_126 : i32
      %add3A_128 = arith.constant 2 : i32
      %add3A_129 = arith.addi %mul3A_127, %add3A_128 : i32
      %get3A_130 = arith.index_cast %add3A_129 : i32 to index
      %get3A_131 = arith.constant 0 : index
      %get3A_132 = tpu.vector_load %arg10[%get3A_130, %get3A_131] {strides = array<i32>} : memref<640x16xf32, #tpu.memory_space<vmem>>, vector<1x16xf32>,
      %get3A_133 = vector.shape_cast %get3A_132 : vector<1x16xf32> to vector<16xf32>
      %swap3A_134 = arith.index_cast %add3A_101 : i32 to index
      %swap3A_135 = arith.constant 32 : index
      %swap3A_136 = tpu.vector_load %arg9[%swap3A_134, %swap3A_135] {strides = array<i32>} : memref<80x128xf32, #tpu.memory_space<vmem>>, vector<1x16xf32>,
      %swap3A_137 = vector.shape_cast %swap3A_136 : vector<1x16xf32> to vector<16xf32>
      %swap3A_138 = vector.shape_cast %get3A_133 : vector<16xf32> to vector<1x16xf32>
      tpu.vector_store %arg9[%swap3A_134, %swap3A_135], %swap3A_138 {strides = array<i32>} : memref<80x128xf32, #tpu.memory_space<vmem>>, vector<1x16xf32>,
      %mul3A_139 = arith.constant 8 : i32
      %mul3A_140 = arith.muli %add3A_101, %mul3A_139 : i32
      %add3A_141 = arith.constant 3 : i32
      %add3A_142 = arith.addi %mul3A_140, %add3A_141 : i32
      %get3A_143 = arith.index_cast %add3A_142 : i32 to index
      %get3A_144 = arith.constant 0 : index
      %get3A_145 = tpu.vector_load %arg10[%get3A_143, %get3A_144] {strides = array<i32>} : memref<640x16xf32, #tpu.memory_space<vmem>>, vector<1x16xf32>,
      %get3A_146 = vector.shape_cast %get3A_145 : vector<1x16xf32> to vector<16xf32>
      %swap3A_147 = arith.index_cast %add3A_101 : i32 to index
      %swap3A_148 = arith.constant 48 : index
      %swap3A_149 = tpu.vector_load %arg9[%swap3A_147, %swap3A_148] {strides = array<i32>} : memref<80x128xf32, #tpu.memory_space<vmem>>, vector<1x16xf32>,
      %swap3A_150 = vector.shape_cast %swap3A_149 : vector<1x16xf32> to vector<16xf32>
      %swap3A_151 = vector.shape_cast %get3A_146 : vector<16xf32> to vector<1x16xf32>
      tpu.vector_store %arg9[%swap3A_147, %swap3A_148], %swap3A_151 {strides = array<i32>} : memref<80x128xf32, #tpu.memory_space<vmem>>, vector<1x16xf32>,
      %mul3A_152 = arith.constant 8 : i32
      %mul3A_153 = arith.muli %add3A_101, %mul3A_152 : i32
      %add3A_154 = arith.constant 4 : i32
      %add3A_155 = arith.addi %mul3A_153, %add3A_154 : i32
      %get3A_156 = arith.index_cast %add3A_155 : i32 to index
      %get3A_157 = arith.constant 0 : index
      %get3A_158 = tpu.vector_load %arg10[%get3A_156, %get3A_157] {strides = array<i32>} : memref<640x16xf32, #tpu.memory_space<vmem>>, vector<1x16xf32>,
      %get3A_159 = vector.shape_cast %get3A_158 : vector<1x16xf32> to vector<16xf32>
      %swap3A_160 = arith.index_cast %add3A_101 : i32 to index
      %swap3A_161 = arith.constant 64 : index
      %swap3A_162 = tpu.vector_load %arg9[%swap3A_160, %swap3A_161] {strides = array<i32>} : memref<80x128xf32, #tpu.memory_space<vmem>>, vector<1x16xf32>,
      %swap3A_163 = vector.shape_cast %swap3A_162 : vector<1x16xf32> to vector<16xf32>
      %swap3A_164 = vector.shape_cast %get3A_159 : vector<16xf32> to vector<1x16xf32>
      tpu.vector_store %arg9[%swap3A_160, %swap3A_161], %swap3A_164 {strides = array<i32>} : memref<80x128xf32, #tpu.memory_space<vmem>>, vector<1x16xf32>,
      %mul3A_165 = arith.constant 8 : i32
      %mul3A_166 = arith.muli %add3A_101, %mul3A_165 : i32
      %add3A_167 = arith.constant 5 : i32
      %add3A_168 = arith.addi %mul3A_166, %add3A_167 : i32
      %get3A_169 = arith.index_cast %add3A_168 : i32 to index
      %get3A_170 = arith.constant 0 : index
      %get3A_171 = tpu.vector_load %arg10[%get3A_169, %get3A_170] {strides = array<i32>} : memref<640x16xf32, #tpu.memory_space<vmem>>, vector<1x16xf32>,
      %get3A_172 = vector.shape_cast %get3A_171 : vector<1x16xf32> to vector<16xf32>
      %swap3A_173 = arith.index_cast %add3A_101 : i32 to index
      %swap3A_174 = arith.constant 80 : index
      %swap3A_175 = tpu.vector_load %arg9[%swap3A_173, %swap3A_174] {strides = array<i32>} : memref<80x128xf32, #tpu.memory_space<vmem>>, vector<1x16xf32>,
      %swap3A_176 = vector.shape_cast %swap3A_175 : vector<1x16xf32> to vector<16xf32>
      %swap3A_177 = vector.shape_cast %get3A_172 : vector<16xf32> to vector<1x16xf32>
      tpu.vector_store %arg9[%swap3A_173, %swap3A_174], %swap3A_177 {strides = array<i32>} : memref<80x128xf32, #tpu.memory_space<vmem>>, vector<1x16xf32>,
      %mul3A_178 = arith.constant 8 : i32
      %mul3A_179 = arith.muli %add3A_101, %mul3A_178 : i32
      %add3A_180 = arith.constant 6 : i32
      %add3A_181 = arith.addi %mul3A_179, %add3A_180 : i32
      %get3A_182 = arith.index_cast %add3A_181 : i32 to index
      %get3A_183 = arith.constant 0 : index
      %get3A_184 = tpu.vector_load %arg10[%get3A_182, %get3A_183] {strides = array<i32>} : memref<640x16xf32, #tpu.memory_space<vmem>>, vector<1x16xf32>,
      %get3A_185 = vector.shape_cast %get3A_184 : vector<1x16xf32> to vector<16xf32>
      %swap3A_186 = arith.index_cast %add3A_101 : i32 to index
      %swap3A_187 = arith.constant 96 : index
      %swap3A_188 = tpu.vector_load %arg9[%swap3A_186, %swap3A_187] {strides = array<i32>} : memref<80x128xf32, #tpu.memory_space<vmem>>, vector<1x16xf32>,
      %swap3A_189 = vector.shape_cast %swap3A_188 : vector<1x16xf32> to vector<16xf32>
      %swap3A_190 = vector.shape_cast %get3A_185 : vector<16xf32> to vector<1x16xf32>
      tpu.vector_store %arg9[%swap3A_186, %swap3A_187], %swap3A_190 {strides = array<i32>} : memref<80x128xf32, #tpu.memory_space<vmem>>, vector<1x16xf32>,
      %mul3A_191 = arith.constant 8 : i32
      %mul3A_192 = arith.muli %add3A_101, %mul3A_191 : i32
      %add3A_193 = arith.constant 7 : i32
      %add3A_194 = arith.addi %mul3A_192, %add3A_193 : i32
      %get3A_195 = arith.index_cast %add3A_194 : i32 to index
      %get3A_196 = arith.constant 0 : index
      %get3A_197 = tpu.vector_load %arg10[%get3A_195, %get3A_196] {strides = array<i32>} : memref<640x16xf32, #tpu.memory_space<vmem>>, vector<1x16xf32>,
      %get3A_198 = vector.shape_cast %get3A_197 : vector<1x16xf32> to vector<16xf32>
      %swap3A_199 = arith.index_cast %add3A_101 : i32 to index
      %swap3A_200 = arith.constant 112 : index
      %swap3A_201 = tpu.vector_load %arg9[%swap3A_199, %swap3A_200] {strides = array<i32>} : memref<80x128xf32, #tpu.memory_space<vmem>>, vector<1x16xf32>,
      %swap3A_202 = vector.shape_cast %swap3A_201 : vector<1x16xf32> to vector<16xf32>
      %swap3A_203 = vector.shape_cast %get3A_198 : vector<16xf32> to vector<1x16xf32>
      tpu.vector_store %arg9[%swap3A_199, %swap3A_200], %swap3A_203 {strides = array<i32>} : memref<80x128xf32, #tpu.memory_space<vmem>>, vector<1x16xf32>,
    }
    %scan3A_85 = arith.constant 80 : i32
    %dma_start3A_86 = arith.constant 0 : i32
    %dma_start3A_87 = tpu.memref_slice %arg6[%arg0, %mul3A_0, %dma_start3A_86] : memref<2x1280x128xf32, #tpu.memory_space<hbm>> -> memref<1x80x128xf32, #tpu.memory_space<hbm>>
    %dma_start3A_88 = tpu.memref_squeeze %dma_start3A_87 : memref<1x80x128xf32, #tpu.memory_space<hbm>> -> memref<80x128xf32, #tpu.memory_space<hbm>>
    %dma_start3A_89 = arith.constant 0 : i32
    %dma_start3A_90 = tpu.memref_slice %arg6[%arg0, %mul3A_0, %dma_start3A_89] : memref<2x1280x128xf32, #tpu.memory_space<hbm>> -> memref<1x80x128xf32, #tpu.memory_space<hbm>>
    %dma_start3A_91 = tpu.memref_squeeze %dma_start3A_90 : memref<1x80x128xf32, #tpu.memory_space<hbm>> -> memref<80x128xf32, #tpu.memory_space<hbm>>
    tpu.enqueue_dma source(%arg9 : memref<80x128xf32, #tpu.memory_space<vmem>>) target(%dma_start3A_91 : memref<80x128xf32, #tpu.memory_space<hbm>>) target_semaphore(%arg26 : memref<!tpu.dma_semaphore, #tpu.memory_space<semaphore_mem>>)
    %dma_wait3A_92 = arith.constant 0 : i32
    %dma_wait3A_93 = tpu.memref_slice %arg6[%arg0, %mul3A_0, %dma_wait3A_92] : memref<2x1280x128xf32, #tpu.memory_space<hbm>> -> memref<1x80x128xf32, #tpu.memory_space<hbm>>
    %dma_wait3A_94 = tpu.memref_squeeze %dma_wait3A_93 : memref<1x80x128xf32, #tpu.memory_space<hbm>> -> memref<80x128xf32, #tpu.memory_space<hbm>>
    %dma_wait3A_95 = arith.constant 0 : i32
    %dma_wait3A_96 = tpu.memref_slice %arg6[%arg0, %mul3A_0, %dma_wait3A_95] : memref<2x1280x128xf32, #tpu.memory_space<hbm>> -> memref<1x80x128xf32, #tpu.memory_space<hbm>>
    %dma_wait3A_97 = tpu.memref_squeeze %dma_wait3A_96 : memref<1x80x128xf32, #tpu.memory_space<hbm>> -> memref<80x128xf32, #tpu.memory_space<hbm>>
    tpu.wait_dma2 semaphore(%arg26 : memref<!tpu.dma_semaphore, #tpu.memory_space<semaphore_mem>>) src(%arg9 : memref<80x128xf32, #tpu.memory_space<vmem>>) dst(%dma_wait3A_97 : memref<80x128xf32, #tpu.memory_space<hbm>>)
    return
  }
}

#map = affine_map<(d0, d1) -> (0, 0, 0, 0)>
#map1 = affine_map<(d0, d1) -> (0, 0, 0)>
module attributes {stable_mosaic.version = 14 : i64} {
  func.func @k(%arg0: i32, %arg1: i32, %arg2: memref<2x16x80x128xi32, #tpu.memory_space<hbm>>, %arg3: memref<2x1280x128xf32, #tpu.memory_space<hbm>>, %arg4: memref<80x128xi32, #tpu.memory_space<vmem>>, %arg5: memref<80x128xf32, #tpu.memory_space<vmem>>, %arg6: memref<640x16xf32, #tpu.memory_space<vmem>>, %arg7: memref<128x16xf32, #tpu.memory_space<vmem>>, %arg8: memref<10240x16xf32, #tpu.memory_space<vmem_shared>>, %arg9: memref<!tpu.dma_semaphore, #tpu.memory_space<semaphore_mem>>) attributes {dimension_semantics = [#tpu.dimension_semantics<core_parallel>, #tpu.dimension_semantics<subcore_parallel>], iteration_bounds = array<i64: 2, 16>, scalar_prefetch = 0 : i64, scratch_operands = 6 : i64, tpu.core_type = #tpu.core_type<sc_vector_subcore>, window_params = [{transform_indices = #map}, {transform_indices = #map1}]} {
    %mul3A = arith.constant 80 : i32
    %mul3A_0 = arith.muli %arg1, %mul3A : i32
    %mul3A_1 = arith.constant 640 : i32
    %mul3A_2 = arith.muli %arg1, %mul3A_1 : i32
    %dma_start3A = arith.constant 0 : i32
    %dma_start3A_3 = arith.constant 0 : i32
    %dma_start3A_4 = tpu.memref_slice %arg2[%arg0, %arg1, %dma_start3A, %dma_start3A_3] : memref<2x16x80x128xi32, #tpu.memory_space<hbm>> -> memref<1x1x80x128xi32, #tpu.memory_space<hbm>>
    %dma_start3A_5 = tpu.memref_squeeze %dma_start3A_4 : memref<1x1x80x128xi32, #tpu.memory_space<hbm>> -> memref<80x128xi32, #tpu.memory_space<hbm>>
    %dma_start3A_6 = arith.constant 0 : i32
    %dma_start3A_7 = arith.constant 0 : i32
    %dma_start3A_8 = tpu.memref_slice %arg2[%arg0, %arg1, %dma_start3A_6, %dma_start3A_7] : memref<2x16x80x128xi32, #tpu.memory_space<hbm>> -> memref<1x1x80x128xi32, #tpu.memory_space<hbm>>
    %dma_start3A_9 = tpu.memref_squeeze %dma_start3A_8 : memref<1x1x80x128xi32, #tpu.memory_space<hbm>> -> memref<80x128xi32, #tpu.memory_space<hbm>>
    tpu.enqueue_dma source(%dma_start3A_9 : memref<80x128xi32, #tpu.memory_space<hbm>>) target(%arg4 : memref<80x128xi32, #tpu.memory_space<vmem>>) target_semaphore(%arg9 : memref<!tpu.dma_semaphore, #tpu.memory_space<semaphore_mem>>)
    %broadcast_in_dim3A = arith.constant 1.000000e+00 : f32
    %broadcast_in_dim3A_10 = vector.broadcast %broadcast_in_dim3A : f32 to vector<16xf32>
    %scan3A = arith.constant 0 : i32
    %scan3A_11 = arith.constant 128 : i32
    %scan3A_12 = arith.addi %scan3A, %scan3A_11 : i32
    %scan3A_13 = arith.constant 1 : i32
    scf.for %scan3A_68 = %scan3A to %scan3A_12 step %scan3A_13  : i32 {
      %mul3A_69 = arith.constant 1 : i32
      %mul3A_70 = arith.muli %scan3A_68, %mul3A_69 : i32
      %add3A = arith.constant 0 : i32
      %add3A_71 = arith.addi %add3A, %mul3A_70 : i32
      %swap3A = arith.index_cast %add3A_71 : i32 to index
      %swap3A_72 = arith.constant 0 : index
      %swap3A_73 = tpu.vector_load %arg7[%swap3A, %swap3A_72] {strides = array<i32>} : memref<128x16xf32, #tpu.memory_space<vmem>>, vector<1x16xf32>,
      %swap3A_74 = vector.shape_cast %swap3A_73 : vector<1x16xf32> to vector<16xf32>
      %swap3A_75 = vector.shape_cast %broadcast_in_dim3A_10 : vector<16xf32> to vector<1x16xf32>
      tpu.vector_store %arg7[%swap3A, %swap3A_72], %swap3A_75 {strides = array<i32>} : memref<128x16xf32, #tpu.memory_space<vmem>>, vector<1x16xf32>,
    }
    %scan3A_14 = arith.constant 128 : i32
    %broadcast_in_dim3A_15 = arith.constant 0.000000e+00 : f32
    %broadcast_in_dim3A_16 = vector.broadcast %broadcast_in_dim3A_15 : f32 to vector<16xf32>
    %scan3A_17 = arith.constant 0 : i32
    %scan3A_18 = arith.constant 640 : i32
    %scan3A_19 = arith.addi %scan3A_17, %scan3A_18 : i32
    %scan3A_20 = arith.constant 1 : i32
    scf.for %scan3A_68 = %scan3A_17 to %scan3A_19 step %scan3A_20  : i32 {
      %mul3A_69 = arith.constant 1 : i32
      %mul3A_70 = arith.muli %scan3A_68, %mul3A_69 : i32
      %add3A = arith.constant 0 : i32
      %add3A_71 = arith.addi %add3A, %mul3A_70 : i32
      %swap3A = arith.index_cast %add3A_71 : i32 to index
      %swap3A_72 = arith.constant 0 : index
      %swap3A_73 = tpu.vector_load %arg6[%swap3A, %swap3A_72] {strides = array<i32>} : memref<640x16xf32, #tpu.memory_space<vmem>>, vector<1x16xf32>,
      %swap3A_74 = vector.shape_cast %swap3A_73 : vector<1x16xf32> to vector<16xf32>
      %swap3A_75 = vector.shape_cast %broadcast_in_dim3A_16 : vector<16xf32> to vector<1x16xf32>
      tpu.vector_store %arg6[%swap3A, %swap3A_72], %swap3A_75 {strides = array<i32>} : memref<640x16xf32, #tpu.memory_space<vmem>>, vector<1x16xf32>,
    }
    %scan3A_21 = arith.constant 640 : i32
    %dma_start3A_22 = arith.constant 0 : i32
    %dma_start3A_23 = tpu.memref_slice %arg8[%mul3A_2, %dma_start3A_22] : memref<10240x16xf32, #tpu.memory_space<vmem_shared>> -> memref<640x16xf32, #tpu.memory_space<vmem_shared>>
    %dma_start3A_24 = arith.constant 0 : i32
    %dma_start3A_25 = tpu.memref_slice %arg8[%mul3A_2, %dma_start3A_24] : memref<10240x16xf32, #tpu.memory_space<vmem_shared>> -> memref<640x16xf32, #tpu.memory_space<vmem_shared>>
    tpu.enqueue_dma source(%arg6 : memref<640x16xf32, #tpu.memory_space<vmem>>) target(%dma_start3A_25 : memref<640x16xf32, #tpu.memory_space<vmem_shared>>) target_semaphore(%arg9 : memref<!tpu.dma_semaphore, #tpu.memory_space<semaphore_mem>>)
    %dma_wait3A = arith.constant 0 : i32
    %dma_wait3A_26 = tpu.memref_slice %arg8[%mul3A_2, %dma_wait3A] : memref<10240x16xf32, #tpu.memory_space<vmem_shared>> -> memref<640x16xf32, #tpu.memory_space<vmem_shared>>
    %dma_wait3A_27 = arith.constant 0 : i32
    %dma_wait3A_28 = tpu.memref_slice %arg8[%mul3A_2, %dma_wait3A_27] : memref<10240x16xf32, #tpu.memory_space<vmem_shared>> -> memref<640x16xf32, #tpu.memory_space<vmem_shared>>
    tpu.wait_dma2 semaphore(%arg9 : memref<!tpu.dma_semaphore, #tpu.memory_space<semaphore_mem>>) src(%arg6 : memref<640x16xf32, #tpu.memory_space<vmem>>) dst(%dma_wait3A_28 : memref<640x16xf32, #tpu.memory_space<vmem_shared>>)
    %dma_wait3A_29 = arith.constant 0 : i32
    %dma_wait3A_30 = arith.constant 0 : i32
    %dma_wait3A_31 = tpu.memref_slice %arg2[%arg0, %arg1, %dma_wait3A_29, %dma_wait3A_30] : memref<2x16x80x128xi32, #tpu.memory_space<hbm>> -> memref<1x1x80x128xi32, #tpu.memory_space<hbm>>
    %dma_wait3A_32 = tpu.memref_squeeze %dma_wait3A_31 : memref<1x1x80x128xi32, #tpu.memory_space<hbm>> -> memref<80x128xi32, #tpu.memory_space<hbm>>
    %dma_wait3A_33 = arith.constant 0 : i32
    %dma_wait3A_34 = arith.constant 0 : i32
    %dma_wait3A_35 = tpu.memref_slice %arg2[%arg0, %arg1, %dma_wait3A_33, %dma_wait3A_34] : memref<2x16x80x128xi32, #tpu.memory_space<hbm>> -> memref<1x1x80x128xi32, #tpu.memory_space<hbm>>
    %dma_wait3A_36 = tpu.memref_squeeze %dma_wait3A_35 : memref<1x1x80x128xi32, #tpu.memory_space<hbm>> -> memref<80x128xi32, #tpu.memory_space<hbm>>
    tpu.wait_dma2 semaphore(%arg9 : memref<!tpu.dma_semaphore, #tpu.memory_space<semaphore_mem>>) src(%dma_wait3A_36 : memref<80x128xi32, #tpu.memory_space<hbm>>) dst(%arg4 : memref<80x128xi32, #tpu.memory_space<vmem>>)
    %barrier3A = arith.constant 0 : index
    tpu.barrier barrier_id(%barrier3A)
    %scan3A_37 = arith.constant 0 : i32
    %scan3A_38 = arith.constant 5 : i32
    %scan3A_39 = arith.addi %scan3A_37, %scan3A_38 : i32
    %scan3A_40 = arith.constant 1 : i32
    scf.for %scan3A_68 = %scan3A_37 to %scan3A_39 step %scan3A_40  : i32 {
      %mul3A_69 = arith.constant 16 : i32
      %mul3A_70 = arith.muli %scan3A_68, %mul3A_69 : i32
      %add3A = arith.constant 0 : i32
      %add3A_71 = arith.addi %add3A, %mul3A_70 : i32
      %add3A_72 = arith.constant 0 : i32
      %add3A_73 = arith.addi %add3A_71, %add3A_72 : i32
      %dma_start3A_74 = arith.constant 0 : i32
      %dma_start3A_75 = tpu.memref_slice %arg4[%add3A_73, %dma_start3A_74] : memref<80x128xi32, #tpu.memory_space<vmem>> -> memref<1x128xi32, #tpu.memory_space<vmem>>
      %dma_start3A_76 = tpu.memref_squeeze %dma_start3A_75 : memref<1x128xi32, #tpu.memory_space<vmem>> -> memref<128xi32, #tpu.memory_space<vmem>>
      %dma_start3A_77 = arith.constant 0 : i32
      %dma_start3A_78 = arith.constant 0 : i32
      %dma_start3A_79 = tpu.memref_slice %arg8[%dma_start3A_77, %dma_start3A_78] : memref<10240x16xf32, #tpu.memory_space<vmem_shared>> -> memref<10240x16xf32, #tpu.memory_space<vmem_shared>>
      tpu.enqueue_indirect_dma source(%arg7 : memref<128x16xf32, #tpu.memory_space<vmem>>) target(%dma_start3A_79 : memref<10240x16xf32, #tpu.memory_space<vmem_shared>>) offsets(%dma_start3A_76 : memref<128xi32, #tpu.memory_space<vmem>>) semaphore(%arg9 : memref<!tpu.dma_semaphore, #tpu.memory_space<semaphore_mem>>) {add = true}
      %add3A_80 = arith.constant 1 : i32
      %add3A_81 = arith.addi %add3A_71, %add3A_80 : i32
      %dma_start3A_82 = arith.constant 0 : i32
      %dma_start3A_83 = tpu.memref_slice %arg4[%add3A_81, %dma_start3A_82] : memref<80x128xi32, #tpu.memory_space<vmem>> -> memref<1x128xi32, #tpu.memory_space<vmem>>
      %dma_start3A_84 = tpu.memref_squeeze %dma_start3A_83 : memref<1x128xi32, #tpu.memory_space<vmem>> -> memref<128xi32, #tpu.memory_space<vmem>>
      %dma_start3A_85 = arith.constant 0 : i32
      %dma_start3A_86 = arith.constant 0 : i32
      %dma_start3A_87 = tpu.memref_slice %arg8[%dma_start3A_85, %dma_start3A_86] : memref<10240x16xf32, #tpu.memory_space<vmem_shared>> -> memref<10240x16xf32, #tpu.memory_space<vmem_shared>>
      tpu.enqueue_indirect_dma source(%arg7 : memref<128x16xf32, #tpu.memory_space<vmem>>) target(%dma_start3A_87 : memref<10240x16xf32, #tpu.memory_space<vmem_shared>>) offsets(%dma_start3A_84 : memref<128xi32, #tpu.memory_space<vmem>>) semaphore(%arg9 : memref<!tpu.dma_semaphore, #tpu.memory_space<semaphore_mem>>) {add = true}
      %add3A_88 = arith.constant 2 : i32
      %add3A_89 = arith.addi %add3A_71, %add3A_88 : i32
      %dma_start3A_90 = arith.constant 0 : i32
      %dma_start3A_91 = tpu.memref_slice %arg4[%add3A_89, %dma_start3A_90] : memref<80x128xi32, #tpu.memory_space<vmem>> -> memref<1x128xi32, #tpu.memory_space<vmem>>
      %dma_start3A_92 = tpu.memref_squeeze %dma_start3A_91 : memref<1x128xi32, #tpu.memory_space<vmem>> -> memref<128xi32, #tpu.memory_space<vmem>>
      %dma_start3A_93 = arith.constant 0 : i32
      %dma_start3A_94 = arith.constant 0 : i32
      %dma_start3A_95 = tpu.memref_slice %arg8[%dma_start3A_93, %dma_start3A_94] : memref<10240x16xf32, #tpu.memory_space<vmem_shared>> -> memref<10240x16xf32, #tpu.memory_space<vmem_shared>>
      tpu.enqueue_indirect_dma source(%arg7 : memref<128x16xf32, #tpu.memory_space<vmem>>) target(%dma_start3A_95 : memref<10240x16xf32, #tpu.memory_space<vmem_shared>>) offsets(%dma_start3A_92 : memref<128xi32, #tpu.memory_space<vmem>>) semaphore(%arg9 : memref<!tpu.dma_semaphore, #tpu.memory_space<semaphore_mem>>) {add = true}
      %add3A_96 = arith.constant 3 : i32
      %add3A_97 = arith.addi %add3A_71, %add3A_96 : i32
      %dma_start3A_98 = arith.constant 0 : i32
      %dma_start3A_99 = tpu.memref_slice %arg4[%add3A_97, %dma_start3A_98] : memref<80x128xi32, #tpu.memory_space<vmem>> -> memref<1x128xi32, #tpu.memory_space<vmem>>
      %dma_start3A_100 = tpu.memref_squeeze %dma_start3A_99 : memref<1x128xi32, #tpu.memory_space<vmem>> -> memref<128xi32, #tpu.memory_space<vmem>>
      %dma_start3A_101 = arith.constant 0 : i32
      %dma_start3A_102 = arith.constant 0 : i32
      %dma_start3A_103 = tpu.memref_slice %arg8[%dma_start3A_101, %dma_start3A_102] : memref<10240x16xf32, #tpu.memory_space<vmem_shared>> -> memref<10240x16xf32, #tpu.memory_space<vmem_shared>>
      tpu.enqueue_indirect_dma source(%arg7 : memref<128x16xf32, #tpu.memory_space<vmem>>) target(%dma_start3A_103 : memref<10240x16xf32, #tpu.memory_space<vmem_shared>>) offsets(%dma_start3A_100 : memref<128xi32, #tpu.memory_space<vmem>>) semaphore(%arg9 : memref<!tpu.dma_semaphore, #tpu.memory_space<semaphore_mem>>) {add = true}
      %add3A_104 = arith.constant 4 : i32
      %add3A_105 = arith.addi %add3A_71, %add3A_104 : i32
      %dma_start3A_106 = arith.constant 0 : i32
      %dma_start3A_107 = tpu.memref_slice %arg4[%add3A_105, %dma_start3A_106] : memref<80x128xi32, #tpu.memory_space<vmem>> -> memref<1x128xi32, #tpu.memory_space<vmem>>
      %dma_start3A_108 = tpu.memref_squeeze %dma_start3A_107 : memref<1x128xi32, #tpu.memory_space<vmem>> -> memref<128xi32, #tpu.memory_space<vmem>>
      %dma_start3A_109 = arith.constant 0 : i32
      %dma_start3A_110 = arith.constant 0 : i32
      %dma_start3A_111 = tpu.memref_slice %arg8[%dma_start3A_109, %dma_start3A_110] : memref<10240x16xf32, #tpu.memory_space<vmem_shared>> -> memref<10240x16xf32, #tpu.memory_space<vmem_shared>>
      tpu.enqueue_indirect_dma source(%arg7 : memref<128x16xf32, #tpu.memory_space<vmem>>) target(%dma_start3A_111 : memref<10240x16xf32, #tpu.memory_space<vmem_shared>>) offsets(%dma_start3A_108 : memref<128xi32, #tpu.memory_space<vmem>>) semaphore(%arg9 : memref<!tpu.dma_semaphore, #tpu.memory_space<semaphore_mem>>) {add = true}
      %add3A_112 = arith.constant 5 : i32
      %add3A_113 = arith.addi %add3A_71, %add3A_112 : i32
      %dma_start3A_114 = arith.constant 0 : i32
      %dma_start3A_115 = tpu.memref_slice %arg4[%add3A_113, %dma_start3A_114] : memref<80x128xi32, #tpu.memory_space<vmem>> -> memref<1x128xi32, #tpu.memory_space<vmem>>
      %dma_start3A_116 = tpu.memref_squeeze %dma_start3A_115 : memref<1x128xi32, #tpu.memory_space<vmem>> -> memref<128xi32, #tpu.memory_space<vmem>>
      %dma_start3A_117 = arith.constant 0 : i32
      %dma_start3A_118 = arith.constant 0 : i32
      %dma_start3A_119 = tpu.memref_slice %arg8[%dma_start3A_117, %dma_start3A_118] : memref<10240x16xf32, #tpu.memory_space<vmem_shared>> -> memref<10240x16xf32, #tpu.memory_space<vmem_shared>>
      tpu.enqueue_indirect_dma source(%arg7 : memref<128x16xf32, #tpu.memory_space<vmem>>) target(%dma_start3A_119 : memref<10240x16xf32, #tpu.memory_space<vmem_shared>>) offsets(%dma_start3A_116 : memref<128xi32, #tpu.memory_space<vmem>>) semaphore(%arg9 : memref<!tpu.dma_semaphore, #tpu.memory_space<semaphore_mem>>) {add = true}
      %add3A_120 = arith.constant 6 : i32
      %add3A_121 = arith.addi %add3A_71, %add3A_120 : i32
      %dma_start3A_122 = arith.constant 0 : i32
      %dma_start3A_123 = tpu.memref_slice %arg4[%add3A_121, %dma_start3A_122] : memref<80x128xi32, #tpu.memory_space<vmem>> -> memref<1x128xi32, #tpu.memory_space<vmem>>
      %dma_start3A_124 = tpu.memref_squeeze %dma_start3A_123 : memref<1x128xi32, #tpu.memory_space<vmem>> -> memref<128xi32, #tpu.memory_space<vmem>>
      %dma_start3A_125 = arith.constant 0 : i32
      %dma_start3A_126 = arith.constant 0 : i32
      %dma_start3A_127 = tpu.memref_slice %arg8[%dma_start3A_125, %dma_start3A_126] : memref<10240x16xf32, #tpu.memory_space<vmem_shared>> -> memref<10240x16xf32, #tpu.memory_space<vmem_shared>>
      tpu.enqueue_indirect_dma source(%arg7 : memref<128x16xf32, #tpu.memory_space<vmem>>) target(%dma_start3A_127 : memref<10240x16xf32, #tpu.memory_space<vmem_shared>>) offsets(%dma_start3A_124 : memref<128xi32, #tpu.memory_space<vmem>>) semaphore(%arg9 : memref<!tpu.dma_semaphore, #tpu.memory_space<semaphore_mem>>) {add = true}
      %add3A_128 = arith.constant 7 : i32
      %add3A_129 = arith.addi %add3A_71, %add3A_128 : i32
      %dma_start3A_130 = arith.constant 0 : i32
      %dma_start3A_131 = tpu.memref_slice %arg4[%add3A_129, %dma_start3A_130] : memref<80x128xi32, #tpu.memory_space<vmem>> -> memref<1x128xi32, #tpu.memory_space<vmem>>
      %dma_start3A_132 = tpu.memref_squeeze %dma_start3A_131 : memref<1x128xi32, #tpu.memory_space<vmem>> -> memref<128xi32, #tpu.memory_space<vmem>>
      %dma_start3A_133 = arith.constant 0 : i32
      %dma_start3A_134 = arith.constant 0 : i32
      %dma_start3A_135 = tpu.memref_slice %arg8[%dma_start3A_133, %dma_start3A_134] : memref<10240x16xf32, #tpu.memory_space<vmem_shared>> -> memref<10240x16xf32, #tpu.memory_space<vmem_shared>>
      tpu.enqueue_indirect_dma source(%arg7 : memref<128x16xf32, #tpu.memory_space<vmem>>) target(%dma_start3A_135 : memref<10240x16xf32, #tpu.memory_space<vmem_shared>>) offsets(%dma_start3A_132 : memref<128xi32, #tpu.memory_space<vmem>>) semaphore(%arg9 : memref<!tpu.dma_semaphore, #tpu.memory_space<semaphore_mem>>) {add = true}
      %add3A_136 = arith.constant 8 : i32
      %add3A_137 = arith.addi %add3A_71, %add3A_136 : i32
      %dma_start3A_138 = arith.constant 0 : i32
      %dma_start3A_139 = tpu.memref_slice %arg4[%add3A_137, %dma_start3A_138] : memref<80x128xi32, #tpu.memory_space<vmem>> -> memref<1x128xi32, #tpu.memory_space<vmem>>
      %dma_start3A_140 = tpu.memref_squeeze %dma_start3A_139 : memref<1x128xi32, #tpu.memory_space<vmem>> -> memref<128xi32, #tpu.memory_space<vmem>>
      %dma_start3A_141 = arith.constant 0 : i32
      %dma_start3A_142 = arith.constant 0 : i32
      %dma_start3A_143 = tpu.memref_slice %arg8[%dma_start3A_141, %dma_start3A_142] : memref<10240x16xf32, #tpu.memory_space<vmem_shared>> -> memref<10240x16xf32, #tpu.memory_space<vmem_shared>>
      tpu.enqueue_indirect_dma source(%arg7 : memref<128x16xf32, #tpu.memory_space<vmem>>) target(%dma_start3A_143 : memref<10240x16xf32, #tpu.memory_space<vmem_shared>>) offsets(%dma_start3A_140 : memref<128xi32, #tpu.memory_space<vmem>>) semaphore(%arg9 : memref<!tpu.dma_semaphore, #tpu.memory_space<semaphore_mem>>) {add = true}
      %add3A_144 = arith.constant 9 : i32
      %add3A_145 = arith.addi %add3A_71, %add3A_144 : i32
      %dma_start3A_146 = arith.constant 0 : i32
      %dma_start3A_147 = tpu.memref_slice %arg4[%add3A_145, %dma_start3A_146] : memref<80x128xi32, #tpu.memory_space<vmem>> -> memref<1x128xi32, #tpu.memory_space<vmem>>
      %dma_start3A_148 = tpu.memref_squeeze %dma_start3A_147 : memref<1x128xi32, #tpu.memory_space<vmem>> -> memref<128xi32, #tpu.memory_space<vmem>>
      %dma_start3A_149 = arith.constant 0 : i32
      %dma_start3A_150 = arith.constant 0 : i32
      %dma_start3A_151 = tpu.memref_slice %arg8[%dma_start3A_149, %dma_start3A_150] : memref<10240x16xf32, #tpu.memory_space<vmem_shared>> -> memref<10240x16xf32, #tpu.memory_space<vmem_shared>>
      tpu.enqueue_indirect_dma source(%arg7 : memref<128x16xf32, #tpu.memory_space<vmem>>) target(%dma_start3A_151 : memref<10240x16xf32, #tpu.memory_space<vmem_shared>>) offsets(%dma_start3A_148 : memref<128xi32, #tpu.memory_space<vmem>>) semaphore(%arg9 : memref<!tpu.dma_semaphore, #tpu.memory_space<semaphore_mem>>) {add = true}
      %add3A_152 = arith.constant 10 : i32
      %add3A_153 = arith.addi %add3A_71, %add3A_152 : i32
      %dma_start3A_154 = arith.constant 0 : i32
      %dma_start3A_155 = tpu.memref_slice %arg4[%add3A_153, %dma_start3A_154] : memref<80x128xi32, #tpu.memory_space<vmem>> -> memref<1x128xi32, #tpu.memory_space<vmem>>
      %dma_start3A_156 = tpu.memref_squeeze %dma_start3A_155 : memref<1x128xi32, #tpu.memory_space<vmem>> -> memref<128xi32, #tpu.memory_space<vmem>>
      %dma_start3A_157 = arith.constant 0 : i32
      %dma_start3A_158 = arith.constant 0 : i32
      %dma_start3A_159 = tpu.memref_slice %arg8[%dma_start3A_157, %dma_start3A_158] : memref<10240x16xf32, #tpu.memory_space<vmem_shared>> -> memref<10240x16xf32, #tpu.memory_space<vmem_shared>>
      tpu.enqueue_indirect_dma source(%arg7 : memref<128x16xf32, #tpu.memory_space<vmem>>) target(%dma_start3A_159 : memref<10240x16xf32, #tpu.memory_space<vmem_shared>>) offsets(%dma_start3A_156 : memref<128xi32, #tpu.memory_space<vmem>>) semaphore(%arg9 : memref<!tpu.dma_semaphore, #tpu.memory_space<semaphore_mem>>) {add = true}
      %add3A_160 = arith.constant 11 : i32
      %add3A_161 = arith.addi %add3A_71, %add3A_160 : i32
      %dma_start3A_162 = arith.constant 0 : i32
      %dma_start3A_163 = tpu.memref_slice %arg4[%add3A_161, %dma_start3A_162] : memref<80x128xi32, #tpu.memory_space<vmem>> -> memref<1x128xi32, #tpu.memory_space<vmem>>
      %dma_start3A_164 = tpu.memref_squeeze %dma_start3A_163 : memref<1x128xi32, #tpu.memory_space<vmem>> -> memref<128xi32, #tpu.memory_space<vmem>>
      %dma_start3A_165 = arith.constant 0 : i32
      %dma_start3A_166 = arith.constant 0 : i32
      %dma_start3A_167 = tpu.memref_slice %arg8[%dma_start3A_165, %dma_start3A_166] : memref<10240x16xf32, #tpu.memory_space<vmem_shared>> -> memref<10240x16xf32, #tpu.memory_space<vmem_shared>>
      tpu.enqueue_indirect_dma source(%arg7 : memref<128x16xf32, #tpu.memory_space<vmem>>) target(%dma_start3A_167 : memref<10240x16xf32, #tpu.memory_space<vmem_shared>>) offsets(%dma_start3A_164 : memref<128xi32, #tpu.memory_space<vmem>>) semaphore(%arg9 : memref<!tpu.dma_semaphore, #tpu.memory_space<semaphore_mem>>) {add = true}
      %add3A_168 = arith.constant 12 : i32
      %add3A_169 = arith.addi %add3A_71, %add3A_168 : i32
      %dma_start3A_170 = arith.constant 0 : i32
      %dma_start3A_171 = tpu.memref_slice %arg4[%add3A_169, %dma_start3A_170] : memref<80x128xi32, #tpu.memory_space<vmem>> -> memref<1x128xi32, #tpu.memory_space<vmem>>
      %dma_start3A_172 = tpu.memref_squeeze %dma_start3A_171 : memref<1x128xi32, #tpu.memory_space<vmem>> -> memref<128xi32, #tpu.memory_space<vmem>>
      %dma_start3A_173 = arith.constant 0 : i32
      %dma_start3A_174 = arith.constant 0 : i32
      %dma_start3A_175 = tpu.memref_slice %arg8[%dma_start3A_173, %dma_start3A_174] : memref<10240x16xf32, #tpu.memory_space<vmem_shared>> -> memref<10240x16xf32, #tpu.memory_space<vmem_shared>>
      tpu.enqueue_indirect_dma source(%arg7 : memref<128x16xf32, #tpu.memory_space<vmem>>) target(%dma_start3A_175 : memref<10240x16xf32, #tpu.memory_space<vmem_shared>>) offsets(%dma_start3A_172 : memref<128xi32, #tpu.memory_space<vmem>>) semaphore(%arg9 : memref<!tpu.dma_semaphore, #tpu.memory_space<semaphore_mem>>) {add = true}
      %add3A_176 = arith.constant 13 : i32
      %add3A_177 = arith.addi %add3A_71, %add3A_176 : i32
      %dma_start3A_178 = arith.constant 0 : i32
      %dma_start3A_179 = tpu.memref_slice %arg4[%add3A_177, %dma_start3A_178] : memref<80x128xi32, #tpu.memory_space<vmem>> -> memref<1x128xi32, #tpu.memory_space<vmem>>
      %dma_start3A_180 = tpu.memref_squeeze %dma_start3A_179 : memref<1x128xi32, #tpu.memory_space<vmem>> -> memref<128xi32, #tpu.memory_space<vmem>>
      %dma_start3A_181 = arith.constant 0 : i32
      %dma_start3A_182 = arith.constant 0 : i32
      %dma_start3A_183 = tpu.memref_slice %arg8[%dma_start3A_181, %dma_start3A_182] : memref<10240x16xf32, #tpu.memory_space<vmem_shared>> -> memref<10240x16xf32, #tpu.memory_space<vmem_shared>>
      tpu.enqueue_indirect_dma source(%arg7 : memref<128x16xf32, #tpu.memory_space<vmem>>) target(%dma_start3A_183 : memref<10240x16xf32, #tpu.memory_space<vmem_shared>>) offsets(%dma_start3A_180 : memref<128xi32, #tpu.memory_space<vmem>>) semaphore(%arg9 : memref<!tpu.dma_semaphore, #tpu.memory_space<semaphore_mem>>) {add = true}
      %add3A_184 = arith.constant 14 : i32
      %add3A_185 = arith.addi %add3A_71, %add3A_184 : i32
      %dma_start3A_186 = arith.constant 0 : i32
      %dma_start3A_187 = tpu.memref_slice %arg4[%add3A_185, %dma_start3A_186] : memref<80x128xi32, #tpu.memory_space<vmem>> -> memref<1x128xi32, #tpu.memory_space<vmem>>
      %dma_start3A_188 = tpu.memref_squeeze %dma_start3A_187 : memref<1x128xi32, #tpu.memory_space<vmem>> -> memref<128xi32, #tpu.memory_space<vmem>>
      %dma_start3A_189 = arith.constant 0 : i32
      %dma_start3A_190 = arith.constant 0 : i32
      %dma_start3A_191 = tpu.memref_slice %arg8[%dma_start3A_189, %dma_start3A_190] : memref<10240x16xf32, #tpu.memory_space<vmem_shared>> -> memref<10240x16xf32, #tpu.memory_space<vmem_shared>>
      tpu.enqueue_indirect_dma source(%arg7 : memref<128x16xf32, #tpu.memory_space<vmem>>) target(%dma_start3A_191 : memref<10240x16xf32, #tpu.memory_space<vmem_shared>>) offsets(%dma_start3A_188 : memref<128xi32, #tpu.memory_space<vmem>>) semaphore(%arg9 : memref<!tpu.dma_semaphore, #tpu.memory_space<semaphore_mem>>) {add = true}
      %add3A_192 = arith.constant 15 : i32
      %add3A_193 = arith.addi %add3A_71, %add3A_192 : i32
      %dma_start3A_194 = arith.constant 0 : i32
      %dma_start3A_195 = tpu.memref_slice %arg4[%add3A_193, %dma_start3A_194] : memref<80x128xi32, #tpu.memory_space<vmem>> -> memref<1x128xi32, #tpu.memory_space<vmem>>
      %dma_start3A_196 = tpu.memref_squeeze %dma_start3A_195 : memref<1x128xi32, #tpu.memory_space<vmem>> -> memref<128xi32, #tpu.memory_space<vmem>>
      %dma_start3A_197 = arith.constant 0 : i32
      %dma_start3A_198 = arith.constant 0 : i32
      %dma_start3A_199 = tpu.memref_slice %arg8[%dma_start3A_197, %dma_start3A_198] : memref<10240x16xf32, #tpu.memory_space<vmem_shared>> -> memref<10240x16xf32, #tpu.memory_space<vmem_shared>>
      tpu.enqueue_indirect_dma source(%arg7 : memref<128x16xf32, #tpu.memory_space<vmem>>) target(%dma_start3A_199 : memref<10240x16xf32, #tpu.memory_space<vmem_shared>>) offsets(%dma_start3A_196 : memref<128xi32, #tpu.memory_space<vmem>>) semaphore(%arg9 : memref<!tpu.dma_semaphore, #tpu.memory_space<semaphore_mem>>) {add = true}
      %dma_wait3A_200 = arith.constant 0 : i32
      %dma_wait3A_201 = tpu.memref_slice %arg4[%add3A_73, %dma_wait3A_200] : memref<80x128xi32, #tpu.memory_space<vmem>> -> memref<1x128xi32, #tpu.memory_space<vmem>>
      %dma_wait3A_202 = tpu.memref_squeeze %dma_wait3A_201 : memref<1x128xi32, #tpu.memory_space<vmem>> -> memref<128xi32, #tpu.memory_space<vmem>>
      %dma_wait3A_203 = arith.constant 0 : i32
      %dma_wait3A_204 = arith.constant 0 : i32
      %dma_wait3A_205 = tpu.memref_slice %arg8[%dma_wait3A_203, %dma_wait3A_204] : memref<10240x16xf32, #tpu.memory_space<vmem_shared>> -> memref<10240x16xf32, #tpu.memory_space<vmem_shared>>
      tpu.wait_indirect_dma semaphore(%arg9 : memref<!tpu.dma_semaphore, #tpu.memory_space<semaphore_mem>>) src(%arg7 : memref<128x16xf32, #tpu.memory_space<vmem>>) dst(%dma_wait3A_205 : memref<10240x16xf32, #tpu.memory_space<vmem_shared>>)
      %dma_wait3A_206 = arith.constant 0 : i32
      %dma_wait3A_207 = tpu.memref_slice %arg4[%add3A_81, %dma_wait3A_206] : memref<80x128xi32, #tpu.memory_space<vmem>> -> memref<1x128xi32, #tpu.memory_space<vmem>>
      %dma_wait3A_208 = tpu.memref_squeeze %dma_wait3A_207 : memref<1x128xi32, #tpu.memory_space<vmem>> -> memref<128xi32, #tpu.memory_space<vmem>>
      %dma_wait3A_209 = arith.constant 0 : i32
      %dma_wait3A_210 = arith.constant 0 : i32
      %dma_wait3A_211 = tpu.memref_slice %arg8[%dma_wait3A_209, %dma_wait3A_210] : memref<10240x16xf32, #tpu.memory_space<vmem_shared>> -> memref<10240x16xf32, #tpu.memory_space<vmem_shared>>
      tpu.wait_indirect_dma semaphore(%arg9 : memref<!tpu.dma_semaphore, #tpu.memory_space<semaphore_mem>>) src(%arg7 : memref<128x16xf32, #tpu.memory_space<vmem>>) dst(%dma_wait3A_211 : memref<10240x16xf32, #tpu.memory_space<vmem_shared>>)
      %dma_wait3A_212 = arith.constant 0 : i32
      %dma_wait3A_213 = tpu.memref_slice %arg4[%add3A_89, %dma_wait3A_212] : memref<80x128xi32, #tpu.memory_space<vmem>> -> memref<1x128xi32, #tpu.memory_space<vmem>>
      %dma_wait3A_214 = tpu.memref_squeeze %dma_wait3A_213 : memref<1x128xi32, #tpu.memory_space<vmem>> -> memref<128xi32, #tpu.memory_space<vmem>>
      %dma_wait3A_215 = arith.constant 0 : i32
      %dma_wait3A_216 = arith.constant 0 : i32
      %dma_wait3A_217 = tpu.memref_slice %arg8[%dma_wait3A_215, %dma_wait3A_216] : memref<10240x16xf32, #tpu.memory_space<vmem_shared>> -> memref<10240x16xf32, #tpu.memory_space<vmem_shared>>
      tpu.wait_indirect_dma semaphore(%arg9 : memref<!tpu.dma_semaphore, #tpu.memory_space<semaphore_mem>>) src(%arg7 : memref<128x16xf32, #tpu.memory_space<vmem>>) dst(%dma_wait3A_217 : memref<10240x16xf32, #tpu.memory_space<vmem_shared>>)
      %dma_wait3A_218 = arith.constant 0 : i32
      %dma_wait3A_219 = tpu.memref_slice %arg4[%add3A_97, %dma_wait3A_218] : memref<80x128xi32, #tpu.memory_space<vmem>> -> memref<1x128xi32, #tpu.memory_space<vmem>>
      %dma_wait3A_220 = tpu.memref_squeeze %dma_wait3A_219 : memref<1x128xi32, #tpu.memory_space<vmem>> -> memref<128xi32, #tpu.memory_space<vmem>>
      %dma_wait3A_221 = arith.constant 0 : i32
      %dma_wait3A_222 = arith.constant 0 : i32
      %dma_wait3A_223 = tpu.memref_slice %arg8[%dma_wait3A_221, %dma_wait3A_222] : memref<10240x16xf32, #tpu.memory_space<vmem_shared>> -> memref<10240x16xf32, #tpu.memory_space<vmem_shared>>
      tpu.wait_indirect_dma semaphore(%arg9 : memref<!tpu.dma_semaphore, #tpu.memory_space<semaphore_mem>>) src(%arg7 : memref<128x16xf32, #tpu.memory_space<vmem>>) dst(%dma_wait3A_223 : memref<10240x16xf32, #tpu.memory_space<vmem_shared>>)
      %dma_wait3A_224 = arith.constant 0 : i32
      %dma_wait3A_225 = tpu.memref_slice %arg4[%add3A_105, %dma_wait3A_224] : memref<80x128xi32, #tpu.memory_space<vmem>> -> memref<1x128xi32, #tpu.memory_space<vmem>>
      %dma_wait3A_226 = tpu.memref_squeeze %dma_wait3A_225 : memref<1x128xi32, #tpu.memory_space<vmem>> -> memref<128xi32, #tpu.memory_space<vmem>>
      %dma_wait3A_227 = arith.constant 0 : i32
      %dma_wait3A_228 = arith.constant 0 : i32
      %dma_wait3A_229 = tpu.memref_slice %arg8[%dma_wait3A_227, %dma_wait3A_228] : memref<10240x16xf32, #tpu.memory_space<vmem_shared>> -> memref<10240x16xf32, #tpu.memory_space<vmem_shared>>
      tpu.wait_indirect_dma semaphore(%arg9 : memref<!tpu.dma_semaphore, #tpu.memory_space<semaphore_mem>>) src(%arg7 : memref<128x16xf32, #tpu.memory_space<vmem>>) dst(%dma_wait3A_229 : memref<10240x16xf32, #tpu.memory_space<vmem_shared>>)
      %dma_wait3A_230 = arith.constant 0 : i32
      %dma_wait3A_231 = tpu.memref_slice %arg4[%add3A_113, %dma_wait3A_230] : memref<80x128xi32, #tpu.memory_space<vmem>> -> memref<1x128xi32, #tpu.memory_space<vmem>>
      %dma_wait3A_232 = tpu.memref_squeeze %dma_wait3A_231 : memref<1x128xi32, #tpu.memory_space<vmem>> -> memref<128xi32, #tpu.memory_space<vmem>>
      %dma_wait3A_233 = arith.constant 0 : i32
      %dma_wait3A_234 = arith.constant 0 : i32
      %dma_wait3A_235 = tpu.memref_slice %arg8[%dma_wait3A_233, %dma_wait3A_234] : memref<10240x16xf32, #tpu.memory_space<vmem_shared>> -> memref<10240x16xf32, #tpu.memory_space<vmem_shared>>
      tpu.wait_indirect_dma semaphore(%arg9 : memref<!tpu.dma_semaphore, #tpu.memory_space<semaphore_mem>>) src(%arg7 : memref<128x16xf32, #tpu.memory_space<vmem>>) dst(%dma_wait3A_235 : memref<10240x16xf32, #tpu.memory_space<vmem_shared>>)
      %dma_wait3A_236 = arith.constant 0 : i32
      %dma_wait3A_237 = tpu.memref_slice %arg4[%add3A_121, %dma_wait3A_236] : memref<80x128xi32, #tpu.memory_space<vmem>> -> memref<1x128xi32, #tpu.memory_space<vmem>>
      %dma_wait3A_238 = tpu.memref_squeeze %dma_wait3A_237 : memref<1x128xi32, #tpu.memory_space<vmem>> -> memref<128xi32, #tpu.memory_space<vmem>>
      %dma_wait3A_239 = arith.constant 0 : i32
      %dma_wait3A_240 = arith.constant 0 : i32
      %dma_wait3A_241 = tpu.memref_slice %arg8[%dma_wait3A_239, %dma_wait3A_240] : memref<10240x16xf32, #tpu.memory_space<vmem_shared>> -> memref<10240x16xf32, #tpu.memory_space<vmem_shared>>
      tpu.wait_indirect_dma semaphore(%arg9 : memref<!tpu.dma_semaphore, #tpu.memory_space<semaphore_mem>>) src(%arg7 : memref<128x16xf32, #tpu.memory_space<vmem>>) dst(%dma_wait3A_241 : memref<10240x16xf32, #tpu.memory_space<vmem_shared>>)
      %dma_wait3A_242 = arith.constant 0 : i32
      %dma_wait3A_243 = tpu.memref_slice %arg4[%add3A_129, %dma_wait3A_242] : memref<80x128xi32, #tpu.memory_space<vmem>> -> memref<1x128xi32, #tpu.memory_space<vmem>>
      %dma_wait3A_244 = tpu.memref_squeeze %dma_wait3A_243 : memref<1x128xi32, #tpu.memory_space<vmem>> -> memref<128xi32, #tpu.memory_space<vmem>>
      %dma_wait3A_245 = arith.constant 0 : i32
      %dma_wait3A_246 = arith.constant 0 : i32
      %dma_wait3A_247 = tpu.memref_slice %arg8[%dma_wait3A_245, %dma_wait3A_246] : memref<10240x16xf32, #tpu.memory_space<vmem_shared>> -> memref<10240x16xf32, #tpu.memory_space<vmem_shared>>
      tpu.wait_indirect_dma semaphore(%arg9 : memref<!tpu.dma_semaphore, #tpu.memory_space<semaphore_mem>>) src(%arg7 : memref<128x16xf32, #tpu.memory_space<vmem>>) dst(%dma_wait3A_247 : memref<10240x16xf32, #tpu.memory_space<vmem_shared>>)
      %dma_wait3A_248 = arith.constant 0 : i32
      %dma_wait3A_249 = tpu.memref_slice %arg4[%add3A_137, %dma_wait3A_248] : memref<80x128xi32, #tpu.memory_space<vmem>> -> memref<1x128xi32, #tpu.memory_space<vmem>>
      %dma_wait3A_250 = tpu.memref_squeeze %dma_wait3A_249 : memref<1x128xi32, #tpu.memory_space<vmem>> -> memref<128xi32, #tpu.memory_space<vmem>>
      %dma_wait3A_251 = arith.constant 0 : i32
      %dma_wait3A_252 = arith.constant 0 : i32
      %dma_wait3A_253 = tpu.memref_slice %arg8[%dma_wait3A_251, %dma_wait3A_252] : memref<10240x16xf32, #tpu.memory_space<vmem_shared>> -> memref<10240x16xf32, #tpu.memory_space<vmem_shared>>
      tpu.wait_indirect_dma semaphore(%arg9 : memref<!tpu.dma_semaphore, #tpu.memory_space<semaphore_mem>>) src(%arg7 : memref<128x16xf32, #tpu.memory_space<vmem>>) dst(%dma_wait3A_253 : memref<10240x16xf32, #tpu.memory_space<vmem_shared>>)
      %dma_wait3A_254 = arith.constant 0 : i32
      %dma_wait3A_255 = tpu.memref_slice %arg4[%add3A_145, %dma_wait3A_254] : memref<80x128xi32, #tpu.memory_space<vmem>> -> memref<1x128xi32, #tpu.memory_space<vmem>>
      %dma_wait3A_256 = tpu.memref_squeeze %dma_wait3A_255 : memref<1x128xi32, #tpu.memory_space<vmem>> -> memref<128xi32, #tpu.memory_space<vmem>>
      %dma_wait3A_257 = arith.constant 0 : i32
      %dma_wait3A_258 = arith.constant 0 : i32
      %dma_wait3A_259 = tpu.memref_slice %arg8[%dma_wait3A_257, %dma_wait3A_258] : memref<10240x16xf32, #tpu.memory_space<vmem_shared>> -> memref<10240x16xf32, #tpu.memory_space<vmem_shared>>
      tpu.wait_indirect_dma semaphore(%arg9 : memref<!tpu.dma_semaphore, #tpu.memory_space<semaphore_mem>>) src(%arg7 : memref<128x16xf32, #tpu.memory_space<vmem>>) dst(%dma_wait3A_259 : memref<10240x16xf32, #tpu.memory_space<vmem_shared>>)
      %dma_wait3A_260 = arith.constant 0 : i32
      %dma_wait3A_261 = tpu.memref_slice %arg4[%add3A_153, %dma_wait3A_260] : memref<80x128xi32, #tpu.memory_space<vmem>> -> memref<1x128xi32, #tpu.memory_space<vmem>>
      %dma_wait3A_262 = tpu.memref_squeeze %dma_wait3A_261 : memref<1x128xi32, #tpu.memory_space<vmem>> -> memref<128xi32, #tpu.memory_space<vmem>>
      %dma_wait3A_263 = arith.constant 0 : i32
      %dma_wait3A_264 = arith.constant 0 : i32
      %dma_wait3A_265 = tpu.memref_slice %arg8[%dma_wait3A_263, %dma_wait3A_264] : memref<10240x16xf32, #tpu.memory_space<vmem_shared>> -> memref<10240x16xf32, #tpu.memory_space<vmem_shared>>
      tpu.wait_indirect_dma semaphore(%arg9 : memref<!tpu.dma_semaphore, #tpu.memory_space<semaphore_mem>>) src(%arg7 : memref<128x16xf32, #tpu.memory_space<vmem>>) dst(%dma_wait3A_265 : memref<10240x16xf32, #tpu.memory_space<vmem_shared>>)
      %dma_wait3A_266 = arith.constant 0 : i32
      %dma_wait3A_267 = tpu.memref_slice %arg4[%add3A_161, %dma_wait3A_266] : memref<80x128xi32, #tpu.memory_space<vmem>> -> memref<1x128xi32, #tpu.memory_space<vmem>>
      %dma_wait3A_268 = tpu.memref_squeeze %dma_wait3A_267 : memref<1x128xi32, #tpu.memory_space<vmem>> -> memref<128xi32, #tpu.memory_space<vmem>>
      %dma_wait3A_269 = arith.constant 0 : i32
      %dma_wait3A_270 = arith.constant 0 : i32
      %dma_wait3A_271 = tpu.memref_slice %arg8[%dma_wait3A_269, %dma_wait3A_270] : memref<10240x16xf32, #tpu.memory_space<vmem_shared>> -> memref<10240x16xf32, #tpu.memory_space<vmem_shared>>
      tpu.wait_indirect_dma semaphore(%arg9 : memref<!tpu.dma_semaphore, #tpu.memory_space<semaphore_mem>>) src(%arg7 : memref<128x16xf32, #tpu.memory_space<vmem>>) dst(%dma_wait3A_271 : memref<10240x16xf32, #tpu.memory_space<vmem_shared>>)
      %dma_wait3A_272 = arith.constant 0 : i32
      %dma_wait3A_273 = tpu.memref_slice %arg4[%add3A_169, %dma_wait3A_272] : memref<80x128xi32, #tpu.memory_space<vmem>> -> memref<1x128xi32, #tpu.memory_space<vmem>>
      %dma_wait3A_274 = tpu.memref_squeeze %dma_wait3A_273 : memref<1x128xi32, #tpu.memory_space<vmem>> -> memref<128xi32, #tpu.memory_space<vmem>>
      %dma_wait3A_275 = arith.constant 0 : i32
      %dma_wait3A_276 = arith.constant 0 : i32
      %dma_wait3A_277 = tpu.memref_slice %arg8[%dma_wait3A_275, %dma_wait3A_276] : memref<10240x16xf32, #tpu.memory_space<vmem_shared>> -> memref<10240x16xf32, #tpu.memory_space<vmem_shared>>
      tpu.wait_indirect_dma semaphore(%arg9 : memref<!tpu.dma_semaphore, #tpu.memory_space<semaphore_mem>>) src(%arg7 : memref<128x16xf32, #tpu.memory_space<vmem>>) dst(%dma_wait3A_277 : memref<10240x16xf32, #tpu.memory_space<vmem_shared>>)
      %dma_wait3A_278 = arith.constant 0 : i32
      %dma_wait3A_279 = tpu.memref_slice %arg4[%add3A_177, %dma_wait3A_278] : memref<80x128xi32, #tpu.memory_space<vmem>> -> memref<1x128xi32, #tpu.memory_space<vmem>>
      %dma_wait3A_280 = tpu.memref_squeeze %dma_wait3A_279 : memref<1x128xi32, #tpu.memory_space<vmem>> -> memref<128xi32, #tpu.memory_space<vmem>>
      %dma_wait3A_281 = arith.constant 0 : i32
      %dma_wait3A_282 = arith.constant 0 : i32
      %dma_wait3A_283 = tpu.memref_slice %arg8[%dma_wait3A_281, %dma_wait3A_282] : memref<10240x16xf32, #tpu.memory_space<vmem_shared>> -> memref<10240x16xf32, #tpu.memory_space<vmem_shared>>
      tpu.wait_indirect_dma semaphore(%arg9 : memref<!tpu.dma_semaphore, #tpu.memory_space<semaphore_mem>>) src(%arg7 : memref<128x16xf32, #tpu.memory_space<vmem>>) dst(%dma_wait3A_283 : memref<10240x16xf32, #tpu.memory_space<vmem_shared>>)
      %dma_wait3A_284 = arith.constant 0 : i32
      %dma_wait3A_285 = tpu.memref_slice %arg4[%add3A_185, %dma_wait3A_284] : memref<80x128xi32, #tpu.memory_space<vmem>> -> memref<1x128xi32, #tpu.memory_space<vmem>>
      %dma_wait3A_286 = tpu.memref_squeeze %dma_wait3A_285 : memref<1x128xi32, #tpu.memory_space<vmem>> -> memref<128xi32, #tpu.memory_space<vmem>>
      %dma_wait3A_287 = arith.constant 0 : i32
      %dma_wait3A_288 = arith.constant 0 : i32
      %dma_wait3A_289 = tpu.memref_slice %arg8[%dma_wait3A_287, %dma_wait3A_288] : memref<10240x16xf32, #tpu.memory_space<vmem_shared>> -> memref<10240x16xf32, #tpu.memory_space<vmem_shared>>
      tpu.wait_indirect_dma semaphore(%arg9 : memref<!tpu.dma_semaphore, #tpu.memory_space<semaphore_mem>>) src(%arg7 : memref<128x16xf32, #tpu.memory_space<vmem>>) dst(%dma_wait3A_289 : memref<10240x16xf32, #tpu.memory_space<vmem_shared>>)
      %dma_wait3A_290 = arith.constant 0 : i32
      %dma_wait3A_291 = tpu.memref_slice %arg4[%add3A_193, %dma_wait3A_290] : memref<80x128xi32, #tpu.memory_space<vmem>> -> memref<1x128xi32, #tpu.memory_space<vmem>>
      %dma_wait3A_292 = tpu.memref_squeeze %dma_wait3A_291 : memref<1x128xi32, #tpu.memory_space<vmem>> -> memref<128xi32, #tpu.memory_space<vmem>>
      %dma_wait3A_293 = arith.constant 0 : i32
      %dma_wait3A_294 = arith.constant 0 : i32
      %dma_wait3A_295 = tpu.memref_slice %arg8[%dma_wait3A_293, %dma_wait3A_294] : memref<10240x16xf32, #tpu.memory_space<vmem_shared>> -> memref<10240x16xf32, #tpu.memory_space<vmem_shared>>
      tpu.wait_indirect_dma semaphore(%arg9 : memref<!tpu.dma_semaphore, #tpu.memory_space<semaphore_mem>>) src(%arg7 : memref<128x16xf32, #tpu.memory_space<vmem>>) dst(%dma_wait3A_295 : memref<10240x16xf32, #tpu.memory_space<vmem_shared>>)
    }
    %scan3A_41 = arith.constant 5 : i32
    %barrier3A_42 = arith.constant 0 : index
    tpu.barrier barrier_id(%barrier3A_42)
    %dma_start3A_43 = arith.constant 0 : i32
    %dma_start3A_44 = tpu.memref_slice %arg8[%mul3A_2, %dma_start3A_43] : memref<10240x16xf32, #tpu.memory_space<vmem_shared>> -> memref<640x16xf32, #tpu.memory_space<vmem_shared>>
    %dma_start3A_45 = arith.constant 0 : i32
    %dma_start3A_46 = tpu.memref_slice %arg8[%mul3A_2, %dma_start3A_45] : memref<10240x16xf32, #tpu.memory_space<vmem_shared>> -> memref<640x16xf32, #tpu.memory_space<vmem_shared>>
    tpu.enqueue_dma source(%dma_start3A_46 : memref<640x16xf32, #tpu.memory_space<vmem_shared>>) target(%arg6 : memref<640x16xf32, #tpu.memory_space<vmem>>) target_semaphore(%arg9 : memref<!tpu.dma_semaphore, #tpu.memory_space<semaphore_mem>>)
    %dma_wait3A_47 = arith.constant 0 : i32
    %dma_wait3A_48 = tpu.memref_slice %arg8[%mul3A_2, %dma_wait3A_47] : memref<10240x16xf32, #tpu.memory_space<vmem_shared>> -> memref<640x16xf32, #tpu.memory_space<vmem_shared>>
    %dma_wait3A_49 = arith.constant 0 : i32
    %dma_wait3A_50 = tpu.memref_slice %arg8[%mul3A_2, %dma_wait3A_49] : memref<10240x16xf32, #tpu.memory_space<vmem_shared>> -> memref<640x16xf32, #tpu.memory_space<vmem_shared>>
    tpu.wait_dma2 semaphore(%arg9 : memref<!tpu.dma_semaphore, #tpu.memory_space<semaphore_mem>>) src(%dma_wait3A_50 : memref<640x16xf32, #tpu.memory_space<vmem_shared>>) dst(%arg6 : memref<640x16xf32, #tpu.memory_space<vmem>>)
    %scan3A_51 = arith.constant 0 : i32
    %scan3A_52 = arith.constant 80 : i32
    %scan3A_53 = arith.addi %scan3A_51, %scan3A_52 : i32
    %scan3A_54 = arith.constant 1 : i32
    scf.for %scan3A_68 = %scan3A_51 to %scan3A_53 step %scan3A_54  : i32 {
      %mul3A_69 = arith.constant 1 : i32
      %mul3A_70 = arith.muli %scan3A_68, %mul3A_69 : i32
      %add3A = arith.constant 0 : i32
      %add3A_71 = arith.addi %add3A, %mul3A_70 : i32
      %mul3A_72 = arith.constant 8 : i32
      %mul3A_73 = arith.muli %add3A_71, %mul3A_72 : i32
      %add3A_74 = arith.constant 0 : i32
      %add3A_75 = arith.addi %mul3A_73, %add3A_74 : i32
      %get3A = arith.index_cast %add3A_75 : i32 to index
      %get3A_76 = arith.constant 0 : index
      %get3A_77 = tpu.vector_load %arg6[%get3A, %get3A_76] {strides = array<i32>} : memref<640x16xf32, #tpu.memory_space<vmem>>, vector<1x16xf32>,
      %get3A_78 = vector.shape_cast %get3A_77 : vector<1x16xf32> to vector<16xf32>
      %swap3A = arith.index_cast %add3A_71 : i32 to index
      %swap3A_79 = arith.constant 0 : index
      %swap3A_80 = tpu.vector_load %arg5[%swap3A, %swap3A_79] {strides = array<i32>} : memref<80x128xf32, #tpu.memory_space<vmem>>, vector<1x16xf32>,
      %swap3A_81 = vector.shape_cast %swap3A_80 : vector<1x16xf32> to vector<16xf32>
      %swap3A_82 = vector.shape_cast %get3A_78 : vector<16xf32> to vector<1x16xf32>
      tpu.vector_store %arg5[%swap3A, %swap3A_79], %swap3A_82 {strides = array<i32>} : memref<80x128xf32, #tpu.memory_space<vmem>>, vector<1x16xf32>,
      %mul3A_83 = arith.constant 8 : i32
      %mul3A_84 = arith.muli %add3A_71, %mul3A_83 : i32
      %add3A_85 = arith.constant 1 : i32
      %add3A_86 = arith.addi %mul3A_84, %add3A_85 : i32
      %get3A_87 = arith.index_cast %add3A_86 : i32 to index
      %get3A_88 = arith.constant 0 : index
      %get3A_89 = tpu.vector_load %arg6[%get3A_87, %get3A_88] {strides = array<i32>} : memref<640x16xf32, #tpu.memory_space<vmem>>, vector<1x16xf32>,
      %get3A_90 = vector.shape_cast %get3A_89 : vector<1x16xf32> to vector<16xf32>
      %swap3A_91 = arith.index_cast %add3A_71 : i32 to index
      %swap3A_92 = arith.constant 16 : index
      %swap3A_93 = tpu.vector_load %arg5[%swap3A_91, %swap3A_92] {strides = array<i32>} : memref<80x128xf32, #tpu.memory_space<vmem>>, vector<1x16xf32>,
      %swap3A_94 = vector.shape_cast %swap3A_93 : vector<1x16xf32> to vector<16xf32>
      %swap3A_95 = vector.shape_cast %get3A_90 : vector<16xf32> to vector<1x16xf32>
      tpu.vector_store %arg5[%swap3A_91, %swap3A_92], %swap3A_95 {strides = array<i32>} : memref<80x128xf32, #tpu.memory_space<vmem>>, vector<1x16xf32>,
      %mul3A_96 = arith.constant 8 : i32
      %mul3A_97 = arith.muli %add3A_71, %mul3A_96 : i32
      %add3A_98 = arith.constant 2 : i32
      %add3A_99 = arith.addi %mul3A_97, %add3A_98 : i32
      %get3A_100 = arith.index_cast %add3A_99 : i32 to index
      %get3A_101 = arith.constant 0 : index
      %get3A_102 = tpu.vector_load %arg6[%get3A_100, %get3A_101] {strides = array<i32>} : memref<640x16xf32, #tpu.memory_space<vmem>>, vector<1x16xf32>,
      %get3A_103 = vector.shape_cast %get3A_102 : vector<1x16xf32> to vector<16xf32>
      %swap3A_104 = arith.index_cast %add3A_71 : i32 to index
      %swap3A_105 = arith.constant 32 : index
      %swap3A_106 = tpu.vector_load %arg5[%swap3A_104, %swap3A_105] {strides = array<i32>} : memref<80x128xf32, #tpu.memory_space<vmem>>, vector<1x16xf32>,
      %swap3A_107 = vector.shape_cast %swap3A_106 : vector<1x16xf32> to vector<16xf32>
      %swap3A_108 = vector.shape_cast %get3A_103 : vector<16xf32> to vector<1x16xf32>
      tpu.vector_store %arg5[%swap3A_104, %swap3A_105], %swap3A_108 {strides = array<i32>} : memref<80x128xf32, #tpu.memory_space<vmem>>, vector<1x16xf32>,
      %mul3A_109 = arith.constant 8 : i32
      %mul3A_110 = arith.muli %add3A_71, %mul3A_109 : i32
      %add3A_111 = arith.constant 3 : i32
      %add3A_112 = arith.addi %mul3A_110, %add3A_111 : i32
      %get3A_113 = arith.index_cast %add3A_112 : i32 to index
      %get3A_114 = arith.constant 0 : index
      %get3A_115 = tpu.vector_load %arg6[%get3A_113, %get3A_114] {strides = array<i32>} : memref<640x16xf32, #tpu.memory_space<vmem>>, vector<1x16xf32>,
      %get3A_116 = vector.shape_cast %get3A_115 : vector<1x16xf32> to vector<16xf32>
      %swap3A_117 = arith.index_cast %add3A_71 : i32 to index
      %swap3A_118 = arith.constant 48 : index
      %swap3A_119 = tpu.vector_load %arg5[%swap3A_117, %swap3A_118] {strides = array<i32>} : memref<80x128xf32, #tpu.memory_space<vmem>>, vector<1x16xf32>,
      %swap3A_120 = vector.shape_cast %swap3A_119 : vector<1x16xf32> to vector<16xf32>
      %swap3A_121 = vector.shape_cast %get3A_116 : vector<16xf32> to vector<1x16xf32>
      tpu.vector_store %arg5[%swap3A_117, %swap3A_118], %swap3A_121 {strides = array<i32>} : memref<80x128xf32, #tpu.memory_space<vmem>>, vector<1x16xf32>,
      %mul3A_122 = arith.constant 8 : i32
      %mul3A_123 = arith.muli %add3A_71, %mul3A_122 : i32
      %add3A_124 = arith.constant 4 : i32
      %add3A_125 = arith.addi %mul3A_123, %add3A_124 : i32
      %get3A_126 = arith.index_cast %add3A_125 : i32 to index
      %get3A_127 = arith.constant 0 : index
      %get3A_128 = tpu.vector_load %arg6[%get3A_126, %get3A_127] {strides = array<i32>} : memref<640x16xf32, #tpu.memory_space<vmem>>, vector<1x16xf32>,
      %get3A_129 = vector.shape_cast %get3A_128 : vector<1x16xf32> to vector<16xf32>
      %swap3A_130 = arith.index_cast %add3A_71 : i32 to index
      %swap3A_131 = arith.constant 64 : index
      %swap3A_132 = tpu.vector_load %arg5[%swap3A_130, %swap3A_131] {strides = array<i32>} : memref<80x128xf32, #tpu.memory_space<vmem>>, vector<1x16xf32>,
      %swap3A_133 = vector.shape_cast %swap3A_132 : vector<1x16xf32> to vector<16xf32>
      %swap3A_134 = vector.shape_cast %get3A_129 : vector<16xf32> to vector<1x16xf32>
      tpu.vector_store %arg5[%swap3A_130, %swap3A_131], %swap3A_134 {strides = array<i32>} : memref<80x128xf32, #tpu.memory_space<vmem>>, vector<1x16xf32>,
      %mul3A_135 = arith.constant 8 : i32
      %mul3A_136 = arith.muli %add3A_71, %mul3A_135 : i32
      %add3A_137 = arith.constant 5 : i32
      %add3A_138 = arith.addi %mul3A_136, %add3A_137 : i32
      %get3A_139 = arith.index_cast %add3A_138 : i32 to index
      %get3A_140 = arith.constant 0 : index
      %get3A_141 = tpu.vector_load %arg6[%get3A_139, %get3A_140] {strides = array<i32>} : memref<640x16xf32, #tpu.memory_space<vmem>>, vector<1x16xf32>,
      %get3A_142 = vector.shape_cast %get3A_141 : vector<1x16xf32> to vector<16xf32>
      %swap3A_143 = arith.index_cast %add3A_71 : i32 to index
      %swap3A_144 = arith.constant 80 : index
      %swap3A_145 = tpu.vector_load %arg5[%swap3A_143, %swap3A_144] {strides = array<i32>} : memref<80x128xf32, #tpu.memory_space<vmem>>, vector<1x16xf32>,
      %swap3A_146 = vector.shape_cast %swap3A_145 : vector<1x16xf32> to vector<16xf32>
      %swap3A_147 = vector.shape_cast %get3A_142 : vector<16xf32> to vector<1x16xf32>
      tpu.vector_store %arg5[%swap3A_143, %swap3A_144], %swap3A_147 {strides = array<i32>} : memref<80x128xf32, #tpu.memory_space<vmem>>, vector<1x16xf32>,
      %mul3A_148 = arith.constant 8 : i32
      %mul3A_149 = arith.muli %add3A_71, %mul3A_148 : i32
      %add3A_150 = arith.constant 6 : i32
      %add3A_151 = arith.addi %mul3A_149, %add3A_150 : i32
      %get3A_152 = arith.index_cast %add3A_151 : i32 to index
      %get3A_153 = arith.constant 0 : index
      %get3A_154 = tpu.vector_load %arg6[%get3A_152, %get3A_153] {strides = array<i32>} : memref<640x16xf32, #tpu.memory_space<vmem>>, vector<1x16xf32>,
      %get3A_155 = vector.shape_cast %get3A_154 : vector<1x16xf32> to vector<16xf32>
      %swap3A_156 = arith.index_cast %add3A_71 : i32 to index
      %swap3A_157 = arith.constant 96 : index
      %swap3A_158 = tpu.vector_load %arg5[%swap3A_156, %swap3A_157] {strides = array<i32>} : memref<80x128xf32, #tpu.memory_space<vmem>>, vector<1x16xf32>,
      %swap3A_159 = vector.shape_cast %swap3A_158 : vector<1x16xf32> to vector<16xf32>
      %swap3A_160 = vector.shape_cast %get3A_155 : vector<16xf32> to vector<1x16xf32>
      tpu.vector_store %arg5[%swap3A_156, %swap3A_157], %swap3A_160 {strides = array<i32>} : memref<80x128xf32, #tpu.memory_space<vmem>>, vector<1x16xf32>,
      %mul3A_161 = arith.constant 8 : i32
      %mul3A_162 = arith.muli %add3A_71, %mul3A_161 : i32
      %add3A_163 = arith.constant 7 : i32
      %add3A_164 = arith.addi %mul3A_162, %add3A_163 : i32
      %get3A_165 = arith.index_cast %add3A_164 : i32 to index
      %get3A_166 = arith.constant 0 : index
      %get3A_167 = tpu.vector_load %arg6[%get3A_165, %get3A_166] {strides = array<i32>} : memref<640x16xf32, #tpu.memory_space<vmem>>, vector<1x16xf32>,
      %get3A_168 = vector.shape_cast %get3A_167 : vector<1x16xf32> to vector<16xf32>
      %swap3A_169 = arith.index_cast %add3A_71 : i32 to index
      %swap3A_170 = arith.constant 112 : index
      %swap3A_171 = tpu.vector_load %arg5[%swap3A_169, %swap3A_170] {strides = array<i32>} : memref<80x128xf32, #tpu.memory_space<vmem>>, vector<1x16xf32>,
      %swap3A_172 = vector.shape_cast %swap3A_171 : vector<1x16xf32> to vector<16xf32>
      %swap3A_173 = vector.shape_cast %get3A_168 : vector<16xf32> to vector<1x16xf32>
      tpu.vector_store %arg5[%swap3A_169, %swap3A_170], %swap3A_173 {strides = array<i32>} : memref<80x128xf32, #tpu.memory_space<vmem>>, vector<1x16xf32>,
    }
    %scan3A_55 = arith.constant 80 : i32
    %dma_start3A_56 = arith.constant 0 : i32
    %dma_start3A_57 = tpu.memref_slice %arg3[%arg0, %mul3A_0, %dma_start3A_56] : memref<2x1280x128xf32, #tpu.memory_space<hbm>> -> memref<1x80x128xf32, #tpu.memory_space<hbm>>
    %dma_start3A_58 = tpu.memref_squeeze %dma_start3A_57 : memref<1x80x128xf32, #tpu.memory_space<hbm>> -> memref<80x128xf32, #tpu.memory_space<hbm>>
    %dma_start3A_59 = arith.constant 0 : i32
    %dma_start3A_60 = tpu.memref_slice %arg3[%arg0, %mul3A_0, %dma_start3A_59] : memref<2x1280x128xf32, #tpu.memory_space<hbm>> -> memref<1x80x128xf32, #tpu.memory_space<hbm>>
    %dma_start3A_61 = tpu.memref_squeeze %dma_start3A_60 : memref<1x80x128xf32, #tpu.memory_space<hbm>> -> memref<80x128xf32, #tpu.memory_space<hbm>>
    tpu.enqueue_dma source(%arg5 : memref<80x128xf32, #tpu.memory_space<vmem>>) target(%dma_start3A_61 : memref<80x128xf32, #tpu.memory_space<hbm>>) target_semaphore(%arg9 : memref<!tpu.dma_semaphore, #tpu.memory_space<semaphore_mem>>)
    %dma_wait3A_62 = arith.constant 0 : i32
    %dma_wait3A_63 = tpu.memref_slice %arg3[%arg0, %mul3A_0, %dma_wait3A_62] : memref<2x1280x128xf32, #tpu.memory_space<hbm>> -> memref<1x80x128xf32, #tpu.memory_space<hbm>>
    %dma_wait3A_64 = tpu.memref_squeeze %dma_wait3A_63 : memref<1x80x128xf32, #tpu.memory_space<hbm>> -> memref<80x128xf32, #tpu.memory_space<hbm>>
    %dma_wait3A_65 = arith.constant 0 : i32
    %dma_wait3A_66 = tpu.memref_slice %arg3[%arg0, %mul3A_0, %dma_wait3A_65] : memref<2x1280x128xf32, #tpu.memory_space<hbm>> -> memref<1x80x128xf32, #tpu.memory_space<hbm>>
    %dma_wait3A_67 = tpu.memref_squeeze %dma_wait3A_66 : memref<1x80x128xf32, #tpu.memory_space<hbm>> -> memref<80x128xf32, #tpu.memory_space<hbm>>
    tpu.wait_dma2 semaphore(%arg9 : memref<!tpu.dma_semaphore, #tpu.memory_space<semaphore_mem>>) src(%arg5 : memref<80x128xf32, #tpu.memory_space<vmem>>) dst(%dma_wait3A_67 : memref<80x128xf32, #tpu.memory_space<hbm>>)
    return
  }
}

module attributes {stable_mosaic.version = 14 : i64} {
  func.func @body(%arg0: memref<1280x1024xf32, #tpu.memory_space<vmem>>, %arg1: memref<1024x128xf32, #tpu.memory_space<vmem>>, %arg2: memref<1280x128xf32, #tpu.memory_space<vmem>>) attributes {dimension_semantics = [], scalar_prefetch = 0 : i64, scratch_operands = 0 : i64, tpu.core_type = #tpu.core_type<tc>} {
    %get3A = arith.constant 0 : index
    %get3A_0 = arith.constant 0 : index
    %get3A_1 = vector.load %arg0[%get3A, %get3A_0] : memref<1280x1024xf32, #tpu.memory_space<vmem>>, vector<1280x1024xf32>
    %get3A_2 = arith.constant 0 : index
    %get3A_3 = arith.constant 0 : index
    %get3A_4 = vector.load %arg1[%get3A_2, %get3A_3] : memref<1024x128xf32, #tpu.memory_space<vmem>>, vector<1024x128xf32>
    %convert_element_type3A = arith.truncf %get3A_1 : vector<1280x1024xf32> to vector<1280x1024xbf16>
    %convert_element_type3A_5 = arith.truncf %get3A_4 : vector<1024x128xf32> to vector<1024x128xbf16>
    %dot_general3A = arith.constant dense<0.000000e+00> : vector<1280x128xf32>
    %dot_general3A_6 = tpu.matmul %convert_element_type3A, %convert_element_type3A_5, %dot_general3A {dimension_numbers = #tpu.dot_dimension_numbers<[1], [0], [0], [1], [0, 0, 1, 1], [], []>, transpose_lhs_hint = false} : vector<1280x1024xbf16>, vector<1024x128xbf16>, vector<1280x128xf32> -> vector<1280x128xf32>
    %swap3A = arith.constant 0 : index
    %swap3A_7 = arith.constant 0 : index
    %swap3A_8 = vector.load %arg2[%swap3A, %swap3A_7] : memref<1280x128xf32, #tpu.memory_space<vmem>>, vector<1280x128xf32>
    tpu.vector_store %arg2[%swap3A, %swap3A_7], %dot_general3A_6 {strides = array<i32>} : memref<1280x128xf32, #tpu.memory_space<vmem>>, vector<1280x128xf32>,
    return
  }
}

module attributes {stable_mosaic.version = 14 : i64} {
  func.func @body(%arg0: memref<2x1280x128xf32, #tpu.memory_space<vmem>>, %arg1: memref<1280x128xf32, #tpu.memory_space<vmem>>, %arg2: memref<1280x128xf32, #tpu.memory_space<vmem>>, %arg3: memref<1280x128xf32, #tpu.memory_space<vmem>>) attributes {dimension_semantics = [], scalar_prefetch = 0 : i64, scratch_operands = 0 : i64, tpu.core_type = #tpu.core_type<tc>} {
    %get3A = arith.constant 0 : index
    %get3A_0 = arith.constant 0 : index
    %get3A_1 = arith.constant 0 : index
    %get3A_2 = vector.load %arg0[%get3A, %get3A_0, %get3A_1] : memref<2x1280x128xf32, #tpu.memory_space<vmem>>, vector<1x1280x128xf32>
    %get3A_3 = vector.shape_cast %get3A_2 : vector<1x1280x128xf32> to vector<1280x128xf32>
    %get3A_4 = arith.constant 1 : index
    %get3A_5 = arith.constant 0 : index
    %get3A_6 = arith.constant 0 : index
    %get3A_7 = vector.load %arg0[%get3A_4, %get3A_5, %get3A_6] : memref<2x1280x128xf32, #tpu.memory_space<vmem>>, vector<1x1280x128xf32>
    %get3A_8 = vector.shape_cast %get3A_7 : vector<1x1280x128xf32> to vector<1280x128xf32>
    %add3A = arith.addf %get3A_3, %get3A_8 : vector<1280x128xf32>
    %add3A_9 = arith.constant 1.000000e+00 : f32
    %add3A_10 = vector.broadcast %add3A_9 : f32 to vector<1280x128xf32>
    %add3A_11 = arith.addf %add3A, %add3A_10 : vector<1280x128xf32>
    %rsqrt3A = math.rsqrt %add3A_11 : vector<1280x128xf32>
    %swap3A = arith.constant 0 : index
    %swap3A_12 = arith.constant 0 : index
    %swap3A_13 = vector.load %arg3[%swap3A, %swap3A_12] : memref<1280x128xf32, #tpu.memory_space<vmem>>, vector<1280x128xf32>
    tpu.vector_store %arg3[%swap3A, %swap3A_12], %rsqrt3A {strides = array<i32>} : memref<1280x128xf32, #tpu.memory_space<vmem>>, vector<1280x128xf32>,
    %get3A_14 = arith.constant 0 : index
    %get3A_15 = arith.constant 0 : index
    %get3A_16 = vector.load %arg1[%get3A_14, %get3A_15] : memref<1280x128xf32, #tpu.memory_space<vmem>>, vector<1280x128xf32>
    %mul3A = arith.mulf %rsqrt3A, %get3A_16 : vector<1280x128xf32>
    %swap3A_17 = arith.constant 0 : index
    %swap3A_18 = arith.constant 0 : index
    %swap3A_19 = vector.load %arg2[%swap3A_17, %swap3A_18] : memref<1280x128xf32, #tpu.memory_space<vmem>>, vector<1280x128xf32>
    tpu.vector_store %arg2[%swap3A_17, %swap3A_18], %mul3A {strides = array<i32>} : memref<1280x128xf32, #tpu.memory_space<vmem>>, vector<1280x128xf32>,
    return
  }
}

module attributes {stable_mosaic.version = 14 : i64} {
  func.func @body(%arg0: memref<2x1280x128xf32, #tpu.memory_space<vmem>>, %arg1: memref<1280x128xf32, #tpu.memory_space<vmem>>, %arg2: memref<1280x128xf32, #tpu.memory_space<vmem>>, %arg3: memref<1x128xf32, #tpu.memory_space<vmem>>, %arg4: memref<128x128xf32, #tpu.memory_space<vmem>>, %arg5: memref<128x128xf32, #tpu.memory_space<vmem>>, %arg6: memref<1280x128xf32, #tpu.memory_space<vmem>>, %arg7: memref<1280x128xf32, #tpu.memory_space<vmem>>, %arg8: memref<1280x128xf32, #tpu.memory_space<vmem>>, %arg9: memref<1280x128xf32, #tpu.memory_space<vmem>>) attributes {dimension_semantics = [], scalar_prefetch = 0 : i64, scratch_operands = 0 : i64, tpu.core_type = #tpu.core_type<tc>} {
    %get3A = arith.constant 0 : index
    %get3A_0 = arith.constant 0 : index
    %get3A_1 = vector.load %arg2[%get3A, %get3A_0] : memref<1280x128xf32, #tpu.memory_space<vmem>>, vector<1280x128xf32>
    %get3A_2 = arith.constant 0 : index
    %get3A_3 = arith.constant 0 : index
    %get3A_4 = arith.constant 0 : index
    %get3A_5 = vector.load %arg0[%get3A_2, %get3A_3, %get3A_4] : memref<2x1280x128xf32, #tpu.memory_space<vmem>>, vector<1x1280x128xf32>
    %get3A_6 = vector.shape_cast %get3A_5 : vector<1x1280x128xf32> to vector<1280x128xf32>
    %get3A_7 = arith.constant 1 : index
    %get3A_8 = arith.constant 0 : index
    %get3A_9 = arith.constant 0 : index
    %get3A_10 = vector.load %arg0[%get3A_7, %get3A_8, %get3A_9] : memref<2x1280x128xf32, #tpu.memory_space<vmem>>, vector<1x1280x128xf32>
    %get3A_11 = vector.shape_cast %get3A_10 : vector<1x1280x128xf32> to vector<1280x128xf32>
    %add3A = arith.addf %get3A_6, %get3A_11 : vector<1280x128xf32>
    %mul3A = arith.mulf %get3A_1, %add3A : vector<1280x128xf32>
    %mul3A_12 = arith.mulf %get3A_1, %get3A_1 : vector<1280x128xf32>
    %get3A_13 = arith.constant 0 : index
    %get3A_14 = arith.constant 0 : index
    %get3A_15 = vector.load %arg1[%get3A_13, %get3A_14] : memref<1280x128xf32, #tpu.memory_space<vmem>>, vector<1280x128xf32>
    %mul3A_16 = arith.mulf %mul3A_12, %get3A_15 : vector<1280x128xf32>
    %add3A_17 = arith.addf %mul3A, %mul3A_16 : vector<1280x128xf32>
    %get3A_18 = arith.constant 0 : index
    %get3A_19 = arith.constant 0 : index
    %get3A_20 = vector.load %arg3[%get3A_18, %get3A_19] : memref<1x128xf32, #tpu.memory_space<vmem>>, vector<1x128xf32>
    %add3A_21 = vector.broadcast %get3A_20 : vector<1x128xf32> to vector<1280x128xf32>
    %add3A_22 = arith.addf %add3A_17, %add3A_21 : vector<1280x128xf32>
    %max3A = arith.constant 0.000000e+00 : f32
    %max3A_23 = vector.broadcast %max3A : f32 to vector<1280x128xf32>
    %max3A_24 = arith.maximumf %add3A_22, %max3A_23 : vector<1280x128xf32>
    %get3A_25 = arith.constant 0 : index
    %get3A_26 = arith.constant 0 : index
    %get3A_27 = vector.load %arg4[%get3A_25, %get3A_26] : memref<128x128xf32, #tpu.memory_space<vmem>>, vector<128x128xf32>
    %convert_element_type3A = arith.truncf %max3A_24 : vector<1280x128xf32> to vector<1280x128xbf16>
    %convert_element_type3A_28 = arith.truncf %get3A_27 : vector<128x128xf32> to vector<128x128xbf16>
    %dot_general3A = arith.constant dense<0.000000e+00> : vector<1280x128xf32>
    %dot_general3A_29 = tpu.matmul %convert_element_type3A, %convert_element_type3A_28, %dot_general3A {dimension_numbers = #tpu.dot_dimension_numbers<[1], [0], [0], [1], [0, 0, 1, 1], [], []>, transpose_lhs_hint = false} : vector<1280x128xbf16>, vector<128x128xbf16>, vector<1280x128xf32> -> vector<1280x128xf32>
    %get3A_30 = arith.constant 0 : index
    %get3A_31 = arith.constant 0 : index
    %get3A_32 = vector.load %arg5[%get3A_30, %get3A_31] : memref<128x128xf32, #tpu.memory_space<vmem>>, vector<128x128xf32>
    %convert_element_type3A_33 = arith.truncf %max3A_24 : vector<1280x128xf32> to vector<1280x128xbf16>
    %convert_element_type3A_34 = arith.truncf %get3A_32 : vector<128x128xf32> to vector<128x128xbf16>
    %dot_general3A_35 = arith.constant dense<0.000000e+00> : vector<1280x128xf32>
    %dot_general3A_36 = tpu.matmul %convert_element_type3A_33, %convert_element_type3A_34, %dot_general3A_35 {dimension_numbers = #tpu.dot_dimension_numbers<[1], [0], [0], [1], [0, 0, 1, 1], [], []>, transpose_lhs_hint = false} : vector<1280x128xbf16>, vector<128x128xbf16>, vector<1280x128xf32> -> vector<1280x128xf32>
    %swap3A = arith.constant 0 : index
    %swap3A_37 = arith.constant 0 : index
    %swap3A_38 = vector.load %arg8[%swap3A, %swap3A_37] : memref<1280x128xf32, #tpu.memory_space<vmem>>, vector<1280x128xf32>
    tpu.vector_store %arg8[%swap3A, %swap3A_37], %dot_general3A_29 {strides = array<i32>} : memref<1280x128xf32, #tpu.memory_space<vmem>>, vector<1280x128xf32>,
    %swap3A_39 = arith.constant 0 : index
    %swap3A_40 = arith.constant 0 : index
    %swap3A_41 = vector.load %arg9[%swap3A_39, %swap3A_40] : memref<1280x128xf32, #tpu.memory_space<vmem>>, vector<1280x128xf32>
    tpu.vector_store %arg9[%swap3A_39, %swap3A_40], %dot_general3A_36 {strides = array<i32>} : memref<1280x128xf32, #tpu.memory_space<vmem>>, vector<1280x128xf32>,
    %mul3A_42 = arith.mulf %get3A_1, %dot_general3A_29 : vector<1280x128xf32>
    %swap3A_43 = arith.constant 0 : index
    %swap3A_44 = arith.constant 0 : index
    %swap3A_45 = vector.load %arg6[%swap3A_43, %swap3A_44] : memref<1280x128xf32, #tpu.memory_space<vmem>>, vector<1280x128xf32>
    tpu.vector_store %arg6[%swap3A_43, %swap3A_44], %mul3A_42 {strides = array<i32>} : memref<1280x128xf32, #tpu.memory_space<vmem>>, vector<1280x128xf32>,
    %mul3A_46 = arith.mulf %get3A_1, %dot_general3A_36 : vector<1280x128xf32>
    %swap3A_47 = arith.constant 0 : index
    %swap3A_48 = arith.constant 0 : index
    %swap3A_49 = vector.load %arg7[%swap3A_47, %swap3A_48] : memref<1280x128xf32, #tpu.memory_space<vmem>>, vector<1280x128xf32>
    tpu.vector_store %arg7[%swap3A_47, %swap3A_48], %mul3A_46 {strides = array<i32>} : memref<1280x128xf32, #tpu.memory_space<vmem>>, vector<1280x128xf32>,
    return
  }
}

module attributes {stable_mosaic.version = 14 : i64} {
  func.func @body(%arg0: memref<2x1280x128xf32, #tpu.memory_space<vmem>>, %arg1: memref<2x1280x128xf32, #tpu.memory_space<vmem>>, %arg2: memref<1280x128xf32, #tpu.memory_space<vmem>>, %arg3: memref<1280x128xf32, #tpu.memory_space<vmem>>, %arg4: memref<1280x128xf32, #tpu.memory_space<vmem>>, %arg5: memref<1x128xf32, #tpu.memory_space<vmem>>, %arg6: memref<1x128xf32, #tpu.memory_space<vmem>>, %arg7: memref<1x128xf32, #tpu.memory_space<vmem>>, %arg8: memref<1x128xf32, #tpu.memory_space<vmem>>, %arg9: memref<128x8xf32, #tpu.memory_space<vmem>>, %arg10: memref<1x1xf32, #tpu.memory_space<vmem>>, %arg11: memref<1280x8xf32, #tpu.memory_space<vmem>>) attributes {dimension_semantics = [], scalar_prefetch = 0 : i64, scratch_operands = 0 : i64, tpu.core_type = #tpu.core_type<tc>} {
    %get3A = arith.constant 0 : index
    %get3A_0 = arith.constant 0 : index
    %get3A_1 = vector.load %arg4[%get3A, %get3A_0] : memref<1280x128xf32, #tpu.memory_space<vmem>>, vector<1280x128xf32>
    %mul3A = arith.mulf %get3A_1, %get3A_1 : vector<1280x128xf32>
    %get3A_2 = arith.constant 0 : index
    %get3A_3 = arith.constant 0 : index
    %get3A_4 = arith.constant 0 : index
    %get3A_5 = vector.load %arg0[%get3A_2, %get3A_3, %get3A_4] : memref<2x1280x128xf32, #tpu.memory_space<vmem>>, vector<1x1280x128xf32>
    %get3A_6 = vector.shape_cast %get3A_5 : vector<1x1280x128xf32> to vector<1280x128xf32>
    %get3A_7 = arith.constant 1 : index
    %get3A_8 = arith.constant 0 : index
    %get3A_9 = arith.constant 0 : index
    %get3A_10 = vector.load %arg0[%get3A_7, %get3A_8, %get3A_9] : memref<2x1280x128xf32, #tpu.memory_space<vmem>>, vector<1x1280x128xf32>
    %get3A_11 = vector.shape_cast %get3A_10 : vector<1x1280x128xf32> to vector<1280x128xf32>
    %add3A = arith.addf %get3A_6, %get3A_11 : vector<1280x128xf32>
    %mul3A_12 = arith.mulf %get3A_1, %add3A : vector<1280x128xf32>
    %get3A_13 = arith.constant 0 : index
    %get3A_14 = arith.constant 0 : index
    %get3A_15 = vector.load %arg2[%get3A_13, %get3A_14] : memref<1280x128xf32, #tpu.memory_space<vmem>>, vector<1280x128xf32>
    %mul3A_16 = arith.mulf %mul3A, %get3A_15 : vector<1280x128xf32>
    %add3A_17 = arith.addf %mul3A_12, %mul3A_16 : vector<1280x128xf32>
    %get3A_18 = arith.constant 0 : index
    %get3A_19 = arith.constant 0 : index
    %get3A_20 = vector.load %arg5[%get3A_18, %get3A_19] : memref<1x128xf32, #tpu.memory_space<vmem>>, vector<1x128xf32>
    %add3A_21 = vector.broadcast %get3A_20 : vector<1x128xf32> to vector<1280x128xf32>
    %add3A_22 = arith.addf %add3A_17, %add3A_21 : vector<1280x128xf32>
    %get3A_23 = arith.constant 0 : index
    %get3A_24 = arith.constant 0 : index
    %get3A_25 = arith.constant 0 : index
    %get3A_26 = vector.load %arg1[%get3A_23, %get3A_24, %get3A_25] : memref<2x1280x128xf32, #tpu.memory_space<vmem>>, vector<1x1280x128xf32>
    %get3A_27 = vector.shape_cast %get3A_26 : vector<1x1280x128xf32> to vector<1280x128xf32>
    %get3A_28 = arith.constant 1 : index
    %get3A_29 = arith.constant 0 : index
    %get3A_30 = arith.constant 0 : index
    %get3A_31 = vector.load %arg1[%get3A_28, %get3A_29, %get3A_30] : memref<2x1280x128xf32, #tpu.memory_space<vmem>>, vector<1x1280x128xf32>
    %get3A_32 = vector.shape_cast %get3A_31 : vector<1x1280x128xf32> to vector<1280x128xf32>
    %add3A_33 = arith.addf %get3A_27, %get3A_32 : vector<1280x128xf32>
    %mul3A_34 = arith.mulf %get3A_1, %add3A_33 : vector<1280x128xf32>
    %get3A_35 = arith.constant 0 : index
    %get3A_36 = arith.constant 0 : index
    %get3A_37 = vector.load %arg3[%get3A_35, %get3A_36] : memref<1280x128xf32, #tpu.memory_space<vmem>>, vector<1280x128xf32>
    %mul3A_38 = arith.mulf %mul3A, %get3A_37 : vector<1280x128xf32>
    %add3A_39 = arith.addf %mul3A_34, %mul3A_38 : vector<1280x128xf32>
    %get3A_40 = arith.constant 0 : index
    %get3A_41 = arith.constant 0 : index
    %get3A_42 = vector.load %arg6[%get3A_40, %get3A_41] : memref<1x128xf32, #tpu.memory_space<vmem>>, vector<1x128xf32>
    %add3A_43 = vector.broadcast %get3A_42 : vector<1x128xf32> to vector<1280x128xf32>
    %add3A_44 = arith.addf %add3A_39, %add3A_43 : vector<1280x128xf32>
    %get3A_45 = arith.constant 0 : index
    %get3A_46 = arith.constant 0 : index
    %get3A_47 = vector.load %arg7[%get3A_45, %get3A_46] : memref<1x128xf32, #tpu.memory_space<vmem>>, vector<1x128xf32>
    %convert_element_type3A = arith.truncf %get3A_47 : vector<1x128xf32> to vector<1x128xbf16>
    %convert_element_type3A_48 = arith.extf %convert_element_type3A : vector<1x128xbf16> to vector<1x128xf32>
    %get3A_49 = arith.constant 0 : index
    %get3A_50 = arith.constant 0 : index
    %get3A_51 = vector.load %arg8[%get3A_49, %get3A_50] : memref<1x128xf32, #tpu.memory_space<vmem>>, vector<1x128xf32>
    %convert_element_type3A_52 = arith.truncf %get3A_51 : vector<1x128xf32> to vector<1x128xbf16>
    %convert_element_type3A_53 = arith.extf %convert_element_type3A_52 : vector<1x128xbf16> to vector<1x128xf32>
    %convert_element_type3A_54 = arith.truncf %add3A_22 : vector<1280x128xf32> to vector<1280x128xbf16>
    %convert_element_type3A_55 = arith.extf %convert_element_type3A_54 : vector<1280x128xbf16> to vector<1280x128xf32>
    %mul3A_56 = vector.broadcast %convert_element_type3A_48 : vector<1x128xf32> to vector<1280x128xf32>
    %mul3A_57 = arith.mulf %convert_element_type3A_55, %mul3A_56 : vector<1280x128xf32>
    %convert_element_type3A_58 = arith.truncf %add3A_44 : vector<1280x128xf32> to vector<1280x128xbf16>
    %convert_element_type3A_59 = arith.extf %convert_element_type3A_58 : vector<1280x128xbf16> to vector<1280x128xf32>
    %mul3A_60 = vector.broadcast %convert_element_type3A_53 : vector<1x128xf32> to vector<1280x128xf32>
    %mul3A_61 = arith.mulf %convert_element_type3A_59, %mul3A_60 : vector<1280x128xf32>
    %add3A_62 = arith.addf %mul3A_57, %mul3A_61 : vector<1280x128xf32>
    %get3A_63 = arith.constant 0 : index
    %get3A_64 = arith.constant 0 : index
    %get3A_65 = vector.load %arg9[%get3A_63, %get3A_64] : memref<128x8xf32, #tpu.memory_space<vmem>>, vector<128x8xf32>
    %dot_general3A = arith.constant dense<0.000000e+00> : vector<1280x8xf32>
    %dot_general3A_66 = tpu.matmul %add3A_62, %get3A_65, %dot_general3A {dimension_numbers = #tpu.dot_dimension_numbers<[1], [0], [0], [1], [0, 0, 1, 1], [], []>, precision = #tpu.contract_precision<fp32>, transpose_lhs_hint = false} : vector<1280x128xf32>, vector<128x8xf32>, vector<1280x8xf32> -> vector<1280x8xf32>
    %get3A_67 = arith.constant 0 : index
    %get3A_68 = arith.constant 0 : index
    %get3A_69 = vector.load %arg10[%get3A_67, %get3A_68] : memref<1x1xf32, #tpu.memory_space<vmem>>, vector<1x1xf32>
    %get3A_70 = vector.extract %get3A_69[0, 0] : f32 from vector<1x1xf32>
    %add3A_71 = vector.broadcast %get3A_70 : f32 to vector<1280x8xf32>
    %add3A_72 = arith.addf %dot_general3A_66, %add3A_71 : vector<1280x8xf32>
    %swap3A = arith.constant 0 : index
    %swap3A_73 = arith.constant 0 : index
    %swap3A_74 = vector.load %arg11[%swap3A, %swap3A_73] : memref<1280x8xf32, #tpu.memory_space<vmem>>, vector<1280x8xf32>
    tpu.vector_store %arg11[%swap3A, %swap3A_73], %add3A_72 {strides = array<i32>} : memref<1280x8xf32, #tpu.memory_space<vmem>>, vector<1280x8xf32>,
    return
  }
}

</mosaic_0001>

<sc_bundles>
// kernel: _run.12.cloned.1.call-start
scs
__scs_entry_jumppad:
0x0: {  	(pc) =	sbr.rel $0x88, $3  }
0x1: {  	(tag) =	ssettag $0x0;
	lr =	simm.s32 $0x1  }
0x2: {  	[smem:$0x3F99] =	sst lr;
	_ =	strace $0xD0000000  }
0x3: {  	_ = 	snop  }
0x4: {  	_ = 	snop  }
0x5: {  	_ = 	snop  }
0x6: {  	_ = 	snop  }
0x7: {  	_ = 	snop  }
__scs_overlays_trampoline_lowered:
0x8: {  	[smem:$0x3FA8] =	sst s0  }
0x9: {  	[smem:$0x3FA9] =	sst s1  }
0xa: {  	[smem:$0x3FAA] =	sst s2  }
0xb: {  	[smem:$0x3FAB] =	sst s3  }
0xc: {  	[smem:$0x3FAC] =	sst s4  }
0xd: {  	[smem:$0x3FAD] =	sst s5  }
0xe: {  	[smem:$0x3FAE] =	sst s6  }
0xf: {  	[smem:$0x3FAF] =	sst s7  }
0x10: {  	[smem:$0x3FB0] =	sst s8  }
0x11: {  	[smem:$0x3FB1] =	sst s9;
	s0 =	simm.s32 @!p0 $0x0  }
0x12: {  	s1 =	sld [smem:$0x3F97];
	s0 =	simm.s32 @p0 $0x1  }
0x13: {  	[smem:$0x3FB2] =	sst s0;
	s0 =	simm.s32 @!p1 $0x0  }
0x14: {  	s2 =	sld [smem:$0x3F96];
	s0 =	simm.s32 @p1 $0x1  }
0x15: {  	[smem:$0x3FB3] =	sst s0;
	s0 =	simm.s32 @!p2 $0x0  }
0x16: {  	s3 =	sld [smem:$0x3FDB];
	s0 =	simm.s32 @p2 $0x1  }
0x17: {  	s4 =	simm.s32 $0x1BF5;
	[smem:$0x3FB5] =	sst s0  }
0x18: {  	s0 =	sld [smem:$0x3F98];
	_ =	swait.ge [sflag:s4], $0x0  }
0x19: {  	s7 =	sld [smem:$0x3F99]  }
0x1a: {  	s8 =	sadd.s32 $0xFFFFE003, lr  }
0x1b: {  	s9 =	sadd.s32 $0xFFFFFEF7, lr;
	s5 =	simm.s32 $0xFFFFFFFF;
	p2 =	slt.u32 s8, $0xFFFFF086  }
0x1c: {  	p1 =	slt.u32 s9, $0xF7A;
	s5 =	simm.s32 @!p2 $0x0  }
0x1d: {  	s5 =	simm.s32 @p1 $0x1;
	p0 =	seq.s32 s7, s2  }
0x1e: {  	s7 =	smul.u32 @!p0 $0xF7A, s2;
	p2 =	seq.s32 @!p0 s5, $0x0  }
0x1f: {  	s9 =	smul.u32 $0xF7A, s1;
	s8 =	simm.s32 @!p0 $0x1BF5;
	p2 =	por !p2, p0  }
0x20: {  	[sflag:s8] =	ssyncset.s32 @!p0 $0xFFFFF086;
	s6 =	sadd.s32 @!p0 s3, s7;
	s7 =	simm.s32 @!p0 $0x108  }
0x21: {  	s3 =	sadd.s32 s3, s9;
	s6 =	sadd.s32 @!p0 $0x88, s6;
	s7 =	simm.s32 @p2 $0x1082  }
0x22: {  	[simem:s7], [sflag:s8] =	dma.local @!p0 [hbm:s6], $0xF7A  }
0x23: {  	s9 =	sor.u32 $0xD0000000, s2;
	s6 =	simm.s32 $0x108;
	_ =	swait.ge @!p0 [sflag:s8], $0x0  }
0x24: {  	s3 =	sadd.s32 $0x88, s3;
	s6 =	simm.s32 @!p1 $0x1082;
	[sflag:s4] =	ssyncset.s32 $0xFFFFF086  }
0x25: {  	[simem:s6], [sflag:s4] =	dma.local [hbm:s3], $0xF7A  }
0x26: {  	[smem:$0x3F99] =	sst s1;
	(tag) =	ssettag s2;
	_ =	strace s9  }
0x27: {  	s1 =	sld [smem:$0x3FA9]  }
0x28: {  	s2 =	sld [smem:$0x3FAA]  }
0x29: {  	s4 =	sld [smem:$0x3FAC]  }
0x2a: {  	p0 =	seq.s32 s5, $0x0;
	s5 =	sld [smem:$0x3FAD]  }
0x2b: {  	s6 =	sld [smem:$0x3FAE]  }
0x2c: {  	s7 =	sld [smem:$0x3FAF]  }
0x2d: {  	s3 =	simm.s32 $0x108;
	s8 =	sld [smem:$0x3FB0]  }
0x2e: {  	s3 =	simm.s32 @!p0 $0x1082;
	s9 =	sld [smem:$0x3FB1]  }
0x2f: {  	lr =	sadd.s32 s0, s3;
	s0 =	sld [smem:$0x3FA8]  }
0x30: {  	s3 =	sld [smem:$0x3FAB]  }
0x31: {  	[smem:$0x3FB4] =	sst s10  }
0x32: {  	s10 =	sld [smem:$0x3FB2];
	_ =	sdelay $0x3  }
0x33: {  	p0 =	seq.s32 s10, $0x1;
	s10 =	sld [smem:$0x3FB4];
	_ =	sdelay $0x3  }
0x34: {  	[smem:$0x3FB4] =	sst s10  }
0x35: {  	s10 =	sld [smem:$0x3FB3];
	_ =	sdelay $0x3  }
0x36: {  	p1 =	seq.s32 s10, $0x1;
	s10 =	sld [smem:$0x3FB4];
	_ =	sdelay $0x3  }
0x37: {  	[smem:$0x3FB4] =	sst s10  }
0x38: {  	s10 =	sld [smem:$0x3FB5]  }
0x39: {  	_ = 	snop;
	(pc) =	sbr.ind lr, $3  }
0x3a: {  	_ = 	snop  }
0x3b: {  	_ = 	snop  }
0x3c: {  	p2 =	seq.s32 s10, $0x1;
	s10 =	sld [smem:$0x3FB4]  }
0x3d: {  	_ =	shalt  }
0x3e: {  	_ =	shalt  }
0x3f: {  	_ =	shalt  }
0x40: {  	_ =	shalt  }
0x41: {  	_ =	shalt  }
0x42: {  	_ =	shalt  }
0x43: {  	_ =	shalt  }
0x44: {  	_ =	shalt  }
0x45: {  	_ =	shalt  }
0x46: {  	_ =	shalt  }
0x47: {  	_ =	shalt  }
0x48: {  	_ =	shalt  }
0x49: {  	_ =	shalt  }
0x4a: {  	_ =	shalt  }
0x4b: {  	_ =	shalt  }
0x4c: {  	_ =	shalt  }
0x4d: {  	_ =	shalt  }
0x4e: {  	_ =	shalt  }
0x4f: {  	_ =	shalt  }
0x50: {  	_ =	shalt  }
0x51: {  	_ =	shalt  }
0x52: {  	_ =	shalt  }
0x53: {  	_ =	shalt  }
0x54: {  	_ =	shalt  }
0x55: {  	_ =	shalt  }
0x56: {  	_ =	shalt  }
0x57: {  	_ =	shalt  }
0x58: {  	_ =	shalt  }
0x59: {  	_ =	shalt  }
0x5a: {  	_ =	shalt  }
0x5b: {  	_ =	shalt  }
0x5c: {  	_ =	shalt  }
0x5d: {  	_ =	shalt  }
0x5e: {  	_ =	shalt  }
0x5f: {  	_ =	shalt  }
0x60: {  	_ =	shalt  }
0x61: {  	_ =	shalt  }
0x62: {  	_ =	shalt  }
0x63: {  	_ =	shalt  }
0x64: {  	_ =	shalt  }
0x65: {  	_ =	shalt  }
0x66: {  	_ =	shalt  }
0x67: {  	_ =	shalt  }
0x68: {  	_ =	shalt  }
0x69: {  	_ =	shalt  }
0x6a: {  	_ =	shalt  }
0x6b: {  	_ =	shalt  }
0x6c: {  	_ =	shalt  }
0x6d: {  	_ =	shalt  }
0x6e: {  	_ =	shalt  }
0x6f: {  	_ =	shalt  }
0x70: {  	_ =	shalt  }
0x71: {  	_ =	shalt  }
0x72: {  	_ =	shalt  }
0x73: {  	_ =	shalt  }
0x74: {  	_ =	shalt  }
0x75: {  	_ =	shalt  }
0x76: {  	_ =	shalt  }
0x77: {  	_ =	shalt  }
0x78: {  	_ =	shalt  }
0x79: {  	_ =	shalt  }
0x7a: {  	_ =	shalt  }
0x7b: {  	_ =	shalt  }
0x7c: {  	_ =	shalt  }
0x7d: {  	_ =	shalt  }
0x7e: {  	_ =	shalt  }
0x7f: {  	_ =	shalt  }
0x80: {  	_ =	shalt  }
0x81: {  	_ =	shalt  }
0x82: {  	_ =	shalt  }
0x83: {  	_ =	shalt  }
0x84: {  	_ =	shalt  }
0x85: {  	_ =	shalt  }
0x86: {  	_ =	shalt  }
0x87: {  	_ =	shalt  }
.Lfunc_end0:
.L_simem_size_0:
called_computation.1_lowered:
.L_overlay_start_0:
0x88: {  	s2 =	sld [smem:$0x3FD9]  }
0x89: {  	s3 =	sld [smem:$0x3FFE];
	_ =	sdelay $0x1  }
0x8a: {  	s1 =	srdreg.scid  }
0x8b: {  	s0 =	sand.u32 $0x1, s1  }
0x8c: {  	s16 =	sshll.u32 s0, $0xA;
	s2 =	sadd.s32 s3, s2  }
0x8d: {  	s2 =	sadd.s32 s2, s16  }
0x8e: {  	[smem:$0x3FC0] =	sst s2  }
0x8f: {  	_ = 	snop  }
0x90: {  	(tm) =	ssettm $0x1  }
0x91: {  	s17 =	sld [smem:$0x3FFB];
	_ =	sdelay $0x3  }
0x92: {  	_ =	strace s17  }
0x93: {  	s2 =	sld [smem:$0x3FFC];
	_ =	sdelay $0x3  }
0x94: {  	_ =	strace s2  }
0x95: {  	s2 =	sld [smem:$0x3FFD];
	_ =	sdelay $0x3  }
0x96: {  	_ =	strace s2  }
0x97: {  	_ =	strace $0x8FFFFFFF  }
0x98: {  	s18 =	sld [smem:$0x3FDB];
	_ =	sdelay $0x1  }
0x99: {  	s19 =	simm.s32 $_scs_section_size  }
0x9a: {  	s4 =	simm.s32 $_size__tile_overlayer_lowered;
	s5 =	simm.s32 $_tile_overlayer_lowered  }
0x9b: {  	s22 =	simm.s32 $0x1BFF;
	s21 =	sshll.u32 s5, $0x1;
	s2 =	sadd.s32 s19, s18  }
0x9c: {  	s6 =	simm.s32 $0x0;
	s20 =	sshll.u32 s4, $0x1;
	s4 =	sadd.s32 s21, s2  }
0x9d: {  	[timem:s6], [sflag:s22] =	dma.local [hbm:s4], s20  }
0x9e: {  	_ =	swait.ge [sflag:s22], s20  }
0x9f: {  	s3 =	ssub.s32 $0x0, s20;
	[sflag:s22] =	ssyncset.done $0x0  }
0xa0: {  	[sflag:s22] =	ssyncadd.s32 s3;
	_ =	sdelay $0x1  }
0xa1: {  	s23 =	simm.s32 $0x1B8B  }
0xa2: {  	_ =	swait.ge [sflag:s23], $0x1  }
0xa3: {  	[sflag:s23] =	ssyncset.done $0x0  }
0xa4: {  	s25 =	simm.s32 $0x1B8E;
	s24 =	sld [smem:$0x3FFE];
	[sflag:s23] =	ssyncadd.s32 $0xFFFFFFFF  }
0xa5: {  	s26 =	simm.s32 $execute0_lowered;
	[smem:$0x3FD2] =	sst s25  }
0xa6: {  	s4 =	sshll.u32 s26, $0x1;
	_ =	strace $0x80000049;
	[dreg:$0x1] =	wrdreg $0xFFFFFFFF  }
0xa7: {  	s28 =	simm.s32 $_size_execute0_lowered;
	s2 =	sadd.s32 s2, s4;
	[dreg:$0x0] =	wrdreg $0x0  }
0xa8: {  	s4 =	sshll.u32 s28, $0x1;
	[dreg:$0x2] =	wrdreg s2  }
0xa9: {  	[dreg:$0x3] =	wrdreg s4  }
0xaa: {  	[dreg:$0x4] =	wrdreg $0xC0  }
0xab: {  	_ =	task [dreg:s6], $0x5FFFF  }
0xac: {  	[dreg:$0x1] =	wrdreg $0xFFFFFFFF  }
0xad: {  	[dreg:$0x0] =	wrdreg $0x60  }
0xae: {  	[dreg:$0x2] =	wrdreg s24  }
0xaf: {  	[dreg:$0x3] =	wrdreg $0xC0000  }
0xb0: {  	[dreg:$0x4] =	wrdreg $0xE8000  }
0xb1: {  	[dreg:$0x5] =	wrdreg $0x9  }
0xb2: {  	_ =	task.clear_ibuf [dreg:s6], $0x6FFFF;
	_ =	strace $0x90000049  }
0xb3: {  	s29 =	simm.s32 $0x9;
	_ =	strace $0x8000004B  }
0xb4: {  	_ =	swait.ge [sflag:s29], $0x1  }
0xb5: {  	[sflag:s29] =	ssyncadd.s32 $0xFFFFFFFF  }
0xb6: {  	_ =	strace $0x9000004B  }
0xb7: {  	_ =	sfence  }
0xb8: {  	s30 =	sld [smem:$0x0];
	_ =	sdelay $0x2  }
0xb9: {  	s31 =	sshll.u32 s1, $0xD;
	s1 =	sshrl.u32 s1, $0x2  }
0xba: {  	s3 =	sand.u32 $0x4000, s31;
	s1 =	sadd.s32 s1, s30  }
0xbb: {  	s0 =	sor.u32 s3, s0;
	s1 =	sshll.u32 s1, $0x11  }
0xbc: {  	s0 =	sor.u32 s1, s0  }
0xbd: {  	s0 =	sadd.s32 $0x8F2B, s0  }
0xbe: {  	[sflag:s0] =	ssyncadd.remote.s32 $0x1  }
0xbf: {  	_ =	sfence.sel $0xFFFF  }
0xc0: {  	[dreg:$0x0] =	wrdreg $0xFFFFFFFF;
	(pc) =	sbr.abs _section_cstart, $3  }
0xc1: {  	[dreg:$0x1] =	wrdreg $0xFFFFFFFF  }
0xc2: {  	_ =	task.clear_ibuf [dreg:s6], $0x2FFFF;
	_ =	strace $0x9FFFFFFF  }
0xc3: {  	(tm) =	ssettm $0x7FFFFFFF  }
tec
execute0_lowered:
.L_overlay_start_1:
0x0: {  	(tag) =	ssettag $0x1  }
0x1: {  	s0 =	rddreg [dreg:$0x0]  }
0x2: {  	s2 =	rddreg [dreg:$0x1];
	s4 =	stileid.u32  }
0x3: {  	s1 =	srdreg.scid;
	s3 =	rddreg [dreg:$0x2];
	s13 =	simm.s32 $0x5000  }
0x4: {  	s14 =	simm.s32 $0xA;
	s15 =	simm.s32 $0x7800;
	s16 =	simm.s32 $0x9  }
0x5: {  	s17 =	simm.s32 $0x80;
	s18 =	simm.s32 $0xA000;
	s19 =	simm.s32 $0xA800  }
0x6: {  	s20 =	simm.s32 $0xB000;
	s21 =	simm.s32 $0xB800;
	s22 =	simm.s32 $0x1  }
0x7: {  	s23 =	simm.s32 $0x2;
	s24 =	simm.s32 $0x3;
	s28 =	simm.s32 $0x6  }
0x8: {  	s29 =	simm.s32 $0x7;
	s30 =	simm.s32 $0x8;
	s31 =	simm.s32 $0x0  }
0x9: {  	s9 =	smul.u32 $0x2800, s4;
	s1 =	sand.u32 $0x1, s1;
	s4 =	simm.s32 $0x0  }
0xa: {  	s5 =	smul.u32 $0x28000, s1;
	[smem:$0x7FF] =	sst s4;
	s1 =	ssub.s32 $0x2, s1  }
0xb: {  	_ =	strace $0x8000004A;
	s6 =	sshrl.u32 s9, $0x3;
	s25 =	sshrl.u32 s1, $0x1  }
0xc: {  	s8 =	sadd.s32 s9, s2;
	s5 =	sadd.s32 s9, s5;
	s7 =	sadd.s32 s6, s0  }
0xd: {  	s1 =	ssub.s32 s1, s25;
	s9 =	sadd.s32 s9, s3;
	s5 =	sshrl.u32 s5, $0x3  }
0xe: {  	s25 =	simm.s32 $0x4;
	s7 =	sadd.s32 $0xD200, s7;
	s0 =	sadd.s32 s5, s0  }
0xf: {  	s11 =	smax.u32 s1, $0x1;
	s26 =	sadd.s32 $0x17200, s0;
	s6 =	sadd.s32 $0x3200, s0  }
0x10: {  	v0 =	vimm.f32 $0.0e+00;
	s10 =	sadd.s32 $0x21200, s0;
	[dreg:$0x4] =	wrdreg s26;
	s26 =	simm.s32 $0x5  }
.LBB2_1:
0x11: {  	s0 =	rddreg [dreg:$0x4]  }
0x12: {  	[tilespmem:s4], [sflag:$0x9] =	stream.linear.gather [hbm4b:s0+s4], $0x2800, $0x38;
	[tilespmem:$0x11000] =	vst v63  }
0x13: {  	s12 =	simm.s32 $0x2800  }
0x14: {  	[tilespmem:s12], [sflag:$0x9] =	stream.linear.gather [hbm4b:s6+s4], $0x2800, $0x38;
	[tilespmem:$0x11000] =	vst v63  }
0x15: {  	_ = 	snop  }
0x16: {  	[tilespmem:s13], [sflag:$0xA] =	stream.linear.gather [hbm4b:s7+s4], $0x2800, $0x38;
	[tilespmem:$0x11000] =	vst v63  }
0x17: {  	_ =	swait.ge [sflag:s14], $0x2800  }
0x18: {  	[sflag:s14] =	ssyncset.done $0x0  }
0x19: {  	s0 =	simm.s32 $0x0;
	[sflag:s14] =	ssyncadd.s32 $0xFFFFD800  }
0x1a: {  	v4 =	vld [tilespmem:s0+$0x5070]  }
0x1b: {  	v5 =	vld [tilespmem:s0+$0x5000]  }
0x1c: {  	v6 =	vld [tilespmem:s0+$0x5010]  }
0x1d: {  	v3 =	vld [tilespmem:s0+$0x5020]  }
0x1e: {  	v1 =	vld [tilespmem:s0+$0x5030]  }
0x1f: {  	v2 =	vld [tilespmem:s0+$0x5040];
	[tilespmem:s0+$0x7870] =	vst v4  }
0x20: {  	[tilespmem:s0+$0x7800] =	vst v5;
	v4 =	vld [tilespmem:s0+$0x5050]  }
0x21: {  	s1 =	simm.s32 $0x80;
	s12 =	simm.s32 $0x400;
	[tilespmem:s0+$0x7810] =	vst v6;
	v5 =	vld [tilespmem:s0+$0x5060]  }
.LBB2_2:
0x22: {  	p0 =	sne.s32 s12, $0x9E00;
	v6 =	vld [tilespmem:s1+$0x5070];
	[tilespmem:s0+$0x7820] =	vst v3  }
0x23: {  	v7 =	vld [tilespmem:s1+$0x5000];
	[tilespmem:s0+$0x7830] =	vst v1  }
0x24: {  	v8 =	vld [tilespmem:s1+$0x5010];
	[tilespmem:s0+$0x7840] =	vst v2  }
.Ltmp0:
0x25: {  	v3 =	vld [tilespmem:s1+$0x5020];
	[tilespmem:s0+$0x7850] =	vst v4;
	(pc) =	sbr.rel @p0 .LBB2_2-.Ltmp0, $4  }
0x26: {  	v1 =	vld [tilespmem:s1+$0x5030];
	[tilespmem:s0+$0x7860] =	vst v5;
	s0 =	smov.u32 s1  }
0x27: {  	v2 =	vld [tilespmem:s0+$0x5040];
	[tilespmem:s0+$0x7870] =	vst v6  }
0x28: {  	[tilespmem:s0+$0x7800] =	vst v7;
	v4 =	vld [tilespmem:s0+$0x5050]  }
0x29: {  	s1 =	sshra.s32 s12, $0x2;
	s12 =	sadd.s32 $0x200, s12;
	[tilespmem:s0+$0x7810] =	vst v8;
	v5 =	vld [tilespmem:s0+$0x5060]  }
0x2a: {  	v6 =	vld [tilespmem:s1+$0x5070];
	[tilespmem:s0+$0x7820] =	vst v3  }
0x2b: {  	v3 =	vld [tilespmem:s1+$0x5000];
	[tilespmem:s0+$0x7830] =	vst v1  }
0x2c: {  	v1 =	vld [tilespmem:s1+$0x5010];
	[tilespmem:s0+$0x7840] =	vst v2  }
0x2d: {  	v2 =	vld [tilespmem:s1+$0x5020];
	[tilespmem:s0+$0x7850] =	vst v4  }
0x2e: {  	v4 =	vld [tilespmem:s1+$0x5030];
	[tilespmem:s0+$0x7860] =	vst v5  }
0x2f: {  	v5 =	vld [tilespmem:s1+$0x5040];
	[tilespmem:s1+$0x7870] =	vst v6  }
0x30: {  	[tilespmem:s1+$0x7800] =	vst v3;
	v3 =	vld [tilespmem:s1+$0x5050]  }
0x31: {  	[tilespmem:s1+$0x7810] =	vst v1;
	v1 =	vld [tilespmem:s1+$0x5060]  }
0x32: {  	[tilespmem:s1+$0x7820] =	vst v2  }
0x33: {  	[tilespmem:s1+$0x7830] =	vst v4  }
0x34: {  	[tilespmem:s1+$0x7840] =	vst v5  }
0x35: {  	[tilespmem:s1+$0x7850] =	vst v3  }
0x36: {  	[tilespmem:s1+$0x7860] =	vst v1  }
0x37: {  	[spmem:s8] =	stream.linear.scatter [tilespmem:s15], [sflag:$0xA], $0x2800, $0x38;
	[tilespmem:$0x11000] =	vst v63  }
0x38: {  	_ =	swait.ge [sflag:s14], $0x2800  }
0x39: {  	[sflag:s14] =	ssyncset.done $0x0  }
0x3a: {  	s0 =	simm.s32 $0x40;
	s1 =	simm.s32 $0x0;
	[sflag:s14] =	ssyncadd.s32 $0xFFFFD800  }
.LBB2_4:
0x3b: {  	p0 =	sne.s32 s0, $0x9FC0;
	[tilespmem:s1+$0x7800] =	vst v0;
	s1 =	smov.u32 s0;
	s0 =	sadd.s32 $0x40, s0  }
.Ltmp1:
0x3c: {  	(pc) =	sbr.rel @p0 .LBB2_4-.Ltmp1, $2  }
0x3d: {  	_ =	sdelay $0x2  }
0x3e: {  	s1 =	sshra.s32 s1, $0x2  }
0x3f: {  	[tilespmem:s1+$0x7800] =	vst v0  }
0x40: {  	[spmem:s9] =	stream.linear.scatter [tilespmem:s15], [sflag:$0xA], $0x2800, $0x38;
	[tilespmem:$0x11000] =	vst v63  }
0x41: {  	_ =	swait.ge [sflag:s14], $0x2800  }
0x42: {  	[sflag:s14] =	ssyncset.done $0x0  }
0x43: {  	[sflag:s14] =	ssyncadd.s32 $0xFFFFD800  }
0x44: {  	_ =	swait.ge [sflag:s16], $0x2800  }
0x45: {  	[sflag:s16] =	ssyncset.done $0x0  }
0x46: {  	[sflag:s16] =	ssyncadd.s32 $0xFFFFD800  }
0x47: {  	_ =	swait.ge [sflag:s16], $0x2800  }
0x48: {  	[sflag:s16] =	ssyncset.done $0x0  }
0x49: {  	[sflag:s16] =	ssyncadd.s32 $0xFFFFD800  }
0x4a: {  	s0 =	simm.s32 $0x0;
	[bflag:$0x0] =	sbarrier.arrive $0xFFFF  }
0x4b: {  	[tilespmem:s18], [sflag:$0x1] =	stream.indirect.gather [spmem:s2], $0x10, s0, s17, $0xb8;
	[tilespmem:$0x11000] =	vst v63  }
0x4c: {  	s12 =	simm.s32 $0x80  }
0x4d: {  	[tilespmem:s19], [sflag:$0x2] =	stream.indirect.gather [spmem:s2], $0x10, s12, s17, $0xb8;
	[tilespmem:$0x11000] =	vst v63  }
0x4e: {  	s1 =	simm.s32 $0x100  }
0x4f: {  	[tilespmem:s20], [sflag:$0x3] =	stream.indirect.gather [spmem:s2], $0x10, s1, s17, $0xb8;
	[tilespmem:$0x11000] =	vst v63  }
0x50: {  	s5 =	simm.s32 $0x180  }
0x51: {  	[tilespmem:s21], [sflag:$0x4] =	stream.indirect.gather [spmem:s2], $0x10, s5, s17, $0xb8;
	[tilespmem:$0x11000] =	vst v63  }
0x52: {  	_ =	swait.ge [sflag:s22], $0x800  }
0x53: {  	[sflag:s22] =	ssyncset.done $0x0  }
0x54: {  	s12 =	simm.s32 $0x2800;
	[sflag:s22] =	ssyncadd.s32 $0xFFFFF800  }
0x55: {  	[spmem:s3] =	stream.indirect.scatter.add.f32 [tilespmem:s18], [sflag:$0x5], $0x10, s12, s17, $0xb8;
	[tilespmem:$0x11000] =	vst v63  }
0x56: {  	_ =	swait.ge [sflag:s23], $0x800  }
0x57: {  	[sflag:s23] =	ssyncset.done $0x0  }
0x58: {  	s1 =	simm.s32 $0x2880;
	[sflag:s23] =	ssyncadd.s32 $0xFFFFF800  }
0x59: {  	[spmem:s3] =	stream.indirect.scatter.add.f32 [tilespmem:s19], [sflag:$0x6], $0x10, s1, s17, $0xb8;
	[tilespmem:$0x11000] =	vst v63  }
0x5a: {  	_ =	swait.ge [sflag:s24], $0x800  }
0x5b: {  	[sflag:s24] =	ssyncset.done $0x0  }
0x5c: {  	s5 =	simm.s32 $0x2900;
	[sflag:s24] =	ssyncadd.s32 $0xFFFFF800  }
0x5d: {  	[spmem:s3] =	stream.indirect.scatter.add.f32 [tilespmem:s20], [sflag:$0x7], $0x10, s5, s17, $0xb8;
	[tilespmem:$0x11000] =	vst v63  }
0x5e: {  	_ =	swait.ge [sflag:s25], $0x800  }
0x5f: {  	[sflag:s25] =	ssyncset.done $0x0  }
0x60: {  	s12 =	simm.s32 $0x2980;
	[sflag:s25] =	ssyncadd.s32 $0xFFFFF800  }
0x61: {  	[spmem:s3] =	stream.indirect.scatter.add.f32 [tilespmem:s21], [sflag:$0x8], $0x10, s12, s17, $0xb8;
	[tilespmem:$0x11000] =	vst v63  }
0x62: {  	_ =	swait.ge [sflag:s26], $0x800  }
0x63: {  	[sflag:s26] =	ssyncset.done $0x0  }
0x64: {  	[sflag:s26] =	ssyncadd.s32 $0xFFFFF800  }
0x65: {  	_ =	swait.ge [sflag:s28], $0x800  }
0x66: {  	[sflag:s28] =	ssyncset.done $0x0  }
0x67: {  	[sflag:s28] =	ssyncadd.s32 $0xFFFFF800  }
0x68: {  	_ =	swait.ge [sflag:s29], $0x800  }
0x69: {  	[sflag:s29] =	ssyncset.done $0x0  }
0x6a: {  	[sflag:s29] =	ssyncadd.s32 $0xFFFFF800  }
0x6b: {  	_ =	swait.ge [sflag:s30], $0x800  }
0x6c: {  	s1 =	simm.s32 $0x800;
	s12 =	simm.s32 $0x1000;
	[sflag:s30] =	ssyncset.done $0x0  }
.LBB2_6:
0x6d: {  	s5 =	sshra.s32 s1, $0x2  }
0x6e: {  	[sflag:s30] =	ssyncadd.s32 $0xFFFFF800;
	s1 =	smov.u32 s12;
	s0 =	sadd.s32 $0x800, s12  }
0x6f: {  	[tilespmem:s18], [sflag:$0x1] =	stream.indirect.gather [spmem:s2], $0x10, s5, s17, $0xb8;
	[tilespmem:$0x11000] =	vst v63  }
0x70: {  	p0 =	sne.s32 s12, $0x9800;
	s12 =	sadd.s32 $0x80, s5  }
0x71: {  	[tilespmem:s19], [sflag:$0x2] =	stream.indirect.gather [spmem:s2], $0x10, s12, s17, $0xb8;
	[tilespmem:$0x11000] =	vst v63  }
0x72: {  	s12 =	sadd.s32 $0x100, s5  }
0x73: {  	[tilespmem:s20], [sflag:$0x3] =	stream.indirect.gather [spmem:s2], $0x10, s12, s17, $0xb8;
	[tilespmem:$0x11000] =	vst v63  }
0x74: {  	s12 =	sadd.s32 $0x180, s5  }
0x75: {  	[tilespmem:s21], [sflag:$0x4] =	stream.indirect.gather [spmem:s2], $0x10, s12, s17, $0xb8;
	[tilespmem:$0x11000] =	vst v63  }
0x76: {  	_ =	swait.ge [sflag:s22], $0x800  }
0x77: {  	[sflag:s22] =	ssyncset.done $0x0  }
0x78: {  	s12 =	sadd.s32 $0x2800, s5;
	[sflag:s22] =	ssyncadd.s32 $0xFFFFF800  }
0x79: {  	[spmem:s3] =	stream.indirect.scatter.add.f32 [tilespmem:s18], [sflag:$0x5], $0x10, s12, s17, $0xb8;
	[tilespmem:$0x11000] =	vst v63  }
0x7a: {  	_ =	swait.ge [sflag:s23], $0x800  }
0x7b: {  	[sflag:s23] =	ssyncset.done $0x0  }
0x7c: {  	s12 =	sadd.s32 $0x2880, s5;
	[sflag:s23] =	ssyncadd.s32 $0xFFFFF800  }
0x7d: {  	[spmem:s3] =	stream.indirect.scatter.add.f32 [tilespmem:s19], [sflag:$0x6], $0x10, s12, s17, $0xb8;
	[tilespmem:$0x11000] =	vst v63  }
0x7e: {  	_ =	swait.ge [sflag:s24], $0x800  }
0x7f: {  	[sflag:s24] =	ssyncset.done $0x0  }
0x80: {  	s12 =	sadd.s32 $0x2900, s5;
	[sflag:s24] =	ssyncadd.s32 $0xFFFFF800  }
0x81: {  	[spmem:s3] =	stream.indirect.scatter.add.f32 [tilespmem:s20], [sflag:$0x7], $0x10, s12, s17, $0xb8;
	[tilespmem:$0x11000] =	vst v63  }
0x82: {  	_ =	swait.ge [sflag:s25], $0x800  }
0x83: {  	[sflag:s25] =	ssyncset.done $0x0  }
0x84: {  	s5 =	sadd.s32 $0x2980, s5;
	[sflag:s25] =	ssyncadd.s32 $0xFFFFF800  }
0x85: {  	[spmem:s3] =	stream.indirect.scatter.add.f32 [tilespmem:s21], [sflag:$0x8], $0x10, s5, s17, $0xb8;
	[tilespmem:$0x11000] =	vst v63  }
0x86: {  	_ =	swait.ge [sflag:s26], $0x800  }
0x87: {  	[sflag:s26] =	ssyncset.done $0x0  }
0x88: {  	[sflag:s26] =	ssyncadd.s32 $0xFFFFF800  }
0x89: {  	_ =	swait.ge [sflag:s28], $0x800  }
0x8a: {  	[sflag:s28] =	ssyncset.done $0x0  }
0x8b: {  	[sflag:s28] =	ssyncadd.s32 $0xFFFFF800  }
.Ltmp2:
0x8c: {  	_ =	swait.ge [sflag:s29], $0x800;
	(pc) =	sbr.rel @p0 .LBB2_6-.Ltmp2, $4  }
0x8d: {  	[sflag:s29] =	ssyncset.done $0x0  }
0x8e: {  	[sflag:s29] =	ssyncadd.s32 $0xFFFFF800  }
0x8f: {  	_ =	swait.ge [sflag:s30], $0x800  }
0x90: {  	s12 =	smov.u32 s0;
	[sflag:s30] =	ssyncset.done $0x0  }
0x91: {  	s0 =	sshra.s32 s1, $0x2;
	[sflag:s30] =	ssyncadd.s32 $0xFFFFF800  }
0x92: {  	[tilespmem:s18], [sflag:$0x1] =	stream.indirect.gather [spmem:s2], $0x10, s0, s17, $0xb8;
	[tilespmem:$0x11000] =	vst v63  }
0x93: {  	s1 =	sadd.s32 $0x80, s0  }
0x94: {  	[tilespmem:s19], [sflag:$0x2] =	stream.indirect.gather [spmem:s2], $0x10, s1, s17, $0xb8;
	[tilespmem:$0x11000] =	vst v63  }
0x95: {  	s12 =	sadd.s32 $0x100, s0  }
0x96: {  	[tilespmem:s20], [sflag:$0x3] =	stream.indirect.gather [spmem:s2], $0x10, s12, s17, $0xb8;
	[tilespmem:$0x11000] =	vst v63  }
0x97: {  	s5 =	sadd.s32 $0x180, s0  }
0x98: {  	[tilespmem:s21], [sflag:$0x4] =	stream.indirect.gather [spmem:s2], $0x10, s5, s17, $0xb8;
	[tilespmem:$0x11000] =	vst v63  }
0x99: {  	_ =	swait.ge [sflag:s22], $0x800  }
0x9a: {  	[sflag:s22] =	ssyncset.done $0x0  }
0x9b: {  	s12 =	sadd.s32 $0x2800, s0;
	[sflag:s22] =	ssyncadd.s32 $0xFFFFF800  }
0x9c: {  	[spmem:s3] =	stream.indirect.scatter.add.f32 [tilespmem:s18], [sflag:$0x5], $0x10, s12, s17, $0xb8;
	[tilespmem:$0x11000] =	vst v63  }
0x9d: {  	_ =	swait.ge [sflag:s23], $0x800  }
0x9e: {  	[sflag:s23] =	ssyncset.done $0x0  }
0x9f: {  	s5 =	sadd.s32 $0x2880, s0;
	[sflag:s23] =	ssyncadd.s32 $0xFFFFF800  }
0xa0: {  	[spmem:s3] =	stream.indirect.scatter.add.f32 [tilespmem:s19], [sflag:$0x6], $0x10, s5, s17, $0xb8;
	[tilespmem:$0x11000] =	vst v63  }
0xa1: {  	_ =	swait.ge [sflag:s24], $0x800  }
0xa2: {  	[sflag:s24] =	ssyncset.done $0x0  }
0xa3: {  	s12 =	sadd.s32 $0x2900, s0;
	[sflag:s24] =	ssyncadd.s32 $0xFFFFF800  }
0xa4: {  	[spmem:s3] =	stream.indirect.scatter.add.f32 [tilespmem:s20], [sflag:$0x7], $0x10, s12, s17, $0xb8;
	[tilespmem:$0x11000] =	vst v63  }
0xa5: {  	_ =	swait.ge [sflag:s25], $0x800  }
0xa6: {  	[sflag:s25] =	ssyncset.done $0x0  }
0xa7: {  	s0 =	sadd.s32 $0x2980, s0;
	[sflag:s25] =	ssyncadd.s32 $0xFFFFF800  }
0xa8: {  	[spmem:s3] =	stream.indirect.scatter.add.f32 [tilespmem:s21], [sflag:$0x8], $0x10, s0, s17, $0xb8;
	[tilespmem:$0x11000] =	vst v63  }
0xa9: {  	_ =	swait.ge [sflag:s26], $0x800  }
0xaa: {  	[sflag:s26] =	ssyncset.done $0x0  }
0xab: {  	[sflag:s26] =	ssyncadd.s32 $0xFFFFF800  }
0xac: {  	_ =	swait.ge [sflag:s28], $0x800  }
0xad: {  	[sflag:s28] =	ssyncset.done $0x0  }
0xae: {  	[sflag:s28] =	ssyncadd.s32 $0xFFFFF800  }
0xaf: {  	_ =	swait.ge [sflag:s29], $0x800  }
0xb0: {  	[sflag:s29] =	ssyncset.done $0x0  }
0xb1: {  	[sflag:s29] =	ssyncadd.s32 $0xFFFFF800  }
0xb2: {  	_ =	swait.ge [sflag:s30], $0x800  }
0xb3: {  	[sflag:s30] =	ssyncset.done $0x0  }
0xb4: {  	[sflag:s30] =	ssyncadd.s32 $0xFFFFF800  }
0xb5: {  	[bflag:$0x0] =	sbarrier.arrive $0xFFFF  }
0xb6: {  	[tilespmem:s15], [sflag:$0xA] =	stream.linear.gather [spmem:s9], $0x2800, $0x38;
	[tilespmem:$0x11000] =	vst v63  }
0xb7: {  	_ =	swait.ge [sflag:s14], $0x2800  }
0xb8: {  	[sflag:s14] =	ssyncset.done $0x0  }
0xb9: {  	s0 =	simm.s32 $0x0;
	[sflag:s14] =	ssyncadd.s32 $0xFFFFD800  }
0xba: {  	v4 =	vld [tilespmem:s0+$0x7870]  }
0xbb: {  	v5 =	vld [tilespmem:s0+$0x7800]  }
0xbc: {  	v6 =	vld [tilespmem:s0+$0x7810]  }
0xbd: {  	v3 =	vld [tilespmem:s0+$0x7820]  }
0xbe: {  	v1 =	vld [tilespmem:s0+$0x7830]  }
0xbf: {  	v2 =	vld [tilespmem:s0+$0x7840];
	[tilespmem:s0+$0x5070] =	vst v4  }
0xc0: {  	[tilespmem:s0+$0x5000] =	vst v5;
	v4 =	vld [tilespmem:s0+$0x7850]  }
0xc1: {  	s1 =	simm.s32 $0x80;
	s12 =	simm.s32 $0x400;
	[tilespmem:s0+$0x5010] =	vst v6;
	v5 =	vld [tilespmem:s0+$0x7860]  }
.LBB2_8:
0xc2: {  	p0 =	sne.s32 s12, $0x9E00;
	v6 =	vld [tilespmem:s1+$0x7870];
	[tilespmem:s0+$0x5020] =	vst v3  }
0xc3: {  	v7 =	vld [tilespmem:s1+$0x7800];
	[tilespmem:s0+$0x5030] =	vst v1  }
0xc4: {  	v8 =	vld [tilespmem:s1+$0x7810];
	[tilespmem:s0+$0x5040] =	vst v2  }
.Ltmp3:
0xc5: {  	v3 =	vld [tilespmem:s1+$0x7820];
	[tilespmem:s0+$0x5050] =	vst v4;
	(pc) =	sbr.rel @p0 .LBB2_8-.Ltmp3, $4  }
0xc6: {  	v1 =	vld [tilespmem:s1+$0x7830];
	[tilespmem:s0+$0x5060] =	vst v5;
	s0 =	smov.u32 s1  }
0xc7: {  	v2 =	vld [tilespmem:s0+$0x7840];
	[tilespmem:s0+$0x5070] =	vst v6  }
0xc8: {  	[tilespmem:s0+$0x5000] =	vst v7;
	v4 =	vld [tilespmem:s0+$0x7850]  }
0xc9: {  	s1 =	sshra.s32 s12, $0x2;
	s12 =	sadd.s32 $0x200, s12;
	[tilespmem:s0+$0x5010] =	vst v8;
	v5 =	vld [tilespmem:s0+$0x7860]  }
0xca: {  	v6 =	vld [tilespmem:s1+$0x7870];
	[tilespmem:s0+$0x5020] =	vst v3  }
0xcb: {  	v3 =	vld [tilespmem:s1+$0x7800];
	[tilespmem:s0+$0x5030] =	vst v1  }
0xcc: {  	v1 =	vld [tilespmem:s1+$0x7810];
	[tilespmem:s0+$0x5040] =	vst v2  }
0xcd: {  	v2 =	vld [tilespmem:s1+$0x7820];
	[tilespmem:s0+$0x5050] =	vst v4  }
0xce: {  	v4 =	vld [tilespmem:s1+$0x7830];
	[tilespmem:s0+$0x5060] =	vst v5  }
0xcf: {  	v5 =	vld [tilespmem:s1+$0x7840];
	[tilespmem:s1+$0x5070] =	vst v6  }
0xd0: {  	[tilespmem:s1+$0x5000] =	vst v3;
	v3 =	vld [tilespmem:s1+$0x7850]  }
0xd1: {  	[tilespmem:s1+$0x5010] =	vst v1;
	v1 =	vld [tilespmem:s1+$0x7860]  }
0xd2: {  	[tilespmem:s1+$0x5020] =	vst v2  }
0xd3: {  	[tilespmem:s1+$0x5030] =	vst v4  }
0xd4: {  	s31 =	sadd.s32 $0x1, s31;
	[tilespmem:s1+$0x5040] =	vst v5  }
0xd5: {  	p0 =	sne.s32 s31, s11;
	[tilespmem:s1+$0x5050] =	vst v3  }
.Ltmp4:
0xd6: {  	[tilespmem:s1+$0x5060] =	vst v1;
	(pc) =	sbr.rel @p0 .LBB2_1-.Ltmp4, $4  }
0xd7: {  	[hbm4b:s10+s4] =	stream.linear.scatter [tilespmem:s13], [sflag:$0xA], $0x2800, $0x38;
	[tilespmem:$0x11000] =	vst v63  }
0xd8: {  	_ =	swait.ge [sflag:s14], $0x2800  }
0xd9: {  	[sflag:s14] =	ssyncset.done $0x0  }
0xda: {  	[sflag:s14] =	ssyncadd.s32 $0xFFFFD800  }
0xdb: {  	_ =	sfence.sel $0x180000  }
0xdc: {  	[bflag:$0x0] =	sbarrier.arrive $0xFFFF  }
0xdd: {  	_ =	strace $0x9000004A  }
0xde: {  	s0 =	stileid.u32;
	[bflag:$0x2] =	sbarrier.arrive $0xFFFF  }
0xdf: {  	p0 =	sne.s32 s0, $0x0;
	s0 =	rddreg [dreg:$0x3]  }
0xe0: {  	s0 =	sadd.s32 @!p0 $0x100000, s0  }
0xe1: {  	[sflag:s0] =	ssyncadd.tile.s32 @!p0 $0x1;
	_ =	shalt  }
.Lfunc_end2:
_tile_overlayer_lowered:
.L_overlay_start_2:
0xe2: {  	(tag) =	ssettag $0x2  }
0xe3: {  	s0 =	rddreg [dreg:$0x0];
	s2 =	stileid.u32  }
0xe4: {  	s1 =	rddreg [dreg:$0x1];
	p0 =	sne.s32 s2, $0x0  }
0xe5: {  	s3 =	rddreg [dreg:$0x2];
	[bflag:$0x3] =	sbarrier.arrive $0xFFFF;
	s2 =	simm.s32 @!p0 $0x1C0B  }
0xe6: {  	[timem:s3], [sflag:s2] =	dma.local @!p0 [hbm:s0], s1  }
0xe7: {  	s0 =	simm.s32 @!p0 $0xB  }
0xe8: {  	_ =	swait.ge @!p0 [sflag:s0], s1  }
0xe9: {  	s1 =	ssub.s32 @!p0 $0x0, s1;
	[sflag:s0] =	ssyncset.done @!p0 $0x0  }
0xea: {  	[sflag:s0] =	ssyncadd.s32 @!p0 s1  }
0xeb: {  	[bflag:$0x3] =	sbarrier.arrive $0xFFFF  }
0xec: {  	_ =	shalt  }

// kernel: _run.15.cloned.1.call-start
scs
__scs_entry_jumppad:
0x0: {  	(pc) =	sbr.rel $0x88, $3  }
0x1: {  	(tag) =	ssettag $0x0;
	lr =	simm.s32 $0x1  }
0x2: {  	[smem:$0x3F99] =	sst lr;
	_ =	strace $0xD0000000  }
0x3: {  	_ = 	snop  }
0x4: {  	_ = 	snop  }
0x5: {  	_ = 	snop  }
0x6: {  	_ = 	snop  }
0x7: {  	_ = 	snop  }
__scs_overlays_trampoline_lowered:
0x8: {  	[smem:$0x3FA8] =	sst s0  }
0x9: {  	[smem:$0x3FA9] =	sst s1  }
0xa: {  	[smem:$0x3FAA] =	sst s2  }
0xb: {  	[smem:$0x3FAB] =	sst s3  }
0xc: {  	[smem:$0x3FAC] =	sst s4  }
0xd: {  	[smem:$0x3FAD] =	sst s5  }
0xe: {  	[smem:$0x3FAE] =	sst s6  }
0xf: {  	[smem:$0x3FAF] =	sst s7  }
0x10: {  	[smem:$0x3FB0] =	sst s8  }
0x11: {  	[smem:$0x3FB1] =	sst s9;
	s0 =	simm.s32 @!p0 $0x0  }
0x12: {  	s1 =	sld [smem:$0x3F97];
	s0 =	simm.s32 @p0 $0x1  }
0x13: {  	[smem:$0x3FB2] =	sst s0;
	s0 =	simm.s32 @!p1 $0x0  }
0x14: {  	s2 =	sld [smem:$0x3F96];
	s0 =	simm.s32 @p1 $0x1  }
0x15: {  	[smem:$0x3FB3] =	sst s0;
	s0 =	simm.s32 @!p2 $0x0  }
0x16: {  	s3 =	sld [smem:$0x3FDB];
	s0 =	simm.s32 @p2 $0x1  }
0x17: {  	s4 =	simm.s32 $0x1BF5;
	[smem:$0x3FB5] =	sst s0  }
0x18: {  	s0 =	sld [smem:$0x3F98];
	_ =	swait.ge [sflag:s4], $0x0  }
0x19: {  	s7 =	sld [smem:$0x3F99]  }
0x1a: {  	s8 =	sadd.s32 $0xFFFFE003, lr  }
0x1b: {  	s9 =	sadd.s32 $0xFFFFFEF7, lr;
	s5 =	simm.s32 $0xFFFFFFFF;
	p2 =	slt.u32 s8, $0xFFFFF086  }
0x1c: {  	p1 =	slt.u32 s9, $0xF7A;
	s5 =	simm.s32 @!p2 $0x0  }
0x1d: {  	s5 =	simm.s32 @p1 $0x1;
	p0 =	seq.s32 s7, s2  }
0x1e: {  	s7 =	smul.u32 @!p0 $0xF7A, s2;
	p2 =	seq.s32 @!p0 s5, $0x0  }
0x1f: {  	s9 =	smul.u32 $0xF7A, s1;
	s8 =	simm.s32 @!p0 $0x1BF5;
	p2 =	por !p2, p0  }
0x20: {  	[sflag:s8] =	ssyncset.s32 @!p0 $0xFFFFF086;
	s6 =	sadd.s32 @!p0 s3, s7;
	s7 =	simm.s32 @!p0 $0x108  }
0x21: {  	s3 =	sadd.s32 s3, s9;
	s6 =	sadd.s32 @!p0 $0x88, s6;
	s7 =	simm.s32 @p2 $0x1082  }
0x22: {  	[simem:s7], [sflag:s8] =	dma.local @!p0 [hbm:s6], $0xF7A  }
0x23: {  	s9 =	sor.u32 $0xD0000000, s2;
	s6 =	simm.s32 $0x108;
	_ =	swait.ge @!p0 [sflag:s8], $0x0  }
0x24: {  	s3 =	sadd.s32 $0x88, s3;
	s6 =	simm.s32 @!p1 $0x1082;
	[sflag:s4] =	ssyncset.s32 $0xFFFFF086  }
0x25: {  	[simem:s6], [sflag:s4] =	dma.local [hbm:s3], $0xF7A  }
0x26: {  	[smem:$0x3F99] =	sst s1;
	(tag) =	ssettag s2;
	_ =	strace s9  }
0x27: {  	s1 =	sld [smem:$0x3FA9]  }
0x28: {  	s2 =	sld [smem:$0x3FAA]  }
0x29: {  	s4 =	sld [smem:$0x3FAC]  }
0x2a: {  	p0 =	seq.s32 s5, $0x0;
	s5 =	sld [smem:$0x3FAD]  }
0x2b: {  	s6 =	sld [smem:$0x3FAE]  }
0x2c: {  	s7 =	sld [smem:$0x3FAF]  }
0x2d: {  	s3 =	simm.s32 $0x108;
	s8 =	sld [smem:$0x3FB0]  }
0x2e: {  	s3 =	simm.s32 @!p0 $0x1082;
	s9 =	sld [smem:$0x3FB1]  }
0x2f: {  	lr =	sadd.s32 s0, s3;
	s0 =	sld [smem:$0x3FA8]  }
0x30: {  	s3 =	sld [smem:$0x3FAB]  }
0x31: {  	[smem:$0x3FB4] =	sst s10  }
0x32: {  	s10 =	sld [smem:$0x3FB2];
	_ =	sdelay $0x3  }
0x33: {  	p0 =	seq.s32 s10, $0x1;
	s10 =	sld [smem:$0x3FB4];
	_ =	sdelay $0x3  }
0x34: {  	[smem:$0x3FB4] =	sst s10  }
0x35: {  	s10 =	sld [smem:$0x3FB3];
	_ =	sdelay $0x3  }
0x36: {  	p1 =	seq.s32 s10, $0x1;
	s10 =	sld [smem:$0x3FB4];
	_ =	sdelay $0x3  }
0x37: {  	[smem:$0x3FB4] =	sst s10  }
0x38: {  	s10 =	sld [smem:$0x3FB5]  }
0x39: {  	_ = 	snop;
	(pc) =	sbr.ind lr, $3  }
0x3a: {  	_ = 	snop  }
0x3b: {  	_ = 	snop  }
0x3c: {  	p2 =	seq.s32 s10, $0x1;
	s10 =	sld [smem:$0x3FB4]  }
0x3d: {  	_ =	shalt  }
0x3e: {  	_ =	shalt  }
0x3f: {  	_ =	shalt  }
0x40: {  	_ =	shalt  }
0x41: {  	_ =	shalt  }
0x42: {  	_ =	shalt  }
0x43: {  	_ =	shalt  }
0x44: {  	_ =	shalt  }
0x45: {  	_ =	shalt  }
0x46: {  	_ =	shalt  }
0x47: {  	_ =	shalt  }
0x48: {  	_ =	shalt  }
0x49: {  	_ =	shalt  }
0x4a: {  	_ =	shalt  }
0x4b: {  	_ =	shalt  }
0x4c: {  	_ =	shalt  }
0x4d: {  	_ =	shalt  }
0x4e: {  	_ =	shalt  }
0x4f: {  	_ =	shalt  }
0x50: {  	_ =	shalt  }
0x51: {  	_ =	shalt  }
0x52: {  	_ =	shalt  }
0x53: {  	_ =	shalt  }
0x54: {  	_ =	shalt  }
0x55: {  	_ =	shalt  }
0x56: {  	_ =	shalt  }
0x57: {  	_ =	shalt  }
0x58: {  	_ =	shalt  }
0x59: {  	_ =	shalt  }
0x5a: {  	_ =	shalt  }
0x5b: {  	_ =	shalt  }
0x5c: {  	_ =	shalt  }
0x5d: {  	_ =	shalt  }
0x5e: {  	_ =	shalt  }
0x5f: {  	_ =	shalt  }
0x60: {  	_ =	shalt  }
0x61: {  	_ =	shalt  }
0x62: {  	_ =	shalt  }
0x63: {  	_ =	shalt  }
0x64: {  	_ =	shalt  }
0x65: {  	_ =	shalt  }
0x66: {  	_ =	shalt  }
0x67: {  	_ =	shalt  }
0x68: {  	_ =	shalt  }
0x69: {  	_ =	shalt  }
0x6a: {  	_ =	shalt  }
0x6b: {  	_ =	shalt  }
0x6c: {  	_ =	shalt  }
0x6d: {  	_ =	shalt  }
0x6e: {  	_ =	shalt  }
0x6f: {  	_ =	shalt  }
0x70: {  	_ =	shalt  }
0x71: {  	_ =	shalt  }
0x72: {  	_ =	shalt  }
0x73: {  	_ =	shalt  }
0x74: {  	_ =	shalt  }
0x75: {  	_ =	shalt  }
0x76: {  	_ =	shalt  }
0x77: {  	_ =	shalt  }
0x78: {  	_ =	shalt  }
0x79: {  	_ =	shalt  }
0x7a: {  	_ =	shalt  }
0x7b: {  	_ =	shalt  }
0x7c: {  	_ =	shalt  }
0x7d: {  	_ =	shalt  }
0x7e: {  	_ =	shalt  }
0x7f: {  	_ =	shalt  }
0x80: {  	_ =	shalt  }
0x81: {  	_ =	shalt  }
0x82: {  	_ =	shalt  }
0x83: {  	_ =	shalt  }
0x84: {  	_ =	shalt  }
0x85: {  	_ =	shalt  }
0x86: {  	_ =	shalt  }
0x87: {  	_ =	shalt  }
.Lfunc_end0:
.L_simem_size_0:
called_computation.2_lowered:
.L_overlay_start_0:
0x88: {  	s2 =	sld [smem:$0x3FD9]  }
0x89: {  	s3 =	sld [smem:$0x3FFE];
	_ =	sdelay $0x1  }
0x8a: {  	s1 =	srdreg.scid  }
0x8b: {  	s0 =	sand.u32 $0x1, s1  }
0x8c: {  	s16 =	sshll.u32 s0, $0xA;
	s2 =	sadd.s32 s3, s2  }
0x8d: {  	s2 =	sadd.s32 s2, s16  }
0x8e: {  	[smem:$0x3FC0] =	sst s2  }
0x8f: {  	_ = 	snop  }
0x90: {  	(tm) =	ssettm $0x1  }
0x91: {  	s17 =	sld [smem:$0x3FFB];
	_ =	sdelay $0x3  }
0x92: {  	_ =	strace s17  }
0x93: {  	s2 =	sld [smem:$0x3FFC];
	_ =	sdelay $0x3  }
0x94: {  	_ =	strace s2  }
0x95: {  	s2 =	sld [smem:$0x3FFD];
	_ =	sdelay $0x3  }
0x96: {  	_ =	strace s2  }
0x97: {  	_ =	strace $0x8FFFFFFF  }
0x98: {  	s18 =	sld [smem:$0x3FDB];
	_ =	sdelay $0x1  }
0x99: {  	s19 =	simm.s32 $_scs_section_size  }
0x9a: {  	s4 =	simm.s32 $_size__tile_overlayer_lowered;
	s5 =	simm.s32 $_tile_overlayer_lowered  }
0x9b: {  	s22 =	simm.s32 $0x1BFF;
	s21 =	sshll.u32 s5, $0x1;
	s2 =	sadd.s32 s19, s18  }
0x9c: {  	s6 =	simm.s32 $0x0;
	s20 =	sshll.u32 s4, $0x1;
	s4 =	sadd.s32 s21, s2  }
0x9d: {  	[timem:s6], [sflag:s22] =	dma.local [hbm:s4], s20  }
0x9e: {  	_ =	swait.ge [sflag:s22], s20  }
0x9f: {  	s3 =	ssub.s32 $0x0, s20;
	[sflag:s22] =	ssyncset.done $0x0  }
0xa0: {  	[sflag:s22] =	ssyncadd.s32 s3;
	_ =	sdelay $0x1  }
0xa1: {  	s23 =	simm.s32 $0x1B8B  }
0xa2: {  	_ =	swait.ge [sflag:s23], $0x1  }
0xa3: {  	[sflag:s23] =	ssyncset.done $0x0  }
0xa4: {  	s25 =	simm.s32 $0x1B8E;
	s24 =	sld [smem:$0x3FFE];
	[sflag:s23] =	ssyncadd.s32 $0xFFFFFFFF  }
0xa5: {  	s26 =	simm.s32 $execute0_lowered;
	[smem:$0x3FD2] =	sst s25  }
0xa6: {  	s4 =	sshll.u32 s26, $0x1;
	_ =	strace $0x8000004C;
	[dreg:$0x1] =	wrdreg $0xFFFFFFFF  }
0xa7: {  	s28 =	simm.s32 $_size_execute0_lowered;
	s2 =	sadd.s32 s2, s4;
	[dreg:$0x0] =	wrdreg $0x0  }
0xa8: {  	s4 =	sshll.u32 s28, $0x1;
	[dreg:$0x2] =	wrdreg s2  }
0xa9: {  	[dreg:$0x3] =	wrdreg s4  }
0xaa: {  	[dreg:$0x4] =	wrdreg $0xC0  }
0xab: {  	_ =	task [dreg:s6], $0x5FFFF  }
0xac: {  	[dreg:$0x1] =	wrdreg $0xFFFFFFFF  }
0xad: {  	[dreg:$0x0] =	wrdreg $0x60  }
0xae: {  	[dreg:$0x2] =	wrdreg s24  }
0xaf: {  	[dreg:$0x3] =	wrdreg $0xE0000  }
0xb0: {  	[dreg:$0x4] =	wrdreg $0x108000  }
0xb1: {  	[dreg:$0x5] =	wrdreg $0x130000  }
0xb2: {  	[dreg:$0x6] =	wrdreg $0x158000  }
0xb3: {  	[dreg:$0x7] =	wrdreg $0x9  }
0xb4: {  	_ =	task.clear_ibuf [dreg:s6], $0x8FFFF;
	_ =	strace $0x9000004C  }
0xb5: {  	s29 =	simm.s32 $0x9;
	_ =	strace $0x8000004E  }
0xb6: {  	_ =	swait.ge [sflag:s29], $0x1  }
0xb7: {  	[sflag:s29] =	ssyncadd.s32 $0xFFFFFFFF  }
0xb8: {  	_ =	strace $0x9000004E  }
0xb9: {  	_ =	sfence  }
0xba: {  	s30 =	sld [smem:$0x0];
	_ =	sdelay $0x2  }
0xbb: {  	s31 =	sshll.u32 s1, $0xD;
	s1 =	sshrl.u32 s1, $0x2  }
0xbc: {  	s3 =	sand.u32 $0x4000, s31;
	s1 =	sadd.s32 s1, s30  }
0xbd: {  	s0 =	sor.u32 s3, s0;
	s1 =	sshll.u32 s1, $0x11  }
0xbe: {  	s0 =	sor.u32 s1, s0  }
0xbf: {  	s0 =	sadd.s32 $0x8F2B, s0  }
0xc0: {  	[sflag:s0] =	ssyncadd.remote.s32 $0x1  }
0xc1: {  	_ =	sfence.sel $0xFFFF  }
0xc2: {  	[dreg:$0x0] =	wrdreg $0xFFFFFFFF;
	(pc) =	sbr.abs _section_cstart, $3  }
0xc3: {  	[dreg:$0x1] =	wrdreg $0xFFFFFFFF  }
0xc4: {  	_ =	task.clear_ibuf [dreg:s6], $0x2FFFF;
	_ =	strace $0x9FFFFFFF  }
0xc5: {  	(tm) =	ssettm $0x7FFFFFFF  }
tec
execute0_lowered:
.L_overlay_start_1:
0x0: {  	(tag) =	ssettag $0x1  }
0x1: {  	s0 =	rddreg [dreg:$0x0]  }
0x2: {  	s1 =	rddreg [dreg:$0x1]  }
0x3: {  	s2 =	rddreg [dreg:$0x2]  }
0x4: {  	s4 =	rddreg [dreg:$0x3];
	s6 =	stileid.u32  }
0x5: {  	s3 =	srdreg.scid;
	s5 =	rddreg [dreg:$0x4]  }
0x6: {  	s20 =	simm.s32 $0x0;
	s15 =	simm.s32 $0x7;
	s16 =	simm.s32 $0x9  }
0x7: {  	s17 =	simm.s32 $0xA;
	s6 =	smul.u32 $0x2800, s6;
	s3 =	sand.u32 $0x1, s3  }
0x8: {  	s13 =	simm.s32 $0xC;
	[smem:$0x7FF] =	sst s20;
	s7 =	smul.u32 $0x28000, s3  }
0x9: {  	_ =	strace $0x8000004D;
	s3 =	ssub.s32 $0x2, s3;
	s8 =	sshrl.u32 s6, $0x3  }
0xa: {  	s9 =	sshrl.u32 s3, $0x1;
	s24 =	sadd.s32 s6, s1;
	s26 =	sadd.s32 s6, s2  }
0xb: {  	s7 =	sadd.s32 s6, s7;
	s8 =	sadd.s32 s8, s0;
	[dreg:$0x9] =	wrdreg s24  }
0xc: {  	s3 =	ssub.s32 s3, s9;
	[dreg:$0xb] =	wrdreg s26;
	s23 =	sadd.s32 $0xD200, s8  }
0xd: {  	s7 =	sshrl.u32 s7, $0x3;
	s25 =	sadd.s32 $0x12200, s8;
	[dreg:$0x8] =	wrdreg s23  }
0xe: {  	s29 =	smax.u32 s3, $0x1;
	s0 =	sadd.s32 s7, s0;
	[dreg:$0xa] =	wrdreg s25  }
0xf: {  	s19 =	simm.s32 $0xD;
	[dreg:$0x10] =	wrdreg s29;
	s7 =	sadd.s32 $0x17200, s0  }
0x10: {  	s14 =	simm.s32 $0xE;
	s22 =	sadd.s32 $0x3200, s0;
	[dreg:$0x6] =	wrdreg s7  }
0x11: {  	s21 =	simm.s32 $0xF;
	s28 =	sadd.s32 $0x21200, s0;
	[dreg:$0x7] =	wrdreg s22  }
0x12: {  	s18 =	simm.s32 $0x10;
	s0 =	sadd.s32 $0x2B200, s0;
	[dreg:$0xe] =	wrdreg s28  }
0x13: {  	s7 =	sadd.s32 s6, s4;
	s6 =	sadd.s32 s6, s5;
	[dreg:$0xf] =	wrdreg s0  }
0x14: {  	s30 =	simm.s32 $0xC000;
	s31 =	simm.s32 $0xC800;
	[dreg:$0xd] =	wrdreg s6  }
0x15: {  	v0 =	vimm.f32 $0.0e+00;
	s23 =	simm.s32 $0x80;
	s6 =	simm.s32 $0x0;
	[dreg:$0xc] =	wrdreg s7  }
.LBB2_1:
0x16: {  	s22 =	rddreg [dreg:$0x6]  }
0x17: {  	[tilespmem:s20], [sflag:$0x11] =	stream.linear.gather [hbm4b:s22+s20], $0x2800, $0x38;
	[tilespmem:$0x18000] =	vst v63  }
0x18: {  	s28 =	rddreg [dreg:$0x7];
	s24 =	simm.s32 $0x2800  }
0x19: {  	[tilespmem:s24], [sflag:$0x11] =	stream.linear.gather [hbm4b:s28+s20], $0x2800, $0x38;
	[tilespmem:$0x18000] =	vst v63  }
0x1a: {  	s25 =	simm.s32 $0x5000;
	s29 =	rddreg [dreg:$0x8]  }
0x1b: {  	[tilespmem:s25], [sflag:$0x12] =	stream.linear.gather [hbm4b:s29+s20], $0x2800, $0x38;
	[tilespmem:$0x18000] =	vst v63  }
0x1c: {  	s25 =	simm.s32 $0x12  }
0x1d: {  	_ =	swait.ge [sflag:s25], $0x2800  }
0x1e: {  	[sflag:s25] =	ssyncset.done $0x0  }
0x1f: {  	s20 =	simm.s32 $0x0;
	[sflag:s25] =	ssyncadd.s32 $0xFFFFD800  }
0x20: {  	v4 =	vld [tilespmem:s20+$0x5070]  }
0x21: {  	v5 =	vld [tilespmem:s20+$0x5000]  }
0x22: {  	v6 =	vld [tilespmem:s20+$0x5010]  }
0x23: {  	v3 =	vld [tilespmem:s20+$0x5020]  }
0x24: {  	v1 =	vld [tilespmem:s20+$0x5030]  }
0x25: {  	v2 =	vld [tilespmem:s20+$0x5040];
	[tilespmem:s20+$0x7870] =	vst v4  }
0x26: {  	[tilespmem:s20+$0x7800] =	vst v5;
	v4 =	vld [tilespmem:s20+$0x5050]  }
0x27: {  	s22 =	simm.s32 $0x80;
	s24 =	simm.s32 $0x400;
	[tilespmem:s20+$0x7810] =	vst v6;
	v5 =	vld [tilespmem:s20+$0x5060]  }
.LBB2_2:
0x28: {  	p0 =	sne.s32 s24, $0x9E00;
	v6 =	vld [tilespmem:s22+$0x5070];
	[tilespmem:s20+$0x7820] =	vst v3  }
0x29: {  	v7 =	vld [tilespmem:s22+$0x5000];
	[tilespmem:s20+$0x7830] =	vst v1  }
0x2a: {  	v8 =	vld [tilespmem:s22+$0x5010];
	[tilespmem:s20+$0x7840] =	vst v2  }
.Ltmp0:
0x2b: {  	v3 =	vld [tilespmem:s22+$0x5020];
	[tilespmem:s20+$0x7850] =	vst v4;
	(pc) =	sbr.rel @p0 .LBB2_2-.Ltmp0, $4  }
0x2c: {  	v1 =	vld [tilespmem:s22+$0x5030];
	[tilespmem:s20+$0x7860] =	vst v5;
	s20 =	smov.u32 s22  }
0x2d: {  	v2 =	vld [tilespmem:s20+$0x5040];
	[tilespmem:s20+$0x7870] =	vst v6  }
0x2e: {  	[tilespmem:s20+$0x7800] =	vst v7;
	v4 =	vld [tilespmem:s20+$0x5050]  }
0x2f: {  	s22 =	sshra.s32 s24, $0x2;
	s24 =	sadd.s32 $0x200, s24;
	[tilespmem:s20+$0x7810] =	vst v8;
	v5 =	vld [tilespmem:s20+$0x5060]  }
0x30: {  	v6 =	vld [tilespmem:s22+$0x5070];
	[tilespmem:s20+$0x7820] =	vst v3  }
0x31: {  	v3 =	vld [tilespmem:s22+$0x5000];
	[tilespmem:s20+$0x7830] =	vst v1  }
0x32: {  	v1 =	vld [tilespmem:s22+$0x5010];
	[tilespmem:s20+$0x7840] =	vst v2  }
0x33: {  	v2 =	vld [tilespmem:s22+$0x5020];
	[tilespmem:s20+$0x7850] =	vst v4  }
0x34: {  	v4 =	vld [tilespmem:s22+$0x5030];
	[tilespmem:s20+$0x7860] =	vst v5  }
0x35: {  	v5 =	vld [tilespmem:s22+$0x5040];
	[tilespmem:s22+$0x7870] =	vst v6  }
0x36: {  	[tilespmem:s22+$0x7800] =	vst v3;
	v3 =	vld [tilespmem:s22+$0x5050]  }
0x37: {  	[tilespmem:s22+$0x7810] =	vst v1;
	v1 =	vld [tilespmem:s22+$0x5060]  }
0x38: {  	[tilespmem:s22+$0x7820] =	vst v2  }
0x39: {  	[tilespmem:s22+$0x7830] =	vst v4  }
0x3a: {  	[tilespmem:s22+$0x7840] =	vst v5  }
0x3b: {  	[tilespmem:s22+$0x7850] =	vst v3  }
0x3c: {  	s24 =	rddreg [dreg:$0x9];
	s26 =	simm.s32 $0x7800;
	[tilespmem:s22+$0x7860] =	vst v1  }
0x3d: {  	[spmem:s24] =	stream.linear.scatter [tilespmem:s26], [sflag:$0x12], $0x2800, $0x38;
	[tilespmem:$0x18000] =	vst v63  }
0x3e: {  	_ =	swait.ge [sflag:s25], $0x2800  }
0x3f: {  	s28 =	simm.s32 $0x0;
	[sflag:s25] =	ssyncset.done $0x0  }
0x40: {  	s24 =	simm.s32 $0x5000;
	s29 =	rddreg [dreg:$0xa];
	[sflag:s25] =	ssyncadd.s32 $0xFFFFD800  }
0x41: {  	[tilespmem:s24], [sflag:$0x12] =	stream.linear.gather [hbm4b:s29+s28], $0x2800, $0x38;
	[tilespmem:$0x18000] =	vst v63  }
0x42: {  	_ =	swait.ge [sflag:s25], $0x2800  }
0x43: {  	[sflag:s25] =	ssyncset.done $0x0  }
0x44: {  	s20 =	simm.s32 $0x0;
	[sflag:s25] =	ssyncadd.s32 $0xFFFFD800  }
0x45: {  	v4 =	vld [tilespmem:s20+$0x5070]  }
0x46: {  	v5 =	vld [tilespmem:s20+$0x5000]  }
0x47: {  	v6 =	vld [tilespmem:s20+$0x5010]  }
0x48: {  	v3 =	vld [tilespmem:s20+$0x5020]  }
0x49: {  	v1 =	vld [tilespmem:s20+$0x5030]  }
0x4a: {  	v2 =	vld [tilespmem:s20+$0x5040];
	[tilespmem:s20+$0x7870] =	vst v4  }
0x4b: {  	[tilespmem:s20+$0x7800] =	vst v5;
	v4 =	vld [tilespmem:s20+$0x5050]  }
0x4c: {  	s22 =	simm.s32 $0x80;
	s24 =	simm.s32 $0x400;
	[tilespmem:s20+$0x7810] =	vst v6;
	v5 =	vld [tilespmem:s20+$0x5060]  }
.LBB2_4:
0x4d: {  	p0 =	sne.s32 s24, $0x9E00;
	v6 =	vld [tilespmem:s22+$0x5070];
	[tilespmem:s20+$0x7820] =	vst v3  }
0x4e: {  	v7 =	vld [tilespmem:s22+$0x5000];
	[tilespmem:s20+$0x7830] =	vst v1  }
0x4f: {  	v8 =	vld [tilespmem:s22+$0x5010];
	[tilespmem:s20+$0x7840] =	vst v2  }
.Ltmp1:
0x50: {  	v3 =	vld [tilespmem:s22+$0x5020];
	[tilespmem:s20+$0x7850] =	vst v4;
	(pc) =	sbr.rel @p0 .LBB2_4-.Ltmp1, $4  }
0x51: {  	v1 =	vld [tilespmem:s22+$0x5030];
	[tilespmem:s20+$0x7860] =	vst v5;
	s20 =	smov.u32 s22  }
0x52: {  	v2 =	vld [tilespmem:s20+$0x5040];
	[tilespmem:s20+$0x7870] =	vst v6  }
0x53: {  	[tilespmem:s20+$0x7800] =	vst v7;
	v4 =	vld [tilespmem:s20+$0x5050]  }
0x54: {  	s22 =	sshra.s32 s24, $0x2;
	s24 =	sadd.s32 $0x200, s24;
	[tilespmem:s20+$0x7810] =	vst v8;
	v5 =	vld [tilespmem:s20+$0x5060]  }
0x55: {  	v6 =	vld [tilespmem:s22+$0x5070];
	[tilespmem:s20+$0x7820] =	vst v3  }
0x56: {  	v3 =	vld [tilespmem:s22+$0x5000];
	[tilespmem:s20+$0x7830] =	vst v1  }
0x57: {  	v1 =	vld [tilespmem:s22+$0x5010];
	[tilespmem:s20+$0x7840] =	vst v2  }
0x58: {  	v2 =	vld [tilespmem:s22+$0x5020];
	[tilespmem:s20+$0x7850] =	vst v4  }
0x59: {  	v4 =	vld [tilespmem:s22+$0x5030];
	[tilespmem:s20+$0x7860] =	vst v5  }
0x5a: {  	v5 =	vld [tilespmem:s22+$0x5040];
	[tilespmem:s22+$0x7870] =	vst v6  }
0x5b: {  	[tilespmem:s22+$0x7800] =	vst v3;
	v3 =	vld [tilespmem:s22+$0x5050]  }
0x5c: {  	[tilespmem:s22+$0x7810] =	vst v1;
	v1 =	vld [tilespmem:s22+$0x5060]  }
0x5d: {  	[tilespmem:s22+$0x7820] =	vst v2  }
0x5e: {  	[tilespmem:s22+$0x7830] =	vst v4  }
0x5f: {  	[tilespmem:s22+$0x7840] =	vst v5  }
0x60: {  	[dreg:$0x11] =	wrdreg s6;
	[tilespmem:s22+$0x7850] =	vst v3  }
0x61: {  	s28 =	rddreg [dreg:$0xb];
	s29 =	simm.s32 $0x7800;
	[tilespmem:s22+$0x7860] =	vst v1  }
0x62: {  	[spmem:s28] =	stream.linear.scatter [tilespmem:s29], [sflag:$0x12], $0x2800, $0x38;
	[tilespmem:$0x18000] =	vst v63  }
0x63: {  	_ =	swait.ge [sflag:s25], $0x2800  }
0x64: {  	[sflag:s25] =	ssyncset.done $0x0  }
0x65: {  	s20 =	simm.s32 $0x40;
	s22 =	simm.s32 $0x0;
	[sflag:s25] =	ssyncadd.s32 $0xFFFFD800  }
.LBB2_6:
0x66: {  	p0 =	sne.s32 s20, $0x9FC0;
	[tilespmem:s22+$0x7800] =	vst v0;
	s22 =	smov.u32 s20;
	s20 =	sadd.s32 $0x40, s20  }
.Ltmp2:
0x67: {  	(pc) =	sbr.rel @p0 .LBB2_6-.Ltmp2, $2  }
0x68: {  	_ =	sdelay $0x2  }
0x69: {  	s22 =	sshra.s32 s22, $0x2  }
0x6a: {  	[tilespmem:s22+$0x7800] =	vst v0;
	s26 =	simm.s32 $0x7800  }
0x6b: {  	[spmem:s7] =	stream.linear.scatter [tilespmem:s26], [sflag:$0x12], $0x2800, $0x38;
	[tilespmem:$0x18000] =	vst v63  }
0x6c: {  	_ =	swait.ge [sflag:s25], $0x2800  }
0x6d: {  	[sflag:s25] =	ssyncset.done $0x0  }
0x6e: {  	s20 =	rddreg [dreg:$0xd];
	[sflag:s25] =	ssyncadd.s32 $0xFFFFD800  }
0x6f: {  	[spmem:s20] =	stream.linear.scatter [tilespmem:s26], [sflag:$0x12], $0x2800, $0x38;
	[tilespmem:$0x18000] =	vst v63  }
0x70: {  	_ =	swait.ge [sflag:s25], $0x2800  }
0x71: {  	[sflag:s25] =	ssyncset.done $0x0  }
0x72: {  	s28 =	simm.s32 $0x11;
	[sflag:s25] =	ssyncadd.s32 $0xFFFFD800  }
0x73: {  	_ =	swait.ge [sflag:s28], $0x2800  }
0x74: {  	[sflag:s28] =	ssyncset.done $0x0  }
0x75: {  	[sflag:s28] =	ssyncadd.s32 $0xFFFFD800  }
0x76: {  	_ =	swait.ge [sflag:s28], $0x2800  }
0x77: {  	[sflag:s28] =	ssyncset.done $0x0  }
0x78: {  	[sflag:s28] =	ssyncadd.s32 $0xFFFFD800  }
0x79: {  	s29 =	simm.s32 $0x0;
	s8 =	simm.s32 $0xA000;
	[bflag:$0x0] =	sbarrier.arrive $0xFFFF  }
0x7a: {  	[tilespmem:s8], [sflag:$0x1] =	stream.indirect.gather [spmem:s1], $0x10, s29, s23, $0xb8;
	[tilespmem:$0x18000] =	vst v63  }
0x7b: {  	s9 =	simm.s32 $0xA800  }
0x7c: {  	[tilespmem:s9], [sflag:$0x2] =	stream.indirect.gather [spmem:s2], $0x10, s29, s23, $0xb8;
	[tilespmem:$0x18000] =	vst v63  }
0x7d: {  	s0 =	simm.s32 $0x80;
	s10 =	simm.s32 $0xB000  }
0x7e: {  	[tilespmem:s10], [sflag:$0x3] =	stream.indirect.gather [spmem:s1], $0x10, s0, s23, $0xb8;
	[tilespmem:$0x18000] =	vst v63  }
0x7f: {  	s11 =	simm.s32 $0xB800  }
0x80: {  	[tilespmem:s11], [sflag:$0x4] =	stream.indirect.gather [spmem:s2], $0x10, s0, s23, $0xb8;
	[tilespmem:$0x18000] =	vst v63  }
0x81: {  	s3 =	simm.s32 $0x100;
	s12 =	simm.s32 $0xC000  }
0x82: {  	[tilespmem:s12], [sflag:$0x5] =	stream.indirect.gather [spmem:s1], $0x10, s3, s23, $0xb8;
	[tilespmem:$0x18000] =	vst v63  }
0x83: {  	s6 =	simm.s32 $0xC800  }
0x84: {  	[tilespmem:s6], [sflag:$0x6] =	stream.indirect.gather [spmem:s2], $0x10, s3, s23, $0xb8;
	[tilespmem:$0x18000] =	vst v63  }
0x85: {  	s7 =	simm.s32 $0x180;
	s3 =	simm.s32 $0xD000  }
0x86: {  	[tilespmem:s3], [sflag:$0x7] =	stream.indirect.gather [spmem:s1], $0x10, s7, s23, $0xb8;
	[tilespmem:$0x18000] =	vst v63  }
0x87: {  	s0 =	simm.s32 $0xD800  }
0x88: {  	[tilespmem:s0], [sflag:$0x8] =	stream.indirect.gather [spmem:s2], $0x10, s7, s23, $0xb8;
	[tilespmem:$0x18000] =	vst v63  }
0x89: {  	s7 =	simm.s32 $0x1  }
0x8a: {  	_ =	swait.ge [sflag:s7], $0x800  }
0x8b: {  	[sflag:s7] =	ssyncset.done $0x0  }
0x8c: {  	s22 =	simm.s32 $0x2800;
	[sflag:s7] =	ssyncadd.s32 $0xFFFFF800  }
0x8d: {  	[spmem:s4] =	stream.indirect.scatter.add.f32 [tilespmem:s8], [sflag:$0x9], $0x10, s22, s23, $0xb8;
	[tilespmem:$0x18000] =	vst v63  }
0x8e: {  	s8 =	simm.s32 $0x2  }
0x8f: {  	_ =	swait.ge [sflag:s8], $0x800  }
0x90: {  	[sflag:s8] =	ssyncset.done $0x0  }
0x91: {  	[sflag:s8] =	ssyncadd.s32 $0xFFFFF800  }
0x92: {  	[spmem:s5] =	stream.indirect.scatter.add.f32 [tilespmem:s9], [sflag:$0xA], $0x10, s22, s23, $0xb8;
	[tilespmem:$0x18000] =	vst v63  }
0x93: {  	s9 =	simm.s32 $0x3  }
0x94: {  	_ =	swait.ge [sflag:s9], $0x800  }
0x95: {  	[sflag:s9] =	ssyncset.done $0x0  }
0x96: {  	s24 =	simm.s32 $0x2880;
	[sflag:s9] =	ssyncadd.s32 $0xFFFFF800  }
0x97: {  	[spmem:s4] =	stream.indirect.scatter.add.f32 [tilespmem:s10], [sflag:$0xB], $0x10, s24, s23, $0xb8;
	[tilespmem:$0x18000] =	vst v63  }
0x98: {  	s10 =	simm.s32 $0x4  }
0x99: {  	_ =	swait.ge [sflag:s10], $0x800  }
0x9a: {  	[sflag:s10] =	ssyncset.done $0x0  }
0x9b: {  	[sflag:s10] =	ssyncadd.s32 $0xFFFFF800  }
0x9c: {  	[spmem:s5] =	stream.indirect.scatter.add.f32 [tilespmem:s11], [sflag:$0xC], $0x10, s24, s23, $0xb8;
	[tilespmem:$0x18000] =	vst v63  }
0x9d: {  	s11 =	simm.s32 $0x5  }
0x9e: {  	_ =	swait.ge [sflag:s11], $0x800  }
0x9f: {  	[sflag:s11] =	ssyncset.done $0x0  }
0xa0: {  	s25 =	simm.s32 $0x2900;
	[sflag:s11] =	ssyncadd.s32 $0xFFFFF800  }
0xa1: {  	[spmem:s4] =	stream.indirect.scatter.add.f32 [tilespmem:s12], [sflag:$0xD], $0x10, s25, s23, $0xb8;
	[tilespmem:$0x18000] =	vst v63  }
0xa2: {  	s12 =	simm.s32 $0x6  }
0xa3: {  	_ =	swait.ge [sflag:s12], $0x800  }
0xa4: {  	[sflag:s12] =	ssyncset.done $0x0  }
0xa5: {  	[sflag:s12] =	ssyncadd.s32 $0xFFFFF800  }
0xa6: {  	[spmem:s5] =	stream.indirect.scatter.add.f32 [tilespmem:s6], [sflag:$0xE], $0x10, s25, s23, $0xb8;
	[tilespmem:$0x18000] =	vst v63  }
0xa7: {  	_ =	swait.ge [sflag:s15], $0x800  }
0xa8: {  	[sflag:s15] =	ssyncset.done $0x0  }
0xa9: {  	s26 =	simm.s32 $0x2980;
	s28 =	simm.s32 $0x8;
	[sflag:s15] =	ssyncadd.s32 $0xFFFFF800  }
0xaa: {  	[spmem:s4] =	stream.indirect.scatter.add.f32 [tilespmem:s3], [sflag:$0xF], $0x10, s26, s23, $0xb8;
	[tilespmem:$0x18000] =	vst v63  }
0xab: {  	_ =	swait.ge [sflag:s28], $0x800  }
0xac: {  	[sflag:s28] =	ssyncset.done $0x0  }
0xad: {  	[sflag:s28] =	ssyncadd.s32 $0xFFFFF800  }
0xae: {  	[spmem:s5] =	stream.indirect.scatter.add.f32 [tilespmem:s0], [sflag:$0x10], $0x10, s26, s23, $0xb8;
	[tilespmem:$0x18000] =	vst v63  }
0xaf: {  	_ =	swait.ge [sflag:s16], $0x800  }
0xb0: {  	[sflag:s16] =	ssyncset.done $0x0  }
0xb1: {  	[sflag:s16] =	ssyncadd.s32 $0xFFFFF800  }
0xb2: {  	_ =	swait.ge [sflag:s17], $0x800  }
0xb3: {  	[sflag:s17] =	ssyncset.done $0x0  }
0xb4: {  	s29 =	simm.s32 $0xB;
	[sflag:s17] =	ssyncadd.s32 $0xFFFFF800  }
0xb5: {  	_ =	swait.ge [sflag:s29], $0x800  }
0xb6: {  	[sflag:s29] =	ssyncset.done $0x0  }
0xb7: {  	[sflag:s29] =	ssyncadd.s32 $0xFFFFF800  }
0xb8: {  	_ =	swait.ge [sflag:s13], $0x800  }
0xb9: {  	[sflag:s13] =	ssyncset.done $0x0  }
0xba: {  	[sflag:s13] =	ssyncadd.s32 $0xFFFFF800  }
0xbb: {  	_ =	swait.ge [sflag:s19], $0x800  }
0xbc: {  	[sflag:s19] =	ssyncset.done $0x0  }
0xbd: {  	[sflag:s19] =	ssyncadd.s32 $0xFFFFF800  }
0xbe: {  	_ =	swait.ge [sflag:s14], $0x800  }
0xbf: {  	[sflag:s14] =	ssyncset.done $0x0  }
0xc0: {  	[sflag:s14] =	ssyncadd.s32 $0xFFFFF800  }
0xc1: {  	_ =	swait.ge [sflag:s21], $0x800  }
0xc2: {  	[sflag:s21] =	ssyncset.done $0x0  }
0xc3: {  	[sflag:s21] =	ssyncadd.s32 $0xFFFFF800  }
0xc4: {  	_ =	swait.ge [sflag:s18], $0x800  }
0xc5: {  	s20 =	simm.s32 $0x1000;
	s22 =	simm.s32 $0x800;
	[sflag:s18] =	ssyncset.done $0x0  }
.LBB2_8:
0xc6: {  	s24 =	sshra.s32 s22, $0x2;
	[sflag:s18] =	ssyncadd.s32 $0xFFFFF800  }
0xc7: {  	s22 =	smov.u32 s20;
	s25 =	sadd.s32 $0x800, s20;
	s6 =	simm.s32 $0xA000  }
0xc8: {  	[tilespmem:s6], [sflag:$0x1] =	stream.indirect.gather [spmem:s1], $0x10, s24, s23, $0xb8;
	[tilespmem:$0x18000] =	vst v63  }
0xc9: {  	p0 =	sne.s32 s20, $0x9800;
	s26 =	simm.s32 $0xA800  }
0xca: {  	[tilespmem:s26], [sflag:$0x2] =	stream.indirect.gather [spmem:s2], $0x10, s24, s23, $0xb8;
	[tilespmem:$0x18000] =	vst v63  }
0xcb: {  	s28 =	simm.s32 $0xB000;
	s20 =	sadd.s32 $0x80, s24  }
0xcc: {  	[tilespmem:s28], [sflag:$0x3] =	stream.indirect.gather [spmem:s1], $0x10, s20, s23, $0xb8;
	[tilespmem:$0x18000] =	vst v63  }
0xcd: {  	s29 =	simm.s32 $0xB800  }
0xce: {  	[tilespmem:s29], [sflag:$0x4] =	stream.indirect.gather [spmem:s2], $0x10, s20, s23, $0xb8;
	[tilespmem:$0x18000] =	vst v63  }
0xcf: {  	s20 =	sadd.s32 $0x100, s24  }
0xd0: {  	[tilespmem:s30], [sflag:$0x5] =	stream.indirect.gather [spmem:s1], $0x10, s20, s23, $0xb8;
	[tilespmem:$0x18000] =	vst v63  }
0xd1: {  	_ = 	snop  }
0xd2: {  	[tilespmem:s31], [sflag:$0x6] =	stream.indirect.gather [spmem:s2], $0x10, s20, s23, $0xb8;
	[tilespmem:$0x18000] =	vst v63  }
0xd3: {  	s3 =	simm.s32 $0xD000;
	s20 =	sadd.s32 $0x180, s24  }
0xd4: {  	[tilespmem:s3], [sflag:$0x7] =	stream.indirect.gather [spmem:s1], $0x10, s20, s23, $0xb8;
	[tilespmem:$0x18000] =	vst v63  }
0xd5: {  	s0 =	simm.s32 $0xD800  }
0xd6: {  	[tilespmem:s0], [sflag:$0x8] =	stream.indirect.gather [spmem:s2], $0x10, s20, s23, $0xb8;
	[tilespmem:$0x18000] =	vst v63  }
0xd7: {  	_ =	swait.ge [sflag:s7], $0x800  }
0xd8: {  	[sflag:s7] =	ssyncset.done $0x0  }
0xd9: {  	s20 =	sadd.s32 $0x2800, s24;
	[sflag:s7] =	ssyncadd.s32 $0xFFFFF800  }
0xda: {  	[spmem:s4] =	stream.indirect.scatter.add.f32 [tilespmem:s6], [sflag:$0x9], $0x10, s20, s23, $0xb8;
	[tilespmem:$0x18000] =	vst v63  }
0xdb: {  	_ =	swait.ge [sflag:s8], $0x800  }
0xdc: {  	[sflag:s8] =	ssyncset.done $0x0  }
0xdd: {  	[sflag:s8] =	ssyncadd.s32 $0xFFFFF800  }
0xde: {  	[spmem:s5] =	stream.indirect.scatter.add.f32 [tilespmem:s26], [sflag:$0xA], $0x10, s20, s23, $0xb8;
	[tilespmem:$0x18000] =	vst v63  }
0xdf: {  	_ =	swait.ge [sflag:s9], $0x800  }
0xe0: {  	[sflag:s9] =	ssyncset.done $0x0  }
0xe1: {  	s20 =	sadd.s32 $0x2880, s24;
	[sflag:s9] =	ssyncadd.s32 $0xFFFFF800  }
0xe2: {  	[spmem:s4] =	stream.indirect.scatter.add.f32 [tilespmem:s28], [sflag:$0xB], $0x10, s20, s23, $0xb8;
	[tilespmem:$0x18000] =	vst v63  }
0xe3: {  	_ =	swait.ge [sflag:s10], $0x800  }
0xe4: {  	[sflag:s10] =	ssyncset.done $0x0  }
0xe5: {  	[sflag:s10] =	ssyncadd.s32 $0xFFFFF800  }
0xe6: {  	[spmem:s5] =	stream.indirect.scatter.add.f32 [tilespmem:s29], [sflag:$0xC], $0x10, s20, s23, $0xb8;
	[tilespmem:$0x18000] =	vst v63  }
0xe7: {  	_ =	swait.ge [sflag:s11], $0x800  }
0xe8: {  	[sflag:s11] =	ssyncset.done $0x0  }
0xe9: {  	s20 =	sadd.s32 $0x2900, s24;
	[sflag:s11] =	ssyncadd.s32 $0xFFFFF800  }
0xea: {  	[spmem:s4] =	stream.indirect.scatter.add.f32 [tilespmem:s30], [sflag:$0xD], $0x10, s20, s23, $0xb8;
	[tilespmem:$0x18000] =	vst v63  }
0xeb: {  	_ =	swait.ge [sflag:s12], $0x800  }
0xec: {  	[sflag:s12] =	ssyncset.done $0x0  }
0xed: {  	[sflag:s12] =	ssyncadd.s32 $0xFFFFF800  }
0xee: {  	[spmem:s5] =	stream.indirect.scatter.add.f32 [tilespmem:s31], [sflag:$0xE], $0x10, s20, s23, $0xb8;
	[tilespmem:$0x18000] =	vst v63  }
0xef: {  	_ =	swait.ge [sflag:s15], $0x800  }
0xf0: {  	[sflag:s15] =	ssyncset.done $0x0  }
0xf1: {  	s20 =	sadd.s32 $0x2980, s24;
	s24 =	simm.s32 $0x8;
	[sflag:s15] =	ssyncadd.s32 $0xFFFFF800  }
0xf2: {  	[spmem:s4] =	stream.indirect.scatter.add.f32 [tilespmem:s3], [sflag:$0xF], $0x10, s20, s23, $0xb8;
	[tilespmem:$0x18000] =	vst v63  }
0xf3: {  	_ =	swait.ge [sflag:s24], $0x800  }
0xf4: {  	[sflag:s24] =	ssyncset.done $0x0  }
0xf5: {  	[sflag:s24] =	ssyncadd.s32 $0xFFFFF800  }
0xf6: {  	[spmem:s5] =	stream.indirect.scatter.add.f32 [tilespmem:s0], [sflag:$0x10], $0x10, s20, s23, $0xb8;
	[tilespmem:$0x18000] =	vst v63  }
0xf7: {  	_ =	swait.ge [sflag:s16], $0x800  }
0xf8: {  	[sflag:s16] =	ssyncset.done $0x0  }
0xf9: {  	[sflag:s16] =	ssyncadd.s32 $0xFFFFF800  }
0xfa: {  	_ =	swait.ge [sflag:s17], $0x800  }
0xfb: {  	[sflag:s17] =	ssyncset.done $0x0  }
0xfc: {  	s0 =	simm.s32 $0xB;
	[sflag:s17] =	ssyncadd.s32 $0xFFFFF800  }
0xfd: {  	_ =	swait.ge [sflag:s0], $0x800  }
0xfe: {  	[sflag:s0] =	ssyncset.done $0x0  }
0xff: {  	[sflag:s0] =	ssyncadd.s32 $0xFFFFF800  }
0x100: {  	_ =	swait.ge [sflag:s13], $0x800  }
0x101: {  	[sflag:s13] =	ssyncset.done $0x0  }
0x102: {  	[sflag:s13] =	ssyncadd.s32 $0xFFFFF800  }
0x103: {  	_ =	swait.ge [sflag:s19], $0x800  }
0x104: {  	[sflag:s19] =	ssyncset.done $0x0  }
0x105: {  	[sflag:s19] =	ssyncadd.s32 $0xFFFFF800  }
0x106: {  	_ =	swait.ge [sflag:s14], $0x800  }
0x107: {  	[sflag:s14] =	ssyncset.done $0x0  }
0x108: {  	[sflag:s14] =	ssyncadd.s32 $0xFFFFF800  }
.Ltmp3:
0x109: {  	_ =	swait.ge [sflag:s21], $0x800;
	(pc) =	sbr.rel @p0 .LBB2_8-.Ltmp3, $4  }
0x10a: {  	[sflag:s21] =	ssyncset.done $0x0  }
0x10b: {  	[sflag:s21] =	ssyncadd.s32 $0xFFFFF800  }
0x10c: {  	_ =	swait.ge [sflag:s18], $0x800  }
0x10d: {  	s20 =	smov.u32 s25;
	[sflag:s18] =	ssyncset.done $0x0  }
0x10e: {  	s20 =	sshra.s32 s22, $0x2;
	[sflag:s18] =	ssyncadd.s32 $0xFFFFF800;
	s6 =	simm.s32 $0xA000  }
0x10f: {  	[tilespmem:s6], [sflag:$0x1] =	stream.indirect.gather [spmem:s1], $0x10, s20, s23, $0xb8;
	[tilespmem:$0x18000] =	vst v63  }
0x110: {  	s26 =	simm.s32 $0xA800  }
0x111: {  	[tilespmem:s26], [sflag:$0x2] =	stream.indirect.gather [spmem:s2], $0x10, s20, s23, $0xb8;
	[tilespmem:$0x18000] =	vst v63  }
0x112: {  	s28 =	simm.s32 $0xB000;
	s22 =	sadd.s32 $0x80, s20  }
0x113: {  	[tilespmem:s28], [sflag:$0x3] =	stream.indirect.gather [spmem:s1], $0x10, s22, s23, $0xb8;
	[tilespmem:$0x18000] =	vst v63  }
0x114: {  	s29 =	simm.s32 $0xB800  }
0x115: {  	[tilespmem:s29], [sflag:$0x4] =	stream.indirect.gather [spmem:s2], $0x10, s22, s23, $0xb8;
	[tilespmem:$0x18000] =	vst v63  }
0x116: {  	s25 =	simm.s32 $0xC000;
	s0 =	sadd.s32 $0x100, s20  }
0x117: {  	[tilespmem:s25], [sflag:$0x5] =	stream.indirect.gather [spmem:s1], $0x10, s0, s23, $0xb8;
	[tilespmem:$0x18000] =	vst v63  }
0x118: {  	s3 =	simm.s32 $0xC800  }
0x119: {  	[tilespmem:s3], [sflag:$0x6] =	stream.indirect.gather [spmem:s2], $0x10, s0, s23, $0xb8;
	[tilespmem:$0x18000] =	vst v63  }
0x11a: {  	s22 =	sadd.s32 $0x180, s20;
	s0 =	simm.s32 $0xD000  }
0x11b: {  	[tilespmem:s0], [sflag:$0x7] =	stream.indirect.gather [spmem:s1], $0x10, s22, s23, $0xb8;
	[tilespmem:$0x18000] =	vst v63  }
0x11c: {  	s1 =	simm.s32 $0xD800  }
0x11d: {  	[tilespmem:s1], [sflag:$0x8] =	stream.indirect.gather [spmem:s2], $0x10, s22, s23, $0xb8;
	[tilespmem:$0x18000] =	vst v63  }
0x11e: {  	_ =	swait.ge [sflag:s7], $0x800  }
0x11f: {  	[sflag:s7] =	ssyncset.done $0x0  }
0x120: {  	[sflag:s7] =	ssyncadd.s32 $0xFFFFF800;
	s7 =	sadd.s32 $0x2800, s20  }
0x121: {  	[spmem:s4] =	stream.indirect.scatter.add.f32 [tilespmem:s6], [sflag:$0x9], $0x10, s7, s23, $0xb8;
	[tilespmem:$0x18000] =	vst v63  }
0x122: {  	_ =	swait.ge [sflag:s8], $0x800  }
0x123: {  	[sflag:s8] =	ssyncset.done $0x0  }
0x124: {  	[sflag:s8] =	ssyncadd.s32 $0xFFFFF800  }
0x125: {  	[spmem:s5] =	stream.indirect.scatter.add.f32 [tilespmem:s26], [sflag:$0xA], $0x10, s7, s23, $0xb8;
	[tilespmem:$0x18000] =	vst v63  }
0x126: {  	_ =	swait.ge [sflag:s9], $0x800  }
0x127: {  	[sflag:s9] =	ssyncset.done $0x0  }
0x128: {  	[sflag:s9] =	ssyncadd.s32 $0xFFFFF800;
	s9 =	sadd.s32 $0x2880, s20  }
0x129: {  	[spmem:s4] =	stream.indirect.scatter.add.f32 [tilespmem:s28], [sflag:$0xB], $0x10, s9, s23, $0xb8;
	[tilespmem:$0x18000] =	vst v63  }
0x12a: {  	_ =	swait.ge [sflag:s10], $0x800  }
0x12b: {  	[sflag:s10] =	ssyncset.done $0x0  }
0x12c: {  	[sflag:s10] =	ssyncadd.s32 $0xFFFFF800  }
0x12d: {  	[spmem:s5] =	stream.indirect.scatter.add.f32 [tilespmem:s29], [sflag:$0xC], $0x10, s9, s23, $0xb8;
	[tilespmem:$0x18000] =	vst v63  }
0x12e: {  	_ =	swait.ge [sflag:s11], $0x800  }
0x12f: {  	[sflag:s11] =	ssyncset.done $0x0  }
0x130: {  	s26 =	sadd.s32 $0x2900, s20;
	[sflag:s11] =	ssyncadd.s32 $0xFFFFF800  }
0x131: {  	[spmem:s4] =	stream.indirect.scatter.add.f32 [tilespmem:s25], [sflag:$0xD], $0x10, s26, s23, $0xb8;
	[tilespmem:$0x18000] =	vst v63  }
0x132: {  	_ =	swait.ge [sflag:s12], $0x800  }
0x133: {  	[sflag:s12] =	ssyncset.done $0x0  }
0x134: {  	[sflag:s12] =	ssyncadd.s32 $0xFFFFF800  }
0x135: {  	[spmem:s5] =	stream.indirect.scatter.add.f32 [tilespmem:s3], [sflag:$0xE], $0x10, s26, s23, $0xb8;
	[tilespmem:$0x18000] =	vst v63  }
0x136: {  	_ =	swait.ge [sflag:s15], $0x800  }
0x137: {  	[sflag:s15] =	ssyncset.done $0x0  }
0x138: {  	s20 =	sadd.s32 $0x2980, s20;
	[sflag:s15] =	ssyncadd.s32 $0xFFFFF800  }
0x139: {  	[spmem:s4] =	stream.indirect.scatter.add.f32 [tilespmem:s0], [sflag:$0xF], $0x10, s20, s23, $0xb8;
	[tilespmem:$0x18000] =	vst v63  }
0x13a: {  	_ =	swait.ge [sflag:s24], $0x800  }
0x13b: {  	[sflag:s24] =	ssyncset.done $0x0  }
0x13c: {  	[sflag:s24] =	ssyncadd.s32 $0xFFFFF800  }
0x13d: {  	[spmem:s5] =	stream.indirect.scatter.add.f32 [tilespmem:s1], [sflag:$0x10], $0x10, s20, s23, $0xb8;
	[tilespmem:$0x18000] =	vst v63  }
0x13e: {  	_ =	swait.ge [sflag:s16], $0x800  }
0x13f: {  	[sflag:s16] =	ssyncset.done $0x0  }
0x140: {  	[sflag:s16] =	ssyncadd.s32 $0xFFFFF800  }
0x141: {  	_ =	swait.ge [sflag:s17], $0x800  }
0x142: {  	[sflag:s17] =	ssyncset.done $0x0  }
0x143: {  	s28 =	simm.s32 $0xB;
	[sflag:s17] =	ssyncadd.s32 $0xFFFFF800  }
0x144: {  	_ =	swait.ge [sflag:s28], $0x800  }
0x145: {  	[sflag:s28] =	ssyncset.done $0x0  }
0x146: {  	[sflag:s28] =	ssyncadd.s32 $0xFFFFF800  }
0x147: {  	_ =	swait.ge [sflag:s13], $0x800  }
0x148: {  	[sflag:s13] =	ssyncset.done $0x0  }
0x149: {  	[sflag:s13] =	ssyncadd.s32 $0xFFFFF800  }
0x14a: {  	_ =	swait.ge [sflag:s19], $0x800  }
0x14b: {  	[sflag:s19] =	ssyncset.done $0x0  }
0x14c: {  	[sflag:s19] =	ssyncadd.s32 $0xFFFFF800  }
0x14d: {  	_ =	swait.ge [sflag:s14], $0x800  }
0x14e: {  	[sflag:s14] =	ssyncset.done $0x0  }
0x14f: {  	[sflag:s14] =	ssyncadd.s32 $0xFFFFF800  }
0x150: {  	_ =	swait.ge [sflag:s21], $0x800  }
0x151: {  	[sflag:s21] =	ssyncset.done $0x0  }
0x152: {  	[sflag:s21] =	ssyncadd.s32 $0xFFFFF800  }
0x153: {  	_ =	swait.ge [sflag:s18], $0x800  }
0x154: {  	[sflag:s18] =	ssyncset.done $0x0  }
0x155: {  	[sflag:s18] =	ssyncadd.s32 $0xFFFFF800  }
0x156: {  	[bflag:$0x0] =	sbarrier.arrive $0xFFFF  }
0x157: {  	s29 =	simm.s32 $0x7800;
	s25 =	simm.s32 $0x12;
	s7 =	rddreg [dreg:$0xc]  }
0x158: {  	[tilespmem:s29], [sflag:$0x12] =	stream.linear.gather [spmem:s7], $0x2800, $0x38;
	[tilespmem:$0x18000] =	vst v63  }
0x159: {  	_ =	swait.ge [sflag:s25], $0x2800  }
0x15a: {  	[sflag:s25] =	ssyncset.done $0x0  }
0x15b: {  	s20 =	simm.s32 $0x0;
	[sflag:s25] =	ssyncadd.s32 $0xFFFFD800  }
0x15c: {  	v4 =	vld [tilespmem:s20+$0x7870]  }
0x15d: {  	v5 =	vld [tilespmem:s20+$0x7800]  }
0x15e: {  	v6 =	vld [tilespmem:s20+$0x7810]  }
0x15f: {  	v3 =	vld [tilespmem:s20+$0x7820]  }
0x160: {  	v1 =	vld [tilespmem:s20+$0x7830]  }
0x161: {  	v2 =	vld [tilespmem:s20+$0x7840];
	[tilespmem:s20+$0x5070] =	vst v4  }
0x162: {  	s22 =	simm.s32 $0x80;
	[tilespmem:s20+$0x5000] =	vst v5;
	v4 =	vld [tilespmem:s20+$0x7850]  }
0x163: {  	s3 =	smov.u32 s4;
	s0 =	smov.u32 s5;
	s24 =	simm.s32 $0x400;
	[tilespmem:s20+$0x5010] =	vst v6;
	v5 =	vld [tilespmem:s20+$0x7860]  }
.LBB2_10:
0x164: {  	p0 =	sne.s32 s24, $0x9E00;
	v6 =	vld [tilespmem:s22+$0x7870];
	[tilespmem:s20+$0x5020] =	vst v3  }
0x165: {  	v7 =	vld [tilespmem:s22+$0x7800];
	[tilespmem:s20+$0x5030] =	vst v1  }
0x166: {  	v8 =	vld [tilespmem:s22+$0x7810];
	[tilespmem:s20+$0x5040] =	vst v2  }
.Ltmp4:
0x167: {  	v3 =	vld [tilespmem:s22+$0x7820];
	[tilespmem:s20+$0x5050] =	vst v4;
	(pc) =	sbr.rel @p0 .LBB2_10-.Ltmp4, $4  }
0x168: {  	v1 =	vld [tilespmem:s22+$0x7830];
	[tilespmem:s20+$0x5060] =	vst v5;
	s20 =	smov.u32 s22  }
0x169: {  	v2 =	vld [tilespmem:s20+$0x7840];
	[tilespmem:s20+$0x5070] =	vst v6  }
0x16a: {  	[tilespmem:s20+$0x5000] =	vst v7;
	v4 =	vld [tilespmem:s20+$0x7850]  }
0x16b: {  	s22 =	sshra.s32 s24, $0x2;
	s24 =	sadd.s32 $0x200, s24;
	[tilespmem:s20+$0x5010] =	vst v8;
	v5 =	vld [tilespmem:s20+$0x7860]  }
0x16c: {  	v6 =	vld [tilespmem:s22+$0x7870];
	[tilespmem:s20+$0x5020] =	vst v3  }
0x16d: {  	v3 =	vld [tilespmem:s22+$0x7800];
	[tilespmem:s20+$0x5030] =	vst v1  }
0x16e: {  	v1 =	vld [tilespmem:s22+$0x7810];
	[tilespmem:s20+$0x5040] =	vst v2  }
0x16f: {  	v2 =	vld [tilespmem:s22+$0x7820];
	[tilespmem:s20+$0x5050] =	vst v4  }
0x170: {  	v4 =	vld [tilespmem:s22+$0x7830];
	[tilespmem:s20+$0x5060] =	vst v5  }
0x171: {  	v5 =	vld [tilespmem:s22+$0x7840];
	[tilespmem:s22+$0x5070] =	vst v6  }
0x172: {  	[tilespmem:s22+$0x5000] =	vst v3;
	v3 =	vld [tilespmem:s22+$0x7850]  }
0x173: {  	[tilespmem:s22+$0x5010] =	vst v1;
	v1 =	vld [tilespmem:s22+$0x7860]  }
0x174: {  	[tilespmem:s22+$0x5020] =	vst v2  }
0x175: {  	[tilespmem:s22+$0x5030] =	vst v4  }
0x176: {  	[tilespmem:s22+$0x5040] =	vst v5  }
0x177: {  	[tilespmem:s22+$0x5050] =	vst v3  }
0x178: {  	s26 =	rddreg [dreg:$0xe];
	s24 =	simm.s32 $0x5000;
	[tilespmem:s22+$0x5060] =	vst v1;
	s22 =	simm.s32 $0x0  }
0x179: {  	[hbm4b:s26+s22] =	stream.linear.scatter [tilespmem:s24], [sflag:$0x12], $0x2800, $0x38;
	[tilespmem:$0x18000] =	vst v63  }
0x17a: {  	_ =	swait.ge [sflag:s25], $0x2800  }
0x17b: {  	[sflag:s25] =	ssyncset.done $0x0  }
0x17c: {  	s29 =	simm.s32 $0x7800;
	s28 =	rddreg [dreg:$0xd];
	[sflag:s25] =	ssyncadd.s32 $0xFFFFD800  }
0x17d: {  	[tilespmem:s29], [sflag:$0x12] =	stream.linear.gather [spmem:s28], $0x2800, $0x38;
	[tilespmem:$0x18000] =	vst v63  }
0x17e: {  	_ =	swait.ge [sflag:s25], $0x2800  }
0x17f: {  	[sflag:s25] =	ssyncset.done $0x0  }
0x180: {  	s20 =	simm.s32 $0x0;
	[sflag:s25] =	ssyncadd.s32 $0xFFFFD800  }
0x181: {  	v4 =	vld [tilespmem:s20+$0x7870]  }
0x182: {  	v5 =	vld [tilespmem:s20+$0x7800]  }
0x183: {  	v6 =	vld [tilespmem:s20+$0x7810]  }
0x184: {  	v3 =	vld [tilespmem:s20+$0x7820]  }
0x185: {  	v1 =	vld [tilespmem:s20+$0x7830]  }
0x186: {  	v2 =	vld [tilespmem:s20+$0x7840];
	[tilespmem:s20+$0x5070] =	vst v4  }
0x187: {  	[tilespmem:s20+$0x5000] =	vst v5;
	v4 =	vld [tilespmem:s20+$0x7850]  }
0x188: {  	s22 =	simm.s32 $0x80;
	s24 =	simm.s32 $0x400;
	s6 =	rddreg [dreg:$0x11];
	[tilespmem:s20+$0x5010] =	vst v6;
	v5 =	vld [tilespmem:s20+$0x7860]  }
.LBB2_12:
0x189: {  	p0 =	sne.s32 s24, $0x9E00;
	v6 =	vld [tilespmem:s22+$0x7870];
	[tilespmem:s20+$0x5020] =	vst v3  }
0x18a: {  	v7 =	vld [tilespmem:s22+$0x7800];
	[tilespmem:s20+$0x5030] =	vst v1  }
0x18b: {  	v8 =	vld [tilespmem:s22+$0x7810];
	[tilespmem:s20+$0x5040] =	vst v2  }
.Ltmp5:
0x18c: {  	v3 =	vld [tilespmem:s22+$0x7820];
	[tilespmem:s20+$0x5050] =	vst v4;
	(pc) =	sbr.rel @p0 .LBB2_12-.Ltmp5, $4  }
0x18d: {  	v1 =	vld [tilespmem:s22+$0x7830];
	[tilespmem:s20+$0x5060] =	vst v5;
	s20 =	smov.u32 s22  }
0x18e: {  	v2 =	vld [tilespmem:s20+$0x7840];
	[tilespmem:s20+$0x5070] =	vst v6  }
0x18f: {  	[tilespmem:s20+$0x5000] =	vst v7;
	v4 =	vld [tilespmem:s20+$0x7850]  }
0x190: {  	s22 =	sshra.s32 s24, $0x2;
	s24 =	sadd.s32 $0x200, s24;
	[tilespmem:s20+$0x5010] =	vst v8;
	v5 =	vld [tilespmem:s20+$0x7860]  }
0x191: {  	v6 =	vld [tilespmem:s22+$0x7870];
	[tilespmem:s20+$0x5020] =	vst v3  }
0x192: {  	v3 =	vld [tilespmem:s22+$0x7800];
	[tilespmem:s20+$0x5030] =	vst v1  }
0x193: {  	v1 =	vld [tilespmem:s22+$0x7810];
	[tilespmem:s20+$0x5040] =	vst v2  }
0x194: {  	v2 =	vld [tilespmem:s22+$0x7820];
	[tilespmem:s20+$0x5050] =	vst v4  }
0x195: {  	v4 =	vld [tilespmem:s22+$0x7830];
	[tilespmem:s20+$0x5060] =	vst v5  }
0x196: {  	v5 =	vld [tilespmem:s22+$0x7840];
	[tilespmem:s22+$0x5070] =	vst v6  }
0x197: {  	[tilespmem:s22+$0x5000] =	vst v3;
	v3 =	vld [tilespmem:s22+$0x7850]  }
0x198: {  	[tilespmem:s22+$0x5010] =	vst v1;
	v1 =	vld [tilespmem:s22+$0x7860]  }
0x199: {  	[tilespmem:s22+$0x5020] =	vst v2  }
0x19a: {  	[tilespmem:s22+$0x5030] =	vst v4  }
0x19b: {  	[tilespmem:s22+$0x5040] =	vst v5  }
0x19c: {  	[tilespmem:s22+$0x5050] =	vst v3  }
0x19d: {  	s28 =	rddreg [dreg:$0xf];
	s24 =	simm.s32 $0x5000;
	s20 =	simm.s32 $0x0;
	[tilespmem:s22+$0x5060] =	vst v1  }
0x19e: {  	[hbm4b:s28+s20] =	stream.linear.scatter [tilespmem:s24], [sflag:$0x12], $0x2800, $0x38;
	[tilespmem:$0x18000] =	vst v63  }
0x19f: {  	_ =	swait.ge [sflag:s25], $0x2800  }
0x1a0: {  	s6 =	sadd.s32 $0x1, s6;
	s29 =	rddreg [dreg:$0x10]  }
0x1a1: {  	p0 =	sne.s32 s6, s29  }
.Ltmp6:
0x1a2: {  	_ = 	snop;
	(pc) =	sbr.rel @p0 .LBB2_1-.Ltmp6, $4  }
0x1a3: {  	[sflag:s25] =	ssyncset.done $0x0  }
0x1a4: {  	[sflag:s25] =	ssyncadd.s32 $0xFFFFD800  }
0x1a5: {  	s1 =	rddreg [dreg:$0x1]  }
0x1a6: {  	s4 =	smov.u32 s3;
	s5 =	smov.u32 s0;
	s2 =	rddreg [dreg:$0x2]  }
0x1a7: {  	_ =	sfence.sel $0x180000  }
0x1a8: {  	[bflag:$0x0] =	sbarrier.arrive $0xFFFF  }
0x1a9: {  	_ =	strace $0x9000004D  }
0x1aa: {  	s0 =	stileid.u32;
	[bflag:$0x2] =	sbarrier.arrive $0xFFFF  }
0x1ab: {  	p0 =	sne.s32 s0, $0x0;
	s0 =	rddreg [dreg:$0x5]  }
0x1ac: {  	s0 =	sadd.s32 @!p0 $0x100000, s0  }
0x1ad: {  	[sflag:s0] =	ssyncadd.tile.s32 @!p0 $0x1;
	_ =	shalt  }
.Lfunc_end2:
_tile_overlayer_lowered:
.L_overlay_start_2:
0x1ae: {  	(tag) =	ssettag $0x2  }
0x1af: {  	s0 =	rddreg [dreg:$0x0];
	s2 =	stileid.u32  }
0x1b0: {  	s1 =	rddreg [dreg:$0x1];
	p0 =	sne.s32 s2, $0x0  }
0x1b1: {  	s3 =	rddreg [dreg:$0x2];
	[bflag:$0x3] =	sbarrier.arrive $0xFFFF;
	s2 =	simm.s32 @!p0 $0x1C13  }
0x1b2: {  	[timem:s3], [sflag:s2] =	dma.local @!p0 [hbm:s0], s1  }
0x1b3: {  	s0 =	simm.s32 @!p0 $0x13  }
0x1b4: {  	_ =	swait.ge @!p0 [sflag:s0], s1  }
0x1b5: {  	s1 =	ssub.s32 @!p0 $0x0, s1;
	[sflag:s0] =	ssyncset.done @!p0 $0x0  }
0x1b6: {  	[sflag:s0] =	ssyncadd.s32 @!p0 s1  }
0x1b7: {  	[bflag:$0x3] =	sbarrier.arrive $0xFFFF  }
0x1b8: {  	_ =	shalt  }

// kernel: _run.9.cloned.1.call-start
scs
__scs_entry_jumppad:
0x0: {  	(pc) =	sbr.rel $0x88, $3  }
0x1: {  	(tag) =	ssettag $0x0;
	lr =	simm.s32 $0x1  }
0x2: {  	[smem:$0x3F99] =	sst lr;
	_ =	strace $0xD0000000  }
0x3: {  	_ = 	snop  }
0x4: {  	_ = 	snop  }
0x5: {  	_ = 	snop  }
0x6: {  	_ = 	snop  }
0x7: {  	_ = 	snop  }
__scs_overlays_trampoline_lowered:
0x8: {  	[smem:$0x3FA8] =	sst s0  }
0x9: {  	[smem:$0x3FA9] =	sst s1  }
0xa: {  	[smem:$0x3FAA] =	sst s2  }
0xb: {  	[smem:$0x3FAB] =	sst s3  }
0xc: {  	[smem:$0x3FAC] =	sst s4  }
0xd: {  	[smem:$0x3FAD] =	sst s5  }
0xe: {  	[smem:$0x3FAE] =	sst s6  }
0xf: {  	[smem:$0x3FAF] =	sst s7  }
0x10: {  	[smem:$0x3FB0] =	sst s8  }
0x11: {  	[smem:$0x3FB1] =	sst s9;
	s0 =	simm.s32 @!p0 $0x0  }
0x12: {  	s1 =	sld [smem:$0x3F97];
	s0 =	simm.s32 @p0 $0x1  }
0x13: {  	[smem:$0x3FB2] =	sst s0;
	s0 =	simm.s32 @!p1 $0x0  }
0x14: {  	s2 =	sld [smem:$0x3F96];
	s0 =	simm.s32 @p1 $0x1  }
0x15: {  	[smem:$0x3FB3] =	sst s0;
	s0 =	simm.s32 @!p2 $0x0  }
0x16: {  	s3 =	sld [smem:$0x3FDB];
	s0 =	simm.s32 @p2 $0x1  }
0x17: {  	s4 =	simm.s32 $0x1BF5;
	[smem:$0x3FB5] =	sst s0  }
0x18: {  	s0 =	sld [smem:$0x3F98];
	_ =	swait.ge [sflag:s4], $0x0  }
0x19: {  	s7 =	sld [smem:$0x3F99]  }
0x1a: {  	s8 =	sadd.s32 $0xFFFFE003, lr  }
0x1b: {  	s9 =	sadd.s32 $0xFFFFFEF7, lr;
	s5 =	simm.s32 $0xFFFFFFFF;
	p2 =	slt.u32 s8, $0xFFFFF086  }
0x1c: {  	p1 =	slt.u32 s9, $0xF7A;
	s5 =	simm.s32 @!p2 $0x0  }
0x1d: {  	s5 =	simm.s32 @p1 $0x1;
	p0 =	seq.s32 s7, s2  }
0x1e: {  	s7 =	smul.u32 @!p0 $0xF7A, s2;
	p2 =	seq.s32 @!p0 s5, $0x0  }
0x1f: {  	s9 =	smul.u32 $0xF7A, s1;
	s8 =	simm.s32 @!p0 $0x1BF5;
	p2 =	por !p2, p0  }
0x20: {  	[sflag:s8] =	ssyncset.s32 @!p0 $0xFFFFF086;
	s6 =	sadd.s32 @!p0 s3, s7;
	s7 =	simm.s32 @!p0 $0x108  }
0x21: {  	s3 =	sadd.s32 s3, s9;
	s6 =	sadd.s32 @!p0 $0x88, s6;
	s7 =	simm.s32 @p2 $0x1082  }
0x22: {  	[simem:s7], [sflag:s8] =	dma.local @!p0 [hbm:s6], $0xF7A  }
0x23: {  	s9 =	sor.u32 $0xD0000000, s2;
	s6 =	simm.s32 $0x108;
	_ =	swait.ge @!p0 [sflag:s8], $0x0  }
0x24: {  	s3 =	sadd.s32 $0x88, s3;
	s6 =	simm.s32 @!p1 $0x1082;
	[sflag:s4] =	ssyncset.s32 $0xFFFFF086  }
0x25: {  	[simem:s6], [sflag:s4] =	dma.local [hbm:s3], $0xF7A  }
0x26: {  	[smem:$0x3F99] =	sst s1;
	(tag) =	ssettag s2;
	_ =	strace s9  }
0x27: {  	s1 =	sld [smem:$0x3FA9]  }
0x28: {  	s2 =	sld [smem:$0x3FAA]  }
0x29: {  	s4 =	sld [smem:$0x3FAC]  }
0x2a: {  	p0 =	seq.s32 s5, $0x0;
	s5 =	sld [smem:$0x3FAD]  }
0x2b: {  	s6 =	sld [smem:$0x3FAE]  }
0x2c: {  	s7 =	sld [smem:$0x3FAF]  }
0x2d: {  	s3 =	simm.s32 $0x108;
	s8 =	sld [smem:$0x3FB0]  }
0x2e: {  	s3 =	simm.s32 @!p0 $0x1082;
	s9 =	sld [smem:$0x3FB1]  }
0x2f: {  	lr =	sadd.s32 s0, s3;
	s0 =	sld [smem:$0x3FA8]  }
0x30: {  	s3 =	sld [smem:$0x3FAB]  }
0x31: {  	[smem:$0x3FB4] =	sst s10  }
0x32: {  	s10 =	sld [smem:$0x3FB2];
	_ =	sdelay $0x3  }
0x33: {  	p0 =	seq.s32 s10, $0x1;
	s10 =	sld [smem:$0x3FB4];
	_ =	sdelay $0x3  }
0x34: {  	[smem:$0x3FB4] =	sst s10  }
0x35: {  	s10 =	sld [smem:$0x3FB3];
	_ =	sdelay $0x3  }
0x36: {  	p1 =	seq.s32 s10, $0x1;
	s10 =	sld [smem:$0x3FB4];
	_ =	sdelay $0x3  }
0x37: {  	[smem:$0x3FB4] =	sst s10  }
0x38: {  	s10 =	sld [smem:$0x3FB5]  }
0x39: {  	_ = 	snop;
	(pc) =	sbr.ind lr, $3  }
0x3a: {  	_ = 	snop  }
0x3b: {  	_ = 	snop  }
0x3c: {  	p2 =	seq.s32 s10, $0x1;
	s10 =	sld [smem:$0x3FB4]  }
0x3d: {  	_ =	shalt  }
0x3e: {  	_ =	shalt  }
0x3f: {  	_ =	shalt  }
0x40: {  	_ =	shalt  }
0x41: {  	_ =	shalt  }
0x42: {  	_ =	shalt  }
0x43: {  	_ =	shalt  }
0x44: {  	_ =	shalt  }
0x45: {  	_ =	shalt  }
0x46: {  	_ =	shalt  }
0x47: {  	_ =	shalt  }
0x48: {  	_ =	shalt  }
0x49: {  	_ =	shalt  }
0x4a: {  	_ =	shalt  }
0x4b: {  	_ =	shalt  }
0x4c: {  	_ =	shalt  }
0x4d: {  	_ =	shalt  }
0x4e: {  	_ =	shalt  }
0x4f: {  	_ =	shalt  }
0x50: {  	_ =	shalt  }
0x51: {  	_ =	shalt  }
0x52: {  	_ =	shalt  }
0x53: {  	_ =	shalt  }
0x54: {  	_ =	shalt  }
0x55: {  	_ =	shalt  }
0x56: {  	_ =	shalt  }
0x57: {  	_ =	shalt  }
0x58: {  	_ =	shalt  }
0x59: {  	_ =	shalt  }
0x5a: {  	_ =	shalt  }
0x5b: {  	_ =	shalt  }
0x5c: {  	_ =	shalt  }
0x5d: {  	_ =	shalt  }
0x5e: {  	_ =	shalt  }
0x5f: {  	_ =	shalt  }
0x60: {  	_ =	shalt  }
0x61: {  	_ =	shalt  }
0x62: {  	_ =	shalt  }
0x63: {  	_ =	shalt  }
0x64: {  	_ =	shalt  }
0x65: {  	_ =	shalt  }
0x66: {  	_ =	shalt  }
0x67: {  	_ =	shalt  }
0x68: {  	_ =	shalt  }
0x69: {  	_ =	shalt  }
0x6a: {  	_ =	shalt  }
0x6b: {  	_ =	shalt  }
0x6c: {  	_ =	shalt  }
0x6d: {  	_ =	shalt  }
0x6e: {  	_ =	shalt  }
0x6f: {  	_ =	shalt  }
0x70: {  	_ =	shalt  }
0x71: {  	_ =	shalt  }
0x72: {  	_ =	shalt  }
0x73: {  	_ =	shalt  }
0x74: {  	_ =	shalt  }
0x75: {  	_ =	shalt  }
0x76: {  	_ =	shalt  }
0x77: {  	_ =	shalt  }
0x78: {  	_ =	shalt  }
0x79: {  	_ =	shalt  }
0x7a: {  	_ =	shalt  }
0x7b: {  	_ =	shalt  }
0x7c: {  	_ =	shalt  }
0x7d: {  	_ =	shalt  }
0x7e: {  	_ =	shalt  }
0x7f: {  	_ =	shalt  }
0x80: {  	_ =	shalt  }
0x81: {  	_ =	shalt  }
0x82: {  	_ =	shalt  }
0x83: {  	_ =	shalt  }
0x84: {  	_ =	shalt  }
0x85: {  	_ =	shalt  }
0x86: {  	_ =	shalt  }
0x87: {  	_ =	shalt  }
.Lfunc_end0:
.L_simem_size_0:
called_computation_lowered:
.L_overlay_start_0:
0x88: {  	s2 =	sld [smem:$0x3FD9]  }
0x89: {  	s3 =	sld [smem:$0x3FFE];
	_ =	sdelay $0x1  }
0x8a: {  	s1 =	srdreg.scid  }
0x8b: {  	s0 =	sand.u32 $0x1, s1  }
0x8c: {  	s16 =	sshll.u32 s0, $0xA;
	s2 =	sadd.s32 s3, s2  }
0x8d: {  	s2 =	sadd.s32 s2, s16  }
0x8e: {  	[smem:$0x3FC0] =	sst s2  }
0x8f: {  	_ = 	snop  }
0x90: {  	(tm) =	ssettm $0x1  }
0x91: {  	s17 =	sld [smem:$0x3FFB];
	_ =	sdelay $0x3  }
0x92: {  	_ =	strace s17  }
0x93: {  	s2 =	sld [smem:$0x3FFC];
	_ =	sdelay $0x3  }
0x94: {  	_ =	strace s2  }
0x95: {  	s2 =	sld [smem:$0x3FFD];
	_ =	sdelay $0x3  }
0x96: {  	_ =	strace s2  }
0x97: {  	_ =	strace $0x8FFFFFFF  }
0x98: {  	s18 =	sld [smem:$0x3FDB];
	_ =	sdelay $0x1  }
0x99: {  	s19 =	simm.s32 $_scs_section_size  }
0x9a: {  	s4 =	simm.s32 $_size__tile_overlayer_lowered;
	s5 =	simm.s32 $_tile_overlayer_lowered  }
0x9b: {  	s22 =	simm.s32 $0x1BFF;
	s21 =	sshll.u32 s5, $0x1;
	s2 =	sadd.s32 s19, s18  }
0x9c: {  	s6 =	simm.s32 $0x0;
	s20 =	sshll.u32 s4, $0x1;
	s4 =	sadd.s32 s21, s2  }
0x9d: {  	[timem:s6], [sflag:s22] =	dma.local [hbm:s4], s20  }
0x9e: {  	_ =	swait.ge [sflag:s22], s20  }
0x9f: {  	s3 =	ssub.s32 $0x0, s20;
	[sflag:s22] =	ssyncset.done $0x0  }
0xa0: {  	[sflag:s22] =	ssyncadd.s32 s3;
	_ =	sdelay $0x1  }
0xa1: {  	s23 =	simm.s32 $0x1B8B  }
0xa2: {  	_ =	swait.ge [sflag:s23], $0x1  }
0xa3: {  	[sflag:s23] =	ssyncset.done $0x0  }
0xa4: {  	s25 =	simm.s32 $0x1B8E;
	s24 =	sld [smem:$0x3FFE];
	[sflag:s23] =	ssyncadd.s32 $0xFFFFFFFF  }
0xa5: {  	s26 =	simm.s32 $execute0_lowered;
	[smem:$0x3FD2] =	sst s25  }
0xa6: {  	s4 =	sshll.u32 s26, $0x1;
	_ =	strace $0x80000046;
	[dreg:$0x1] =	wrdreg $0xFFFFFFFF  }
0xa7: {  	s28 =	simm.s32 $_size_execute0_lowered;
	s2 =	sadd.s32 s2, s4;
	[dreg:$0x0] =	wrdreg $0x0  }
0xa8: {  	s4 =	sshll.u32 s28, $0x1;
	[dreg:$0x2] =	wrdreg s2  }
0xa9: {  	[dreg:$0x3] =	wrdreg s4  }
0xaa: {  	[dreg:$0x4] =	wrdreg $0xC0  }
0xab: {  	_ =	task [dreg:s6], $0x5FFFF  }
0xac: {  	[dreg:$0x1] =	wrdreg $0xFFFFFFFF  }
0xad: {  	[dreg:$0x0] =	wrdreg $0x60  }
0xae: {  	[dreg:$0x2] =	wrdreg s24  }
0xaf: {  	[dreg:$0x3] =	wrdreg $0x80000  }
0xb0: {  	[dreg:$0x4] =	wrdreg $0x9  }
0xb1: {  	_ =	task.clear_ibuf [dreg:s6], $0x5FFFF;
	_ =	strace $0x90000046  }
0xb2: {  	s29 =	simm.s32 $0x9;
	_ =	strace $0x80000048  }
0xb3: {  	_ =	swait.ge [sflag:s29], $0x1  }
0xb4: {  	[sflag:s29] =	ssyncadd.s32 $0xFFFFFFFF  }
0xb5: {  	_ =	strace $0x90000048  }
0xb6: {  	_ =	sfence  }
0xb7: {  	s30 =	sld [smem:$0x0];
	_ =	sdelay $0x2  }
0xb8: {  	s31 =	sshll.u32 s1, $0xD;
	s1 =	sshrl.u32 s1, $0x2  }
0xb9: {  	s3 =	sand.u32 $0x4000, s31;
	s1 =	sadd.s32 s1, s30  }
0xba: {  	s0 =	sor.u32 s3, s0;
	s1 =	sshll.u32 s1, $0x11  }
0xbb: {  	s0 =	sor.u32 s1, s0  }
0xbc: {  	s0 =	sadd.s32 $0x8F2B, s0  }
0xbd: {  	[sflag:s0] =	ssyncadd.remote.s32 $0x1  }
0xbe: {  	_ =	sfence.sel $0xFFFF  }
0xbf: {  	[dreg:$0x0] =	wrdreg $0xFFFFFFFF;
	(pc) =	sbr.abs _section_cstart, $3  }
0xc0: {  	[dreg:$0x1] =	wrdreg $0xFFFFFFFF  }
0xc1: {  	_ =	task.clear_ibuf [dreg:s6], $0x2FFFF;
	_ =	strace $0x9FFFFFFF  }
0xc2: {  	(tm) =	ssettm $0x7FFFFFFF  }
0xc3: {  	_ =	shalt  }
tec
execute0_lowered:
.L_overlay_start_1:
0x0: {  	(tag) =	ssettag $0x1  }
0x1: {  	s4 =	rddreg [dreg:$0x0]  }
0x2: {  	s2 =	rddreg [dreg:$0x1]  }
0x3: {  	s0 =	srdreg.scid;
	s1 =	rddreg [dreg:$0x2];
	s3 =	simm.s32 $0x0  }
0x4: {  	s9 =	simm.s32 $0x1;
	s10 =	simm.s32 $0x80;
	s5 =	sand.u32 $0x1, s0  }
0x5: {  	s11 =	simm.s32 $0x7800;
	s0 =	stileid.u32;
	s6 =	smul.u32 $0x28000, s5  }
0x6: {  	s12 =	simm.s32 $0x2800;
	s13 =	simm.s32 $0x0;
	s7 =	smul.u32 $0x2800, s0  }
0x7: {  	[smem:$0x7FF] =	sst s3;
	s5 =	ssub.s32 $0x2, s5;
	s29 =	smul.u32 $0xA000, s0  }
0x8: {  	_ =	strace $0x80000047;
	s30 =	sshrl.u32 s5, $0x1;
	s6 =	sadd.s32 s7, s6  }
0x9: {  	s8 =	ssub.s32 s5, s30;
	s31 =	sshrl.u32 s29, $0x2;
	s6 =	sshrl.u32 s6, $0x3  }
0xa: {  	s5 =	sadd.s32 s31, s2;
	s7 =	smax.u32 s8, $0x1;
	s6 =	sadd.s32 s6, s4  }
0xb: {  	v0 =	vimm.f32 $1.000000000e+00;
	v1 =	vimm.f32 $0.0e+00;
	s8 =	simm.s32 $0x5000;
	s4 =	sadd.s32 $0x3200, s6;
	s6 =	sadd.s32 $0xD200, s6  }
.LBB2_1:
0xc: {  	[tilespmem:s3], [sflag:$0x1] =	stream.linear.gather [hbm4b:s4+s3], $0x2800, $0x38;
	[tilespmem:$0xA800] =	vst v63  }
0xd: {  	s14 =	simm.s32 $0x0  }
.LBB2_2:
0xe: {  	p0 =	sne.s32 s14, $0x1FC0  }
.Ltmp0:
0xf: {  	_ = 	snop;
	(pc) =	sbr.rel @p0 .LBB2_2-.Ltmp0, $3  }
0x10: {  	_ =	sdelay $0x1  }
0x11: {  	s15 =	sshra.s32 s14, $0x2  }
0x12: {  	s14 =	sadd.s32 $0x40, s14;
	[tilespmem:s15+$0x7800] =	vst v0  }
0x13: {  	s14 =	simm.s32 $0x40;
	s15 =	simm.s32 $0x0  }
.LBB2_4:
0x14: {  	p0 =	sne.s32 s14, $0x9FC0;
	[tilespmem:s15+$0x5000] =	vst v1;
	s15 =	smov.u32 s14;
	s14 =	sadd.s32 $0x40, s14  }
.Ltmp1:
0x15: {  	(pc) =	sbr.rel @p0 .LBB2_4-.Ltmp1, $2  }
0x16: {  	_ =	sdelay $0x2  }
0x17: {  	s15 =	sshra.s32 s15, $0x2  }
0x18: {  	[tilespmem:s15+$0x5000] =	vst v1  }
0x19: {  	[spmem:s5] =	stream.linear.scatter [tilespmem:s8], [sflag:$0x1], $0x2800, $0x38;
	[tilespmem:$0xA800] =	vst v63  }
0x1a: {  	_ =	swait.ge [sflag:s9], $0x2800  }
0x1b: {  	[sflag:s9] =	ssyncset.done $0x0  }
0x1c: {  	[sflag:s9] =	ssyncadd.s32 $0xFFFFD800  }
0x1d: {  	_ =	swait.ge [sflag:s9], $0x2800  }
0x1e: {  	[sflag:s9] =	ssyncset.done $0x0  }
0x1f: {  	[sflag:s9] =	ssyncadd.s32 $0xFFFFD800  }
0x20: {  	s14 =	simm.s32 $0x0;
	[bflag:$0x0] =	sbarrier.arrive $0xFFFF  }
0x21: {  	[spmem:s2] =	stream.indirect.scatter.add.f32 [tilespmem:s11], [sflag:$0x1], $0x10, s14, s10, $0xb8;
	[tilespmem:$0xA800] =	vst v63  }
0x22: {  	s16 =	simm.s32 $0x80  }
0x23: {  	[spmem:s2] =	stream.indirect.scatter.add.f32 [tilespmem:s11], [sflag:$0x1], $0x10, s16, s10, $0xb8;
	[tilespmem:$0xA800] =	vst v63  }
0x24: {  	s17 =	simm.s32 $0x100  }
0x25: {  	[spmem:s2] =	stream.indirect.scatter.add.f32 [tilespmem:s11], [sflag:$0x1], $0x10, s17, s10, $0xb8;
	[tilespmem:$0xA800] =	vst v63  }
0x26: {  	s18 =	simm.s32 $0x180  }
0x27: {  	[spmem:s2] =	stream.indirect.scatter.add.f32 [tilespmem:s11], [sflag:$0x1], $0x10, s18, s10, $0xb8;
	[tilespmem:$0xA800] =	vst v63  }
0x28: {  	s19 =	simm.s32 $0x200  }
0x29: {  	[spmem:s2] =	stream.indirect.scatter.add.f32 [tilespmem:s11], [sflag:$0x1], $0x10, s19, s10, $0xb8;
	[tilespmem:$0xA800] =	vst v63  }
0x2a: {  	s20 =	simm.s32 $0x280  }
0x2b: {  	[spmem:s2] =	stream.indirect.scatter.add.f32 [tilespmem:s11], [sflag:$0x1], $0x10, s20, s10, $0xb8;
	[tilespmem:$0xA800] =	vst v63  }
0x2c: {  	s21 =	simm.s32 $0x300  }
0x2d: {  	[spmem:s2] =	stream.indirect.scatter.add.f32 [tilespmem:s11], [sflag:$0x1], $0x10, s21, s10, $0xb8;
	[tilespmem:$0xA800] =	vst v63  }
0x2e: {  	s22 =	simm.s32 $0x380  }
0x2f: {  	[spmem:s2] =	stream.indirect.scatter.add.f32 [tilespmem:s11], [sflag:$0x1], $0x10, s22, s10, $0xb8;
	[tilespmem:$0xA800] =	vst v63  }
0x30: {  	s23 =	simm.s32 $0x400  }
0x31: {  	[spmem:s2] =	stream.indirect.scatter.add.f32 [tilespmem:s11], [sflag:$0x1], $0x10, s23, s10, $0xb8;
	[tilespmem:$0xA800] =	vst v63  }
0x32: {  	s24 =	simm.s32 $0x480  }
0x33: {  	[spmem:s2] =	stream.indirect.scatter.add.f32 [tilespmem:s11], [sflag:$0x1], $0x10, s24, s10, $0xb8;
	[tilespmem:$0xA800] =	vst v63  }
0x34: {  	s25 =	simm.s32 $0x500  }
0x35: {  	[spmem:s2] =	stream.indirect.scatter.add.f32 [tilespmem:s11], [sflag:$0x1], $0x10, s25, s10, $0xb8;
	[tilespmem:$0xA800] =	vst v63  }
0x36: {  	s26 =	simm.s32 $0x580  }
0x37: {  	[spmem:s2] =	stream.indirect.scatter.add.f32 [tilespmem:s11], [sflag:$0x1], $0x10, s26, s10, $0xb8;
	[tilespmem:$0xA800] =	vst v63  }
0x38: {  	s28 =	simm.s32 $0x600  }
0x39: {  	[spmem:s2] =	stream.indirect.scatter.add.f32 [tilespmem:s11], [sflag:$0x1], $0x10, s28, s10, $0xb8;
	[tilespmem:$0xA800] =	vst v63  }
0x3a: {  	s29 =	simm.s32 $0x680  }
0x3b: {  	[spmem:s2] =	stream.indirect.scatter.add.f32 [tilespmem:s11], [sflag:$0x1], $0x10, s29, s10, $0xb8;
	[tilespmem:$0xA800] =	vst v63  }
0x3c: {  	s30 =	simm.s32 $0x700  }
0x3d: {  	[spmem:s2] =	stream.indirect.scatter.add.f32 [tilespmem:s11], [sflag:$0x1], $0x10, s30, s10, $0xb8;
	[tilespmem:$0xA800] =	vst v63  }
0x3e: {  	s31 =	simm.s32 $0x780  }
0x3f: {  	[spmem:s2] =	stream.indirect.scatter.add.f32 [tilespmem:s11], [sflag:$0x1], $0x10, s31, s10, $0xb8;
	[tilespmem:$0xA800] =	vst v63  }
0x40: {  	_ =	swait.ge [sflag:s9], $0x800  }
0x41: {  	[sflag:s9] =	ssyncset.done $0x0  }
0x42: {  	[sflag:s9] =	ssyncadd.s32 $0xFFFFF800  }
0x43: {  	_ =	swait.ge [sflag:s9], $0x800  }
0x44: {  	[sflag:s9] =	ssyncset.done $0x0  }
0x45: {  	[sflag:s9] =	ssyncadd.s32 $0xFFFFF800  }
0x46: {  	_ =	swait.ge [sflag:s9], $0x800  }
0x47: {  	[sflag:s9] =	ssyncset.done $0x0  }
0x48: {  	[sflag:s9] =	ssyncadd.s32 $0xFFFFF800  }
0x49: {  	_ =	swait.ge [sflag:s9], $0x800  }
0x4a: {  	[sflag:s9] =	ssyncset.done $0x0  }
0x4b: {  	[sflag:s9] =	ssyncadd.s32 $0xFFFFF800  }
0x4c: {  	_ =	swait.ge [sflag:s9], $0x800  }
0x4d: {  	[sflag:s9] =	ssyncset.done $0x0  }
0x4e: {  	[sflag:s9] =	ssyncadd.s32 $0xFFFFF800  }
0x4f: {  	_ =	swait.ge [sflag:s9], $0x800  }
0x50: {  	[sflag:s9] =	ssyncset.done $0x0  }
0x51: {  	[sflag:s9] =	ssyncadd.s32 $0xFFFFF800  }
0x52: {  	_ =	swait.ge [sflag:s9], $0x800  }
0x53: {  	[sflag:s9] =	ssyncset.done $0x0  }
0x54: {  	[sflag:s9] =	ssyncadd.s32 $0xFFFFF800  }
0x55: {  	_ =	swait.ge [sflag:s9], $0x800  }
0x56: {  	[sflag:s9] =	ssyncset.done $0x0  }
0x57: {  	[sflag:s9] =	ssyncadd.s32 $0xFFFFF800  }
0x58: {  	_ =	swait.ge [sflag:s9], $0x800  }
0x59: {  	[sflag:s9] =	ssyncset.done $0x0  }
0x5a: {  	[sflag:s9] =	ssyncadd.s32 $0xFFFFF800  }
0x5b: {  	_ =	swait.ge [sflag:s9], $0x800  }
0x5c: {  	[sflag:s9] =	ssyncset.done $0x0  }
0x5d: {  	[sflag:s9] =	ssyncadd.s32 $0xFFFFF800  }
0x5e: {  	_ =	swait.ge [sflag:s9], $0x800  }
0x5f: {  	[sflag:s9] =	ssyncset.done $0x0  }
0x60: {  	[sflag:s9] =	ssyncadd.s32 $0xFFFFF800  }
0x61: {  	_ =	swait.ge [sflag:s9], $0x800  }
0x62: {  	[sflag:s9] =	ssyncset.done $0x0  }
0x63: {  	[sflag:s9] =	ssyncadd.s32 $0xFFFFF800  }
0x64: {  	_ =	swait.ge [sflag:s9], $0x800  }
0x65: {  	[sflag:s9] =	ssyncset.done $0x0  }
0x66: {  	[sflag:s9] =	ssyncadd.s32 $0xFFFFF800  }
0x67: {  	_ =	swait.ge [sflag:s9], $0x800  }
0x68: {  	[sflag:s9] =	ssyncset.done $0x0  }
0x69: {  	[sflag:s9] =	ssyncadd.s32 $0xFFFFF800  }
0x6a: {  	_ =	swait.ge [sflag:s9], $0x800  }
0x6b: {  	[sflag:s9] =	ssyncset.done $0x0  }
0x6c: {  	[sflag:s9] =	ssyncadd.s32 $0xFFFFF800  }
0x6d: {  	_ =	swait.ge [sflag:s9], $0x800  }
0x6e: {  	s14 =	simm.s32 $0x2000;
	s17 =	simm.s32 $0x4000;
	[sflag:s9] =	ssyncset.done $0x0  }
.LBB2_6:
0x6f: {  	s16 =	sshra.s32 s14, $0x2  }
0x70: {  	[sflag:s9] =	ssyncadd.s32 $0xFFFFF800;
	s14 =	smov.u32 s17;
	s15 =	sadd.s32 $0x2000, s17  }
0x71: {  	[spmem:s2] =	stream.indirect.scatter.add.f32 [tilespmem:s11], [sflag:$0x1], $0x10, s16, s10, $0xb8;
	[tilespmem:$0xA800] =	vst v63  }
0x72: {  	p0 =	sne.s32 s17, $0x8000;
	s17 =	sadd.s32 $0x80, s16  }
0x73: {  	[spmem:s2] =	stream.indirect.scatter.add.f32 [tilespmem:s11], [sflag:$0x1], $0x10, s17, s10, $0xb8;
	[tilespmem:$0xA800] =	vst v63  }
0x74: {  	s17 =	sadd.s32 $0x100, s16  }
0x75: {  	[spmem:s2] =	stream.indirect.scatter.add.f32 [tilespmem:s11], [sflag:$0x1], $0x10, s17, s10, $0xb8;
	[tilespmem:$0xA800] =	vst v63  }
0x76: {  	s17 =	sadd.s32 $0x180, s16  }
0x77: {  	[spmem:s2] =	stream.indirect.scatter.add.f32 [tilespmem:s11], [sflag:$0x1], $0x10, s17, s10, $0xb8;
	[tilespmem:$0xA800] =	vst v63  }
0x78: {  	s17 =	sadd.s32 $0x200, s16  }
0x79: {  	[spmem:s2] =	stream.indirect.scatter.add.f32 [tilespmem:s11], [sflag:$0x1], $0x10, s17, s10, $0xb8;
	[tilespmem:$0xA800] =	vst v63  }
0x7a: {  	s17 =	sadd.s32 $0x280, s16  }
0x7b: {  	[spmem:s2] =	stream.indirect.scatter.add.f32 [tilespmem:s11], [sflag:$0x1], $0x10, s17, s10, $0xb8;
	[tilespmem:$0xA800] =	vst v63  }
0x7c: {  	s17 =	sadd.s32 $0x300, s16  }
0x7d: {  	[spmem:s2] =	stream.indirect.scatter.add.f32 [tilespmem:s11], [sflag:$0x1], $0x10, s17, s10, $0xb8;
	[tilespmem:$0xA800] =	vst v63  }
0x7e: {  	s17 =	sadd.s32 $0x380, s16  }
0x7f: {  	[spmem:s2] =	stream.indirect.scatter.add.f32 [tilespmem:s11], [sflag:$0x1], $0x10, s17, s10, $0xb8;
	[tilespmem:$0xA800] =	vst v63  }
0x80: {  	s17 =	sadd.s32 $0x400, s16  }
0x81: {  	[spmem:s2] =	stream.indirect.scatter.add.f32 [tilespmem:s11], [sflag:$0x1], $0x10, s17, s10, $0xb8;
	[tilespmem:$0xA800] =	vst v63  }
0x82: {  	s17 =	sadd.s32 $0x480, s16  }
0x83: {  	[spmem:s2] =	stream.indirect.scatter.add.f32 [tilespmem:s11], [sflag:$0x1], $0x10, s17, s10, $0xb8;
	[tilespmem:$0xA800] =	vst v63  }
0x84: {  	s17 =	sadd.s32 $0x500, s16  }
0x85: {  	[spmem:s2] =	stream.indirect.scatter.add.f32 [tilespmem:s11], [sflag:$0x1], $0x10, s17, s10, $0xb8;
	[tilespmem:$0xA800] =	vst v63  }
0x86: {  	s17 =	sadd.s32 $0x580, s16  }
0x87: {  	[spmem:s2] =	stream.indirect.scatter.add.f32 [tilespmem:s11], [sflag:$0x1], $0x10, s17, s10, $0xb8;
	[tilespmem:$0xA800] =	vst v63  }
0x88: {  	s17 =	sadd.s32 $0x600, s16  }
0x89: {  	[spmem:s2] =	stream.indirect.scatter.add.f32 [tilespmem:s11], [sflag:$0x1], $0x10, s17, s10, $0xb8;
	[tilespmem:$0xA800] =	vst v63  }
0x8a: {  	s17 =	sadd.s32 $0x680, s16  }
0x8b: {  	[spmem:s2] =	stream.indirect.scatter.add.f32 [tilespmem:s11], [sflag:$0x1], $0x10, s17, s10, $0xb8;
	[tilespmem:$0xA800] =	vst v63  }
0x8c: {  	s17 =	sadd.s32 $0x700, s16  }
0x8d: {  	[spmem:s2] =	stream.indirect.scatter.add.f32 [tilespmem:s11], [sflag:$0x1], $0x10, s17, s10, $0xb8;
	[tilespmem:$0xA800] =	vst v63  }
0x8e: {  	s16 =	sadd.s32 $0x780, s16  }
0x8f: {  	[spmem:s2] =	stream.indirect.scatter.add.f32 [tilespmem:s11], [sflag:$0x1], $0x10, s16, s10, $0xb8;
	[tilespmem:$0xA800] =	vst v63  }
0x90: {  	_ =	swait.ge [sflag:s9], $0x800  }
0x91: {  	[sflag:s9] =	ssyncset.done $0x0  }
0x92: {  	[sflag:s9] =	ssyncadd.s32 $0xFFFFF800  }
0x93: {  	_ =	swait.ge [sflag:s9], $0x800  }
0x94: {  	[sflag:s9] =	ssyncset.done $0x0  }
0x95: {  	[sflag:s9] =	ssyncadd.s32 $0xFFFFF800  }
0x96: {  	_ =	swait.ge [sflag:s9], $0x800  }
0x97: {  	[sflag:s9] =	ssyncset.done $0x0  }
0x98: {  	[sflag:s9] =	ssyncadd.s32 $0xFFFFF800  }
0x99: {  	_ =	swait.ge [sflag:s9], $0x800  }
0x9a: {  	[sflag:s9] =	ssyncset.done $0x0  }
0x9b: {  	[sflag:s9] =	ssyncadd.s32 $0xFFFFF800  }
0x9c: {  	_ =	swait.ge [sflag:s9], $0x800  }
0x9d: {  	[sflag:s9] =	ssyncset.done $0x0  }
0x9e: {  	[sflag:s9] =	ssyncadd.s32 $0xFFFFF800  }
0x9f: {  	_ =	swait.ge [sflag:s9], $0x800  }
0xa0: {  	[sflag:s9] =	ssyncset.done $0x0  }
0xa1: {  	[sflag:s9] =	ssyncadd.s32 $0xFFFFF800  }
0xa2: {  	_ =	swait.ge [sflag:s9], $0x800  }
0xa3: {  	[sflag:s9] =	ssyncset.done $0x0  }
0xa4: {  	[sflag:s9] =	ssyncadd.s32 $0xFFFFF800  }
0xa5: {  	_ =	swait.ge [sflag:s9], $0x800  }
0xa6: {  	[sflag:s9] =	ssyncset.done $0x0  }
0xa7: {  	[sflag:s9] =	ssyncadd.s32 $0xFFFFF800  }
0xa8: {  	_ =	swait.ge [sflag:s9], $0x800  }
0xa9: {  	[sflag:s9] =	ssyncset.done $0x0  }
0xaa: {  	[sflag:s9] =	ssyncadd.s32 $0xFFFFF800  }
0xab: {  	_ =	swait.ge [sflag:s9], $0x800  }
0xac: {  	[sflag:s9] =	ssyncset.done $0x0  }
0xad: {  	[sflag:s9] =	ssyncadd.s32 $0xFFFFF800  }
0xae: {  	_ =	swait.ge [sflag:s9], $0x800  }
0xaf: {  	[sflag:s9] =	ssyncset.done $0x0  }
0xb0: {  	[sflag:s9] =	ssyncadd.s32 $0xFFFFF800  }
0xb1: {  	_ =	swait.ge [sflag:s9], $0x800  }
0xb2: {  	[sflag:s9] =	ssyncset.done $0x0  }
0xb3: {  	[sflag:s9] =	ssyncadd.s32 $0xFFFFF800  }
0xb4: {  	_ =	swait.ge [sflag:s9], $0x800  }
0xb5: {  	[sflag:s9] =	ssyncset.done $0x0  }
0xb6: {  	[sflag:s9] =	ssyncadd.s32 $0xFFFFF800  }
0xb7: {  	_ =	swait.ge [sflag:s9], $0x800  }
0xb8: {  	[sflag:s9] =	ssyncset.done $0x0  }
0xb9: {  	[sflag:s9] =	ssyncadd.s32 $0xFFFFF800  }
.Ltmp2:
0xba: {  	_ =	swait.ge [sflag:s9], $0x800;
	(pc) =	sbr.rel @p0 .LBB2_6-.Ltmp2, $4  }
0xbb: {  	[sflag:s9] =	ssyncset.done $0x0  }
0xbc: {  	[sflag:s9] =	ssyncadd.s32 $0xFFFFF800  }
0xbd: {  	_ =	swait.ge [sflag:s9], $0x800  }
0xbe: {  	s17 =	smov.u32 s15;
	[sflag:s9] =	ssyncset.done $0x0  }
0xbf: {  	s14 =	sshra.s32 s14, $0x2;
	[sflag:s9] =	ssyncadd.s32 $0xFFFFF800  }
0xc0: {  	[spmem:s2] =	stream.indirect.scatter.add.f32 [tilespmem:s11], [sflag:$0x1], $0x10, s14, s10, $0xb8;
	[tilespmem:$0xA800] =	vst v63  }
0xc1: {  	s15 =	sadd.s32 $0x80, s14  }
0xc2: {  	[spmem:s2] =	stream.indirect.scatter.add.f32 [tilespmem:s11], [sflag:$0x1], $0x10, s15, s10, $0xb8;
	[tilespmem:$0xA800] =	vst v63  }
0xc3: {  	s18 =	sadd.s32 $0x100, s14  }
0xc4: {  	[spmem:s2] =	stream.indirect.scatter.add.f32 [tilespmem:s11], [sflag:$0x1], $0x10, s18, s10, $0xb8;
	[tilespmem:$0xA800] =	vst v63  }
0xc5: {  	s19 =	sadd.s32 $0x180, s14  }
0xc6: {  	[spmem:s2] =	stream.indirect.scatter.add.f32 [tilespmem:s11], [sflag:$0x1], $0x10, s19, s10, $0xb8;
	[tilespmem:$0xA800] =	vst v63  }
0xc7: {  	s20 =	sadd.s32 $0x200, s14  }
0xc8: {  	[spmem:s2] =	stream.indirect.scatter.add.f32 [tilespmem:s11], [sflag:$0x1], $0x10, s20, s10, $0xb8;
	[tilespmem:$0xA800] =	vst v63  }
0xc9: {  	s21 =	sadd.s32 $0x280, s14  }
0xca: {  	[spmem:s2] =	stream.indirect.scatter.add.f32 [tilespmem:s11], [sflag:$0x1], $0x10, s21, s10, $0xb8;
	[tilespmem:$0xA800] =	vst v63  }
0xcb: {  	s22 =	sadd.s32 $0x300, s14  }
0xcc: {  	[spmem:s2] =	stream.indirect.scatter.add.f32 [tilespmem:s11], [sflag:$0x1], $0x10, s22, s10, $0xb8;
	[tilespmem:$0xA800] =	vst v63  }
0xcd: {  	s23 =	sadd.s32 $0x380, s14  }
0xce: {  	[spmem:s2] =	stream.indirect.scatter.add.f32 [tilespmem:s11], [sflag:$0x1], $0x10, s23, s10, $0xb8;
	[tilespmem:$0xA800] =	vst v63  }
0xcf: {  	s24 =	sadd.s32 $0x400, s14  }
0xd0: {  	[spmem:s2] =	stream.indirect.scatter.add.f32 [tilespmem:s11], [sflag:$0x1], $0x10, s24, s10, $0xb8;
	[tilespmem:$0xA800] =	vst v63  }
0xd1: {  	s25 =	sadd.s32 $0x480, s14  }
0xd2: {  	[spmem:s2] =	stream.indirect.scatter.add.f32 [tilespmem:s11], [sflag:$0x1], $0x10, s25, s10, $0xb8;
	[tilespmem:$0xA800] =	vst v63  }
0xd3: {  	s26 =	sadd.s32 $0x500, s14  }
0xd4: {  	[spmem:s2] =	stream.indirect.scatter.add.f32 [tilespmem:s11], [sflag:$0x1], $0x10, s26, s10, $0xb8;
	[tilespmem:$0xA800] =	vst v63  }
0xd5: {  	s28 =	sadd.s32 $0x580, s14  }
0xd6: {  	[spmem:s2] =	stream.indirect.scatter.add.f32 [tilespmem:s11], [sflag:$0x1], $0x10, s28, s10, $0xb8;
	[tilespmem:$0xA800] =	vst v63  }
0xd7: {  	s29 =	sadd.s32 $0x600, s14  }
0xd8: {  	[spmem:s2] =	stream.indirect.scatter.add.f32 [tilespmem:s11], [sflag:$0x1], $0x10, s29, s10, $0xb8;
	[tilespmem:$0xA800] =	vst v63  }
0xd9: {  	s30 =	sadd.s32 $0x680, s14  }
0xda: {  	[spmem:s2] =	stream.indirect.scatter.add.f32 [tilespmem:s11], [sflag:$0x1], $0x10, s30, s10, $0xb8;
	[tilespmem:$0xA800] =	vst v63  }
0xdb: {  	s31 =	sadd.s32 $0x700, s14  }
0xdc: {  	[spmem:s2] =	stream.indirect.scatter.add.f32 [tilespmem:s11], [sflag:$0x1], $0x10, s31, s10, $0xb8;
	[tilespmem:$0xA800] =	vst v63  }
0xdd: {  	s14 =	sadd.s32 $0x780, s14  }
0xde: {  	[spmem:s2] =	stream.indirect.scatter.add.f32 [tilespmem:s11], [sflag:$0x1], $0x10, s14, s10, $0xb8;
	[tilespmem:$0xA800] =	vst v63  }
0xdf: {  	_ =	swait.ge [sflag:s9], $0x800  }
0xe0: {  	[sflag:s9] =	ssyncset.done $0x0  }
0xe1: {  	[sflag:s9] =	ssyncadd.s32 $0xFFFFF800  }
0xe2: {  	_ =	swait.ge [sflag:s9], $0x800  }
0xe3: {  	[sflag:s9] =	ssyncset.done $0x0  }
0xe4: {  	[sflag:s9] =	ssyncadd.s32 $0xFFFFF800  }
0xe5: {  	_ =	swait.ge [sflag:s9], $0x800  }
0xe6: {  	[sflag:s9] =	ssyncset.done $0x0  }
0xe7: {  	[sflag:s9] =	ssyncadd.s32 $0xFFFFF800  }
0xe8: {  	_ =	swait.ge [sflag:s9], $0x800  }
0xe9: {  	[sflag:s9] =	ssyncset.done $0x0  }
0xea: {  	[sflag:s9] =	ssyncadd.s32 $0xFFFFF800  }
0xeb: {  	_ =	swait.ge [sflag:s9], $0x800  }
0xec: {  	[sflag:s9] =	ssyncset.done $0x0  }
0xed: {  	[sflag:s9] =	ssyncadd.s32 $0xFFFFF800  }
0xee: {  	_ =	swait.ge [sflag:s9], $0x800  }
0xef: {  	[sflag:s9] =	ssyncset.done $0x0  }
0xf0: {  	[sflag:s9] =	ssyncadd.s32 $0xFFFFF800  }
0xf1: {  	_ =	swait.ge [sflag:s9], $0x800  }
0xf2: {  	[sflag:s9] =	ssyncset.done $0x0  }
0xf3: {  	[sflag:s9] =	ssyncadd.s32 $0xFFFFF800  }
0xf4: {  	_ =	swait.ge [sflag:s9], $0x800  }
0xf5: {  	[sflag:s9] =	ssyncset.done $0x0  }
0xf6: {  	[sflag:s9] =	ssyncadd.s32 $0xFFFFF800  }
0xf7: {  	_ =	swait.ge [sflag:s9], $0x800  }
0xf8: {  	[sflag:s9] =	ssyncset.done $0x0  }
0xf9: {  	[sflag:s9] =	ssyncadd.s32 $0xFFFFF800  }
0xfa: {  	_ =	swait.ge [sflag:s9], $0x800  }
0xfb: {  	[sflag:s9] =	ssyncset.done $0x0  }
0xfc: {  	[sflag:s9] =	ssyncadd.s32 $0xFFFFF800  }
0xfd: {  	_ =	swait.ge [sflag:s9], $0x800  }
0xfe: {  	[sflag:s9] =	ssyncset.done $0x0  }
0xff: {  	[sflag:s9] =	ssyncadd.s32 $0xFFFFF800  }
0x100: {  	_ =	swait.ge [sflag:s9], $0x800  }
0x101: {  	[sflag:s9] =	ssyncset.done $0x0  }
0x102: {  	[sflag:s9] =	ssyncadd.s32 $0xFFFFF800  }
0x103: {  	_ =	swait.ge [sflag:s9], $0x800  }
0x104: {  	[sflag:s9] =	ssyncset.done $0x0  }
0x105: {  	[sflag:s9] =	ssyncadd.s32 $0xFFFFF800  }
0x106: {  	_ =	swait.ge [sflag:s9], $0x800  }
0x107: {  	[sflag:s9] =	ssyncset.done $0x0  }
0x108: {  	[sflag:s9] =	ssyncadd.s32 $0xFFFFF800  }
0x109: {  	_ =	swait.ge [sflag:s9], $0x800  }
0x10a: {  	[sflag:s9] =	ssyncset.done $0x0  }
0x10b: {  	[sflag:s9] =	ssyncadd.s32 $0xFFFFF800  }
0x10c: {  	_ =	swait.ge [sflag:s9], $0x800  }
0x10d: {  	[sflag:s9] =	ssyncset.done $0x0  }
0x10e: {  	[sflag:s9] =	ssyncadd.s32 $0xFFFFF800  }
0x10f: {  	[bflag:$0x0] =	sbarrier.arrive $0xFFFF  }
0x110: {  	[tilespmem:s8], [sflag:$0x1] =	stream.linear.gather [spmem:s5], $0x2800, $0x38;
	[tilespmem:$0xA800] =	vst v63  }
0x111: {  	_ =	swait.ge [sflag:s9], $0x2800  }
0x112: {  	[sflag:s9] =	ssyncset.done $0x0  }
0x113: {  	s14 =	simm.s32 $0x0;
	[sflag:s9] =	ssyncadd.s32 $0xFFFFD800  }
0x114: {  	v5 =	vld [tilespmem:s14+$0x5070]  }
0x115: {  	v6 =	vld [tilespmem:s14+$0x5000]  }
0x116: {  	v7 =	vld [tilespmem:s14+$0x5010]  }
0x117: {  	v4 =	vld [tilespmem:s14+$0x5020]  }
0x118: {  	v2 =	vld [tilespmem:s14+$0x5030]  }
0x119: {  	v3 =	vld [tilespmem:s14+$0x5040];
	[tilespmem:s14+$0x2870] =	vst v5  }
0x11a: {  	[tilespmem:s14+$0x2800] =	vst v6;
	v5 =	vld [tilespmem:s14+$0x5050]  }
0x11b: {  	s16 =	simm.s32 $0x400;
	s15 =	simm.s32 $0x80;
	[tilespmem:s14+$0x2810] =	vst v7;
	v6 =	vld [tilespmem:s14+$0x5060]  }
.LBB2_8:
0x11c: {  	p0 =	sne.s32 s16, $0x9E00;
	v7 =	vld [tilespmem:s15+$0x5070];
	[tilespmem:s14+$0x2820] =	vst v4  }
0x11d: {  	v8 =	vld [tilespmem:s15+$0x5000];
	[tilespmem:s14+$0x2830] =	vst v2  }
0x11e: {  	v9 =	vld [tilespmem:s15+$0x5010];
	[tilespmem:s14+$0x2840] =	vst v3  }
.Ltmp3:
0x11f: {  	v4 =	vld [tilespmem:s15+$0x5020];
	[tilespmem:s14+$0x2850] =	vst v5;
	(pc) =	sbr.rel @p0 .LBB2_8-.Ltmp3, $4  }
0x120: {  	v2 =	vld [tilespmem:s15+$0x5030];
	[tilespmem:s14+$0x2860] =	vst v6;
	s14 =	smov.u32 s15  }
0x121: {  	v3 =	vld [tilespmem:s14+$0x5040];
	[tilespmem:s14+$0x2870] =	vst v7  }
0x122: {  	[tilespmem:s14+$0x2800] =	vst v8;
	v5 =	vld [tilespmem:s14+$0x5050]  }
0x123: {  	s15 =	sshra.s32 s16, $0x2;
	s16 =	sadd.s32 $0x200, s16;
	[tilespmem:s14+$0x2810] =	vst v9;
	v6 =	vld [tilespmem:s14+$0x5060]  }
0x124: {  	v7 =	vld [tilespmem:s15+$0x5070];
	[tilespmem:s14+$0x2820] =	vst v4  }
0x125: {  	v4 =	vld [tilespmem:s15+$0x5000];
	[tilespmem:s14+$0x2830] =	vst v2  }
0x126: {  	v2 =	vld [tilespmem:s15+$0x5010];
	[tilespmem:s14+$0x2840] =	vst v3  }
0x127: {  	v3 =	vld [tilespmem:s15+$0x5020];
	[tilespmem:s14+$0x2850] =	vst v5  }
0x128: {  	v5 =	vld [tilespmem:s15+$0x5030];
	[tilespmem:s14+$0x2860] =	vst v6  }
0x129: {  	v6 =	vld [tilespmem:s15+$0x5040];
	[tilespmem:s15+$0x2870] =	vst v7  }
0x12a: {  	v63 =	vld [tilespmem:s15+$0x5050];
	[tilespmem:s15+$0x2800] =	vst v4  }
0x12b: {  	[tilespmem:s15+$0x2810] =	vst v2;
	v2 =	vld [tilespmem:s15+$0x5060]  }
0x12c: {  	[tilespmem:s15+$0x2820] =	vst v3  }
0x12d: {  	[tilespmem:s15+$0x2830] =	vst v5  }
0x12e: {  	s13 =	sadd.s32 $0x1, s13;
	[tilespmem:s15+$0x2840] =	vst v6  }
0x12f: {  	p0 =	sne.s32 s13, s7;
	[tilespmem:s15+$0x2850] =	vst v63  }
.Ltmp4:
0x130: {  	[tilespmem:s15+$0x2860] =	vst v2;
	(pc) =	sbr.rel @p0 .LBB2_1-.Ltmp4, $4  }
0x131: {  	[hbm4b:s6+s3] =	stream.linear.scatter [tilespmem:s12], [sflag:$0x1], $0x2800, $0x38;
	[tilespmem:$0xA800] =	vst v63  }
0x132: {  	_ =	swait.ge [sflag:s9], $0x2800  }
0x133: {  	[sflag:s9] =	ssyncset.done $0x0  }
0x134: {  	[sflag:s9] =	ssyncadd.s32 $0xFFFFD800  }
0x135: {  	_ =	sfence.sel $0x180000  }
0x136: {  	[bflag:$0x0] =	sbarrier.arrive $0xFFFF  }
0x137: {  	p0 =	sne.s32 s0, $0x0;
	_ =	strace $0x90000047  }
0x138: {  	s0 =	sadd.s32 @!p0 $0x100000, s1;
	[bflag:$0x2] =	sbarrier.arrive $0xFFFF  }
0x139: {  	[sflag:s0] =	ssyncadd.tile.s32 @!p0 $0x1;
	_ =	shalt  }
.Lfunc_end2:
_tile_overlayer_lowered:
.L_overlay_start_2:
0x13a: {  	(tag) =	ssettag $0x2  }
0x13b: {  	s0 =	rddreg [dreg:$0x0];
	s2 =	stileid.u32  }
0x13c: {  	s1 =	rddreg [dreg:$0x1];
	p0 =	sne.s32 s2, $0x0  }
0x13d: {  	s3 =	rddreg [dreg:$0x2];
	[bflag:$0x3] =	sbarrier.arrive $0xFFFF;
	s2 =	simm.s32 @!p0 $0x1C02  }
0x13e: {  	[timem:s3], [sflag:s2] =	dma.local @!p0 [hbm:s0], s1  }
0x13f: {  	s0 =	simm.s32 @!p0 $0x2  }
0x140: {  	_ =	swait.ge @!p0 [sflag:s0], s1  }
0x141: {  	s1 =	ssub.s32 @!p0 $0x0, s1;
	[sflag:s0] =	ssyncset.done @!p0 $0x0  }
0x142: {  	[sflag:s0] =	ssyncadd.s32 @!p0 s1  }
0x143: {  	[bflag:$0x3] =	sbarrier.arrive $0xFFFF  }
0x144: {  	_ =	shalt  }

</sc_bundles>
